<compile_context>
chip_gen: v7x
topology: tpu7x:2x2x1
jax: 0.10.2.dev20260603
libtpu: 0.0.44.dev20260713+nightly
codegen_flags: <defaults>
</compile_context>

<pallas_src>
import dataclasses
import functools

import jax
import jax.numpy as jnp
from jax.experimental import pallas as pl
from jax.experimental.pallas import tpu as pltpu
from jax.experimental.pallas import tpu_sc as plsc

_B, _S = 16384, 200
_LANES = 16
_RB = 8
_DC = 1024
_GRID_R = _S // _RB
_GRID_C = _B // _DC
_GRID = _GRID_R * _GRID_C


def _sc_lookup(xt, tbl_rep):
    mesh = plsc.VectorSubcoreMesh(core_axis_name="c", subcore_axis_name="s")
    cp = pltpu.CompilerParams()
    if "needs_layout_passes" in pltpu.CompilerParams.__dataclass_fields__:
        cp = dataclasses.replace(cp, needs_layout_passes=False)

    @functools.partial(
        pl.kernel,
        out_type=jax.ShapeDtypeStruct((_S, _B // 32, 128), jnp.float32),
        mesh=mesh,
        scratch_types=[pltpu.VMEM((576,), jnp.float32)],
        compiler_params=cp,
    )
    def k(x_hbm, tbl_hbm, out_hbm, ts_v):
        pltpu.sync_copy(tbl_hbm, ts_v)

        def body(x_vmem, o_vmem):
            lane = jax.lax.broadcasted_iota(jnp.int32, (_LANES,), 0)
            lane_c = [lane + _LANES * c for c in range(4)]

            @plsc.parallel_loop(0, _RB, unroll=2)
            def _(r):
                @plsc.parallel_loop(0, _DC // 128, unroll=4)
                def _(h):
                    for i in range(128 // _LANES):
                        xv = x_vmem[r, pl.ds(h * 128 + i * _LANES, _LANES)]
                        base = xv * 64
                        for c in range(4):
                            vals = plsc.load_gather(ts_v, [base + lane_c[c]])
                            o_vmem[r, h * 4 + c, pl.ds(i * _LANES, _LANES)] = vals

        pltpu.emit_pipeline(
            body,
            grid=(_GRID,),
            in_specs=[
                pl.BlockSpec((_RB, _DC), lambda i: (i // _GRID_C, i % _GRID_C))
            ],
            out_specs=[
                pl.BlockSpec(
                    (_RB, _DC // 128 * 4, 128),
                    lambda i: (i // _GRID_C, i % _GRID_C, 0),
                )
            ],
            core_axis_name=("c", "s"),
            dimension_semantics=(pltpu.PARALLEL,),
            trace_scopes=False,
        )(x_hbm, out_hbm)

    return k(xt, tbl_rep)


@jax.jit
def kernel(x, map_table):
    tbl_strided = jnp.repeat(map_table.reshape(36), _LANES)
    p = _sc_lookup(x.T, tbl_strided)
    q = p.reshape(_S, _B // 128, 4, 128)
    return q.transpose(1, 3, 0, 2).reshape(_B, _S, 4)

# --- scband reference (transcript-rebuilt; emitter-appended) ---
"""Pipeline reference for scband-preprocessor-43207370998473 (READ-ONLY COPY).

The authoritative reference and input builder live on the scoring server;
editing this copy changes nothing except your own understanding.
"""

import jax, jax.numpy as jnp
import numpy as np


def setup_inputs(seed: int = 0) -> dict:
    key = jax.random.key(seed)
    x = jax.random.randint(key, (16384, 200), 0, 9, dtype=jnp.int32)
    map_table = jnp.array(
        [[0, 0, 0, 0],
         [1, 0, 0, 0],
         [0, 1, 0, 0],
         [0, 0, 1, 0],
         [0, 0, 0, 1],
         [1, 0, 0, 0],
         [0, 1, 0, 0],
         [0, 0, 1, 0],
         [0, 0, 0, 1]], dtype=jnp.float32)
    return {"x": x, "map_table": map_table}


def reference(x, map_table):
    # Preprocessor.forward: y = self.map[x, :]  -> row gather from fixed table
    y = jnp.take(map_table, x, axis=0)
    return y

if __name__ == "__main__":
    import jax
    _d = setup_inputs()
    print(jax.jit(kernel)(*tuple(_d.values())))

</pallas_src>

<mosaic_0001>
#map = affine_map<(d0, d1) -> (0, 0)>
#map1 = affine_map<(d0, d1) -> (0)>
#map2 = affine_map<(d0, d1) -> (0, 0, 0)>
module attributes {stable_mosaic.version = 14 : i64} {
  func.func @k(%arg0: i32, %arg1: i32, %arg2: memref<200x16384xi32, #tpu.memory_space<hbm>>, %arg3: memref<576xf32, #tpu.memory_space<hbm>>, %arg4: memref<200x512x128xf32, #tpu.memory_space<hbm>>, %arg5: memref<576xf32, #tpu.memory_space<vmem>>) attributes {dimension_semantics = [#tpu.dimension_semantics<core_parallel>, #tpu.dimension_semantics<subcore_parallel>], iteration_bounds = array<i64: 2, 16>, scalar_prefetch = 0 : i64, scratch_operands = 1 : i64, tpu.core_type = #tpu.core_type<sc_vector_subcore>, window_params = [{transform_indices = #map}, {transform_indices = #map1}, {transform_indices = #map2}]} {
    "tpu.region"() ({
      %run_scoped3A = tpu.sem_alloc : memref<!tpu.dma_semaphore, #tpu.memory_space<semaphore_mem>>
      tpu.enqueue_dma source(%arg3 : memref<576xf32, #tpu.memory_space<hbm>>) target(%arg5 : memref<576xf32, #tpu.memory_space<vmem>>) target_semaphore(%run_scoped3A : memref<!tpu.dma_semaphore, #tpu.memory_space<semaphore_mem>>)
      tpu.wait_dma2 semaphore(%run_scoped3A : memref<!tpu.dma_semaphore, #tpu.memory_space<semaphore_mem>>) src(%arg3 : memref<576xf32, #tpu.memory_space<hbm>>) dst(%arg5 : memref<576xf32, #tpu.memory_space<vmem>>)
      tpu.yield
    }) : () -> ()
    %mul3A = arith.constant 1 : i32
    %mul3A_0 = arith.muli %arg1, %mul3A : i32
    %add3A = arith.constant 0 : i32
    %add3A_1 = arith.addi %add3A, %mul3A_0 : i32
    %mul3A_2 = arith.constant 16 : i32
    %mul3A_3 = arith.muli %arg0, %mul3A_2 : i32
    %add3A_4 = arith.addi %add3A_1, %mul3A_3 : i32
    %lt3A = arith.constant 16 : i32
    %lt3A_5 = arith.cmpi slt, %add3A_4, %lt3A : i32
    %jit3A = arith.constant 13 : i32
    %jit3A_6 = arith.constant 12 : i32
    %select_n3A = arith.select %lt3A_5, %jit3A, %jit3A_6 : i32
    %lt3A_7 = arith.constant 16 : i32
    %lt3A_8 = arith.cmpi slt, %add3A_4, %lt3A_7 : i32
    %mul3A_9 = arith.muli %add3A_4, %select_n3A : i32
    %mul3A_10 = arith.constant 12 : i32
    %mul3A_11 = arith.muli %add3A_4, %mul3A_10 : i32
    %add3A_12 = arith.constant 16 : i32
    %add3A_13 = arith.addi %mul3A_11, %add3A_12 : i32
    %select_n3A_14 = arith.select %lt3A_8, %mul3A_9, %add3A_13 : i32
    %mul3A_15 = arith.constant 1 : i32
    %mul3A_16 = arith.muli %mul3A_15, %select_n3A : i32
    "tpu.region"() ({
      %run_scoped3A = memref.alloca() : memref<2x8x1024xi32, #tpu.memory_space<vmem>>
      %run_scoped3A_17 = tpu.sem_alloc : memref<2x!tpu.dma_semaphore, #tpu.memory_space<semaphore_mem>>
      %run_scoped3A_18 = memref.alloca() : memref<2x8x32x128xf32, #tpu.memory_space<vmem>>
      %run_scoped3A_19 = tpu.sem_alloc : memref<2x!tpu.dma_semaphore, #tpu.memory_space<semaphore_mem>>
      %gt3A = arith.constant 0 : i32
      %gt3A_20 = arith.cmpi sgt, %mul3A_16, %gt3A : i32
      %convert_element_type3A = arith.extui %gt3A_20 : i1 to i32
      %cond3A = arith.constant 0 : i32
      %cond3A_21 = arith.cmpi ne, %convert_element_type3A, %cond3A : i32
      scf.if %cond3A_21 {
        %mul3A_22 = arith.constant 1 : i32
        %mul3A_23 = arith.muli %mul3A_22, %select_n3A : i32
        %sub3A = arith.constant 1 : i32
        %sub3A_24 = arith.subi %mul3A_23, %sub3A : i32
        %eq3A = arith.constant 0 : i32
        %eq3A_25 = arith.cmpi eq, %sub3A_24, %eq3A : i32
        %add3A_26 = arith.constant 0 : i32
        %add3A_27 = arith.addi %add3A_26, %select_n3A_14 : i32
        %select_n3A_28 = arith.constant true
        %select_n3A_29 = arith.constant 0 : i32
        %select_n3A_30 = arith.constant -1 : i32
        %select_n3A_31 = arith.select %select_n3A_28, %select_n3A_30, %select_n3A_29 : i32
        %eq3A_32 = arith.constant -1 : i32
        %eq3A_33 = arith.cmpi eq, %select_n3A_31, %eq3A_32 : i32
        %sub3A_34 = arith.constant 1 : i32
        %sub3A_35 = arith.subi %select_n3A, %sub3A_34 : i32
        %select_n3A_36 = arith.select %eq3A_33, %sub3A_35, %select_n3A_31 : i32
        %add3A_37 = arith.addi %select_n3A_36, %select_n3A_14 : i32
        %select_n3A_38 = arith.constant true
        %select_n3A_39 = arith.constant 0 : i32
        %select_n3A_40 = arith.constant 1 : i32
        %select_n3A_41 = arith.select %select_n3A_38, %select_n3A_40, %select_n3A_39 : i32
        %eq3A_42 = arith.cmpi eq, %select_n3A_41, %select_n3A : i32
        %select_n3A_43 = arith.constant 0 : i32
        %select_n3A_44 = arith.select %eq3A_42, %select_n3A_43, %select_n3A_41 : i32
        %add3A_45 = arith.addi %select_n3A_44, %select_n3A_14 : i32
        %add3A_46 = arith.constant 1 : i32
        %add3A_47 = arith.addi %select_n3A_44, %add3A_46 : i32
        %select_n3A_48 = arith.constant true
        %select_n3A_49 = arith.select %select_n3A_48, %add3A_47, %select_n3A_44 : i32
        %eq3A_50 = arith.cmpi eq, %select_n3A_49, %select_n3A : i32
        %select_n3A_51 = arith.constant 0 : i32
        %select_n3A_52 = arith.select %eq3A_50, %select_n3A_51, %select_n3A_49 : i32
        %add3A_53 = arith.addi %select_n3A_52, %select_n3A_14 : i32
        %rem3A = arith.constant 0 : i32
        %rem3A_54 = arith.constant 2 : i32
        %rem3A_55 = arith.remui %rem3A, %rem3A_54 : i32
        %jit3A_56 = arith.constant 16 : i32
        %div3A = arith.divsi %add3A_27, %jit3A_56 : i32
        %sign3A = arith.constant 0 : i32
        %sign3A_57 = arith.cmpi sgt, %add3A_27, %sign3A : i32
        %sign3A_58 = arith.extui %sign3A_57 : i1 to i32
        %sign3A_59 = arith.constant 0 : i32
        %sign3A_60 = arith.cmpi slt, %add3A_27, %sign3A_59 : i32
        %sign3A_61 = arith.extui %sign3A_60 : i1 to i32
        %sign3A_62 = arith.subi %sign3A_58, %sign3A_61 : i32
        %sign3A_63 = arith.constant 0 : i32
        %sign3A_64 = arith.cmpi sgt, %jit3A_56, %sign3A_63 : i32
        %sign3A_65 = arith.extui %sign3A_64 : i1 to i32
        %sign3A_66 = arith.constant 0 : i32
        %sign3A_67 = arith.cmpi slt, %jit3A_56, %sign3A_66 : i32
        %sign3A_68 = arith.extui %sign3A_67 : i1 to i32
        %sign3A_69 = arith.subi %sign3A_65, %sign3A_68 : i32
        %ne3A = arith.cmpi ne, %sign3A_62, %sign3A_69 : i32
        %rem3A_70 = arith.remsi %add3A_27, %jit3A_56 : i32
        %ne3A_71 = arith.constant 0 : i32
        %ne3A_72 = arith.cmpi ne, %rem3A_70, %ne3A_71 : i32
        %and3A = arith.andi %ne3A, %ne3A_72 : i1
        %sub3A_73 = arith.constant 1 : i32
        %sub3A_74 = arith.subi %div3A, %sub3A_73 : i32
        %select_n3A_75 = arith.select %and3A, %sub3A_74, %div3A : i32
        %jit3A_76 = arith.constant 16 : i32
        %eq3A_77 = arith.constant 0 : i32
        %eq3A_78 = arith.cmpi eq, %jit3A_76, %eq3A_77 : i32
        %jit3A_79 = arith.constant 1 : i32
        %select_n3A_80 = arith.select %eq3A_78, %jit3A_79, %jit3A_76 : i32
        %rem3A_81 = arith.remsi %add3A_27, %select_n3A_80 : i32
        %ne3A_82 = arith.constant 0 : i32
        %ne3A_83 = arith.cmpi ne, %rem3A_81, %ne3A_82 : i32
        %lt3A_84 = arith.constant 0 : i32
        %lt3A_85 = arith.cmpi slt, %rem3A_81, %lt3A_84 : i32
        %lt3A_86 = arith.constant 0 : i32
        %lt3A_87 = arith.cmpi slt, %select_n3A_80, %lt3A_86 : i32
        %ne3A_88 = arith.xori %lt3A_85, %lt3A_87 : i1
        %and3A_89 = arith.andi %ne3A_88, %ne3A_83 : i1
        %add3A_90 = arith.addi %rem3A_81, %select_n3A_80 : i32
        %select_n3A_91 = arith.select %and3A_89, %add3A_90, %rem3A_81 : i32
        %mul3A_92 = arith.constant 8 : i32
        %mul3A_93 = arith.muli %mul3A_92, %select_n3A_75 : i32
        %mul3A_94 = arith.constant 1024 : i32
        %mul3A_95 = arith.muli %mul3A_94, %select_n3A_91 : i32
        %dma_start3A = arith.constant 0 : i32
        %dma_start3A_96 = arith.constant 0 : i32
        %dma_start3A_97 = tpu.memref_slice %run_scoped3A[%rem3A_55, %dma_start3A, %dma_start3A_96] : memref<2x8x1024xi32, #tpu.memory_space<vmem>> -> memref<1x8x1024xi32, #tpu.memory_space<vmem>>
        %dma_start3A_98 = tpu.memref_squeeze %dma_start3A_97 : memref<1x8x1024xi32, #tpu.memory_space<vmem>> -> memref<8x1024xi32, #tpu.memory_space<vmem>>
        %dma_start3A_99 = tpu.memref_slice %arg2[%mul3A_93, %mul3A_95] : memref<200x16384xi32, #tpu.memory_space<hbm>> -> memref<8x1024xi32, #tpu.memory_space<hbm>>
        %dma_start3A_100 = tpu.memref_slice %run_scoped3A_17[%rem3A_55] : memref<2x!tpu.dma_semaphore, #tpu.memory_space<semaphore_mem>> -> memref<1x!tpu.dma_semaphore, #tpu.memory_space<semaphore_mem>>
        %dma_start3A_101 = tpu.memref_squeeze %dma_start3A_100 : memref<1x!tpu.dma_semaphore, #tpu.memory_space<semaphore_mem>> -> memref<!tpu.dma_semaphore, #tpu.memory_space<semaphore_mem>>
        %dma_start3A_102 = arith.constant 0 : i32
        %dma_start3A_103 = arith.constant 0 : i32
        %dma_start3A_104 = tpu.memref_slice %run_scoped3A[%rem3A_55, %dma_start3A_102, %dma_start3A_103] : memref<2x8x1024xi32, #tpu.memory_space<vmem>> -> memref<1x8x1024xi32, #tpu.memory_space<vmem>>
        %dma_start3A_105 = tpu.memref_squeeze %dma_start3A_104 : memref<1x8x1024xi32, #tpu.memory_space<vmem>> -> memref<8x1024xi32, #tpu.memory_space<vmem>>
        %dma_start3A_106 = tpu.memref_slice %arg2[%mul3A_93, %mul3A_95] : memref<200x16384xi32, #tpu.memory_space<hbm>> -> memref<8x1024xi32, #tpu.memory_space<hbm>>
        tpu.enqueue_dma source(%dma_start3A_106 : memref<8x1024xi32, #tpu.memory_space<hbm>>) target(%dma_start3A_105 : memref<8x1024xi32, #tpu.memory_space<vmem>>) target_semaphore(%dma_start3A_101 : memref<!tpu.dma_semaphore, #tpu.memory_space<semaphore_mem>>)
        %add3A_107 = arith.constant 0 : i32
        %add3A_108 = arith.constant 1 : i32
        %add3A_109 = arith.addi %add3A_107, %add3A_108 : i32
        %select_n3A_110 = arith.constant true
        %select_n3A_111 = arith.constant 0 : i32
        %select_n3A_112 = arith.select %select_n3A_110, %add3A_109, %select_n3A_111 : i32
        %while3A = arith.constant 0 : i32
        %while3A_113 = arith.constant 0 : i32
        %while3A_114 = arith.constant 0 : i32
        %while3A_115 = arith.constant 0 : i32
        %while3A_116 = arith.constant 0 : i32
        %while3A_117 = arith.subi %mul3A_16, %while3A : i32
        %while3A_118 = arith.addi %while3A, %while3A_117 : i32
        %while3A_119 = arith.constant 1 : i32
        %while3A_120 = arith.divsi %while3A_117, %while3A_119 : i32
        %while3A_121 = arith.muli %while3A_120, %while3A_119 : i32
        %while3A_122 = arith.addi %while3A, %while3A_121 : i32
        %while3A_123 = arith.constant 1 : i32
        %while3A_124:5 = scf.for %while3A_178 = %while3A to %while3A_122 step %while3A_123 iter_args(%while3A_179 = %select_n3A_112, %while3A_180 = %while3A_113, %while3A_181 = %while3A_114, %while3A_182 = %while3A_115, %while3A_183 = %while3A_116) -> (i32, i32, i32, i32, i32)  : i32 {
          %mul3A_184 = arith.constant 1 : i32
          %mul3A_185 = arith.muli %mul3A_184, %select_n3A : i32
          %eq3A_186 = arith.constant 0 : i32
          %eq3A_187 = arith.cmpi eq, %while3A_178, %eq3A_186 : i32
          %sub3A_188 = arith.constant 1 : i32
          %sub3A_189 = arith.subi %mul3A_185, %sub3A_188 : i32
          %eq3A_190 = arith.cmpi eq, %while3A_178, %sub3A_189 : i32
          %add3A_191 = arith.addi %while3A_183, %select_n3A_14 : i32
          %sub3A_192 = arith.constant 1 : i32
          %sub3A_193 = arith.subi %while3A_183, %sub3A_192 : i32
          %select_n3A_194 = arith.constant true
          %select_n3A_195 = arith.select %select_n3A_194, %sub3A_193, %while3A_183 : i32
          %eq3A_196 = arith.constant -1 : i32
          %eq3A_197 = arith.cmpi eq, %select_n3A_195, %eq3A_196 : i32
          %sub3A_198 = arith.constant 1 : i32
          %sub3A_199 = arith.subi %select_n3A, %sub3A_198 : i32
          %select_n3A_200 = arith.select %eq3A_197, %sub3A_199, %select_n3A_195 : i32
          %add3A_201 = arith.addi %select_n3A_200, %select_n3A_14 : i32
          %add3A_202 = arith.constant 1 : i32
          %add3A_203 = arith.addi %while3A_183, %add3A_202 : i32
          %select_n3A_204 = arith.constant true
          %select_n3A_205 = arith.select %select_n3A_204, %add3A_203, %while3A_183 : i32
          %eq3A_206 = arith.cmpi eq, %select_n3A_205, %select_n3A : i32
          %select_n3A_207 = arith.constant 0 : i32
          %select_n3A_208 = arith.select %eq3A_206, %select_n3A_207, %select_n3A_205 : i32
          %add3A_209 = arith.addi %select_n3A_208, %select_n3A_14 : i32
          %add3A_210 = arith.constant 1 : i32
          %add3A_211 = arith.addi %select_n3A_208, %add3A_210 : i32
          %select_n3A_212 = arith.constant true
          %select_n3A_213 = arith.select %select_n3A_212, %add3A_211, %select_n3A_208 : i32
          %eq3A_214 = arith.cmpi eq, %select_n3A_213, %select_n3A : i32
          %select_n3A_215 = arith.constant 0 : i32
          %select_n3A_216 = arith.select %eq3A_214, %select_n3A_215, %select_n3A_213 : i32
          %add3A_217 = arith.addi %select_n3A_216, %select_n3A_14 : i32
          %jit3A_218 = arith.constant 16 : i32
          %div3A_219 = arith.divsi %add3A_191, %jit3A_218 : i32
          %sign3A_220 = arith.constant 0 : i32
          %sign3A_221 = arith.cmpi sgt, %add3A_191, %sign3A_220 : i32
          %sign3A_222 = arith.extui %sign3A_221 : i1 to i32
          %sign3A_223 = arith.constant 0 : i32
          %sign3A_224 = arith.cmpi slt, %add3A_191, %sign3A_223 : i32
          %sign3A_225 = arith.extui %sign3A_224 : i1 to i32
          %sign3A_226 = arith.subi %sign3A_222, %sign3A_225 : i32
          %sign3A_227 = arith.constant 0 : i32
          %sign3A_228 = arith.cmpi sgt, %jit3A_218, %sign3A_227 : i32
          %sign3A_229 = arith.extui %sign3A_228 : i1 to i32
          %sign3A_230 = arith.constant 0 : i32
          %sign3A_231 = arith.cmpi slt, %jit3A_218, %sign3A_230 : i32
          %sign3A_232 = arith.extui %sign3A_231 : i1 to i32
          %sign3A_233 = arith.subi %sign3A_229, %sign3A_232 : i32
          %ne3A_234 = arith.cmpi ne, %sign3A_226, %sign3A_233 : i32
          %rem3A_235 = arith.remsi %add3A_191, %jit3A_218 : i32
          %ne3A_236 = arith.constant 0 : i32
          %ne3A_237 = arith.cmpi ne, %rem3A_235, %ne3A_236 : i32
          %and3A_238 = arith.andi %ne3A_234, %ne3A_237 : i1
          %sub3A_239 = arith.constant 1 : i32
          %sub3A_240 = arith.subi %div3A_219, %sub3A_239 : i32
          %select_n3A_241 = arith.select %and3A_238, %sub3A_240, %div3A_219 : i32
          %jit3A_242 = arith.constant 16 : i32
          %eq3A_243 = arith.constant 0 : i32
          %eq3A_244 = arith.cmpi eq, %jit3A_242, %eq3A_243 : i32
          %jit3A_245 = arith.constant 1 : i32
          %select_n3A_246 = arith.select %eq3A_244, %jit3A_245, %jit3A_242 : i32
          %rem3A_247 = arith.remsi %add3A_191, %select_n3A_246 : i32
          %ne3A_248 = arith.constant 0 : i32
          %ne3A_249 = arith.cmpi ne, %rem3A_247, %ne3A_248 : i32
          %lt3A_250 = arith.constant 0 : i32
          %lt3A_251 = arith.cmpi slt, %rem3A_247, %lt3A_250 : i32
          %lt3A_252 = arith.constant 0 : i32
          %lt3A_253 = arith.cmpi slt, %select_n3A_246, %lt3A_252 : i32
          %ne3A_254 = arith.xori %lt3A_251, %lt3A_253 : i1
          %and3A_255 = arith.andi %ne3A_254, %ne3A_249 : i1
          %add3A_256 = arith.addi %rem3A_247, %select_n3A_246 : i32
          %select_n3A_257 = arith.select %and3A_255, %add3A_256, %rem3A_247 : i32
          %jit3A_258 = arith.constant 16 : i32
          %div3A_259 = arith.divsi %add3A_209, %jit3A_258 : i32
          %sign3A_260 = arith.constant 0 : i32
          %sign3A_261 = arith.cmpi sgt, %add3A_209, %sign3A_260 : i32
          %sign3A_262 = arith.extui %sign3A_261 : i1 to i32
          %sign3A_263 = arith.constant 0 : i32
          %sign3A_264 = arith.cmpi slt, %add3A_209, %sign3A_263 : i32
          %sign3A_265 = arith.extui %sign3A_264 : i1 to i32
          %sign3A_266 = arith.subi %sign3A_262, %sign3A_265 : i32
          %sign3A_267 = arith.constant 0 : i32
          %sign3A_268 = arith.cmpi sgt, %jit3A_258, %sign3A_267 : i32
          %sign3A_269 = arith.extui %sign3A_268 : i1 to i32
          %sign3A_270 = arith.constant 0 : i32
          %sign3A_271 = arith.cmpi slt, %jit3A_258, %sign3A_270 : i32
          %sign3A_272 = arith.extui %sign3A_271 : i1 to i32
          %sign3A_273 = arith.subi %sign3A_269, %sign3A_272 : i32
          %ne3A_274 = arith.cmpi ne, %sign3A_266, %sign3A_273 : i32
          %rem3A_275 = arith.remsi %add3A_209, %jit3A_258 : i32
          %ne3A_276 = arith.constant 0 : i32
          %ne3A_277 = arith.cmpi ne, %rem3A_275, %ne3A_276 : i32
          %and3A_278 = arith.andi %ne3A_274, %ne3A_277 : i1
          %sub3A_279 = arith.constant 1 : i32
          %sub3A_280 = arith.subi %div3A_259, %sub3A_279 : i32
          %select_n3A_281 = arith.select %and3A_278, %sub3A_280, %div3A_259 : i32
          %jit3A_282 = arith.constant 16 : i32
          %eq3A_283 = arith.constant 0 : i32
          %eq3A_284 = arith.cmpi eq, %jit3A_282, %eq3A_283 : i32
          %jit3A_285 = arith.constant 1 : i32
          %select_n3A_286 = arith.select %eq3A_284, %jit3A_285, %jit3A_282 : i32
          %rem3A_287 = arith.remsi %add3A_209, %select_n3A_286 : i32
          %ne3A_288 = arith.constant 0 : i32
          %ne3A_289 = arith.cmpi ne, %rem3A_287, %ne3A_288 : i32
          %lt3A_290 = arith.constant 0 : i32
          %lt3A_291 = arith.cmpi slt, %rem3A_287, %lt3A_290 : i32
          %lt3A_292 = arith.constant 0 : i32
          %lt3A_293 = arith.cmpi slt, %select_n3A_286, %lt3A_292 : i32
          %ne3A_294 = arith.xori %lt3A_291, %lt3A_293 : i1
          %and3A_295 = arith.andi %ne3A_294, %ne3A_289 : i1
          %add3A_296 = arith.addi %rem3A_287, %select_n3A_286 : i32
          %select_n3A_297 = arith.select %and3A_295, %add3A_296, %rem3A_287 : i32
          %ne3A_298 = arith.cmpi ne, %select_n3A_241, %select_n3A_281 : i32
          %ne3A_299 = arith.cmpi ne, %select_n3A_257, %select_n3A_297 : i32
          %or3A = arith.constant false
          %or3A_300 = arith.ori %or3A, %ne3A_298 : i1
          %or3A_301 = arith.ori %or3A_300, %ne3A_299 : i1
          %sub3A_302 = arith.constant 2 : i32
          %sub3A_303 = arith.subi %mul3A_185, %sub3A_302 : i32
          %add3A_304 = arith.constant 1 : i32
          %add3A_305 = arith.addi %sub3A_303, %add3A_304 : i32
          %ge3A = arith.cmpi sge, %while3A_178, %add3A_305 : i32
          %not3A = arith.constant true
          %not3A_306 = arith.xori %ge3A, %not3A : i1
          %and3A_307 = arith.andi %or3A_301, %not3A_306 : i1
          %convert_element_type3A_308 = arith.extui %and3A_307 : i1 to i32
          %cond3A_309 = arith.constant 0 : i32
          %cond3A_310 = arith.cmpi ne, %convert_element_type3A_308, %cond3A_309 : i32
          scf.if %cond3A_310 {
            %rem3A_1083 = arith.constant 2 : i32
            %rem3A_1084 = arith.remui %while3A_179, %rem3A_1083 : i32
            %jit3A_1085 = arith.constant 16 : i32
            %div3A_1086 = arith.divsi %add3A_209, %jit3A_1085 : i32
            %sign3A_1087 = arith.constant 0 : i32
            %sign3A_1088 = arith.cmpi sgt, %add3A_209, %sign3A_1087 : i32
            %sign3A_1089 = arith.extui %sign3A_1088 : i1 to i32
            %sign3A_1090 = arith.constant 0 : i32
            %sign3A_1091 = arith.cmpi slt, %add3A_209, %sign3A_1090 : i32
            %sign3A_1092 = arith.extui %sign3A_1091 : i1 to i32
            %sign3A_1093 = arith.subi %sign3A_1089, %sign3A_1092 : i32
            %sign3A_1094 = arith.constant 0 : i32
            %sign3A_1095 = arith.cmpi sgt, %jit3A_1085, %sign3A_1094 : i32
            %sign3A_1096 = arith.extui %sign3A_1095 : i1 to i32
            %sign3A_1097 = arith.constant 0 : i32
            %sign3A_1098 = arith.cmpi slt, %jit3A_1085, %sign3A_1097 : i32
            %sign3A_1099 = arith.extui %sign3A_1098 : i1 to i32
            %sign3A_1100 = arith.subi %sign3A_1096, %sign3A_1099 : i32
            %ne3A_1101 = arith.cmpi ne, %sign3A_1093, %sign3A_1100 : i32
            %rem3A_1102 = arith.remsi %add3A_209, %jit3A_1085 : i32
            %ne3A_1103 = arith.constant 0 : i32
            %ne3A_1104 = arith.cmpi ne, %rem3A_1102, %ne3A_1103 : i32
            %and3A_1105 = arith.andi %ne3A_1101, %ne3A_1104 : i1
            %sub3A_1106 = arith.constant 1 : i32
            %sub3A_1107 = arith.subi %div3A_1086, %sub3A_1106 : i32
            %select_n3A_1108 = arith.select %and3A_1105, %sub3A_1107, %div3A_1086 : i32
            %jit3A_1109 = arith.constant 16 : i32
            %eq3A_1110 = arith.constant 0 : i32
            %eq3A_1111 = arith.cmpi eq, %jit3A_1109, %eq3A_1110 : i32
            %jit3A_1112 = arith.constant 1 : i32
            %select_n3A_1113 = arith.select %eq3A_1111, %jit3A_1112, %jit3A_1109 : i32
            %rem3A_1114 = arith.remsi %add3A_209, %select_n3A_1113 : i32
            %ne3A_1115 = arith.constant 0 : i32
            %ne3A_1116 = arith.cmpi ne, %rem3A_1114, %ne3A_1115 : i32
            %lt3A_1117 = arith.constant 0 : i32
            %lt3A_1118 = arith.cmpi slt, %rem3A_1114, %lt3A_1117 : i32
            %lt3A_1119 = arith.constant 0 : i32
            %lt3A_1120 = arith.cmpi slt, %select_n3A_1113, %lt3A_1119 : i32
            %ne3A_1121 = arith.xori %lt3A_1118, %lt3A_1120 : i1
            %and3A_1122 = arith.andi %ne3A_1121, %ne3A_1116 : i1
            %add3A_1123 = arith.addi %rem3A_1114, %select_n3A_1113 : i32
            %select_n3A_1124 = arith.select %and3A_1122, %add3A_1123, %rem3A_1114 : i32
            %mul3A_1125 = arith.constant 8 : i32
            %mul3A_1126 = arith.muli %mul3A_1125, %select_n3A_1108 : i32
            %mul3A_1127 = arith.constant 1024 : i32
            %mul3A_1128 = arith.muli %mul3A_1127, %select_n3A_1124 : i32
            %dma_start3A_1129 = arith.constant 0 : i32
            %dma_start3A_1130 = arith.constant 0 : i32
            %dma_start3A_1131 = tpu.memref_slice %run_scoped3A[%rem3A_1084, %dma_start3A_1129, %dma_start3A_1130] : memref<2x8x1024xi32, #tpu.memory_space<vmem>> -> memref<1x8x1024xi32, #tpu.memory_space<vmem>>
            %dma_start3A_1132 = tpu.memref_squeeze %dma_start3A_1131 : memref<1x8x1024xi32, #tpu.memory_space<vmem>> -> memref<8x1024xi32, #tpu.memory_space<vmem>>
            %dma_start3A_1133 = tpu.memref_slice %arg2[%mul3A_1126, %mul3A_1128] : memref<200x16384xi32, #tpu.memory_space<hbm>> -> memref<8x1024xi32, #tpu.memory_space<hbm>>
            %dma_start3A_1134 = tpu.memref_slice %run_scoped3A_17[%rem3A_1084] : memref<2x!tpu.dma_semaphore, #tpu.memory_space<semaphore_mem>> -> memref<1x!tpu.dma_semaphore, #tpu.memory_space<semaphore_mem>>
            %dma_start3A_1135 = tpu.memref_squeeze %dma_start3A_1134 : memref<1x!tpu.dma_semaphore, #tpu.memory_space<semaphore_mem>> -> memref<!tpu.dma_semaphore, #tpu.memory_space<semaphore_mem>>
            %dma_start3A_1136 = arith.constant 0 : i32
            %dma_start3A_1137 = arith.constant 0 : i32
            %dma_start3A_1138 = tpu.memref_slice %run_scoped3A[%rem3A_1084, %dma_start3A_1136, %dma_start3A_1137] : memref<2x8x1024xi32, #tpu.memory_space<vmem>> -> memref<1x8x1024xi32, #tpu.memory_space<vmem>>
            %dma_start3A_1139 = tpu.memref_squeeze %dma_start3A_1138 : memref<1x8x1024xi32, #tpu.memory_space<vmem>> -> memref<8x1024xi32, #tpu.memory_space<vmem>>
            %dma_start3A_1140 = tpu.memref_slice %arg2[%mul3A_1126, %mul3A_1128] : memref<200x16384xi32, #tpu.memory_space<hbm>> -> memref<8x1024xi32, #tpu.memory_space<hbm>>
            tpu.enqueue_dma source(%dma_start3A_1140 : memref<8x1024xi32, #tpu.memory_space<hbm>>) target(%dma_start3A_1139 : memref<8x1024xi32, #tpu.memory_space<vmem>>) target_semaphore(%dma_start3A_1135 : memref<!tpu.dma_semaphore, #tpu.memory_space<semaphore_mem>>)
          } else {
          }
          %and3A_311 = arith.constant true
          %and3A_312 = arith.andi %and3A_307, %and3A_311 : i1
          %add3A_313 = arith.constant 1 : i32
          %add3A_314 = arith.addi %while3A_179, %add3A_313 : i32
          %select_n3A_315 = arith.select %and3A_312, %add3A_314, %while3A_179 : i32
          %jit3A_316 = arith.constant 16 : i32
          %div3A_317 = arith.divsi %add3A_191, %jit3A_316 : i32
          %sign3A_318 = arith.constant 0 : i32
          %sign3A_319 = arith.cmpi sgt, %add3A_191, %sign3A_318 : i32
          %sign3A_320 = arith.extui %sign3A_319 : i1 to i32
          %sign3A_321 = arith.constant 0 : i32
          %sign3A_322 = arith.cmpi slt, %add3A_191, %sign3A_321 : i32
          %sign3A_323 = arith.extui %sign3A_322 : i1 to i32
          %sign3A_324 = arith.subi %sign3A_320, %sign3A_323 : i32
          %sign3A_325 = arith.constant 0 : i32
          %sign3A_326 = arith.cmpi sgt, %jit3A_316, %sign3A_325 : i32
          %sign3A_327 = arith.extui %sign3A_326 : i1 to i32
          %sign3A_328 = arith.constant 0 : i32
          %sign3A_329 = arith.cmpi slt, %jit3A_316, %sign3A_328 : i32
          %sign3A_330 = arith.extui %sign3A_329 : i1 to i32
          %sign3A_331 = arith.subi %sign3A_327, %sign3A_330 : i32
          %ne3A_332 = arith.cmpi ne, %sign3A_324, %sign3A_331 : i32
          %rem3A_333 = arith.remsi %add3A_191, %jit3A_316 : i32
          %ne3A_334 = arith.constant 0 : i32
          %ne3A_335 = arith.cmpi ne, %rem3A_333, %ne3A_334 : i32
          %and3A_336 = arith.andi %ne3A_332, %ne3A_335 : i1
          %sub3A_337 = arith.constant 1 : i32
          %sub3A_338 = arith.subi %div3A_317, %sub3A_337 : i32
          %select_n3A_339 = arith.select %and3A_336, %sub3A_338, %div3A_317 : i32
          %jit3A_340 = arith.constant 16 : i32
          %eq3A_341 = arith.constant 0 : i32
          %eq3A_342 = arith.cmpi eq, %jit3A_340, %eq3A_341 : i32
          %jit3A_343 = arith.constant 1 : i32
          %select_n3A_344 = arith.select %eq3A_342, %jit3A_343, %jit3A_340 : i32
          %rem3A_345 = arith.remsi %add3A_191, %select_n3A_344 : i32
          %ne3A_346 = arith.constant 0 : i32
          %ne3A_347 = arith.cmpi ne, %rem3A_345, %ne3A_346 : i32
          %lt3A_348 = arith.constant 0 : i32
          %lt3A_349 = arith.cmpi slt, %rem3A_345, %lt3A_348 : i32
          %lt3A_350 = arith.constant 0 : i32
          %lt3A_351 = arith.cmpi slt, %select_n3A_344, %lt3A_350 : i32
          %ne3A_352 = arith.xori %lt3A_349, %lt3A_351 : i1
          %and3A_353 = arith.andi %ne3A_352, %ne3A_347 : i1
          %add3A_354 = arith.addi %rem3A_345, %select_n3A_344 : i32
          %select_n3A_355 = arith.select %and3A_353, %add3A_354, %rem3A_345 : i32
          %jit3A_356 = arith.constant 16 : i32
          %div3A_357 = arith.divsi %add3A_209, %jit3A_356 : i32
          %sign3A_358 = arith.constant 0 : i32
          %sign3A_359 = arith.cmpi sgt, %add3A_209, %sign3A_358 : i32
          %sign3A_360 = arith.extui %sign3A_359 : i1 to i32
          %sign3A_361 = arith.constant 0 : i32
          %sign3A_362 = arith.cmpi slt, %add3A_209, %sign3A_361 : i32
          %sign3A_363 = arith.extui %sign3A_362 : i1 to i32
          %sign3A_364 = arith.subi %sign3A_360, %sign3A_363 : i32
          %sign3A_365 = arith.constant 0 : i32
          %sign3A_366 = arith.cmpi sgt, %jit3A_356, %sign3A_365 : i32
          %sign3A_367 = arith.extui %sign3A_366 : i1 to i32
          %sign3A_368 = arith.constant 0 : i32
          %sign3A_369 = arith.cmpi slt, %jit3A_356, %sign3A_368 : i32
          %sign3A_370 = arith.extui %sign3A_369 : i1 to i32
          %sign3A_371 = arith.subi %sign3A_367, %sign3A_370 : i32
          %ne3A_372 = arith.cmpi ne, %sign3A_364, %sign3A_371 : i32
          %rem3A_373 = arith.remsi %add3A_209, %jit3A_356 : i32
          %ne3A_374 = arith.constant 0 : i32
          %ne3A_375 = arith.cmpi ne, %rem3A_373, %ne3A_374 : i32
          %and3A_376 = arith.andi %ne3A_372, %ne3A_375 : i1
          %sub3A_377 = arith.constant 1 : i32
          %sub3A_378 = arith.subi %div3A_357, %sub3A_377 : i32
          %select_n3A_379 = arith.select %and3A_376, %sub3A_378, %div3A_357 : i32
          %jit3A_380 = arith.constant 16 : i32
          %eq3A_381 = arith.constant 0 : i32
          %eq3A_382 = arith.cmpi eq, %jit3A_380, %eq3A_381 : i32
          %jit3A_383 = arith.constant 1 : i32
          %select_n3A_384 = arith.select %eq3A_382, %jit3A_383, %jit3A_380 : i32
          %rem3A_385 = arith.remsi %add3A_209, %select_n3A_384 : i32
          %ne3A_386 = arith.constant 0 : i32
          %ne3A_387 = arith.cmpi ne, %rem3A_385, %ne3A_386 : i32
          %lt3A_388 = arith.constant 0 : i32
          %lt3A_389 = arith.cmpi slt, %rem3A_385, %lt3A_388 : i32
          %lt3A_390 = arith.constant 0 : i32
          %lt3A_391 = arith.cmpi slt, %select_n3A_384, %lt3A_390 : i32
          %ne3A_392 = arith.xori %lt3A_389, %lt3A_391 : i1
          %and3A_393 = arith.andi %ne3A_392, %ne3A_387 : i1
          %add3A_394 = arith.addi %rem3A_385, %select_n3A_384 : i32
          %select_n3A_395 = arith.select %and3A_393, %add3A_394, %rem3A_385 : i32
          %ne3A_396 = arith.cmpi ne, %select_n3A_339, %select_n3A_379 : i32
          %ne3A_397 = arith.cmpi ne, %select_n3A_355, %select_n3A_395 : i32
          %or3A_398 = arith.constant false
          %or3A_399 = arith.ori %or3A_398, %ne3A_396 : i1
          %or3A_400 = arith.ori %or3A_399, %ne3A_397 : i1
          %or3A_401 = arith.constant false
          %or3A_402 = arith.ori %or3A_400, %or3A_401 : i1
          %sub3A_403 = arith.constant 2 : i32
          %sub3A_404 = arith.subi %mul3A_185, %sub3A_403 : i32
          %add3A_405 = arith.constant 1 : i32
          %add3A_406 = arith.addi %sub3A_404, %add3A_405 : i32
          %ge3A_407 = arith.cmpi sge, %while3A_178, %add3A_406 : i32
          %not3A_408 = arith.constant true
          %not3A_409 = arith.xori %ge3A_407, %not3A_408 : i1
          %and3A_410 = arith.andi %or3A_402, %not3A_409 : i1
          %jit3A_411 = arith.constant 16 : i32
          %div3A_412 = arith.divsi %add3A_191, %jit3A_411 : i32
          %sign3A_413 = arith.constant 0 : i32
          %sign3A_414 = arith.cmpi sgt, %add3A_191, %sign3A_413 : i32
          %sign3A_415 = arith.extui %sign3A_414 : i1 to i32
          %sign3A_416 = arith.constant 0 : i32
          %sign3A_417 = arith.cmpi slt, %add3A_191, %sign3A_416 : i32
          %sign3A_418 = arith.extui %sign3A_417 : i1 to i32
          %sign3A_419 = arith.subi %sign3A_415, %sign3A_418 : i32
          %sign3A_420 = arith.constant 0 : i32
          %sign3A_421 = arith.cmpi sgt, %jit3A_411, %sign3A_420 : i32
          %sign3A_422 = arith.extui %sign3A_421 : i1 to i32
          %sign3A_423 = arith.constant 0 : i32
          %sign3A_424 = arith.cmpi slt, %jit3A_411, %sign3A_423 : i32
          %sign3A_425 = arith.extui %sign3A_424 : i1 to i32
          %sign3A_426 = arith.subi %sign3A_422, %sign3A_425 : i32
          %ne3A_427 = arith.cmpi ne, %sign3A_419, %sign3A_426 : i32
          %rem3A_428 = arith.remsi %add3A_191, %jit3A_411 : i32
          %ne3A_429 = arith.constant 0 : i32
          %ne3A_430 = arith.cmpi ne, %rem3A_428, %ne3A_429 : i32
          %and3A_431 = arith.andi %ne3A_427, %ne3A_430 : i1
          %sub3A_432 = arith.constant 1 : i32
          %sub3A_433 = arith.subi %div3A_412, %sub3A_432 : i32
          %select_n3A_434 = arith.select %and3A_431, %sub3A_433, %div3A_412 : i32
          %jit3A_435 = arith.constant 16 : i32
          %eq3A_436 = arith.constant 0 : i32
          %eq3A_437 = arith.cmpi eq, %jit3A_435, %eq3A_436 : i32
          %jit3A_438 = arith.constant 1 : i32
          %select_n3A_439 = arith.select %eq3A_437, %jit3A_438, %jit3A_435 : i32
          %rem3A_440 = arith.remsi %add3A_191, %select_n3A_439 : i32
          %ne3A_441 = arith.constant 0 : i32
          %ne3A_442 = arith.cmpi ne, %rem3A_440, %ne3A_441 : i32
          %lt3A_443 = arith.constant 0 : i32
          %lt3A_444 = arith.cmpi slt, %rem3A_440, %lt3A_443 : i32
          %lt3A_445 = arith.constant 0 : i32
          %lt3A_446 = arith.cmpi slt, %select_n3A_439, %lt3A_445 : i32
          %ne3A_447 = arith.xori %lt3A_444, %lt3A_446 : i1
          %and3A_448 = arith.andi %ne3A_447, %ne3A_442 : i1
          %add3A_449 = arith.addi %rem3A_440, %select_n3A_439 : i32
          %select_n3A_450 = arith.select %and3A_448, %add3A_449, %rem3A_440 : i32
          %jit3A_451 = arith.constant 16 : i32
          %div3A_452 = arith.divsi %add3A_201, %jit3A_451 : i32
          %sign3A_453 = arith.constant 0 : i32
          %sign3A_454 = arith.cmpi sgt, %add3A_201, %sign3A_453 : i32
          %sign3A_455 = arith.extui %sign3A_454 : i1 to i32
          %sign3A_456 = arith.constant 0 : i32
          %sign3A_457 = arith.cmpi slt, %add3A_201, %sign3A_456 : i32
          %sign3A_458 = arith.extui %sign3A_457 : i1 to i32
          %sign3A_459 = arith.subi %sign3A_455, %sign3A_458 : i32
          %sign3A_460 = arith.constant 0 : i32
          %sign3A_461 = arith.cmpi sgt, %jit3A_451, %sign3A_460 : i32
          %sign3A_462 = arith.extui %sign3A_461 : i1 to i32
          %sign3A_463 = arith.constant 0 : i32
          %sign3A_464 = arith.cmpi slt, %jit3A_451, %sign3A_463 : i32
          %sign3A_465 = arith.extui %sign3A_464 : i1 to i32
          %sign3A_466 = arith.subi %sign3A_462, %sign3A_465 : i32
          %ne3A_467 = arith.cmpi ne, %sign3A_459, %sign3A_466 : i32
          %rem3A_468 = arith.remsi %add3A_201, %jit3A_451 : i32
          %ne3A_469 = arith.constant 0 : i32
          %ne3A_470 = arith.cmpi ne, %rem3A_468, %ne3A_469 : i32
          %and3A_471 = arith.andi %ne3A_467, %ne3A_470 : i1
          %sub3A_472 = arith.constant 1 : i32
          %sub3A_473 = arith.subi %div3A_452, %sub3A_472 : i32
          %select_n3A_474 = arith.select %and3A_471, %sub3A_473, %div3A_452 : i32
          %jit3A_475 = arith.constant 16 : i32
          %eq3A_476 = arith.constant 0 : i32
          %eq3A_477 = arith.cmpi eq, %jit3A_475, %eq3A_476 : i32
          %jit3A_478 = arith.constant 1 : i32
          %select_n3A_479 = arith.select %eq3A_477, %jit3A_478, %jit3A_475 : i32
          %rem3A_480 = arith.remsi %add3A_201, %select_n3A_479 : i32
          %ne3A_481 = arith.constant 0 : i32
          %ne3A_482 = arith.cmpi ne, %rem3A_480, %ne3A_481 : i32
          %lt3A_483 = arith.constant 0 : i32
          %lt3A_484 = arith.cmpi slt, %rem3A_480, %lt3A_483 : i32
          %lt3A_485 = arith.constant 0 : i32
          %lt3A_486 = arith.cmpi slt, %select_n3A_479, %lt3A_485 : i32
          %ne3A_487 = arith.xori %lt3A_484, %lt3A_486 : i1
          %and3A_488 = arith.andi %ne3A_487, %ne3A_482 : i1
          %add3A_489 = arith.addi %rem3A_480, %select_n3A_479 : i32
          %select_n3A_490 = arith.select %and3A_488, %add3A_489, %rem3A_480 : i32
          %ne3A_491 = arith.cmpi ne, %select_n3A_434, %select_n3A_474 : i32
          %ne3A_492 = arith.cmpi ne, %select_n3A_450, %select_n3A_490 : i32
          %or3A_493 = arith.constant false
          %or3A_494 = arith.ori %or3A_493, %ne3A_491 : i1
          %or3A_495 = arith.ori %or3A_494, %ne3A_492 : i1
          %or3A_496 = arith.ori %or3A_495, %eq3A_187 : i1
          %convert_element_type3A_497 = arith.extui %or3A_496 : i1 to i32
          %cond3A_498 = arith.constant 0 : i32
          %cond3A_499 = arith.cmpi ne, %convert_element_type3A_497, %cond3A_498 : i32
          scf.if %cond3A_499 {
            %jit3A_1083 = arith.constant 16 : i32
            %div3A_1084 = arith.divsi %add3A_191, %jit3A_1083 : i32
            %sign3A_1085 = arith.constant 0 : i32
            %sign3A_1086 = arith.cmpi sgt, %add3A_191, %sign3A_1085 : i32
            %sign3A_1087 = arith.extui %sign3A_1086 : i1 to i32
            %sign3A_1088 = arith.constant 0 : i32
            %sign3A_1089 = arith.cmpi slt, %add3A_191, %sign3A_1088 : i32
            %sign3A_1090 = arith.extui %sign3A_1089 : i1 to i32
            %sign3A_1091 = arith.subi %sign3A_1087, %sign3A_1090 : i32
            %sign3A_1092 = arith.constant 0 : i32
            %sign3A_1093 = arith.cmpi sgt, %jit3A_1083, %sign3A_1092 : i32
            %sign3A_1094 = arith.extui %sign3A_1093 : i1 to i32
            %sign3A_1095 = arith.constant 0 : i32
            %sign3A_1096 = arith.cmpi slt, %jit3A_1083, %sign3A_1095 : i32
            %sign3A_1097 = arith.extui %sign3A_1096 : i1 to i32
            %sign3A_1098 = arith.subi %sign3A_1094, %sign3A_1097 : i32
            %ne3A_1099 = arith.cmpi ne, %sign3A_1091, %sign3A_1098 : i32
            %rem3A_1100 = arith.remsi %add3A_191, %jit3A_1083 : i32
            %ne3A_1101 = arith.constant 0 : i32
            %ne3A_1102 = arith.cmpi ne, %rem3A_1100, %ne3A_1101 : i32
            %and3A_1103 = arith.andi %ne3A_1099, %ne3A_1102 : i1
            %sub3A_1104 = arith.constant 1 : i32
            %sub3A_1105 = arith.subi %div3A_1084, %sub3A_1104 : i32
            %select_n3A_1106 = arith.select %and3A_1103, %sub3A_1105, %div3A_1084 : i32
            %jit3A_1107 = arith.constant 16 : i32
            %eq3A_1108 = arith.constant 0 : i32
            %eq3A_1109 = arith.cmpi eq, %jit3A_1107, %eq3A_1108 : i32
            %jit3A_1110 = arith.constant 1 : i32
            %select_n3A_1111 = arith.select %eq3A_1109, %jit3A_1110, %jit3A_1107 : i32
            %rem3A_1112 = arith.remsi %add3A_191, %select_n3A_1111 : i32
            %ne3A_1113 = arith.constant 0 : i32
            %ne3A_1114 = arith.cmpi ne, %rem3A_1112, %ne3A_1113 : i32
            %lt3A_1115 = arith.constant 0 : i32
            %lt3A_1116 = arith.cmpi slt, %rem3A_1112, %lt3A_1115 : i32
            %lt3A_1117 = arith.constant 0 : i32
            %lt3A_1118 = arith.cmpi slt, %select_n3A_1111, %lt3A_1117 : i32
            %ne3A_1119 = arith.xori %lt3A_1116, %lt3A_1118 : i1
            %and3A_1120 = arith.andi %ne3A_1119, %ne3A_1114 : i1
            %add3A_1121 = arith.addi %rem3A_1112, %select_n3A_1111 : i32
            %select_n3A_1122 = arith.select %and3A_1120, %add3A_1121, %rem3A_1112 : i32
            %mul3A_1123 = arith.constant 8 : i32
            %mul3A_1124 = arith.muli %mul3A_1123, %select_n3A_1106 : i32
            %mul3A_1125 = arith.constant 1024 : i32
            %mul3A_1126 = arith.muli %mul3A_1125, %select_n3A_1122 : i32
            %rem3A_1127 = arith.constant 2 : i32
            %rem3A_1128 = arith.remui %while3A_180, %rem3A_1127 : i32
            %dma_wait3A = arith.constant 0 : i32
            %dma_wait3A_1129 = arith.constant 0 : i32
            %dma_wait3A_1130 = tpu.memref_slice %run_scoped3A[%rem3A_1128, %dma_wait3A, %dma_wait3A_1129] : memref<2x8x1024xi32, #tpu.memory_space<vmem>> -> memref<1x8x1024xi32, #tpu.memory_space<vmem>>
            %dma_wait3A_1131 = tpu.memref_squeeze %dma_wait3A_1130 : memref<1x8x1024xi32, #tpu.memory_space<vmem>> -> memref<8x1024xi32, #tpu.memory_space<vmem>>
            %dma_wait3A_1132 = tpu.memref_slice %arg2[%mul3A_1124, %mul3A_1126] : memref<200x16384xi32, #tpu.memory_space<hbm>> -> memref<8x1024xi32, #tpu.memory_space<hbm>>
            %dma_wait3A_1133 = tpu.memref_slice %run_scoped3A_17[%rem3A_1128] : memref<2x!tpu.dma_semaphore, #tpu.memory_space<semaphore_mem>> -> memref<1x!tpu.dma_semaphore, #tpu.memory_space<semaphore_mem>>
            %dma_wait3A_1134 = tpu.memref_squeeze %dma_wait3A_1133 : memref<1x!tpu.dma_semaphore, #tpu.memory_space<semaphore_mem>> -> memref<!tpu.dma_semaphore, #tpu.memory_space<semaphore_mem>>
            %dma_wait3A_1135 = arith.constant 0 : i32
            %dma_wait3A_1136 = arith.constant 0 : i32
            %dma_wait3A_1137 = tpu.memref_slice %run_scoped3A[%rem3A_1128, %dma_wait3A_1135, %dma_wait3A_1136] : memref<2x8x1024xi32, #tpu.memory_space<vmem>> -> memref<1x8x1024xi32, #tpu.memory_space<vmem>>
            %dma_wait3A_1138 = tpu.memref_squeeze %dma_wait3A_1137 : memref<1x8x1024xi32, #tpu.memory_space<vmem>> -> memref<8x1024xi32, #tpu.memory_space<vmem>>
            %dma_wait3A_1139 = tpu.memref_slice %arg2[%mul3A_1124, %mul3A_1126] : memref<200x16384xi32, #tpu.memory_space<hbm>> -> memref<8x1024xi32, #tpu.memory_space<hbm>>
            tpu.wait_dma2 semaphore(%dma_wait3A_1134 : memref<!tpu.dma_semaphore, #tpu.memory_space<semaphore_mem>>) src(%dma_wait3A_1139 : memref<8x1024xi32, #tpu.memory_space<hbm>>) dst(%dma_wait3A_1138 : memref<8x1024xi32, #tpu.memory_space<vmem>>)
          } else {
          }
          %jit3A_500 = arith.constant 16 : i32
          %div3A_501 = arith.divsi %add3A_191, %jit3A_500 : i32
          %sign3A_502 = arith.constant 0 : i32
          %sign3A_503 = arith.cmpi sgt, %add3A_191, %sign3A_502 : i32
          %sign3A_504 = arith.extui %sign3A_503 : i1 to i32
          %sign3A_505 = arith.constant 0 : i32
          %sign3A_506 = arith.cmpi slt, %add3A_191, %sign3A_505 : i32
          %sign3A_507 = arith.extui %sign3A_506 : i1 to i32
          %sign3A_508 = arith.subi %sign3A_504, %sign3A_507 : i32
          %sign3A_509 = arith.constant 0 : i32
          %sign3A_510 = arith.cmpi sgt, %jit3A_500, %sign3A_509 : i32
          %sign3A_511 = arith.extui %sign3A_510 : i1 to i32
          %sign3A_512 = arith.constant 0 : i32
          %sign3A_513 = arith.cmpi slt, %jit3A_500, %sign3A_512 : i32
          %sign3A_514 = arith.extui %sign3A_513 : i1 to i32
          %sign3A_515 = arith.subi %sign3A_511, %sign3A_514 : i32
          %ne3A_516 = arith.cmpi ne, %sign3A_508, %sign3A_515 : i32
          %rem3A_517 = arith.remsi %add3A_191, %jit3A_500 : i32
          %ne3A_518 = arith.constant 0 : i32
          %ne3A_519 = arith.cmpi ne, %rem3A_517, %ne3A_518 : i32
          %and3A_520 = arith.andi %ne3A_516, %ne3A_519 : i1
          %sub3A_521 = arith.constant 1 : i32
          %sub3A_522 = arith.subi %div3A_501, %sub3A_521 : i32
          %select_n3A_523 = arith.select %and3A_520, %sub3A_522, %div3A_501 : i32
          %jit3A_524 = arith.constant 16 : i32
          %eq3A_525 = arith.constant 0 : i32
          %eq3A_526 = arith.cmpi eq, %jit3A_524, %eq3A_525 : i32
          %jit3A_527 = arith.constant 1 : i32
          %select_n3A_528 = arith.select %eq3A_526, %jit3A_527, %jit3A_524 : i32
          %rem3A_529 = arith.remsi %add3A_191, %select_n3A_528 : i32
          %ne3A_530 = arith.constant 0 : i32
          %ne3A_531 = arith.cmpi ne, %rem3A_529, %ne3A_530 : i32
          %lt3A_532 = arith.constant 0 : i32
          %lt3A_533 = arith.cmpi slt, %rem3A_529, %lt3A_532 : i32
          %lt3A_534 = arith.constant 0 : i32
          %lt3A_535 = arith.cmpi slt, %select_n3A_528, %lt3A_534 : i32
          %ne3A_536 = arith.xori %lt3A_533, %lt3A_535 : i1
          %and3A_537 = arith.andi %ne3A_536, %ne3A_531 : i1
          %add3A_538 = arith.addi %rem3A_529, %select_n3A_528 : i32
          %select_n3A_539 = arith.select %and3A_537, %add3A_538, %rem3A_529 : i32
          %jit3A_540 = arith.constant 16 : i32
          %div3A_541 = arith.divsi %add3A_201, %jit3A_540 : i32
          %sign3A_542 = arith.constant 0 : i32
          %sign3A_543 = arith.cmpi sgt, %add3A_201, %sign3A_542 : i32
          %sign3A_544 = arith.extui %sign3A_543 : i1 to i32
          %sign3A_545 = arith.constant 0 : i32
          %sign3A_546 = arith.cmpi slt, %add3A_201, %sign3A_545 : i32
          %sign3A_547 = arith.extui %sign3A_546 : i1 to i32
          %sign3A_548 = arith.subi %sign3A_544, %sign3A_547 : i32
          %sign3A_549 = arith.constant 0 : i32
          %sign3A_550 = arith.cmpi sgt, %jit3A_540, %sign3A_549 : i32
          %sign3A_551 = arith.extui %sign3A_550 : i1 to i32
          %sign3A_552 = arith.constant 0 : i32
          %sign3A_553 = arith.cmpi slt, %jit3A_540, %sign3A_552 : i32
          %sign3A_554 = arith.extui %sign3A_553 : i1 to i32
          %sign3A_555 = arith.subi %sign3A_551, %sign3A_554 : i32
          %ne3A_556 = arith.cmpi ne, %sign3A_548, %sign3A_555 : i32
          %rem3A_557 = arith.remsi %add3A_201, %jit3A_540 : i32
          %ne3A_558 = arith.constant 0 : i32
          %ne3A_559 = arith.cmpi ne, %rem3A_557, %ne3A_558 : i32
          %and3A_560 = arith.andi %ne3A_556, %ne3A_559 : i1
          %sub3A_561 = arith.constant 1 : i32
          %sub3A_562 = arith.subi %div3A_541, %sub3A_561 : i32
          %select_n3A_563 = arith.select %and3A_560, %sub3A_562, %div3A_541 : i32
          %jit3A_564 = arith.constant 16 : i32
          %eq3A_565 = arith.constant 0 : i32
          %eq3A_566 = arith.cmpi eq, %jit3A_564, %eq3A_565 : i32
          %jit3A_567 = arith.constant 1 : i32
          %select_n3A_568 = arith.select %eq3A_566, %jit3A_567, %jit3A_564 : i32
          %rem3A_569 = arith.remsi %add3A_201, %select_n3A_568 : i32
          %ne3A_570 = arith.constant 0 : i32
          %ne3A_571 = arith.cmpi ne, %rem3A_569, %ne3A_570 : i32
          %lt3A_572 = arith.constant 0 : i32
          %lt3A_573 = arith.cmpi slt, %rem3A_569, %lt3A_572 : i32
          %lt3A_574 = arith.constant 0 : i32
          %lt3A_575 = arith.cmpi slt, %select_n3A_568, %lt3A_574 : i32
          %ne3A_576 = arith.xori %lt3A_573, %lt3A_575 : i1
          %and3A_577 = arith.andi %ne3A_576, %ne3A_571 : i1
          %add3A_578 = arith.addi %rem3A_569, %select_n3A_568 : i32
          %select_n3A_579 = arith.select %and3A_577, %add3A_578, %rem3A_569 : i32
          %ne3A_580 = arith.cmpi ne, %select_n3A_523, %select_n3A_563 : i32
          %ne3A_581 = arith.cmpi ne, %select_n3A_539, %select_n3A_579 : i32
          %or3A_582 = arith.constant false
          %or3A_583 = arith.ori %or3A_582, %ne3A_580 : i1
          %or3A_584 = arith.ori %or3A_583, %ne3A_581 : i1
          %or3A_585 = arith.constant false
          %or3A_586 = arith.ori %or3A_584, %or3A_585 : i1
          %or3A_587 = arith.ori %or3A_586, %eq3A_187 : i1
          %convert_element_type3A_588 = arith.extui %or3A_587 : i1 to i32
          %cond3A_589 = arith.constant 0 : i32
          %cond3A_590 = arith.cmpi ne, %convert_element_type3A_588, %cond3A_589 : i32
          scf.if %cond3A_590 {
          } else {
          }
          %rem3A_591 = arith.constant 2 : i32
          %rem3A_592 = arith.remui %while3A_180, %rem3A_591 : i32
          %rem3A_593 = arith.constant 2 : i32
          %rem3A_594 = arith.remui %while3A_181, %rem3A_593 : i32
          %iota3A = tpu.iota {dimensions = array<i32: 0>} : vector<16xi32>
          %add3A_595 = arith.constant 0 : i32
          %add3A_596 = vector.broadcast %add3A_595 : i32 to vector<16xi32>
          %add3A_597 = arith.addi %iota3A, %add3A_596 : vector<16xi32>
          %add3A_598 = arith.constant 16 : i32
          %add3A_599 = vector.broadcast %add3A_598 : i32 to vector<16xi32>
          %add3A_600 = arith.addi %iota3A, %add3A_599 : vector<16xi32>
          %add3A_601 = arith.constant 32 : i32
          %add3A_602 = vector.broadcast %add3A_601 : i32 to vector<16xi32>
          %add3A_603 = arith.addi %iota3A, %add3A_602 : vector<16xi32>
          %add3A_604 = arith.constant 48 : i32
          %add3A_605 = vector.broadcast %add3A_604 : i32 to vector<16xi32>
          %add3A_606 = arith.addi %iota3A, %add3A_605 : vector<16xi32>
          %parallel_loop3A = arith.constant 0 : i32
          %parallel_loop3A_607 = arith.constant 8 : i32
          %parallel_loop3A_608 = arith.constant 1 : i32
          scf.for %parallel_loop3A_1083 = %parallel_loop3A to %parallel_loop3A_607 step %parallel_loop3A_608  : i32 {
            %parallel_loop3A_1084 = arith.constant 0 : i32
            %parallel_loop3A_1085 = arith.constant 8 : i32
            %parallel_loop3A_1086 = arith.constant 1 : i32
            scf.for %parallel_loop3A_1087 = %parallel_loop3A_1084 to %parallel_loop3A_1085 step %parallel_loop3A_1086  : i32 {
              %parallel_loop3A_1088 = arith.constant 128 : i32
              %parallel_loop3A_1089 = arith.muli %parallel_loop3A_1087, %parallel_loop3A_1088 : i32
              %parallel_loop3A_1090 = arith.constant 0 : i32
              %parallel_loop3A_1091 = arith.addi %parallel_loop3A_1089, %parallel_loop3A_1090 : i32
              %parallel_loop3A_1092 = arith.constant 0 : i32
              %parallel_loop3A_1093 = arith.constant 0 : i32
              %parallel_loop3A_1094 = tpu.memref_slice %run_scoped3A[%rem3A_592, %parallel_loop3A_1092, %parallel_loop3A_1093] : memref<2x8x1024xi32, #tpu.memory_space<vmem>> -> memref<1x8x1024xi32, #tpu.memory_space<vmem>>
              %parallel_loop3A_1095 = tpu.memref_squeeze %parallel_loop3A_1094 : memref<1x8x1024xi32, #tpu.memory_space<vmem>> -> memref<8x1024xi32, #tpu.memory_space<vmem>>
              %parallel_loop3A_1096 = arith.index_cast %parallel_loop3A_1083 : i32 to index
              %parallel_loop3A_1097 = arith.index_cast %parallel_loop3A_1091 : i32 to index
              %parallel_loop3A_1098 = tpu.vector_load %parallel_loop3A_1095[%parallel_loop3A_1096, %parallel_loop3A_1097] {strides = array<i32>} : memref<8x1024xi32, #tpu.memory_space<vmem>>, vector<16xi32>,
              %parallel_loop3A_1099 = arith.constant 64 : i32
              %parallel_loop3A_1100 = vector.broadcast %parallel_loop3A_1099 : i32 to vector<16xi32>
              %parallel_loop3A_1101 = arith.muli %parallel_loop3A_1098, %parallel_loop3A_1100 : vector<16xi32>
              %parallel_loop3A_1102 = arith.addi %parallel_loop3A_1101, %add3A_597 : vector<16xi32>
              %parallel_loop3A_1103 = tpu.vector_load_idx %arg5[%parallel_loop3A_1102] : memref<576xf32, #tpu.memory_space<vmem>>[vector<16xi32>], vector<16xf32>,
              %parallel_loop3A_1104 = arith.constant 4 : i32
              %parallel_loop3A_1105 = arith.muli %parallel_loop3A_1087, %parallel_loop3A_1104 : i32
              %parallel_loop3A_1106 = arith.constant 0 : i32
              %parallel_loop3A_1107 = arith.addi %parallel_loop3A_1105, %parallel_loop3A_1106 : i32
              %parallel_loop3A_1108 = arith.constant 0 : i32
              %parallel_loop3A_1109 = arith.constant 0 : i32
              %parallel_loop3A_1110 = arith.constant 0 : i32
              %parallel_loop3A_1111 = tpu.memref_slice %run_scoped3A_18[%rem3A_594, %parallel_loop3A_1108, %parallel_loop3A_1109, %parallel_loop3A_1110] : memref<2x8x32x128xf32, #tpu.memory_space<vmem>> -> memref<1x8x32x128xf32, #tpu.memory_space<vmem>>
              %parallel_loop3A_1112 = tpu.memref_squeeze %parallel_loop3A_1111 : memref<1x8x32x128xf32, #tpu.memory_space<vmem>> -> memref<8x32x128xf32, #tpu.memory_space<vmem>>
              %parallel_loop3A_1113 = arith.index_cast %parallel_loop3A_1083 : i32 to index
              %parallel_loop3A_1114 = arith.index_cast %parallel_loop3A_1107 : i32 to index
              %parallel_loop3A_1115 = arith.constant 0 : index
              %parallel_loop3A_1116 = tpu.vector_load %parallel_loop3A_1112[%parallel_loop3A_1113, %parallel_loop3A_1114, %parallel_loop3A_1115] {strides = array<i32>} : memref<8x32x128xf32, #tpu.memory_space<vmem>>, vector<16xf32>,
              tpu.vector_store %parallel_loop3A_1112[%parallel_loop3A_1113, %parallel_loop3A_1114, %parallel_loop3A_1115], %parallel_loop3A_1103 {strides = array<i32>} : memref<8x32x128xf32, #tpu.memory_space<vmem>>, vector<16xf32>,
              %parallel_loop3A_1117 = arith.addi %parallel_loop3A_1101, %add3A_600 : vector<16xi32>
              %parallel_loop3A_1118 = tpu.vector_load_idx %arg5[%parallel_loop3A_1117] : memref<576xf32, #tpu.memory_space<vmem>>[vector<16xi32>], vector<16xf32>,
              %parallel_loop3A_1119 = arith.constant 4 : i32
              %parallel_loop3A_1120 = arith.muli %parallel_loop3A_1087, %parallel_loop3A_1119 : i32
              %parallel_loop3A_1121 = arith.constant 1 : i32
              %parallel_loop3A_1122 = arith.addi %parallel_loop3A_1120, %parallel_loop3A_1121 : i32
              %parallel_loop3A_1123 = arith.constant 0 : i32
              %parallel_loop3A_1124 = arith.constant 0 : i32
              %parallel_loop3A_1125 = arith.constant 0 : i32
              %parallel_loop3A_1126 = tpu.memref_slice %run_scoped3A_18[%rem3A_594, %parallel_loop3A_1123, %parallel_loop3A_1124, %parallel_loop3A_1125] : memref<2x8x32x128xf32, #tpu.memory_space<vmem>> -> memref<1x8x32x128xf32, #tpu.memory_space<vmem>>
              %parallel_loop3A_1127 = tpu.memref_squeeze %parallel_loop3A_1126 : memref<1x8x32x128xf32, #tpu.memory_space<vmem>> -> memref<8x32x128xf32, #tpu.memory_space<vmem>>
              %parallel_loop3A_1128 = arith.index_cast %parallel_loop3A_1083 : i32 to index
              %parallel_loop3A_1129 = arith.index_cast %parallel_loop3A_1122 : i32 to index
              %parallel_loop3A_1130 = arith.constant 0 : index
              %parallel_loop3A_1131 = tpu.vector_load %parallel_loop3A_1127[%parallel_loop3A_1128, %parallel_loop3A_1129, %parallel_loop3A_1130] {strides = array<i32>} : memref<8x32x128xf32, #tpu.memory_space<vmem>>, vector<16xf32>,
              tpu.vector_store %parallel_loop3A_1127[%parallel_loop3A_1128, %parallel_loop3A_1129, %parallel_loop3A_1130], %parallel_loop3A_1118 {strides = array<i32>} : memref<8x32x128xf32, #tpu.memory_space<vmem>>, vector<16xf32>,
              %parallel_loop3A_1132 = arith.addi %parallel_loop3A_1101, %add3A_603 : vector<16xi32>
              %parallel_loop3A_1133 = tpu.vector_load_idx %arg5[%parallel_loop3A_1132] : memref<576xf32, #tpu.memory_space<vmem>>[vector<16xi32>], vector<16xf32>,
              %parallel_loop3A_1134 = arith.constant 4 : i32
              %parallel_loop3A_1135 = arith.muli %parallel_loop3A_1087, %parallel_loop3A_1134 : i32
              %parallel_loop3A_1136 = arith.constant 2 : i32
              %parallel_loop3A_1137 = arith.addi %parallel_loop3A_1135, %parallel_loop3A_1136 : i32
              %parallel_loop3A_1138 = arith.constant 0 : i32
              %parallel_loop3A_1139 = arith.constant 0 : i32
              %parallel_loop3A_1140 = arith.constant 0 : i32
              %parallel_loop3A_1141 = tpu.memref_slice %run_scoped3A_18[%rem3A_594, %parallel_loop3A_1138, %parallel_loop3A_1139, %parallel_loop3A_1140] : memref<2x8x32x128xf32, #tpu.memory_space<vmem>> -> memref<1x8x32x128xf32, #tpu.memory_space<vmem>>
              %parallel_loop3A_1142 = tpu.memref_squeeze %parallel_loop3A_1141 : memref<1x8x32x128xf32, #tpu.memory_space<vmem>> -> memref<8x32x128xf32, #tpu.memory_space<vmem>>
              %parallel_loop3A_1143 = arith.index_cast %parallel_loop3A_1083 : i32 to index
              %parallel_loop3A_1144 = arith.index_cast %parallel_loop3A_1137 : i32 to index
              %parallel_loop3A_1145 = arith.constant 0 : index
              %parallel_loop3A_1146 = tpu.vector_load %parallel_loop3A_1142[%parallel_loop3A_1143, %parallel_loop3A_1144, %parallel_loop3A_1145] {strides = array<i32>} : memref<8x32x128xf32, #tpu.memory_space<vmem>>, vector<16xf32>,
              tpu.vector_store %parallel_loop3A_1142[%parallel_loop3A_1143, %parallel_loop3A_1144, %parallel_loop3A_1145], %parallel_loop3A_1133 {strides = array<i32>} : memref<8x32x128xf32, #tpu.memory_space<vmem>>, vector<16xf32>,
              %parallel_loop3A_1147 = arith.addi %parallel_loop3A_1101, %add3A_606 : vector<16xi32>
              %parallel_loop3A_1148 = tpu.vector_load_idx %arg5[%parallel_loop3A_1147] : memref<576xf32, #tpu.memory_space<vmem>>[vector<16xi32>], vector<16xf32>,
              %parallel_loop3A_1149 = arith.constant 4 : i32
              %parallel_loop3A_1150 = arith.muli %parallel_loop3A_1087, %parallel_loop3A_1149 : i32
              %parallel_loop3A_1151 = arith.constant 3 : i32
              %parallel_loop3A_1152 = arith.addi %parallel_loop3A_1150, %parallel_loop3A_1151 : i32
              %parallel_loop3A_1153 = arith.constant 0 : i32
              %parallel_loop3A_1154 = arith.constant 0 : i32
              %parallel_loop3A_1155 = arith.constant 0 : i32
              %parallel_loop3A_1156 = tpu.memref_slice %run_scoped3A_18[%rem3A_594, %parallel_loop3A_1153, %parallel_loop3A_1154, %parallel_loop3A_1155] : memref<2x8x32x128xf32, #tpu.memory_space<vmem>> -> memref<1x8x32x128xf32, #tpu.memory_space<vmem>>
              %parallel_loop3A_1157 = tpu.memref_squeeze %parallel_loop3A_1156 : memref<1x8x32x128xf32, #tpu.memory_space<vmem>> -> memref<8x32x128xf32, #tpu.memory_space<vmem>>
              %parallel_loop3A_1158 = arith.index_cast %parallel_loop3A_1083 : i32 to index
              %parallel_loop3A_1159 = arith.index_cast %parallel_loop3A_1152 : i32 to index
              %parallel_loop3A_1160 = arith.constant 0 : index
              %parallel_loop3A_1161 = tpu.vector_load %parallel_loop3A_1157[%parallel_loop3A_1158, %parallel_loop3A_1159, %parallel_loop3A_1160] {strides = array<i32>} : memref<8x32x128xf32, #tpu.memory_space<vmem>>, vector<16xf32>,
              tpu.vector_store %parallel_loop3A_1157[%parallel_loop3A_1158, %parallel_loop3A_1159, %parallel_loop3A_1160], %parallel_loop3A_1148 {strides = array<i32>} : memref<8x32x128xf32, #tpu.memory_space<vmem>>, vector<16xf32>,
              %parallel_loop3A_1162 = arith.constant 128 : i32
              %parallel_loop3A_1163 = arith.muli %parallel_loop3A_1087, %parallel_loop3A_1162 : i32
              %parallel_loop3A_1164 = arith.constant 16 : i32
              %parallel_loop3A_1165 = arith.addi %parallel_loop3A_1163, %parallel_loop3A_1164 : i32
              %parallel_loop3A_1166 = arith.constant 0 : i32
              %parallel_loop3A_1167 = arith.constant 0 : i32
              %parallel_loop3A_1168 = tpu.memref_slice %run_scoped3A[%rem3A_592, %parallel_loop3A_1166, %parallel_loop3A_1167] : memref<2x8x1024xi32, #tpu.memory_space<vmem>> -> memref<1x8x1024xi32, #tpu.memory_space<vmem>>
              %parallel_loop3A_1169 = tpu.memref_squeeze %parallel_loop3A_1168 : memref<1x8x1024xi32, #tpu.memory_space<vmem>> -> memref<8x1024xi32, #tpu.memory_space<vmem>>
              %parallel_loop3A_1170 = arith.index_cast %parallel_loop3A_1083 : i32 to index
              %parallel_loop3A_1171 = arith.index_cast %parallel_loop3A_1165 : i32 to index
              %parallel_loop3A_1172 = tpu.vector_load %parallel_loop3A_1169[%parallel_loop3A_1170, %parallel_loop3A_1171] {strides = array<i32>} : memref<8x1024xi32, #tpu.memory_space<vmem>>, vector<16xi32>,
              %parallel_loop3A_1173 = arith.constant 64 : i32
              %parallel_loop3A_1174 = vector.broadcast %parallel_loop3A_1173 : i32 to vector<16xi32>
              %parallel_loop3A_1175 = arith.muli %parallel_loop3A_1172, %parallel_loop3A_1174 : vector<16xi32>
              %parallel_loop3A_1176 = arith.addi %parallel_loop3A_1175, %add3A_597 : vector<16xi32>
              %parallel_loop3A_1177 = tpu.vector_load_idx %arg5[%parallel_loop3A_1176] : memref<576xf32, #tpu.memory_space<vmem>>[vector<16xi32>], vector<16xf32>,
              %parallel_loop3A_1178 = arith.constant 4 : i32
              %parallel_loop3A_1179 = arith.muli %parallel_loop3A_1087, %parallel_loop3A_1178 : i32
              %parallel_loop3A_1180 = arith.constant 0 : i32
              %parallel_loop3A_1181 = arith.addi %parallel_loop3A_1179, %parallel_loop3A_1180 : i32
              %parallel_loop3A_1182 = arith.constant 0 : i32
              %parallel_loop3A_1183 = arith.constant 0 : i32
              %parallel_loop3A_1184 = arith.constant 0 : i32
              %parallel_loop3A_1185 = tpu.memref_slice %run_scoped3A_18[%rem3A_594, %parallel_loop3A_1182, %parallel_loop3A_1183, %parallel_loop3A_1184] : memref<2x8x32x128xf32, #tpu.memory_space<vmem>> -> memref<1x8x32x128xf32, #tpu.memory_space<vmem>>
              %parallel_loop3A_1186 = tpu.memref_squeeze %parallel_loop3A_1185 : memref<1x8x32x128xf32, #tpu.memory_space<vmem>> -> memref<8x32x128xf32, #tpu.memory_space<vmem>>
              %parallel_loop3A_1187 = arith.index_cast %parallel_loop3A_1083 : i32 to index
              %parallel_loop3A_1188 = arith.index_cast %parallel_loop3A_1181 : i32 to index
              %parallel_loop3A_1189 = arith.constant 16 : index
              %parallel_loop3A_1190 = tpu.vector_load %parallel_loop3A_1186[%parallel_loop3A_1187, %parallel_loop3A_1188, %parallel_loop3A_1189] {strides = array<i32>} : memref<8x32x128xf32, #tpu.memory_space<vmem>>, vector<16xf32>,
              tpu.vector_store %parallel_loop3A_1186[%parallel_loop3A_1187, %parallel_loop3A_1188, %parallel_loop3A_1189], %parallel_loop3A_1177 {strides = array<i32>} : memref<8x32x128xf32, #tpu.memory_space<vmem>>, vector<16xf32>,
              %parallel_loop3A_1191 = arith.addi %parallel_loop3A_1175, %add3A_600 : vector<16xi32>
              %parallel_loop3A_1192 = tpu.vector_load_idx %arg5[%parallel_loop3A_1191] : memref<576xf32, #tpu.memory_space<vmem>>[vector<16xi32>], vector<16xf32>,
              %parallel_loop3A_1193 = arith.constant 4 : i32
              %parallel_loop3A_1194 = arith.muli %parallel_loop3A_1087, %parallel_loop3A_1193 : i32
              %parallel_loop3A_1195 = arith.constant 1 : i32
              %parallel_loop3A_1196 = arith.addi %parallel_loop3A_1194, %parallel_loop3A_1195 : i32
              %parallel_loop3A_1197 = arith.constant 0 : i32
              %parallel_loop3A_1198 = arith.constant 0 : i32
              %parallel_loop3A_1199 = arith.constant 0 : i32
              %parallel_loop3A_1200 = tpu.memref_slice %run_scoped3A_18[%rem3A_594, %parallel_loop3A_1197, %parallel_loop3A_1198, %parallel_loop3A_1199] : memref<2x8x32x128xf32, #tpu.memory_space<vmem>> -> memref<1x8x32x128xf32, #tpu.memory_space<vmem>>
              %parallel_loop3A_1201 = tpu.memref_squeeze %parallel_loop3A_1200 : memref<1x8x32x128xf32, #tpu.memory_space<vmem>> -> memref<8x32x128xf32, #tpu.memory_space<vmem>>
              %parallel_loop3A_1202 = arith.index_cast %parallel_loop3A_1083 : i32 to index
              %parallel_loop3A_1203 = arith.index_cast %parallel_loop3A_1196 : i32 to index
              %parallel_loop3A_1204 = arith.constant 16 : index
              %parallel_loop3A_1205 = tpu.vector_load %parallel_loop3A_1201[%parallel_loop3A_1202, %parallel_loop3A_1203, %parallel_loop3A_1204] {strides = array<i32>} : memref<8x32x128xf32, #tpu.memory_space<vmem>>, vector<16xf32>,
              tpu.vector_store %parallel_loop3A_1201[%parallel_loop3A_1202, %parallel_loop3A_1203, %parallel_loop3A_1204], %parallel_loop3A_1192 {strides = array<i32>} : memref<8x32x128xf32, #tpu.memory_space<vmem>>, vector<16xf32>,
              %parallel_loop3A_1206 = arith.addi %parallel_loop3A_1175, %add3A_603 : vector<16xi32>
              %parallel_loop3A_1207 = tpu.vector_load_idx %arg5[%parallel_loop3A_1206] : memref<576xf32, #tpu.memory_space<vmem>>[vector<16xi32>], vector<16xf32>,
              %parallel_loop3A_1208 = arith.constant 4 : i32
              %parallel_loop3A_1209 = arith.muli %parallel_loop3A_1087, %parallel_loop3A_1208 : i32
              %parallel_loop3A_1210 = arith.constant 2 : i32
              %parallel_loop3A_1211 = arith.addi %parallel_loop3A_1209, %parallel_loop3A_1210 : i32
              %parallel_loop3A_1212 = arith.constant 0 : i32
              %parallel_loop3A_1213 = arith.constant 0 : i32
              %parallel_loop3A_1214 = arith.constant 0 : i32
              %parallel_loop3A_1215 = tpu.memref_slice %run_scoped3A_18[%rem3A_594, %parallel_loop3A_1212, %parallel_loop3A_1213, %parallel_loop3A_1214] : memref<2x8x32x128xf32, #tpu.memory_space<vmem>> -> memref<1x8x32x128xf32, #tpu.memory_space<vmem>>
              %parallel_loop3A_1216 = tpu.memref_squeeze %parallel_loop3A_1215 : memref<1x8x32x128xf32, #tpu.memory_space<vmem>> -> memref<8x32x128xf32, #tpu.memory_space<vmem>>
              %parallel_loop3A_1217 = arith.index_cast %parallel_loop3A_1083 : i32 to index
              %parallel_loop3A_1218 = arith.index_cast %parallel_loop3A_1211 : i32 to index
              %parallel_loop3A_1219 = arith.constant 16 : index
              %parallel_loop3A_1220 = tpu.vector_load %parallel_loop3A_1216[%parallel_loop3A_1217, %parallel_loop3A_1218, %parallel_loop3A_1219] {strides = array<i32>} : memref<8x32x128xf32, #tpu.memory_space<vmem>>, vector<16xf32>,
              tpu.vector_store %parallel_loop3A_1216[%parallel_loop3A_1217, %parallel_loop3A_1218, %parallel_loop3A_1219], %parallel_loop3A_1207 {strides = array<i32>} : memref<8x32x128xf32, #tpu.memory_space<vmem>>, vector<16xf32>,
              %parallel_loop3A_1221 = arith.addi %parallel_loop3A_1175, %add3A_606 : vector<16xi32>
              %parallel_loop3A_1222 = tpu.vector_load_idx %arg5[%parallel_loop3A_1221] : memref<576xf32, #tpu.memory_space<vmem>>[vector<16xi32>], vector<16xf32>,
              %parallel_loop3A_1223 = arith.constant 4 : i32
              %parallel_loop3A_1224 = arith.muli %parallel_loop3A_1087, %parallel_loop3A_1223 : i32
              %parallel_loop3A_1225 = arith.constant 3 : i32
              %parallel_loop3A_1226 = arith.addi %parallel_loop3A_1224, %parallel_loop3A_1225 : i32
              %parallel_loop3A_1227 = arith.constant 0 : i32
              %parallel_loop3A_1228 = arith.constant 0 : i32
              %parallel_loop3A_1229 = arith.constant 0 : i32
              %parallel_loop3A_1230 = tpu.memref_slice %run_scoped3A_18[%rem3A_594, %parallel_loop3A_1227, %parallel_loop3A_1228, %parallel_loop3A_1229] : memref<2x8x32x128xf32, #tpu.memory_space<vmem>> -> memref<1x8x32x128xf32, #tpu.memory_space<vmem>>
              %parallel_loop3A_1231 = tpu.memref_squeeze %parallel_loop3A_1230 : memref<1x8x32x128xf32, #tpu.memory_space<vmem>> -> memref<8x32x128xf32, #tpu.memory_space<vmem>>
              %parallel_loop3A_1232 = arith.index_cast %parallel_loop3A_1083 : i32 to index
              %parallel_loop3A_1233 = arith.index_cast %parallel_loop3A_1226 : i32 to index
              %parallel_loop3A_1234 = arith.constant 16 : index
              %parallel_loop3A_1235 = tpu.vector_load %parallel_loop3A_1231[%parallel_loop3A_1232, %parallel_loop3A_1233, %parallel_loop3A_1234] {strides = array<i32>} : memref<8x32x128xf32, #tpu.memory_space<vmem>>, vector<16xf32>,
              tpu.vector_store %parallel_loop3A_1231[%parallel_loop3A_1232, %parallel_loop3A_1233, %parallel_loop3A_1234], %parallel_loop3A_1222 {strides = array<i32>} : memref<8x32x128xf32, #tpu.memory_space<vmem>>, vector<16xf32>,
              %parallel_loop3A_1236 = arith.constant 128 : i32
              %parallel_loop3A_1237 = arith.muli %parallel_loop3A_1087, %parallel_loop3A_1236 : i32
              %parallel_loop3A_1238 = arith.constant 32 : i32
              %parallel_loop3A_1239 = arith.addi %parallel_loop3A_1237, %parallel_loop3A_1238 : i32
              %parallel_loop3A_1240 = arith.constant 0 : i32
              %parallel_loop3A_1241 = arith.constant 0 : i32
              %parallel_loop3A_1242 = tpu.memref_slice %run_scoped3A[%rem3A_592, %parallel_loop3A_1240, %parallel_loop3A_1241] : memref<2x8x1024xi32, #tpu.memory_space<vmem>> -> memref<1x8x1024xi32, #tpu.memory_space<vmem>>
              %parallel_loop3A_1243 = tpu.memref_squeeze %parallel_loop3A_1242 : memref<1x8x1024xi32, #tpu.memory_space<vmem>> -> memref<8x1024xi32, #tpu.memory_space<vmem>>
              %parallel_loop3A_1244 = arith.index_cast %parallel_loop3A_1083 : i32 to index
              %parallel_loop3A_1245 = arith.index_cast %parallel_loop3A_1239 : i32 to index
              %parallel_loop3A_1246 = tpu.vector_load %parallel_loop3A_1243[%parallel_loop3A_1244, %parallel_loop3A_1245] {strides = array<i32>} : memref<8x1024xi32, #tpu.memory_space<vmem>>, vector<16xi32>,
              %parallel_loop3A_1247 = arith.constant 64 : i32
              %parallel_loop3A_1248 = vector.broadcast %parallel_loop3A_1247 : i32 to vector<16xi32>
              %parallel_loop3A_1249 = arith.muli %parallel_loop3A_1246, %parallel_loop3A_1248 : vector<16xi32>
              %parallel_loop3A_1250 = arith.addi %parallel_loop3A_1249, %add3A_597 : vector<16xi32>
              %parallel_loop3A_1251 = tpu.vector_load_idx %arg5[%parallel_loop3A_1250] : memref<576xf32, #tpu.memory_space<vmem>>[vector<16xi32>], vector<16xf32>,
              %parallel_loop3A_1252 = arith.constant 4 : i32
              %parallel_loop3A_1253 = arith.muli %parallel_loop3A_1087, %parallel_loop3A_1252 : i32
              %parallel_loop3A_1254 = arith.constant 0 : i32
              %parallel_loop3A_1255 = arith.addi %parallel_loop3A_1253, %parallel_loop3A_1254 : i32
              %parallel_loop3A_1256 = arith.constant 0 : i32
              %parallel_loop3A_1257 = arith.constant 0 : i32
              %parallel_loop3A_1258 = arith.constant 0 : i32
              %parallel_loop3A_1259 = tpu.memref_slice %run_scoped3A_18[%rem3A_594, %parallel_loop3A_1256, %parallel_loop3A_1257, %parallel_loop3A_1258] : memref<2x8x32x128xf32, #tpu.memory_space<vmem>> -> memref<1x8x32x128xf32, #tpu.memory_space<vmem>>
              %parallel_loop3A_1260 = tpu.memref_squeeze %parallel_loop3A_1259 : memref<1x8x32x128xf32, #tpu.memory_space<vmem>> -> memref<8x32x128xf32, #tpu.memory_space<vmem>>
              %parallel_loop3A_1261 = arith.index_cast %parallel_loop3A_1083 : i32 to index
              %parallel_loop3A_1262 = arith.index_cast %parallel_loop3A_1255 : i32 to index
              %parallel_loop3A_1263 = arith.constant 32 : index
              %parallel_loop3A_1264 = tpu.vector_load %parallel_loop3A_1260[%parallel_loop3A_1261, %parallel_loop3A_1262, %parallel_loop3A_1263] {strides = array<i32>} : memref<8x32x128xf32, #tpu.memory_space<vmem>>, vector<16xf32>,
              tpu.vector_store %parallel_loop3A_1260[%parallel_loop3A_1261, %parallel_loop3A_1262, %parallel_loop3A_1263], %parallel_loop3A_1251 {strides = array<i32>} : memref<8x32x128xf32, #tpu.memory_space<vmem>>, vector<16xf32>,
              %parallel_loop3A_1265 = arith.addi %parallel_loop3A_1249, %add3A_600 : vector<16xi32>
              %parallel_loop3A_1266 = tpu.vector_load_idx %arg5[%parallel_loop3A_1265] : memref<576xf32, #tpu.memory_space<vmem>>[vector<16xi32>], vector<16xf32>,
              %parallel_loop3A_1267 = arith.constant 4 : i32
              %parallel_loop3A_1268 = arith.muli %parallel_loop3A_1087, %parallel_loop3A_1267 : i32
              %parallel_loop3A_1269 = arith.constant 1 : i32
              %parallel_loop3A_1270 = arith.addi %parallel_loop3A_1268, %parallel_loop3A_1269 : i32
              %parallel_loop3A_1271 = arith.constant 0 : i32
              %parallel_loop3A_1272 = arith.constant 0 : i32
              %parallel_loop3A_1273 = arith.constant 0 : i32
              %parallel_loop3A_1274 = tpu.memref_slice %run_scoped3A_18[%rem3A_594, %parallel_loop3A_1271, %parallel_loop3A_1272, %parallel_loop3A_1273] : memref<2x8x32x128xf32, #tpu.memory_space<vmem>> -> memref<1x8x32x128xf32, #tpu.memory_space<vmem>>
              %parallel_loop3A_1275 = tpu.memref_squeeze %parallel_loop3A_1274 : memref<1x8x32x128xf32, #tpu.memory_space<vmem>> -> memref<8x32x128xf32, #tpu.memory_space<vmem>>
              %parallel_loop3A_1276 = arith.index_cast %parallel_loop3A_1083 : i32 to index
              %parallel_loop3A_1277 = arith.index_cast %parallel_loop3A_1270 : i32 to index
              %parallel_loop3A_1278 = arith.constant 32 : index
              %parallel_loop3A_1279 = tpu.vector_load %parallel_loop3A_1275[%parallel_loop3A_1276, %parallel_loop3A_1277, %parallel_loop3A_1278] {strides = array<i32>} : memref<8x32x128xf32, #tpu.memory_space<vmem>>, vector<16xf32>,
              tpu.vector_store %parallel_loop3A_1275[%parallel_loop3A_1276, %parallel_loop3A_1277, %parallel_loop3A_1278], %parallel_loop3A_1266 {strides = array<i32>} : memref<8x32x128xf32, #tpu.memory_space<vmem>>, vector<16xf32>,
              %parallel_loop3A_1280 = arith.addi %parallel_loop3A_1249, %add3A_603 : vector<16xi32>
              %parallel_loop3A_1281 = tpu.vector_load_idx %arg5[%parallel_loop3A_1280] : memref<576xf32, #tpu.memory_space<vmem>>[vector<16xi32>], vector<16xf32>,
              %parallel_loop3A_1282 = arith.constant 4 : i32
              %parallel_loop3A_1283 = arith.muli %parallel_loop3A_1087, %parallel_loop3A_1282 : i32
              %parallel_loop3A_1284 = arith.constant 2 : i32
              %parallel_loop3A_1285 = arith.addi %parallel_loop3A_1283, %parallel_loop3A_1284 : i32
              %parallel_loop3A_1286 = arith.constant 0 : i32
              %parallel_loop3A_1287 = arith.constant 0 : i32
              %parallel_loop3A_1288 = arith.constant 0 : i32
              %parallel_loop3A_1289 = tpu.memref_slice %run_scoped3A_18[%rem3A_594, %parallel_loop3A_1286, %parallel_loop3A_1287, %parallel_loop3A_1288] : memref<2x8x32x128xf32, #tpu.memory_space<vmem>> -> memref<1x8x32x128xf32, #tpu.memory_space<vmem>>
              %parallel_loop3A_1290 = tpu.memref_squeeze %parallel_loop3A_1289 : memref<1x8x32x128xf32, #tpu.memory_space<vmem>> -> memref<8x32x128xf32, #tpu.memory_space<vmem>>
              %parallel_loop3A_1291 = arith.index_cast %parallel_loop3A_1083 : i32 to index
              %parallel_loop3A_1292 = arith.index_cast %parallel_loop3A_1285 : i32 to index
              %parallel_loop3A_1293 = arith.constant 32 : index
              %parallel_loop3A_1294 = tpu.vector_load %parallel_loop3A_1290[%parallel_loop3A_1291, %parallel_loop3A_1292, %parallel_loop3A_1293] {strides = array<i32>} : memref<8x32x128xf32, #tpu.memory_space<vmem>>, vector<16xf32>,
              tpu.vector_store %parallel_loop3A_1290[%parallel_loop3A_1291, %parallel_loop3A_1292, %parallel_loop3A_1293], %parallel_loop3A_1281 {strides = array<i32>} : memref<8x32x128xf32, #tpu.memory_space<vmem>>, vector<16xf32>,
              %parallel_loop3A_1295 = arith.addi %parallel_loop3A_1249, %add3A_606 : vector<16xi32>
              %parallel_loop3A_1296 = tpu.vector_load_idx %arg5[%parallel_loop3A_1295] : memref<576xf32, #tpu.memory_space<vmem>>[vector<16xi32>], vector<16xf32>,
              %parallel_loop3A_1297 = arith.constant 4 : i32
              %parallel_loop3A_1298 = arith.muli %parallel_loop3A_1087, %parallel_loop3A_1297 : i32
              %parallel_loop3A_1299 = arith.constant 3 : i32
              %parallel_loop3A_1300 = arith.addi %parallel_loop3A_1298, %parallel_loop3A_1299 : i32
              %parallel_loop3A_1301 = arith.constant 0 : i32
              %parallel_loop3A_1302 = arith.constant 0 : i32
              %parallel_loop3A_1303 = arith.constant 0 : i32
              %parallel_loop3A_1304 = tpu.memref_slice %run_scoped3A_18[%rem3A_594, %parallel_loop3A_1301, %parallel_loop3A_1302, %parallel_loop3A_1303] : memref<2x8x32x128xf32, #tpu.memory_space<vmem>> -> memref<1x8x32x128xf32, #tpu.memory_space<vmem>>
              %parallel_loop3A_1305 = tpu.memref_squeeze %parallel_loop3A_1304 : memref<1x8x32x128xf32, #tpu.memory_space<vmem>> -> memref<8x32x128xf32, #tpu.memory_space<vmem>>
              %parallel_loop3A_1306 = arith.index_cast %parallel_loop3A_1083 : i32 to index
              %parallel_loop3A_1307 = arith.index_cast %parallel_loop3A_1300 : i32 to index
              %parallel_loop3A_1308 = arith.constant 32 : index
              %parallel_loop3A_1309 = tpu.vector_load %parallel_loop3A_1305[%parallel_loop3A_1306, %parallel_loop3A_1307, %parallel_loop3A_1308] {strides = array<i32>} : memref<8x32x128xf32, #tpu.memory_space<vmem>>, vector<16xf32>,
              tpu.vector_store %parallel_loop3A_1305[%parallel_loop3A_1306, %parallel_loop3A_1307, %parallel_loop3A_1308], %parallel_loop3A_1296 {strides = array<i32>} : memref<8x32x128xf32, #tpu.memory_space<vmem>>, vector<16xf32>,
              %parallel_loop3A_1310 = arith.constant 128 : i32
              %parallel_loop3A_1311 = arith.muli %parallel_loop3A_1087, %parallel_loop3A_1310 : i32
              %parallel_loop3A_1312 = arith.constant 48 : i32
              %parallel_loop3A_1313 = arith.addi %parallel_loop3A_1311, %parallel_loop3A_1312 : i32
              %parallel_loop3A_1314 = arith.constant 0 : i32
              %parallel_loop3A_1315 = arith.constant 0 : i32
              %parallel_loop3A_1316 = tpu.memref_slice %run_scoped3A[%rem3A_592, %parallel_loop3A_1314, %parallel_loop3A_1315] : memref<2x8x1024xi32, #tpu.memory_space<vmem>> -> memref<1x8x1024xi32, #tpu.memory_space<vmem>>
              %parallel_loop3A_1317 = tpu.memref_squeeze %parallel_loop3A_1316 : memref<1x8x1024xi32, #tpu.memory_space<vmem>> -> memref<8x1024xi32, #tpu.memory_space<vmem>>
              %parallel_loop3A_1318 = arith.index_cast %parallel_loop3A_1083 : i32 to index
              %parallel_loop3A_1319 = arith.index_cast %parallel_loop3A_1313 : i32 to index
              %parallel_loop3A_1320 = tpu.vector_load %parallel_loop3A_1317[%parallel_loop3A_1318, %parallel_loop3A_1319] {strides = array<i32>} : memref<8x1024xi32, #tpu.memory_space<vmem>>, vector<16xi32>,
              %parallel_loop3A_1321 = arith.constant 64 : i32
              %parallel_loop3A_1322 = vector.broadcast %parallel_loop3A_1321 : i32 to vector<16xi32>
              %parallel_loop3A_1323 = arith.muli %parallel_loop3A_1320, %parallel_loop3A_1322 : vector<16xi32>
              %parallel_loop3A_1324 = arith.addi %parallel_loop3A_1323, %add3A_597 : vector<16xi32>
              %parallel_loop3A_1325 = tpu.vector_load_idx %arg5[%parallel_loop3A_1324] : memref<576xf32, #tpu.memory_space<vmem>>[vector<16xi32>], vector<16xf32>,
              %parallel_loop3A_1326 = arith.constant 4 : i32
              %parallel_loop3A_1327 = arith.muli %parallel_loop3A_1087, %parallel_loop3A_1326 : i32
              %parallel_loop3A_1328 = arith.constant 0 : i32
              %parallel_loop3A_1329 = arith.addi %parallel_loop3A_1327, %parallel_loop3A_1328 : i32
              %parallel_loop3A_1330 = arith.constant 0 : i32
              %parallel_loop3A_1331 = arith.constant 0 : i32
              %parallel_loop3A_1332 = arith.constant 0 : i32
              %parallel_loop3A_1333 = tpu.memref_slice %run_scoped3A_18[%rem3A_594, %parallel_loop3A_1330, %parallel_loop3A_1331, %parallel_loop3A_1332] : memref<2x8x32x128xf32, #tpu.memory_space<vmem>> -> memref<1x8x32x128xf32, #tpu.memory_space<vmem>>
              %parallel_loop3A_1334 = tpu.memref_squeeze %parallel_loop3A_1333 : memref<1x8x32x128xf32, #tpu.memory_space<vmem>> -> memref<8x32x128xf32, #tpu.memory_space<vmem>>
              %parallel_loop3A_1335 = arith.index_cast %parallel_loop3A_1083 : i32 to index
              %parallel_loop3A_1336 = arith.index_cast %parallel_loop3A_1329 : i32 to index
              %parallel_loop3A_1337 = arith.constant 48 : index
              %parallel_loop3A_1338 = tpu.vector_load %parallel_loop3A_1334[%parallel_loop3A_1335, %parallel_loop3A_1336, %parallel_loop3A_1337] {strides = array<i32>} : memref<8x32x128xf32, #tpu.memory_space<vmem>>, vector<16xf32>,
              tpu.vector_store %parallel_loop3A_1334[%parallel_loop3A_1335, %parallel_loop3A_1336, %parallel_loop3A_1337], %parallel_loop3A_1325 {strides = array<i32>} : memref<8x32x128xf32, #tpu.memory_space<vmem>>, vector<16xf32>,
              %parallel_loop3A_1339 = arith.addi %parallel_loop3A_1323, %add3A_600 : vector<16xi32>
              %parallel_loop3A_1340 = tpu.vector_load_idx %arg5[%parallel_loop3A_1339] : memref<576xf32, #tpu.memory_space<vmem>>[vector<16xi32>], vector<16xf32>,
              %parallel_loop3A_1341 = arith.constant 4 : i32
              %parallel_loop3A_1342 = arith.muli %parallel_loop3A_1087, %parallel_loop3A_1341 : i32
              %parallel_loop3A_1343 = arith.constant 1 : i32
              %parallel_loop3A_1344 = arith.addi %parallel_loop3A_1342, %parallel_loop3A_1343 : i32
              %parallel_loop3A_1345 = arith.constant 0 : i32
              %parallel_loop3A_1346 = arith.constant 0 : i32
              %parallel_loop3A_1347 = arith.constant 0 : i32
              %parallel_loop3A_1348 = tpu.memref_slice %run_scoped3A_18[%rem3A_594, %parallel_loop3A_1345, %parallel_loop3A_1346, %parallel_loop3A_1347] : memref<2x8x32x128xf32, #tpu.memory_space<vmem>> -> memref<1x8x32x128xf32, #tpu.memory_space<vmem>>
              %parallel_loop3A_1349 = tpu.memref_squeeze %parallel_loop3A_1348 : memref<1x8x32x128xf32, #tpu.memory_space<vmem>> -> memref<8x32x128xf32, #tpu.memory_space<vmem>>
              %parallel_loop3A_1350 = arith.index_cast %parallel_loop3A_1083 : i32 to index
              %parallel_loop3A_1351 = arith.index_cast %parallel_loop3A_1344 : i32 to index
              %parallel_loop3A_1352 = arith.constant 48 : index
              %parallel_loop3A_1353 = tpu.vector_load %parallel_loop3A_1349[%parallel_loop3A_1350, %parallel_loop3A_1351, %parallel_loop3A_1352] {strides = array<i32>} : memref<8x32x128xf32, #tpu.memory_space<vmem>>, vector<16xf32>,
              tpu.vector_store %parallel_loop3A_1349[%parallel_loop3A_1350, %parallel_loop3A_1351, %parallel_loop3A_1352], %parallel_loop3A_1340 {strides = array<i32>} : memref<8x32x128xf32, #tpu.memory_space<vmem>>, vector<16xf32>,
              %parallel_loop3A_1354 = arith.addi %parallel_loop3A_1323, %add3A_603 : vector<16xi32>
              %parallel_loop3A_1355 = tpu.vector_load_idx %arg5[%parallel_loop3A_1354] : memref<576xf32, #tpu.memory_space<vmem>>[vector<16xi32>], vector<16xf32>,
              %parallel_loop3A_1356 = arith.constant 4 : i32
              %parallel_loop3A_1357 = arith.muli %parallel_loop3A_1087, %parallel_loop3A_1356 : i32
              %parallel_loop3A_1358 = arith.constant 2 : i32
              %parallel_loop3A_1359 = arith.addi %parallel_loop3A_1357, %parallel_loop3A_1358 : i32
              %parallel_loop3A_1360 = arith.constant 0 : i32
              %parallel_loop3A_1361 = arith.constant 0 : i32
              %parallel_loop3A_1362 = arith.constant 0 : i32
              %parallel_loop3A_1363 = tpu.memref_slice %run_scoped3A_18[%rem3A_594, %parallel_loop3A_1360, %parallel_loop3A_1361, %parallel_loop3A_1362] : memref<2x8x32x128xf32, #tpu.memory_space<vmem>> -> memref<1x8x32x128xf32, #tpu.memory_space<vmem>>
              %parallel_loop3A_1364 = tpu.memref_squeeze %parallel_loop3A_1363 : memref<1x8x32x128xf32, #tpu.memory_space<vmem>> -> memref<8x32x128xf32, #tpu.memory_space<vmem>>
              %parallel_loop3A_1365 = arith.index_cast %parallel_loop3A_1083 : i32 to index
              %parallel_loop3A_1366 = arith.index_cast %parallel_loop3A_1359 : i32 to index
              %parallel_loop3A_1367 = arith.constant 48 : index
              %parallel_loop3A_1368 = tpu.vector_load %parallel_loop3A_1364[%parallel_loop3A_1365, %parallel_loop3A_1366, %parallel_loop3A_1367] {strides = array<i32>} : memref<8x32x128xf32, #tpu.memory_space<vmem>>, vector<16xf32>,
              tpu.vector_store %parallel_loop3A_1364[%parallel_loop3A_1365, %parallel_loop3A_1366, %parallel_loop3A_1367], %parallel_loop3A_1355 {strides = array<i32>} : memref<8x32x128xf32, #tpu.memory_space<vmem>>, vector<16xf32>,
              %parallel_loop3A_1369 = arith.addi %parallel_loop3A_1323, %add3A_606 : vector<16xi32>
              %parallel_loop3A_1370 = tpu.vector_load_idx %arg5[%parallel_loop3A_1369] : memref<576xf32, #tpu.memory_space<vmem>>[vector<16xi32>], vector<16xf32>,
              %parallel_loop3A_1371 = arith.constant 4 : i32
              %parallel_loop3A_1372 = arith.muli %parallel_loop3A_1087, %parallel_loop3A_1371 : i32
              %parallel_loop3A_1373 = arith.constant 3 : i32
              %parallel_loop3A_1374 = arith.addi %parallel_loop3A_1372, %parallel_loop3A_1373 : i32
              %parallel_loop3A_1375 = arith.constant 0 : i32
              %parallel_loop3A_1376 = arith.constant 0 : i32
              %parallel_loop3A_1377 = arith.constant 0 : i32
              %parallel_loop3A_1378 = tpu.memref_slice %run_scoped3A_18[%rem3A_594, %parallel_loop3A_1375, %parallel_loop3A_1376, %parallel_loop3A_1377] : memref<2x8x32x128xf32, #tpu.memory_space<vmem>> -> memref<1x8x32x128xf32, #tpu.memory_space<vmem>>
              %parallel_loop3A_1379 = tpu.memref_squeeze %parallel_loop3A_1378 : memref<1x8x32x128xf32, #tpu.memory_space<vmem>> -> memref<8x32x128xf32, #tpu.memory_space<vmem>>
              %parallel_loop3A_1380 = arith.index_cast %parallel_loop3A_1083 : i32 to index
              %parallel_loop3A_1381 = arith.index_cast %parallel_loop3A_1374 : i32 to index
              %parallel_loop3A_1382 = arith.constant 48 : index
              %parallel_loop3A_1383 = tpu.vector_load %parallel_loop3A_1379[%parallel_loop3A_1380, %parallel_loop3A_1381, %parallel_loop3A_1382] {strides = array<i32>} : memref<8x32x128xf32, #tpu.memory_space<vmem>>, vector<16xf32>,
              tpu.vector_store %parallel_loop3A_1379[%parallel_loop3A_1380, %parallel_loop3A_1381, %parallel_loop3A_1382], %parallel_loop3A_1370 {strides = array<i32>} : memref<8x32x128xf32, #tpu.memory_space<vmem>>, vector<16xf32>,
              %parallel_loop3A_1384 = arith.constant 128 : i32
              %parallel_loop3A_1385 = arith.muli %parallel_loop3A_1087, %parallel_loop3A_1384 : i32
              %parallel_loop3A_1386 = arith.constant 64 : i32
              %parallel_loop3A_1387 = arith.addi %parallel_loop3A_1385, %parallel_loop3A_1386 : i32
              %parallel_loop3A_1388 = arith.constant 0 : i32
              %parallel_loop3A_1389 = arith.constant 0 : i32
              %parallel_loop3A_1390 = tpu.memref_slice %run_scoped3A[%rem3A_592, %parallel_loop3A_1388, %parallel_loop3A_1389] : memref<2x8x1024xi32, #tpu.memory_space<vmem>> -> memref<1x8x1024xi32, #tpu.memory_space<vmem>>
              %parallel_loop3A_1391 = tpu.memref_squeeze %parallel_loop3A_1390 : memref<1x8x1024xi32, #tpu.memory_space<vmem>> -> memref<8x1024xi32, #tpu.memory_space<vmem>>
              %parallel_loop3A_1392 = arith.index_cast %parallel_loop3A_1083 : i32 to index
              %parallel_loop3A_1393 = arith.index_cast %parallel_loop3A_1387 : i32 to index
              %parallel_loop3A_1394 = tpu.vector_load %parallel_loop3A_1391[%parallel_loop3A_1392, %parallel_loop3A_1393] {strides = array<i32>} : memref<8x1024xi32, #tpu.memory_space<vmem>>, vector<16xi32>,
              %parallel_loop3A_1395 = arith.constant 64 : i32
              %parallel_loop3A_1396 = vector.broadcast %parallel_loop3A_1395 : i32 to vector<16xi32>
              %parallel_loop3A_1397 = arith.muli %parallel_loop3A_1394, %parallel_loop3A_1396 : vector<16xi32>
              %parallel_loop3A_1398 = arith.addi %parallel_loop3A_1397, %add3A_597 : vector<16xi32>
              %parallel_loop3A_1399 = tpu.vector_load_idx %arg5[%parallel_loop3A_1398] : memref<576xf32, #tpu.memory_space<vmem>>[vector<16xi32>], vector<16xf32>,
              %parallel_loop3A_1400 = arith.constant 4 : i32
              %parallel_loop3A_1401 = arith.muli %parallel_loop3A_1087, %parallel_loop3A_1400 : i32
              %parallel_loop3A_1402 = arith.constant 0 : i32
              %parallel_loop3A_1403 = arith.addi %parallel_loop3A_1401, %parallel_loop3A_1402 : i32
              %parallel_loop3A_1404 = arith.constant 0 : i32
              %parallel_loop3A_1405 = arith.constant 0 : i32
              %parallel_loop3A_1406 = arith.constant 0 : i32
              %parallel_loop3A_1407 = tpu.memref_slice %run_scoped3A_18[%rem3A_594, %parallel_loop3A_1404, %parallel_loop3A_1405, %parallel_loop3A_1406] : memref<2x8x32x128xf32, #tpu.memory_space<vmem>> -> memref<1x8x32x128xf32, #tpu.memory_space<vmem>>
              %parallel_loop3A_1408 = tpu.memref_squeeze %parallel_loop3A_1407 : memref<1x8x32x128xf32, #tpu.memory_space<vmem>> -> memref<8x32x128xf32, #tpu.memory_space<vmem>>
              %parallel_loop3A_1409 = arith.index_cast %parallel_loop3A_1083 : i32 to index
              %parallel_loop3A_1410 = arith.index_cast %parallel_loop3A_1403 : i32 to index
              %parallel_loop3A_1411 = arith.constant 64 : index
              %parallel_loop3A_1412 = tpu.vector_load %parallel_loop3A_1408[%parallel_loop3A_1409, %parallel_loop3A_1410, %parallel_loop3A_1411] {strides = array<i32>} : memref<8x32x128xf32, #tpu.memory_space<vmem>>, vector<16xf32>,
              tpu.vector_store %parallel_loop3A_1408[%parallel_loop3A_1409, %parallel_loop3A_1410, %parallel_loop3A_1411], %parallel_loop3A_1399 {strides = array<i32>} : memref<8x32x128xf32, #tpu.memory_space<vmem>>, vector<16xf32>,
              %parallel_loop3A_1413 = arith.addi %parallel_loop3A_1397, %add3A_600 : vector<16xi32>
              %parallel_loop3A_1414 = tpu.vector_load_idx %arg5[%parallel_loop3A_1413] : memref<576xf32, #tpu.memory_space<vmem>>[vector<16xi32>], vector<16xf32>,
              %parallel_loop3A_1415 = arith.constant 4 : i32
              %parallel_loop3A_1416 = arith.muli %parallel_loop3A_1087, %parallel_loop3A_1415 : i32
              %parallel_loop3A_1417 = arith.constant 1 : i32
              %parallel_loop3A_1418 = arith.addi %parallel_loop3A_1416, %parallel_loop3A_1417 : i32
              %parallel_loop3A_1419 = arith.constant 0 : i32
              %parallel_loop3A_1420 = arith.constant 0 : i32
              %parallel_loop3A_1421 = arith.constant 0 : i32
              %parallel_loop3A_1422 = tpu.memref_slice %run_scoped3A_18[%rem3A_594, %parallel_loop3A_1419, %parallel_loop3A_1420, %parallel_loop3A_1421] : memref<2x8x32x128xf32, #tpu.memory_space<vmem>> -> memref<1x8x32x128xf32, #tpu.memory_space<vmem>>
              %parallel_loop3A_1423 = tpu.memref_squeeze %parallel_loop3A_1422 : memref<1x8x32x128xf32, #tpu.memory_space<vmem>> -> memref<8x32x128xf32, #tpu.memory_space<vmem>>
              %parallel_loop3A_1424 = arith.index_cast %parallel_loop3A_1083 : i32 to index
              %parallel_loop3A_1425 = arith.index_cast %parallel_loop3A_1418 : i32 to index
              %parallel_loop3A_1426 = arith.constant 64 : index
              %parallel_loop3A_1427 = tpu.vector_load %parallel_loop3A_1423[%parallel_loop3A_1424, %parallel_loop3A_1425, %parallel_loop3A_1426] {strides = array<i32>} : memref<8x32x128xf32, #tpu.memory_space<vmem>>, vector<16xf32>,
              tpu.vector_store %parallel_loop3A_1423[%parallel_loop3A_1424, %parallel_loop3A_1425, %parallel_loop3A_1426], %parallel_loop3A_1414 {strides = array<i32>} : memref<8x32x128xf32, #tpu.memory_space<vmem>>, vector<16xf32>,
              %parallel_loop3A_1428 = arith.addi %parallel_loop3A_1397, %add3A_603 : vector<16xi32>
              %parallel_loop3A_1429 = tpu.vector_load_idx %arg5[%parallel_loop3A_1428] : memref<576xf32, #tpu.memory_space<vmem>>[vector<16xi32>], vector<16xf32>,
              %parallel_loop3A_1430 = arith.constant 4 : i32
              %parallel_loop3A_1431 = arith.muli %parallel_loop3A_1087, %parallel_loop3A_1430 : i32
              %parallel_loop3A_1432 = arith.constant 2 : i32
              %parallel_loop3A_1433 = arith.addi %parallel_loop3A_1431, %parallel_loop3A_1432 : i32
              %parallel_loop3A_1434 = arith.constant 0 : i32
              %parallel_loop3A_1435 = arith.constant 0 : i32
              %parallel_loop3A_1436 = arith.constant 0 : i32
              %parallel_loop3A_1437 = tpu.memref_slice %run_scoped3A_18[%rem3A_594, %parallel_loop3A_1434, %parallel_loop3A_1435, %parallel_loop3A_1436] : memref<2x8x32x128xf32, #tpu.memory_space<vmem>> -> memref<1x8x32x128xf32, #tpu.memory_space<vmem>>
              %parallel_loop3A_1438 = tpu.memref_squeeze %parallel_loop3A_1437 : memref<1x8x32x128xf32, #tpu.memory_space<vmem>> -> memref<8x32x128xf32, #tpu.memory_space<vmem>>
              %parallel_loop3A_1439 = arith.index_cast %parallel_loop3A_1083 : i32 to index
              %parallel_loop3A_1440 = arith.index_cast %parallel_loop3A_1433 : i32 to index
              %parallel_loop3A_1441 = arith.constant 64 : index
              %parallel_loop3A_1442 = tpu.vector_load %parallel_loop3A_1438[%parallel_loop3A_1439, %parallel_loop3A_1440, %parallel_loop3A_1441] {strides = array<i32>} : memref<8x32x128xf32, #tpu.memory_space<vmem>>, vector<16xf32>,
              tpu.vector_store %parallel_loop3A_1438[%parallel_loop3A_1439, %parallel_loop3A_1440, %parallel_loop3A_1441], %parallel_loop3A_1429 {strides = array<i32>} : memref<8x32x128xf32, #tpu.memory_space<vmem>>, vector<16xf32>,
              %parallel_loop3A_1443 = arith.addi %parallel_loop3A_1397, %add3A_606 : vector<16xi32>
              %parallel_loop3A_1444 = tpu.vector_load_idx %arg5[%parallel_loop3A_1443] : memref<576xf32, #tpu.memory_space<vmem>>[vector<16xi32>], vector<16xf32>,
              %parallel_loop3A_1445 = arith.constant 4 : i32
              %parallel_loop3A_1446 = arith.muli %parallel_loop3A_1087, %parallel_loop3A_1445 : i32
              %parallel_loop3A_1447 = arith.constant 3 : i32
              %parallel_loop3A_1448 = arith.addi %parallel_loop3A_1446, %parallel_loop3A_1447 : i32
              %parallel_loop3A_1449 = arith.constant 0 : i32
              %parallel_loop3A_1450 = arith.constant 0 : i32
              %parallel_loop3A_1451 = arith.constant 0 : i32
              %parallel_loop3A_1452 = tpu.memref_slice %run_scoped3A_18[%rem3A_594, %parallel_loop3A_1449, %parallel_loop3A_1450, %parallel_loop3A_1451] : memref<2x8x32x128xf32, #tpu.memory_space<vmem>> -> memref<1x8x32x128xf32, #tpu.memory_space<vmem>>
              %parallel_loop3A_1453 = tpu.memref_squeeze %parallel_loop3A_1452 : memref<1x8x32x128xf32, #tpu.memory_space<vmem>> -> memref<8x32x128xf32, #tpu.memory_space<vmem>>
              %parallel_loop3A_1454 = arith.index_cast %parallel_loop3A_1083 : i32 to index
              %parallel_loop3A_1455 = arith.index_cast %parallel_loop3A_1448 : i32 to index
              %parallel_loop3A_1456 = arith.constant 64 : index
              %parallel_loop3A_1457 = tpu.vector_load %parallel_loop3A_1453[%parallel_loop3A_1454, %parallel_loop3A_1455, %parallel_loop3A_1456] {strides = array<i32>} : memref<8x32x128xf32, #tpu.memory_space<vmem>>, vector<16xf32>,
              tpu.vector_store %parallel_loop3A_1453[%parallel_loop3A_1454, %parallel_loop3A_1455, %parallel_loop3A_1456], %parallel_loop3A_1444 {strides = array<i32>} : memref<8x32x128xf32, #tpu.memory_space<vmem>>, vector<16xf32>,
              %parallel_loop3A_1458 = arith.constant 128 : i32
              %parallel_loop3A_1459 = arith.muli %parallel_loop3A_1087, %parallel_loop3A_1458 : i32
              %parallel_loop3A_1460 = arith.constant 80 : i32
              %parallel_loop3A_1461 = arith.addi %parallel_loop3A_1459, %parallel_loop3A_1460 : i32
              %parallel_loop3A_1462 = arith.constant 0 : i32
              %parallel_loop3A_1463 = arith.constant 0 : i32
              %parallel_loop3A_1464 = tpu.memref_slice %run_scoped3A[%rem3A_592, %parallel_loop3A_1462, %parallel_loop3A_1463] : memref<2x8x1024xi32, #tpu.memory_space<vmem>> -> memref<1x8x1024xi32, #tpu.memory_space<vmem>>
              %parallel_loop3A_1465 = tpu.memref_squeeze %parallel_loop3A_1464 : memref<1x8x1024xi32, #tpu.memory_space<vmem>> -> memref<8x1024xi32, #tpu.memory_space<vmem>>
              %parallel_loop3A_1466 = arith.index_cast %parallel_loop3A_1083 : i32 to index
              %parallel_loop3A_1467 = arith.index_cast %parallel_loop3A_1461 : i32 to index
              %parallel_loop3A_1468 = tpu.vector_load %parallel_loop3A_1465[%parallel_loop3A_1466, %parallel_loop3A_1467] {strides = array<i32>} : memref<8x1024xi32, #tpu.memory_space<vmem>>, vector<16xi32>,
              %parallel_loop3A_1469 = arith.constant 64 : i32
              %parallel_loop3A_1470 = vector.broadcast %parallel_loop3A_1469 : i32 to vector<16xi32>
              %parallel_loop3A_1471 = arith.muli %parallel_loop3A_1468, %parallel_loop3A_1470 : vector<16xi32>
              %parallel_loop3A_1472 = arith.addi %parallel_loop3A_1471, %add3A_597 : vector<16xi32>
              %parallel_loop3A_1473 = tpu.vector_load_idx %arg5[%parallel_loop3A_1472] : memref<576xf32, #tpu.memory_space<vmem>>[vector<16xi32>], vector<16xf32>,
              %parallel_loop3A_1474 = arith.constant 4 : i32
              %parallel_loop3A_1475 = arith.muli %parallel_loop3A_1087, %parallel_loop3A_1474 : i32
              %parallel_loop3A_1476 = arith.constant 0 : i32
              %parallel_loop3A_1477 = arith.addi %parallel_loop3A_1475, %parallel_loop3A_1476 : i32
              %parallel_loop3A_1478 = arith.constant 0 : i32
              %parallel_loop3A_1479 = arith.constant 0 : i32
              %parallel_loop3A_1480 = arith.constant 0 : i32
              %parallel_loop3A_1481 = tpu.memref_slice %run_scoped3A_18[%rem3A_594, %parallel_loop3A_1478, %parallel_loop3A_1479, %parallel_loop3A_1480] : memref<2x8x32x128xf32, #tpu.memory_space<vmem>> -> memref<1x8x32x128xf32, #tpu.memory_space<vmem>>
              %parallel_loop3A_1482 = tpu.memref_squeeze %parallel_loop3A_1481 : memref<1x8x32x128xf32, #tpu.memory_space<vmem>> -> memref<8x32x128xf32, #tpu.memory_space<vmem>>
              %parallel_loop3A_1483 = arith.index_cast %parallel_loop3A_1083 : i32 to index
              %parallel_loop3A_1484 = arith.index_cast %parallel_loop3A_1477 : i32 to index
              %parallel_loop3A_1485 = arith.constant 80 : index
              %parallel_loop3A_1486 = tpu.vector_load %parallel_loop3A_1482[%parallel_loop3A_1483, %parallel_loop3A_1484, %parallel_loop3A_1485] {strides = array<i32>} : memref<8x32x128xf32, #tpu.memory_space<vmem>>, vector<16xf32>,
              tpu.vector_store %parallel_loop3A_1482[%parallel_loop3A_1483, %parallel_loop3A_1484, %parallel_loop3A_1485], %parallel_loop3A_1473 {strides = array<i32>} : memref<8x32x128xf32, #tpu.memory_space<vmem>>, vector<16xf32>,
              %parallel_loop3A_1487 = arith.addi %parallel_loop3A_1471, %add3A_600 : vector<16xi32>
              %parallel_loop3A_1488 = tpu.vector_load_idx %arg5[%parallel_loop3A_1487] : memref<576xf32, #tpu.memory_space<vmem>>[vector<16xi32>], vector<16xf32>,
              %parallel_loop3A_1489 = arith.constant 4 : i32
              %parallel_loop3A_1490 = arith.muli %parallel_loop3A_1087, %parallel_loop3A_1489 : i32
              %parallel_loop3A_1491 = arith.constant 1 : i32
              %parallel_loop3A_1492 = arith.addi %parallel_loop3A_1490, %parallel_loop3A_1491 : i32
              %parallel_loop3A_1493 = arith.constant 0 : i32
              %parallel_loop3A_1494 = arith.constant 0 : i32
              %parallel_loop3A_1495 = arith.constant 0 : i32
              %parallel_loop3A_1496 = tpu.memref_slice %run_scoped3A_18[%rem3A_594, %parallel_loop3A_1493, %parallel_loop3A_1494, %parallel_loop3A_1495] : memref<2x8x32x128xf32, #tpu.memory_space<vmem>> -> memref<1x8x32x128xf32, #tpu.memory_space<vmem>>
              %parallel_loop3A_1497 = tpu.memref_squeeze %parallel_loop3A_1496 : memref<1x8x32x128xf32, #tpu.memory_space<vmem>> -> memref<8x32x128xf32, #tpu.memory_space<vmem>>
              %parallel_loop3A_1498 = arith.index_cast %parallel_loop3A_1083 : i32 to index
              %parallel_loop3A_1499 = arith.index_cast %parallel_loop3A_1492 : i32 to index
              %parallel_loop3A_1500 = arith.constant 80 : index
              %parallel_loop3A_1501 = tpu.vector_load %parallel_loop3A_1497[%parallel_loop3A_1498, %parallel_loop3A_1499, %parallel_loop3A_1500] {strides = array<i32>} : memref<8x32x128xf32, #tpu.memory_space<vmem>>, vector<16xf32>,
              tpu.vector_store %parallel_loop3A_1497[%parallel_loop3A_1498, %parallel_loop3A_1499, %parallel_loop3A_1500], %parallel_loop3A_1488 {strides = array<i32>} : memref<8x32x128xf32, #tpu.memory_space<vmem>>, vector<16xf32>,
              %parallel_loop3A_1502 = arith.addi %parallel_loop3A_1471, %add3A_603 : vector<16xi32>
              %parallel_loop3A_1503 = tpu.vector_load_idx %arg5[%parallel_loop3A_1502] : memref<576xf32, #tpu.memory_space<vmem>>[vector<16xi32>], vector<16xf32>,
              %parallel_loop3A_1504 = arith.constant 4 : i32
              %parallel_loop3A_1505 = arith.muli %parallel_loop3A_1087, %parallel_loop3A_1504 : i32
              %parallel_loop3A_1506 = arith.constant 2 : i32
              %parallel_loop3A_1507 = arith.addi %parallel_loop3A_1505, %parallel_loop3A_1506 : i32
              %parallel_loop3A_1508 = arith.constant 0 : i32
              %parallel_loop3A_1509 = arith.constant 0 : i32
              %parallel_loop3A_1510 = arith.constant 0 : i32
              %parallel_loop3A_1511 = tpu.memref_slice %run_scoped3A_18[%rem3A_594, %parallel_loop3A_1508, %parallel_loop3A_1509, %parallel_loop3A_1510] : memref<2x8x32x128xf32, #tpu.memory_space<vmem>> -> memref<1x8x32x128xf32, #tpu.memory_space<vmem>>
              %parallel_loop3A_1512 = tpu.memref_squeeze %parallel_loop3A_1511 : memref<1x8x32x128xf32, #tpu.memory_space<vmem>> -> memref<8x32x128xf32, #tpu.memory_space<vmem>>
              %parallel_loop3A_1513 = arith.index_cast %parallel_loop3A_1083 : i32 to index
              %parallel_loop3A_1514 = arith.index_cast %parallel_loop3A_1507 : i32 to index
              %parallel_loop3A_1515 = arith.constant 80 : index
              %parallel_loop3A_1516 = tpu.vector_load %parallel_loop3A_1512[%parallel_loop3A_1513, %parallel_loop3A_1514, %parallel_loop3A_1515] {strides = array<i32>} : memref<8x32x128xf32, #tpu.memory_space<vmem>>, vector<16xf32>,
              tpu.vector_store %parallel_loop3A_1512[%parallel_loop3A_1513, %parallel_loop3A_1514, %parallel_loop3A_1515], %parallel_loop3A_1503 {strides = array<i32>} : memref<8x32x128xf32, #tpu.memory_space<vmem>>, vector<16xf32>,
              %parallel_loop3A_1517 = arith.addi %parallel_loop3A_1471, %add3A_606 : vector<16xi32>
              %parallel_loop3A_1518 = tpu.vector_load_idx %arg5[%parallel_loop3A_1517] : memref<576xf32, #tpu.memory_space<vmem>>[vector<16xi32>], vector<16xf32>,
              %parallel_loop3A_1519 = arith.constant 4 : i32
              %parallel_loop3A_1520 = arith.muli %parallel_loop3A_1087, %parallel_loop3A_1519 : i32
              %parallel_loop3A_1521 = arith.constant 3 : i32
              %parallel_loop3A_1522 = arith.addi %parallel_loop3A_1520, %parallel_loop3A_1521 : i32
              %parallel_loop3A_1523 = arith.constant 0 : i32
              %parallel_loop3A_1524 = arith.constant 0 : i32
              %parallel_loop3A_1525 = arith.constant 0 : i32
              %parallel_loop3A_1526 = tpu.memref_slice %run_scoped3A_18[%rem3A_594, %parallel_loop3A_1523, %parallel_loop3A_1524, %parallel_loop3A_1525] : memref<2x8x32x128xf32, #tpu.memory_space<vmem>> -> memref<1x8x32x128xf32, #tpu.memory_space<vmem>>
              %parallel_loop3A_1527 = tpu.memref_squeeze %parallel_loop3A_1526 : memref<1x8x32x128xf32, #tpu.memory_space<vmem>> -> memref<8x32x128xf32, #tpu.memory_space<vmem>>
              %parallel_loop3A_1528 = arith.index_cast %parallel_loop3A_1083 : i32 to index
              %parallel_loop3A_1529 = arith.index_cast %parallel_loop3A_1522 : i32 to index
              %parallel_loop3A_1530 = arith.constant 80 : index
              %parallel_loop3A_1531 = tpu.vector_load %parallel_loop3A_1527[%parallel_loop3A_1528, %parallel_loop3A_1529, %parallel_loop3A_1530] {strides = array<i32>} : memref<8x32x128xf32, #tpu.memory_space<vmem>>, vector<16xf32>,
              tpu.vector_store %parallel_loop3A_1527[%parallel_loop3A_1528, %parallel_loop3A_1529, %parallel_loop3A_1530], %parallel_loop3A_1518 {strides = array<i32>} : memref<8x32x128xf32, #tpu.memory_space<vmem>>, vector<16xf32>,
              %parallel_loop3A_1532 = arith.constant 128 : i32
              %parallel_loop3A_1533 = arith.muli %parallel_loop3A_1087, %parallel_loop3A_1532 : i32
              %parallel_loop3A_1534 = arith.constant 96 : i32
              %parallel_loop3A_1535 = arith.addi %parallel_loop3A_1533, %parallel_loop3A_1534 : i32
              %parallel_loop3A_1536 = arith.constant 0 : i32
              %parallel_loop3A_1537 = arith.constant 0 : i32
              %parallel_loop3A_1538 = tpu.memref_slice %run_scoped3A[%rem3A_592, %parallel_loop3A_1536, %parallel_loop3A_1537] : memref<2x8x1024xi32, #tpu.memory_space<vmem>> -> memref<1x8x1024xi32, #tpu.memory_space<vmem>>
              %parallel_loop3A_1539 = tpu.memref_squeeze %parallel_loop3A_1538 : memref<1x8x1024xi32, #tpu.memory_space<vmem>> -> memref<8x1024xi32, #tpu.memory_space<vmem>>
              %parallel_loop3A_1540 = arith.index_cast %parallel_loop3A_1083 : i32 to index
              %parallel_loop3A_1541 = arith.index_cast %parallel_loop3A_1535 : i32 to index
              %parallel_loop3A_1542 = tpu.vector_load %parallel_loop3A_1539[%parallel_loop3A_1540, %parallel_loop3A_1541] {strides = array<i32>} : memref<8x1024xi32, #tpu.memory_space<vmem>>, vector<16xi32>,
              %parallel_loop3A_1543 = arith.constant 64 : i32
              %parallel_loop3A_1544 = vector.broadcast %parallel_loop3A_1543 : i32 to vector<16xi32>
              %parallel_loop3A_1545 = arith.muli %parallel_loop3A_1542, %parallel_loop3A_1544 : vector<16xi32>
              %parallel_loop3A_1546 = arith.addi %parallel_loop3A_1545, %add3A_597 : vector<16xi32>
              %parallel_loop3A_1547 = tpu.vector_load_idx %arg5[%parallel_loop3A_1546] : memref<576xf32, #tpu.memory_space<vmem>>[vector<16xi32>], vector<16xf32>,
              %parallel_loop3A_1548 = arith.constant 4 : i32
              %parallel_loop3A_1549 = arith.muli %parallel_loop3A_1087, %parallel_loop3A_1548 : i32
              %parallel_loop3A_1550 = arith.constant 0 : i32
              %parallel_loop3A_1551 = arith.addi %parallel_loop3A_1549, %parallel_loop3A_1550 : i32
              %parallel_loop3A_1552 = arith.constant 0 : i32
              %parallel_loop3A_1553 = arith.constant 0 : i32
              %parallel_loop3A_1554 = arith.constant 0 : i32
              %parallel_loop3A_1555 = tpu.memref_slice %run_scoped3A_18[%rem3A_594, %parallel_loop3A_1552, %parallel_loop3A_1553, %parallel_loop3A_1554] : memref<2x8x32x128xf32, #tpu.memory_space<vmem>> -> memref<1x8x32x128xf32, #tpu.memory_space<vmem>>
              %parallel_loop3A_1556 = tpu.memref_squeeze %parallel_loop3A_1555 : memref<1x8x32x128xf32, #tpu.memory_space<vmem>> -> memref<8x32x128xf32, #tpu.memory_space<vmem>>
              %parallel_loop3A_1557 = arith.index_cast %parallel_loop3A_1083 : i32 to index
              %parallel_loop3A_1558 = arith.index_cast %parallel_loop3A_1551 : i32 to index
              %parallel_loop3A_1559 = arith.constant 96 : index
              %parallel_loop3A_1560 = tpu.vector_load %parallel_loop3A_1556[%parallel_loop3A_1557, %parallel_loop3A_1558, %parallel_loop3A_1559] {strides = array<i32>} : memref<8x32x128xf32, #tpu.memory_space<vmem>>, vector<16xf32>,
              tpu.vector_store %parallel_loop3A_1556[%parallel_loop3A_1557, %parallel_loop3A_1558, %parallel_loop3A_1559], %parallel_loop3A_1547 {strides = array<i32>} : memref<8x32x128xf32, #tpu.memory_space<vmem>>, vector<16xf32>,
              %parallel_loop3A_1561 = arith.addi %parallel_loop3A_1545, %add3A_600 : vector<16xi32>
              %parallel_loop3A_1562 = tpu.vector_load_idx %arg5[%parallel_loop3A_1561] : memref<576xf32, #tpu.memory_space<vmem>>[vector<16xi32>], vector<16xf32>,
              %parallel_loop3A_1563 = arith.constant 4 : i32
              %parallel_loop3A_1564 = arith.muli %parallel_loop3A_1087, %parallel_loop3A_1563 : i32
              %parallel_loop3A_1565 = arith.constant 1 : i32
              %parallel_loop3A_1566 = arith.addi %parallel_loop3A_1564, %parallel_loop3A_1565 : i32
              %parallel_loop3A_1567 = arith.constant 0 : i32
              %parallel_loop3A_1568 = arith.constant 0 : i32
              %parallel_loop3A_1569 = arith.constant 0 : i32
              %parallel_loop3A_1570 = tpu.memref_slice %run_scoped3A_18[%rem3A_594, %parallel_loop3A_1567, %parallel_loop3A_1568, %parallel_loop3A_1569] : memref<2x8x32x128xf32, #tpu.memory_space<vmem>> -> memref<1x8x32x128xf32, #tpu.memory_space<vmem>>
              %parallel_loop3A_1571 = tpu.memref_squeeze %parallel_loop3A_1570 : memref<1x8x32x128xf32, #tpu.memory_space<vmem>> -> memref<8x32x128xf32, #tpu.memory_space<vmem>>
              %parallel_loop3A_1572 = arith.index_cast %parallel_loop3A_1083 : i32 to index
              %parallel_loop3A_1573 = arith.index_cast %parallel_loop3A_1566 : i32 to index
              %parallel_loop3A_1574 = arith.constant 96 : index
              %parallel_loop3A_1575 = tpu.vector_load %parallel_loop3A_1571[%parallel_loop3A_1572, %parallel_loop3A_1573, %parallel_loop3A_1574] {strides = array<i32>} : memref<8x32x128xf32, #tpu.memory_space<vmem>>, vector<16xf32>,
              tpu.vector_store %parallel_loop3A_1571[%parallel_loop3A_1572, %parallel_loop3A_1573, %parallel_loop3A_1574], %parallel_loop3A_1562 {strides = array<i32>} : memref<8x32x128xf32, #tpu.memory_space<vmem>>, vector<16xf32>,
              %parallel_loop3A_1576 = arith.addi %parallel_loop3A_1545, %add3A_603 : vector<16xi32>
              %parallel_loop3A_1577 = tpu.vector_load_idx %arg5[%parallel_loop3A_1576] : memref<576xf32, #tpu.memory_space<vmem>>[vector<16xi32>], vector<16xf32>,
              %parallel_loop3A_1578 = arith.constant 4 : i32
              %parallel_loop3A_1579 = arith.muli %parallel_loop3A_1087, %parallel_loop3A_1578 : i32
              %parallel_loop3A_1580 = arith.constant 2 : i32
              %parallel_loop3A_1581 = arith.addi %parallel_loop3A_1579, %parallel_loop3A_1580 : i32
              %parallel_loop3A_1582 = arith.constant 0 : i32
              %parallel_loop3A_1583 = arith.constant 0 : i32
              %parallel_loop3A_1584 = arith.constant 0 : i32
              %parallel_loop3A_1585 = tpu.memref_slice %run_scoped3A_18[%rem3A_594, %parallel_loop3A_1582, %parallel_loop3A_1583, %parallel_loop3A_1584] : memref<2x8x32x128xf32, #tpu.memory_space<vmem>> -> memref<1x8x32x128xf32, #tpu.memory_space<vmem>>
              %parallel_loop3A_1586 = tpu.memref_squeeze %parallel_loop3A_1585 : memref<1x8x32x128xf32, #tpu.memory_space<vmem>> -> memref<8x32x128xf32, #tpu.memory_space<vmem>>
              %parallel_loop3A_1587 = arith.index_cast %parallel_loop3A_1083 : i32 to index
              %parallel_loop3A_1588 = arith.index_cast %parallel_loop3A_1581 : i32 to index
              %parallel_loop3A_1589 = arith.constant 96 : index
              %parallel_loop3A_1590 = tpu.vector_load %parallel_loop3A_1586[%parallel_loop3A_1587, %parallel_loop3A_1588, %parallel_loop3A_1589] {strides = array<i32>} : memref<8x32x128xf32, #tpu.memory_space<vmem>>, vector<16xf32>,
              tpu.vector_store %parallel_loop3A_1586[%parallel_loop3A_1587, %parallel_loop3A_1588, %parallel_loop3A_1589], %parallel_loop3A_1577 {strides = array<i32>} : memref<8x32x128xf32, #tpu.memory_space<vmem>>, vector<16xf32>,
              %parallel_loop3A_1591 = arith.addi %parallel_loop3A_1545, %add3A_606 : vector<16xi32>
              %parallel_loop3A_1592 = tpu.vector_load_idx %arg5[%parallel_loop3A_1591] : memref<576xf32, #tpu.memory_space<vmem>>[vector<16xi32>], vector<16xf32>,
              %parallel_loop3A_1593 = arith.constant 4 : i32
              %parallel_loop3A_1594 = arith.muli %parallel_loop3A_1087, %parallel_loop3A_1593 : i32
              %parallel_loop3A_1595 = arith.constant 3 : i32
              %parallel_loop3A_1596 = arith.addi %parallel_loop3A_1594, %parallel_loop3A_1595 : i32
              %parallel_loop3A_1597 = arith.constant 0 : i32
              %parallel_loop3A_1598 = arith.constant 0 : i32
              %parallel_loop3A_1599 = arith.constant 0 : i32
              %parallel_loop3A_1600 = tpu.memref_slice %run_scoped3A_18[%rem3A_594, %parallel_loop3A_1597, %parallel_loop3A_1598, %parallel_loop3A_1599] : memref<2x8x32x128xf32, #tpu.memory_space<vmem>> -> memref<1x8x32x128xf32, #tpu.memory_space<vmem>>
              %parallel_loop3A_1601 = tpu.memref_squeeze %parallel_loop3A_1600 : memref<1x8x32x128xf32, #tpu.memory_space<vmem>> -> memref<8x32x128xf32, #tpu.memory_space<vmem>>
              %parallel_loop3A_1602 = arith.index_cast %parallel_loop3A_1083 : i32 to index
              %parallel_loop3A_1603 = arith.index_cast %parallel_loop3A_1596 : i32 to index
              %parallel_loop3A_1604 = arith.constant 96 : index
              %parallel_loop3A_1605 = tpu.vector_load %parallel_loop3A_1601[%parallel_loop3A_1602, %parallel_loop3A_1603, %parallel_loop3A_1604] {strides = array<i32>} : memref<8x32x128xf32, #tpu.memory_space<vmem>>, vector<16xf32>,
              tpu.vector_store %parallel_loop3A_1601[%parallel_loop3A_1602, %parallel_loop3A_1603, %parallel_loop3A_1604], %parallel_loop3A_1592 {strides = array<i32>} : memref<8x32x128xf32, #tpu.memory_space<vmem>>, vector<16xf32>,
              %parallel_loop3A_1606 = arith.constant 128 : i32
              %parallel_loop3A_1607 = arith.muli %parallel_loop3A_1087, %parallel_loop3A_1606 : i32
              %parallel_loop3A_1608 = arith.constant 112 : i32
              %parallel_loop3A_1609 = arith.addi %parallel_loop3A_1607, %parallel_loop3A_1608 : i32
              %parallel_loop3A_1610 = arith.constant 0 : i32
              %parallel_loop3A_1611 = arith.constant 0 : i32
              %parallel_loop3A_1612 = tpu.memref_slice %run_scoped3A[%rem3A_592, %parallel_loop3A_1610, %parallel_loop3A_1611] : memref<2x8x1024xi32, #tpu.memory_space<vmem>> -> memref<1x8x1024xi32, #tpu.memory_space<vmem>>
              %parallel_loop3A_1613 = tpu.memref_squeeze %parallel_loop3A_1612 : memref<1x8x1024xi32, #tpu.memory_space<vmem>> -> memref<8x1024xi32, #tpu.memory_space<vmem>>
              %parallel_loop3A_1614 = arith.index_cast %parallel_loop3A_1083 : i32 to index
              %parallel_loop3A_1615 = arith.index_cast %parallel_loop3A_1609 : i32 to index
              %parallel_loop3A_1616 = tpu.vector_load %parallel_loop3A_1613[%parallel_loop3A_1614, %parallel_loop3A_1615] {strides = array<i32>} : memref<8x1024xi32, #tpu.memory_space<vmem>>, vector<16xi32>,
              %parallel_loop3A_1617 = arith.constant 64 : i32
              %parallel_loop3A_1618 = vector.broadcast %parallel_loop3A_1617 : i32 to vector<16xi32>
              %parallel_loop3A_1619 = arith.muli %parallel_loop3A_1616, %parallel_loop3A_1618 : vector<16xi32>
              %parallel_loop3A_1620 = arith.addi %parallel_loop3A_1619, %add3A_597 : vector<16xi32>
              %parallel_loop3A_1621 = tpu.vector_load_idx %arg5[%parallel_loop3A_1620] : memref<576xf32, #tpu.memory_space<vmem>>[vector<16xi32>], vector<16xf32>,
              %parallel_loop3A_1622 = arith.constant 4 : i32
              %parallel_loop3A_1623 = arith.muli %parallel_loop3A_1087, %parallel_loop3A_1622 : i32
              %parallel_loop3A_1624 = arith.constant 0 : i32
              %parallel_loop3A_1625 = arith.addi %parallel_loop3A_1623, %parallel_loop3A_1624 : i32
              %parallel_loop3A_1626 = arith.constant 0 : i32
              %parallel_loop3A_1627 = arith.constant 0 : i32
              %parallel_loop3A_1628 = arith.constant 0 : i32
              %parallel_loop3A_1629 = tpu.memref_slice %run_scoped3A_18[%rem3A_594, %parallel_loop3A_1626, %parallel_loop3A_1627, %parallel_loop3A_1628] : memref<2x8x32x128xf32, #tpu.memory_space<vmem>> -> memref<1x8x32x128xf32, #tpu.memory_space<vmem>>
              %parallel_loop3A_1630 = tpu.memref_squeeze %parallel_loop3A_1629 : memref<1x8x32x128xf32, #tpu.memory_space<vmem>> -> memref<8x32x128xf32, #tpu.memory_space<vmem>>
              %parallel_loop3A_1631 = arith.index_cast %parallel_loop3A_1083 : i32 to index
              %parallel_loop3A_1632 = arith.index_cast %parallel_loop3A_1625 : i32 to index
              %parallel_loop3A_1633 = arith.constant 112 : index
              %parallel_loop3A_1634 = tpu.vector_load %parallel_loop3A_1630[%parallel_loop3A_1631, %parallel_loop3A_1632, %parallel_loop3A_1633] {strides = array<i32>} : memref<8x32x128xf32, #tpu.memory_space<vmem>>, vector<16xf32>,
              tpu.vector_store %parallel_loop3A_1630[%parallel_loop3A_1631, %parallel_loop3A_1632, %parallel_loop3A_1633], %parallel_loop3A_1621 {strides = array<i32>} : memref<8x32x128xf32, #tpu.memory_space<vmem>>, vector<16xf32>,
              %parallel_loop3A_1635 = arith.addi %parallel_loop3A_1619, %add3A_600 : vector<16xi32>
              %parallel_loop3A_1636 = tpu.vector_load_idx %arg5[%parallel_loop3A_1635] : memref<576xf32, #tpu.memory_space<vmem>>[vector<16xi32>], vector<16xf32>,
              %parallel_loop3A_1637 = arith.constant 4 : i32
              %parallel_loop3A_1638 = arith.muli %parallel_loop3A_1087, %parallel_loop3A_1637 : i32
              %parallel_loop3A_1639 = arith.constant 1 : i32
              %parallel_loop3A_1640 = arith.addi %parallel_loop3A_1638, %parallel_loop3A_1639 : i32
              %parallel_loop3A_1641 = arith.constant 0 : i32
              %parallel_loop3A_1642 = arith.constant 0 : i32
              %parallel_loop3A_1643 = arith.constant 0 : i32
              %parallel_loop3A_1644 = tpu.memref_slice %run_scoped3A_18[%rem3A_594, %parallel_loop3A_1641, %parallel_loop3A_1642, %parallel_loop3A_1643] : memref<2x8x32x128xf32, #tpu.memory_space<vmem>> -> memref<1x8x32x128xf32, #tpu.memory_space<vmem>>
              %parallel_loop3A_1645 = tpu.memref_squeeze %parallel_loop3A_1644 : memref<1x8x32x128xf32, #tpu.memory_space<vmem>> -> memref<8x32x128xf32, #tpu.memory_space<vmem>>
              %parallel_loop3A_1646 = arith.index_cast %parallel_loop3A_1083 : i32 to index
              %parallel_loop3A_1647 = arith.index_cast %parallel_loop3A_1640 : i32 to index
              %parallel_loop3A_1648 = arith.constant 112 : index
              %parallel_loop3A_1649 = tpu.vector_load %parallel_loop3A_1645[%parallel_loop3A_1646, %parallel_loop3A_1647, %parallel_loop3A_1648] {strides = array<i32>} : memref<8x32x128xf32, #tpu.memory_space<vmem>>, vector<16xf32>,
              tpu.vector_store %parallel_loop3A_1645[%parallel_loop3A_1646, %parallel_loop3A_1647, %parallel_loop3A_1648], %parallel_loop3A_1636 {strides = array<i32>} : memref<8x32x128xf32, #tpu.memory_space<vmem>>, vector<16xf32>,
              %parallel_loop3A_1650 = arith.addi %parallel_loop3A_1619, %add3A_603 : vector<16xi32>
              %parallel_loop3A_1651 = tpu.vector_load_idx %arg5[%parallel_loop3A_1650] : memref<576xf32, #tpu.memory_space<vmem>>[vector<16xi32>], vector<16xf32>,
              %parallel_loop3A_1652 = arith.constant 4 : i32
              %parallel_loop3A_1653 = arith.muli %parallel_loop3A_1087, %parallel_loop3A_1652 : i32
              %parallel_loop3A_1654 = arith.constant 2 : i32
              %parallel_loop3A_1655 = arith.addi %parallel_loop3A_1653, %parallel_loop3A_1654 : i32
              %parallel_loop3A_1656 = arith.constant 0 : i32
              %parallel_loop3A_1657 = arith.constant 0 : i32
              %parallel_loop3A_1658 = arith.constant 0 : i32
              %parallel_loop3A_1659 = tpu.memref_slice %run_scoped3A_18[%rem3A_594, %parallel_loop3A_1656, %parallel_loop3A_1657, %parallel_loop3A_1658] : memref<2x8x32x128xf32, #tpu.memory_space<vmem>> -> memref<1x8x32x128xf32, #tpu.memory_space<vmem>>
              %parallel_loop3A_1660 = tpu.memref_squeeze %parallel_loop3A_1659 : memref<1x8x32x128xf32, #tpu.memory_space<vmem>> -> memref<8x32x128xf32, #tpu.memory_space<vmem>>
              %parallel_loop3A_1661 = arith.index_cast %parallel_loop3A_1083 : i32 to index
              %parallel_loop3A_1662 = arith.index_cast %parallel_loop3A_1655 : i32 to index
              %parallel_loop3A_1663 = arith.constant 112 : index
              %parallel_loop3A_1664 = tpu.vector_load %parallel_loop3A_1660[%parallel_loop3A_1661, %parallel_loop3A_1662, %parallel_loop3A_1663] {strides = array<i32>} : memref<8x32x128xf32, #tpu.memory_space<vmem>>, vector<16xf32>,
              tpu.vector_store %parallel_loop3A_1660[%parallel_loop3A_1661, %parallel_loop3A_1662, %parallel_loop3A_1663], %parallel_loop3A_1651 {strides = array<i32>} : memref<8x32x128xf32, #tpu.memory_space<vmem>>, vector<16xf32>,
              %parallel_loop3A_1665 = arith.addi %parallel_loop3A_1619, %add3A_606 : vector<16xi32>
              %parallel_loop3A_1666 = tpu.vector_load_idx %arg5[%parallel_loop3A_1665] : memref<576xf32, #tpu.memory_space<vmem>>[vector<16xi32>], vector<16xf32>,
              %parallel_loop3A_1667 = arith.constant 4 : i32
              %parallel_loop3A_1668 = arith.muli %parallel_loop3A_1087, %parallel_loop3A_1667 : i32
              %parallel_loop3A_1669 = arith.constant 3 : i32
              %parallel_loop3A_1670 = arith.addi %parallel_loop3A_1668, %parallel_loop3A_1669 : i32
              %parallel_loop3A_1671 = arith.constant 0 : i32
              %parallel_loop3A_1672 = arith.constant 0 : i32
              %parallel_loop3A_1673 = arith.constant 0 : i32
              %parallel_loop3A_1674 = tpu.memref_slice %run_scoped3A_18[%rem3A_594, %parallel_loop3A_1671, %parallel_loop3A_1672, %parallel_loop3A_1673] : memref<2x8x32x128xf32, #tpu.memory_space<vmem>> -> memref<1x8x32x128xf32, #tpu.memory_space<vmem>>
              %parallel_loop3A_1675 = tpu.memref_squeeze %parallel_loop3A_1674 : memref<1x8x32x128xf32, #tpu.memory_space<vmem>> -> memref<8x32x128xf32, #tpu.memory_space<vmem>>
              %parallel_loop3A_1676 = arith.index_cast %parallel_loop3A_1083 : i32 to index
              %parallel_loop3A_1677 = arith.index_cast %parallel_loop3A_1670 : i32 to index
              %parallel_loop3A_1678 = arith.constant 112 : index
              %parallel_loop3A_1679 = tpu.vector_load %parallel_loop3A_1675[%parallel_loop3A_1676, %parallel_loop3A_1677, %parallel_loop3A_1678] {strides = array<i32>} : memref<8x32x128xf32, #tpu.memory_space<vmem>>, vector<16xf32>,
              tpu.vector_store %parallel_loop3A_1675[%parallel_loop3A_1676, %parallel_loop3A_1677, %parallel_loop3A_1678], %parallel_loop3A_1666 {strides = array<i32>} : memref<8x32x128xf32, #tpu.memory_space<vmem>>, vector<16xf32>,
            } {sc.loop_unroll_factor = 4 : i64, sc.parallel_access}
          } {sc.loop_unroll_factor = 2 : i64, sc.parallel_access}
          %jit3A_609 = arith.constant 16 : i32
          %div3A_610 = arith.divsi %add3A_191, %jit3A_609 : i32
          %sign3A_611 = arith.constant 0 : i32
          %sign3A_612 = arith.cmpi sgt, %add3A_191, %sign3A_611 : i32
          %sign3A_613 = arith.extui %sign3A_612 : i1 to i32
          %sign3A_614 = arith.constant 0 : i32
          %sign3A_615 = arith.cmpi slt, %add3A_191, %sign3A_614 : i32
          %sign3A_616 = arith.extui %sign3A_615 : i1 to i32
          %sign3A_617 = arith.subi %sign3A_613, %sign3A_616 : i32
          %sign3A_618 = arith.constant 0 : i32
          %sign3A_619 = arith.cmpi sgt, %jit3A_609, %sign3A_618 : i32
          %sign3A_620 = arith.extui %sign3A_619 : i1 to i32
          %sign3A_621 = arith.constant 0 : i32
          %sign3A_622 = arith.cmpi slt, %jit3A_609, %sign3A_621 : i32
          %sign3A_623 = arith.extui %sign3A_622 : i1 to i32
          %sign3A_624 = arith.subi %sign3A_620, %sign3A_623 : i32
          %ne3A_625 = arith.cmpi ne, %sign3A_617, %sign3A_624 : i32
          %rem3A_626 = arith.remsi %add3A_191, %jit3A_609 : i32
          %ne3A_627 = arith.constant 0 : i32
          %ne3A_628 = arith.cmpi ne, %rem3A_626, %ne3A_627 : i32
          %and3A_629 = arith.andi %ne3A_625, %ne3A_628 : i1
          %sub3A_630 = arith.constant 1 : i32
          %sub3A_631 = arith.subi %div3A_610, %sub3A_630 : i32
          %select_n3A_632 = arith.select %and3A_629, %sub3A_631, %div3A_610 : i32
          %jit3A_633 = arith.constant 16 : i32
          %eq3A_634 = arith.constant 0 : i32
          %eq3A_635 = arith.cmpi eq, %jit3A_633, %eq3A_634 : i32
          %jit3A_636 = arith.constant 1 : i32
          %select_n3A_637 = arith.select %eq3A_635, %jit3A_636, %jit3A_633 : i32
          %rem3A_638 = arith.remsi %add3A_191, %select_n3A_637 : i32
          %ne3A_639 = arith.constant 0 : i32
          %ne3A_640 = arith.cmpi ne, %rem3A_638, %ne3A_639 : i32
          %lt3A_641 = arith.constant 0 : i32
          %lt3A_642 = arith.cmpi slt, %rem3A_638, %lt3A_641 : i32
          %lt3A_643 = arith.constant 0 : i32
          %lt3A_644 = arith.cmpi slt, %select_n3A_637, %lt3A_643 : i32
          %ne3A_645 = arith.xori %lt3A_642, %lt3A_644 : i1
          %and3A_646 = arith.andi %ne3A_645, %ne3A_640 : i1
          %add3A_647 = arith.addi %rem3A_638, %select_n3A_637 : i32
          %select_n3A_648 = arith.select %and3A_646, %add3A_647, %rem3A_638 : i32
          %jit3A_649 = arith.constant 16 : i32
          %div3A_650 = arith.divsi %add3A_209, %jit3A_649 : i32
          %sign3A_651 = arith.constant 0 : i32
          %sign3A_652 = arith.cmpi sgt, %add3A_209, %sign3A_651 : i32
          %sign3A_653 = arith.extui %sign3A_652 : i1 to i32
          %sign3A_654 = arith.constant 0 : i32
          %sign3A_655 = arith.cmpi slt, %add3A_209, %sign3A_654 : i32
          %sign3A_656 = arith.extui %sign3A_655 : i1 to i32
          %sign3A_657 = arith.subi %sign3A_653, %sign3A_656 : i32
          %sign3A_658 = arith.constant 0 : i32
          %sign3A_659 = arith.cmpi sgt, %jit3A_649, %sign3A_658 : i32
          %sign3A_660 = arith.extui %sign3A_659 : i1 to i32
          %sign3A_661 = arith.constant 0 : i32
          %sign3A_662 = arith.cmpi slt, %jit3A_649, %sign3A_661 : i32
          %sign3A_663 = arith.extui %sign3A_662 : i1 to i32
          %sign3A_664 = arith.subi %sign3A_660, %sign3A_663 : i32
          %ne3A_665 = arith.cmpi ne, %sign3A_657, %sign3A_664 : i32
          %rem3A_666 = arith.remsi %add3A_209, %jit3A_649 : i32
          %ne3A_667 = arith.constant 0 : i32
          %ne3A_668 = arith.cmpi ne, %rem3A_666, %ne3A_667 : i32
          %and3A_669 = arith.andi %ne3A_665, %ne3A_668 : i1
          %sub3A_670 = arith.constant 1 : i32
          %sub3A_671 = arith.subi %div3A_650, %sub3A_670 : i32
          %select_n3A_672 = arith.select %and3A_669, %sub3A_671, %div3A_650 : i32
          %jit3A_673 = arith.constant 16 : i32
          %eq3A_674 = arith.constant 0 : i32
          %eq3A_675 = arith.cmpi eq, %jit3A_673, %eq3A_674 : i32
          %jit3A_676 = arith.constant 1 : i32
          %select_n3A_677 = arith.select %eq3A_675, %jit3A_676, %jit3A_673 : i32
          %rem3A_678 = arith.remsi %add3A_209, %select_n3A_677 : i32
          %ne3A_679 = arith.constant 0 : i32
          %ne3A_680 = arith.cmpi ne, %rem3A_678, %ne3A_679 : i32
          %lt3A_681 = arith.constant 0 : i32
          %lt3A_682 = arith.cmpi slt, %rem3A_678, %lt3A_681 : i32
          %lt3A_683 = arith.constant 0 : i32
          %lt3A_684 = arith.cmpi slt, %select_n3A_677, %lt3A_683 : i32
          %ne3A_685 = arith.xori %lt3A_682, %lt3A_684 : i1
          %and3A_686 = arith.andi %ne3A_685, %ne3A_680 : i1
          %add3A_687 = arith.addi %rem3A_678, %select_n3A_677 : i32
          %select_n3A_688 = arith.select %and3A_686, %add3A_687, %rem3A_678 : i32
          %ne3A_689 = arith.cmpi ne, %select_n3A_632, %select_n3A_672 : i32
          %ne3A_690 = arith.cmpi ne, %select_n3A_648, %select_n3A_688 : i32
          %or3A_691 = arith.constant false
          %or3A_692 = arith.ori %or3A_691, %ne3A_689 : i1
          %or3A_693 = arith.ori %or3A_692, %ne3A_690 : i1
          %or3A_694 = arith.ori %or3A_693, %eq3A_190 : i1
          %convert_element_type3A_695 = arith.extui %or3A_694 : i1 to i32
          %cond3A_696 = arith.constant 0 : i32
          %cond3A_697 = arith.cmpi ne, %convert_element_type3A_695, %cond3A_696 : i32
          scf.if %cond3A_697 {
          } else {
          }
          %and3A_698 = arith.constant false
          %and3A_699 = arith.andi %or3A_694, %and3A_698 : i1
          %jit3A_700 = arith.constant 16 : i32
          %div3A_701 = arith.divsi %add3A_191, %jit3A_700 : i32
          %sign3A_702 = arith.constant 0 : i32
          %sign3A_703 = arith.cmpi sgt, %add3A_191, %sign3A_702 : i32
          %sign3A_704 = arith.extui %sign3A_703 : i1 to i32
          %sign3A_705 = arith.constant 0 : i32
          %sign3A_706 = arith.cmpi slt, %add3A_191, %sign3A_705 : i32
          %sign3A_707 = arith.extui %sign3A_706 : i1 to i32
          %sign3A_708 = arith.subi %sign3A_704, %sign3A_707 : i32
          %sign3A_709 = arith.constant 0 : i32
          %sign3A_710 = arith.cmpi sgt, %jit3A_700, %sign3A_709 : i32
          %sign3A_711 = arith.extui %sign3A_710 : i1 to i32
          %sign3A_712 = arith.constant 0 : i32
          %sign3A_713 = arith.cmpi slt, %jit3A_700, %sign3A_712 : i32
          %sign3A_714 = arith.extui %sign3A_713 : i1 to i32
          %sign3A_715 = arith.subi %sign3A_711, %sign3A_714 : i32
          %ne3A_716 = arith.cmpi ne, %sign3A_708, %sign3A_715 : i32
          %rem3A_717 = arith.remsi %add3A_191, %jit3A_700 : i32
          %ne3A_718 = arith.constant 0 : i32
          %ne3A_719 = arith.cmpi ne, %rem3A_717, %ne3A_718 : i32
          %and3A_720 = arith.andi %ne3A_716, %ne3A_719 : i1
          %sub3A_721 = arith.constant 1 : i32
          %sub3A_722 = arith.subi %div3A_701, %sub3A_721 : i32
          %select_n3A_723 = arith.select %and3A_720, %sub3A_722, %div3A_701 : i32
          %jit3A_724 = arith.constant 16 : i32
          %eq3A_725 = arith.constant 0 : i32
          %eq3A_726 = arith.cmpi eq, %jit3A_724, %eq3A_725 : i32
          %jit3A_727 = arith.constant 1 : i32
          %select_n3A_728 = arith.select %eq3A_726, %jit3A_727, %jit3A_724 : i32
          %rem3A_729 = arith.remsi %add3A_191, %select_n3A_728 : i32
          %ne3A_730 = arith.constant 0 : i32
          %ne3A_731 = arith.cmpi ne, %rem3A_729, %ne3A_730 : i32
          %lt3A_732 = arith.constant 0 : i32
          %lt3A_733 = arith.cmpi slt, %rem3A_729, %lt3A_732 : i32
          %lt3A_734 = arith.constant 0 : i32
          %lt3A_735 = arith.cmpi slt, %select_n3A_728, %lt3A_734 : i32
          %ne3A_736 = arith.xori %lt3A_733, %lt3A_735 : i1
          %and3A_737 = arith.andi %ne3A_736, %ne3A_731 : i1
          %add3A_738 = arith.addi %rem3A_729, %select_n3A_728 : i32
          %select_n3A_739 = arith.select %and3A_737, %add3A_738, %rem3A_729 : i32
          %jit3A_740 = arith.constant 16 : i32
          %div3A_741 = arith.divsi %add3A_209, %jit3A_740 : i32
          %sign3A_742 = arith.constant 0 : i32
          %sign3A_743 = arith.cmpi sgt, %add3A_209, %sign3A_742 : i32
          %sign3A_744 = arith.extui %sign3A_743 : i1 to i32
          %sign3A_745 = arith.constant 0 : i32
          %sign3A_746 = arith.cmpi slt, %add3A_209, %sign3A_745 : i32
          %sign3A_747 = arith.extui %sign3A_746 : i1 to i32
          %sign3A_748 = arith.subi %sign3A_744, %sign3A_747 : i32
          %sign3A_749 = arith.constant 0 : i32
          %sign3A_750 = arith.cmpi sgt, %jit3A_740, %sign3A_749 : i32
          %sign3A_751 = arith.extui %sign3A_750 : i1 to i32
          %sign3A_752 = arith.constant 0 : i32
          %sign3A_753 = arith.cmpi slt, %jit3A_740, %sign3A_752 : i32
          %sign3A_754 = arith.extui %sign3A_753 : i1 to i32
          %sign3A_755 = arith.subi %sign3A_751, %sign3A_754 : i32
          %ne3A_756 = arith.cmpi ne, %sign3A_748, %sign3A_755 : i32
          %rem3A_757 = arith.remsi %add3A_209, %jit3A_740 : i32
          %ne3A_758 = arith.constant 0 : i32
          %ne3A_759 = arith.cmpi ne, %rem3A_757, %ne3A_758 : i32
          %and3A_760 = arith.andi %ne3A_756, %ne3A_759 : i1
          %sub3A_761 = arith.constant 1 : i32
          %sub3A_762 = arith.subi %div3A_741, %sub3A_761 : i32
          %select_n3A_763 = arith.select %and3A_760, %sub3A_762, %div3A_741 : i32
          %jit3A_764 = arith.constant 16 : i32
          %eq3A_765 = arith.constant 0 : i32
          %eq3A_766 = arith.cmpi eq, %jit3A_764, %eq3A_765 : i32
          %jit3A_767 = arith.constant 1 : i32
          %select_n3A_768 = arith.select %eq3A_766, %jit3A_767, %jit3A_764 : i32
          %rem3A_769 = arith.remsi %add3A_209, %select_n3A_768 : i32
          %ne3A_770 = arith.constant 0 : i32
          %ne3A_771 = arith.cmpi ne, %rem3A_769, %ne3A_770 : i32
          %lt3A_772 = arith.constant 0 : i32
          %lt3A_773 = arith.cmpi slt, %rem3A_769, %lt3A_772 : i32
          %lt3A_774 = arith.constant 0 : i32
          %lt3A_775 = arith.cmpi slt, %select_n3A_768, %lt3A_774 : i32
          %ne3A_776 = arith.xori %lt3A_773, %lt3A_775 : i1
          %and3A_777 = arith.andi %ne3A_776, %ne3A_771 : i1
          %add3A_778 = arith.addi %rem3A_769, %select_n3A_768 : i32
          %select_n3A_779 = arith.select %and3A_777, %add3A_778, %rem3A_769 : i32
          %ne3A_780 = arith.cmpi ne, %select_n3A_723, %select_n3A_763 : i32
          %ne3A_781 = arith.cmpi ne, %select_n3A_739, %select_n3A_779 : i32
          %or3A_782 = arith.constant false
          %or3A_783 = arith.ori %or3A_782, %ne3A_780 : i1
          %or3A_784 = arith.ori %or3A_783, %ne3A_781 : i1
          %or3A_785 = arith.constant false
          %or3A_786 = arith.ori %or3A_784, %or3A_785 : i1
          %or3A_787 = arith.ori %or3A_786, %eq3A_190 : i1
          %convert_element_type3A_788 = arith.extui %or3A_787 : i1 to i32
          %cond3A_789 = arith.constant 0 : i32
          %cond3A_790 = arith.cmpi ne, %convert_element_type3A_788, %cond3A_789 : i32
          scf.if %cond3A_790 {
            %rem3A_1083 = arith.constant 2 : i32
            %rem3A_1084 = arith.remui %while3A_181, %rem3A_1083 : i32
            %jit3A_1085 = arith.constant 16 : i32
            %div3A_1086 = arith.divsi %add3A_191, %jit3A_1085 : i32
            %sign3A_1087 = arith.constant 0 : i32
            %sign3A_1088 = arith.cmpi sgt, %add3A_191, %sign3A_1087 : i32
            %sign3A_1089 = arith.extui %sign3A_1088 : i1 to i32
            %sign3A_1090 = arith.constant 0 : i32
            %sign3A_1091 = arith.cmpi slt, %add3A_191, %sign3A_1090 : i32
            %sign3A_1092 = arith.extui %sign3A_1091 : i1 to i32
            %sign3A_1093 = arith.subi %sign3A_1089, %sign3A_1092 : i32
            %sign3A_1094 = arith.constant 0 : i32
            %sign3A_1095 = arith.cmpi sgt, %jit3A_1085, %sign3A_1094 : i32
            %sign3A_1096 = arith.extui %sign3A_1095 : i1 to i32
            %sign3A_1097 = arith.constant 0 : i32
            %sign3A_1098 = arith.cmpi slt, %jit3A_1085, %sign3A_1097 : i32
            %sign3A_1099 = arith.extui %sign3A_1098 : i1 to i32
            %sign3A_1100 = arith.subi %sign3A_1096, %sign3A_1099 : i32
            %ne3A_1101 = arith.cmpi ne, %sign3A_1093, %sign3A_1100 : i32
            %rem3A_1102 = arith.remsi %add3A_191, %jit3A_1085 : i32
            %ne3A_1103 = arith.constant 0 : i32
            %ne3A_1104 = arith.cmpi ne, %rem3A_1102, %ne3A_1103 : i32
            %and3A_1105 = arith.andi %ne3A_1101, %ne3A_1104 : i1
            %sub3A_1106 = arith.constant 1 : i32
            %sub3A_1107 = arith.subi %div3A_1086, %sub3A_1106 : i32
            %select_n3A_1108 = arith.select %and3A_1105, %sub3A_1107, %div3A_1086 : i32
            %jit3A_1109 = arith.constant 16 : i32
            %eq3A_1110 = arith.constant 0 : i32
            %eq3A_1111 = arith.cmpi eq, %jit3A_1109, %eq3A_1110 : i32
            %jit3A_1112 = arith.constant 1 : i32
            %select_n3A_1113 = arith.select %eq3A_1111, %jit3A_1112, %jit3A_1109 : i32
            %rem3A_1114 = arith.remsi %add3A_191, %select_n3A_1113 : i32
            %ne3A_1115 = arith.constant 0 : i32
            %ne3A_1116 = arith.cmpi ne, %rem3A_1114, %ne3A_1115 : i32
            %lt3A_1117 = arith.constant 0 : i32
            %lt3A_1118 = arith.cmpi slt, %rem3A_1114, %lt3A_1117 : i32
            %lt3A_1119 = arith.constant 0 : i32
            %lt3A_1120 = arith.cmpi slt, %select_n3A_1113, %lt3A_1119 : i32
            %ne3A_1121 = arith.xori %lt3A_1118, %lt3A_1120 : i1
            %and3A_1122 = arith.andi %ne3A_1121, %ne3A_1116 : i1
            %add3A_1123 = arith.addi %rem3A_1114, %select_n3A_1113 : i32
            %select_n3A_1124 = arith.select %and3A_1122, %add3A_1123, %rem3A_1114 : i32
            %mul3A_1125 = arith.constant 8 : i32
            %mul3A_1126 = arith.muli %mul3A_1125, %select_n3A_1108 : i32
            %mul3A_1127 = arith.constant 32 : i32
            %mul3A_1128 = arith.muli %mul3A_1127, %select_n3A_1124 : i32
            %dma_start3A_1129 = arith.constant 0 : i32
            %dma_start3A_1130 = arith.constant 0 : i32
            %dma_start3A_1131 = arith.constant 0 : i32
            %dma_start3A_1132 = tpu.memref_slice %run_scoped3A_18[%rem3A_1084, %dma_start3A_1129, %dma_start3A_1130, %dma_start3A_1131] : memref<2x8x32x128xf32, #tpu.memory_space<vmem>> -> memref<1x8x32x128xf32, #tpu.memory_space<vmem>>
            %dma_start3A_1133 = tpu.memref_squeeze %dma_start3A_1132 : memref<1x8x32x128xf32, #tpu.memory_space<vmem>> -> memref<8x32x128xf32, #tpu.memory_space<vmem>>
            %dma_start3A_1134 = arith.constant 0 : i32
            %dma_start3A_1135 = tpu.memref_slice %arg4[%mul3A_1126, %mul3A_1128, %dma_start3A_1134] : memref<200x512x128xf32, #tpu.memory_space<hbm>> -> memref<8x32x128xf32, #tpu.memory_space<hbm>>
            %dma_start3A_1136 = tpu.memref_slice %run_scoped3A_19[%rem3A_1084] : memref<2x!tpu.dma_semaphore, #tpu.memory_space<semaphore_mem>> -> memref<1x!tpu.dma_semaphore, #tpu.memory_space<semaphore_mem>>
            %dma_start3A_1137 = tpu.memref_squeeze %dma_start3A_1136 : memref<1x!tpu.dma_semaphore, #tpu.memory_space<semaphore_mem>> -> memref<!tpu.dma_semaphore, #tpu.memory_space<semaphore_mem>>
            %dma_start3A_1138 = arith.constant 0 : i32
            %dma_start3A_1139 = tpu.memref_slice %arg4[%mul3A_1126, %mul3A_1128, %dma_start3A_1138] : memref<200x512x128xf32, #tpu.memory_space<hbm>> -> memref<8x32x128xf32, #tpu.memory_space<hbm>>
            %dma_start3A_1140 = arith.constant 0 : i32
            %dma_start3A_1141 = arith.constant 0 : i32
            %dma_start3A_1142 = arith.constant 0 : i32
            %dma_start3A_1143 = tpu.memref_slice %run_scoped3A_18[%rem3A_1084, %dma_start3A_1140, %dma_start3A_1141, %dma_start3A_1142] : memref<2x8x32x128xf32, #tpu.memory_space<vmem>> -> memref<1x8x32x128xf32, #tpu.memory_space<vmem>>
            %dma_start3A_1144 = tpu.memref_squeeze %dma_start3A_1143 : memref<1x8x32x128xf32, #tpu.memory_space<vmem>> -> memref<8x32x128xf32, #tpu.memory_space<vmem>>
            tpu.enqueue_dma source(%dma_start3A_1144 : memref<8x32x128xf32, #tpu.memory_space<vmem>>) target(%dma_start3A_1139 : memref<8x32x128xf32, #tpu.memory_space<hbm>>) target_semaphore(%dma_start3A_1137 : memref<!tpu.dma_semaphore, #tpu.memory_space<semaphore_mem>>)
          } else {
          }
          %and3A_791 = arith.constant true
          %and3A_792 = arith.andi %or3A_787, %and3A_791 : i1
          %add3A_793 = arith.constant 1 : i32
          %add3A_794 = arith.addi %while3A_181, %add3A_793 : i32
          %select_n3A_795 = arith.select %and3A_792, %add3A_794, %while3A_181 : i32
          %jit3A_796 = arith.constant 16 : i32
          %div3A_797 = arith.divsi %add3A_191, %jit3A_796 : i32
          %sign3A_798 = arith.constant 0 : i32
          %sign3A_799 = arith.cmpi sgt, %add3A_191, %sign3A_798 : i32
          %sign3A_800 = arith.extui %sign3A_799 : i1 to i32
          %sign3A_801 = arith.constant 0 : i32
          %sign3A_802 = arith.cmpi slt, %add3A_191, %sign3A_801 : i32
          %sign3A_803 = arith.extui %sign3A_802 : i1 to i32
          %sign3A_804 = arith.subi %sign3A_800, %sign3A_803 : i32
          %sign3A_805 = arith.constant 0 : i32
          %sign3A_806 = arith.cmpi sgt, %jit3A_796, %sign3A_805 : i32
          %sign3A_807 = arith.extui %sign3A_806 : i1 to i32
          %sign3A_808 = arith.constant 0 : i32
          %sign3A_809 = arith.cmpi slt, %jit3A_796, %sign3A_808 : i32
          %sign3A_810 = arith.extui %sign3A_809 : i1 to i32
          %sign3A_811 = arith.subi %sign3A_807, %sign3A_810 : i32
          %ne3A_812 = arith.cmpi ne, %sign3A_804, %sign3A_811 : i32
          %rem3A_813 = arith.remsi %add3A_191, %jit3A_796 : i32
          %ne3A_814 = arith.constant 0 : i32
          %ne3A_815 = arith.cmpi ne, %rem3A_813, %ne3A_814 : i32
          %and3A_816 = arith.andi %ne3A_812, %ne3A_815 : i1
          %sub3A_817 = arith.constant 1 : i32
          %sub3A_818 = arith.subi %div3A_797, %sub3A_817 : i32
          %select_n3A_819 = arith.select %and3A_816, %sub3A_818, %div3A_797 : i32
          %jit3A_820 = arith.constant 16 : i32
          %eq3A_821 = arith.constant 0 : i32
          %eq3A_822 = arith.cmpi eq, %jit3A_820, %eq3A_821 : i32
          %jit3A_823 = arith.constant 1 : i32
          %select_n3A_824 = arith.select %eq3A_822, %jit3A_823, %jit3A_820 : i32
          %rem3A_825 = arith.remsi %add3A_191, %select_n3A_824 : i32
          %ne3A_826 = arith.constant 0 : i32
          %ne3A_827 = arith.cmpi ne, %rem3A_825, %ne3A_826 : i32
          %lt3A_828 = arith.constant 0 : i32
          %lt3A_829 = arith.cmpi slt, %rem3A_825, %lt3A_828 : i32
          %lt3A_830 = arith.constant 0 : i32
          %lt3A_831 = arith.cmpi slt, %select_n3A_824, %lt3A_830 : i32
          %ne3A_832 = arith.xori %lt3A_829, %lt3A_831 : i1
          %and3A_833 = arith.andi %ne3A_832, %ne3A_827 : i1
          %add3A_834 = arith.addi %rem3A_825, %select_n3A_824 : i32
          %select_n3A_835 = arith.select %and3A_833, %add3A_834, %rem3A_825 : i32
          %jit3A_836 = arith.constant 16 : i32
          %div3A_837 = arith.divsi %add3A_201, %jit3A_836 : i32
          %sign3A_838 = arith.constant 0 : i32
          %sign3A_839 = arith.cmpi sgt, %add3A_201, %sign3A_838 : i32
          %sign3A_840 = arith.extui %sign3A_839 : i1 to i32
          %sign3A_841 = arith.constant 0 : i32
          %sign3A_842 = arith.cmpi slt, %add3A_201, %sign3A_841 : i32
          %sign3A_843 = arith.extui %sign3A_842 : i1 to i32
          %sign3A_844 = arith.subi %sign3A_840, %sign3A_843 : i32
          %sign3A_845 = arith.constant 0 : i32
          %sign3A_846 = arith.cmpi sgt, %jit3A_836, %sign3A_845 : i32
          %sign3A_847 = arith.extui %sign3A_846 : i1 to i32
          %sign3A_848 = arith.constant 0 : i32
          %sign3A_849 = arith.cmpi slt, %jit3A_836, %sign3A_848 : i32
          %sign3A_850 = arith.extui %sign3A_849 : i1 to i32
          %sign3A_851 = arith.subi %sign3A_847, %sign3A_850 : i32
          %ne3A_852 = arith.cmpi ne, %sign3A_844, %sign3A_851 : i32
          %rem3A_853 = arith.remsi %add3A_201, %jit3A_836 : i32
          %ne3A_854 = arith.constant 0 : i32
          %ne3A_855 = arith.cmpi ne, %rem3A_853, %ne3A_854 : i32
          %and3A_856 = arith.andi %ne3A_852, %ne3A_855 : i1
          %sub3A_857 = arith.constant 1 : i32
          %sub3A_858 = arith.subi %div3A_837, %sub3A_857 : i32
          %select_n3A_859 = arith.select %and3A_856, %sub3A_858, %div3A_837 : i32
          %jit3A_860 = arith.constant 16 : i32
          %eq3A_861 = arith.constant 0 : i32
          %eq3A_862 = arith.cmpi eq, %jit3A_860, %eq3A_861 : i32
          %jit3A_863 = arith.constant 1 : i32
          %select_n3A_864 = arith.select %eq3A_862, %jit3A_863, %jit3A_860 : i32
          %rem3A_865 = arith.remsi %add3A_201, %select_n3A_864 : i32
          %ne3A_866 = arith.constant 0 : i32
          %ne3A_867 = arith.cmpi ne, %rem3A_865, %ne3A_866 : i32
          %lt3A_868 = arith.constant 0 : i32
          %lt3A_869 = arith.cmpi slt, %rem3A_865, %lt3A_868 : i32
          %lt3A_870 = arith.constant 0 : i32
          %lt3A_871 = arith.cmpi slt, %select_n3A_864, %lt3A_870 : i32
          %ne3A_872 = arith.xori %lt3A_869, %lt3A_871 : i1
          %and3A_873 = arith.andi %ne3A_872, %ne3A_867 : i1
          %add3A_874 = arith.addi %rem3A_865, %select_n3A_864 : i32
          %select_n3A_875 = arith.select %and3A_873, %add3A_874, %rem3A_865 : i32
          %ne3A_876 = arith.cmpi ne, %select_n3A_819, %select_n3A_859 : i32
          %ne3A_877 = arith.cmpi ne, %select_n3A_835, %select_n3A_875 : i32
          %or3A_878 = arith.constant false
          %or3A_879 = arith.ori %or3A_878, %ne3A_876 : i1
          %or3A_880 = arith.ori %or3A_879, %ne3A_877 : i1
          %not3A_881 = arith.constant true
          %not3A_882 = arith.xori %eq3A_187, %not3A_881 : i1
          %and3A_883 = arith.andi %or3A_880, %not3A_882 : i1
          %convert_element_type3A_884 = arith.extui %and3A_883 : i1 to i32
          %cond3A_885 = arith.constant 0 : i32
          %cond3A_886 = arith.cmpi ne, %convert_element_type3A_884, %cond3A_885 : i32
          scf.if %cond3A_886 {
          } else {
          }
          %and3A_887 = arith.constant false
          %and3A_888 = arith.andi %and3A_883, %and3A_887 : i1
          %jit3A_889 = arith.constant 16 : i32
          %div3A_890 = arith.divsi %add3A_191, %jit3A_889 : i32
          %sign3A_891 = arith.constant 0 : i32
          %sign3A_892 = arith.cmpi sgt, %add3A_191, %sign3A_891 : i32
          %sign3A_893 = arith.extui %sign3A_892 : i1 to i32
          %sign3A_894 = arith.constant 0 : i32
          %sign3A_895 = arith.cmpi slt, %add3A_191, %sign3A_894 : i32
          %sign3A_896 = arith.extui %sign3A_895 : i1 to i32
          %sign3A_897 = arith.subi %sign3A_893, %sign3A_896 : i32
          %sign3A_898 = arith.constant 0 : i32
          %sign3A_899 = arith.cmpi sgt, %jit3A_889, %sign3A_898 : i32
          %sign3A_900 = arith.extui %sign3A_899 : i1 to i32
          %sign3A_901 = arith.constant 0 : i32
          %sign3A_902 = arith.cmpi slt, %jit3A_889, %sign3A_901 : i32
          %sign3A_903 = arith.extui %sign3A_902 : i1 to i32
          %sign3A_904 = arith.subi %sign3A_900, %sign3A_903 : i32
          %ne3A_905 = arith.cmpi ne, %sign3A_897, %sign3A_904 : i32
          %rem3A_906 = arith.remsi %add3A_191, %jit3A_889 : i32
          %ne3A_907 = arith.constant 0 : i32
          %ne3A_908 = arith.cmpi ne, %rem3A_906, %ne3A_907 : i32
          %and3A_909 = arith.andi %ne3A_905, %ne3A_908 : i1
          %sub3A_910 = arith.constant 1 : i32
          %sub3A_911 = arith.subi %div3A_890, %sub3A_910 : i32
          %select_n3A_912 = arith.select %and3A_909, %sub3A_911, %div3A_890 : i32
          %jit3A_913 = arith.constant 16 : i32
          %eq3A_914 = arith.constant 0 : i32
          %eq3A_915 = arith.cmpi eq, %jit3A_913, %eq3A_914 : i32
          %jit3A_916 = arith.constant 1 : i32
          %select_n3A_917 = arith.select %eq3A_915, %jit3A_916, %jit3A_913 : i32
          %rem3A_918 = arith.remsi %add3A_191, %select_n3A_917 : i32
          %ne3A_919 = arith.constant 0 : i32
          %ne3A_920 = arith.cmpi ne, %rem3A_918, %ne3A_919 : i32
          %lt3A_921 = arith.constant 0 : i32
          %lt3A_922 = arith.cmpi slt, %rem3A_918, %lt3A_921 : i32
          %lt3A_923 = arith.constant 0 : i32
          %lt3A_924 = arith.cmpi slt, %select_n3A_917, %lt3A_923 : i32
          %ne3A_925 = arith.xori %lt3A_922, %lt3A_924 : i1
          %and3A_926 = arith.andi %ne3A_925, %ne3A_920 : i1
          %add3A_927 = arith.addi %rem3A_918, %select_n3A_917 : i32
          %select_n3A_928 = arith.select %and3A_926, %add3A_927, %rem3A_918 : i32
          %jit3A_929 = arith.constant 16 : i32
          %div3A_930 = arith.divsi %add3A_201, %jit3A_929 : i32
          %sign3A_931 = arith.constant 0 : i32
          %sign3A_932 = arith.cmpi sgt, %add3A_201, %sign3A_931 : i32
          %sign3A_933 = arith.extui %sign3A_932 : i1 to i32
          %sign3A_934 = arith.constant 0 : i32
          %sign3A_935 = arith.cmpi slt, %add3A_201, %sign3A_934 : i32
          %sign3A_936 = arith.extui %sign3A_935 : i1 to i32
          %sign3A_937 = arith.subi %sign3A_933, %sign3A_936 : i32
          %sign3A_938 = arith.constant 0 : i32
          %sign3A_939 = arith.cmpi sgt, %jit3A_929, %sign3A_938 : i32
          %sign3A_940 = arith.extui %sign3A_939 : i1 to i32
          %sign3A_941 = arith.constant 0 : i32
          %sign3A_942 = arith.cmpi slt, %jit3A_929, %sign3A_941 : i32
          %sign3A_943 = arith.extui %sign3A_942 : i1 to i32
          %sign3A_944 = arith.subi %sign3A_940, %sign3A_943 : i32
          %ne3A_945 = arith.cmpi ne, %sign3A_937, %sign3A_944 : i32
          %rem3A_946 = arith.remsi %add3A_201, %jit3A_929 : i32
          %ne3A_947 = arith.constant 0 : i32
          %ne3A_948 = arith.cmpi ne, %rem3A_946, %ne3A_947 : i32
          %and3A_949 = arith.andi %ne3A_945, %ne3A_948 : i1
          %sub3A_950 = arith.constant 1 : i32
          %sub3A_951 = arith.subi %div3A_930, %sub3A_950 : i32
          %select_n3A_952 = arith.select %and3A_949, %sub3A_951, %div3A_930 : i32
          %jit3A_953 = arith.constant 16 : i32
          %eq3A_954 = arith.constant 0 : i32
          %eq3A_955 = arith.cmpi eq, %jit3A_953, %eq3A_954 : i32
          %jit3A_956 = arith.constant 1 : i32
          %select_n3A_957 = arith.select %eq3A_955, %jit3A_956, %jit3A_953 : i32
          %rem3A_958 = arith.remsi %add3A_201, %select_n3A_957 : i32
          %ne3A_959 = arith.constant 0 : i32
          %ne3A_960 = arith.cmpi ne, %rem3A_958, %ne3A_959 : i32
          %lt3A_961 = arith.constant 0 : i32
          %lt3A_962 = arith.cmpi slt, %rem3A_958, %lt3A_961 : i32
          %lt3A_963 = arith.constant 0 : i32
          %lt3A_964 = arith.cmpi slt, %select_n3A_957, %lt3A_963 : i32
          %ne3A_965 = arith.xori %lt3A_962, %lt3A_964 : i1
          %and3A_966 = arith.andi %ne3A_965, %ne3A_960 : i1
          %add3A_967 = arith.addi %rem3A_958, %select_n3A_957 : i32
          %select_n3A_968 = arith.select %and3A_966, %add3A_967, %rem3A_958 : i32
          %ne3A_969 = arith.cmpi ne, %select_n3A_912, %select_n3A_952 : i32
          %ne3A_970 = arith.cmpi ne, %select_n3A_928, %select_n3A_968 : i32
          %or3A_971 = arith.constant false
          %or3A_972 = arith.ori %or3A_971, %ne3A_969 : i1
          %or3A_973 = arith.ori %or3A_972, %ne3A_970 : i1
          %or3A_974 = arith.constant false
          %or3A_975 = arith.ori %or3A_973, %or3A_974 : i1
          %not3A_976 = arith.constant true
          %not3A_977 = arith.xori %eq3A_187, %not3A_976 : i1
          %and3A_978 = arith.andi %or3A_975, %not3A_977 : i1
          %convert_element_type3A_979 = arith.extui %and3A_978 : i1 to i32
          %cond3A_980 = arith.constant 0 : i32
          %cond3A_981 = arith.cmpi ne, %convert_element_type3A_979, %cond3A_980 : i32
          scf.if %cond3A_981 {
            %rem3A_1083 = arith.constant 2 : i32
            %rem3A_1084 = arith.remui %while3A_182, %rem3A_1083 : i32
            %jit3A_1085 = arith.constant 16 : i32
            %div3A_1086 = arith.divsi %add3A_201, %jit3A_1085 : i32
            %sign3A_1087 = arith.constant 0 : i32
            %sign3A_1088 = arith.cmpi sgt, %add3A_201, %sign3A_1087 : i32
            %sign3A_1089 = arith.extui %sign3A_1088 : i1 to i32
            %sign3A_1090 = arith.constant 0 : i32
            %sign3A_1091 = arith.cmpi slt, %add3A_201, %sign3A_1090 : i32
            %sign3A_1092 = arith.extui %sign3A_1091 : i1 to i32
            %sign3A_1093 = arith.subi %sign3A_1089, %sign3A_1092 : i32
            %sign3A_1094 = arith.constant 0 : i32
            %sign3A_1095 = arith.cmpi sgt, %jit3A_1085, %sign3A_1094 : i32
            %sign3A_1096 = arith.extui %sign3A_1095 : i1 to i32
            %sign3A_1097 = arith.constant 0 : i32
            %sign3A_1098 = arith.cmpi slt, %jit3A_1085, %sign3A_1097 : i32
            %sign3A_1099 = arith.extui %sign3A_1098 : i1 to i32
            %sign3A_1100 = arith.subi %sign3A_1096, %sign3A_1099 : i32
            %ne3A_1101 = arith.cmpi ne, %sign3A_1093, %sign3A_1100 : i32
            %rem3A_1102 = arith.remsi %add3A_201, %jit3A_1085 : i32
            %ne3A_1103 = arith.constant 0 : i32
            %ne3A_1104 = arith.cmpi ne, %rem3A_1102, %ne3A_1103 : i32
            %and3A_1105 = arith.andi %ne3A_1101, %ne3A_1104 : i1
            %sub3A_1106 = arith.constant 1 : i32
            %sub3A_1107 = arith.subi %div3A_1086, %sub3A_1106 : i32
            %select_n3A_1108 = arith.select %and3A_1105, %sub3A_1107, %div3A_1086 : i32
            %jit3A_1109 = arith.constant 16 : i32
            %eq3A_1110 = arith.constant 0 : i32
            %eq3A_1111 = arith.cmpi eq, %jit3A_1109, %eq3A_1110 : i32
            %jit3A_1112 = arith.constant 1 : i32
            %select_n3A_1113 = arith.select %eq3A_1111, %jit3A_1112, %jit3A_1109 : i32
            %rem3A_1114 = arith.remsi %add3A_201, %select_n3A_1113 : i32
            %ne3A_1115 = arith.constant 0 : i32
            %ne3A_1116 = arith.cmpi ne, %rem3A_1114, %ne3A_1115 : i32
            %lt3A_1117 = arith.constant 0 : i32
            %lt3A_1118 = arith.cmpi slt, %rem3A_1114, %lt3A_1117 : i32
            %lt3A_1119 = arith.constant 0 : i32
            %lt3A_1120 = arith.cmpi slt, %select_n3A_1113, %lt3A_1119 : i32
            %ne3A_1121 = arith.xori %lt3A_1118, %lt3A_1120 : i1
            %and3A_1122 = arith.andi %ne3A_1121, %ne3A_1116 : i1
            %add3A_1123 = arith.addi %rem3A_1114, %select_n3A_1113 : i32
            %select_n3A_1124 = arith.select %and3A_1122, %add3A_1123, %rem3A_1114 : i32
            %mul3A_1125 = arith.constant 8 : i32
            %mul3A_1126 = arith.muli %mul3A_1125, %select_n3A_1108 : i32
            %mul3A_1127 = arith.constant 32 : i32
            %mul3A_1128 = arith.muli %mul3A_1127, %select_n3A_1124 : i32
            %dma_wait3A = arith.constant 0 : i32
            %dma_wait3A_1129 = arith.constant 0 : i32
            %dma_wait3A_1130 = arith.constant 0 : i32
            %dma_wait3A_1131 = tpu.memref_slice %run_scoped3A_18[%rem3A_1084, %dma_wait3A, %dma_wait3A_1129, %dma_wait3A_1130] : memref<2x8x32x128xf32, #tpu.memory_space<vmem>> -> memref<1x8x32x128xf32, #tpu.memory_space<vmem>>
            %dma_wait3A_1132 = tpu.memref_squeeze %dma_wait3A_1131 : memref<1x8x32x128xf32, #tpu.memory_space<vmem>> -> memref<8x32x128xf32, #tpu.memory_space<vmem>>
            %dma_wait3A_1133 = arith.constant 0 : i32
            %dma_wait3A_1134 = tpu.memref_slice %arg4[%mul3A_1126, %mul3A_1128, %dma_wait3A_1133] : memref<200x512x128xf32, #tpu.memory_space<hbm>> -> memref<8x32x128xf32, #tpu.memory_space<hbm>>
            %dma_wait3A_1135 = tpu.memref_slice %run_scoped3A_19[%rem3A_1084] : memref<2x!tpu.dma_semaphore, #tpu.memory_space<semaphore_mem>> -> memref<1x!tpu.dma_semaphore, #tpu.memory_space<semaphore_mem>>
            %dma_wait3A_1136 = tpu.memref_squeeze %dma_wait3A_1135 : memref<1x!tpu.dma_semaphore, #tpu.memory_space<semaphore_mem>> -> memref<!tpu.dma_semaphore, #tpu.memory_space<semaphore_mem>>
            %dma_wait3A_1137 = arith.constant 0 : i32
            %dma_wait3A_1138 = tpu.memref_slice %arg4[%mul3A_1126, %mul3A_1128, %dma_wait3A_1137] : memref<200x512x128xf32, #tpu.memory_space<hbm>> -> memref<8x32x128xf32, #tpu.memory_space<hbm>>
            %dma_wait3A_1139 = arith.constant 0 : i32
            %dma_wait3A_1140 = arith.constant 0 : i32
            %dma_wait3A_1141 = arith.constant 0 : i32
            %dma_wait3A_1142 = tpu.memref_slice %run_scoped3A_18[%rem3A_1084, %dma_wait3A_1139, %dma_wait3A_1140, %dma_wait3A_1141] : memref<2x8x32x128xf32, #tpu.memory_space<vmem>> -> memref<1x8x32x128xf32, #tpu.memory_space<vmem>>
            %dma_wait3A_1143 = tpu.memref_squeeze %dma_wait3A_1142 : memref<1x8x32x128xf32, #tpu.memory_space<vmem>> -> memref<8x32x128xf32, #tpu.memory_space<vmem>>
            tpu.wait_dma2 semaphore(%dma_wait3A_1136 : memref<!tpu.dma_semaphore, #tpu.memory_space<semaphore_mem>>) src(%dma_wait3A_1143 : memref<8x32x128xf32, #tpu.memory_space<vmem>>) dst(%dma_wait3A_1138 : memref<8x32x128xf32, #tpu.memory_space<hbm>>)
          } else {
          }
          %and3A_982 = arith.constant true
          %and3A_983 = arith.andi %and3A_978, %and3A_982 : i1
          %add3A_984 = arith.constant 1 : i32
          %add3A_985 = arith.addi %while3A_182, %add3A_984 : i32
          %select_n3A_986 = arith.select %and3A_983, %add3A_985, %while3A_182 : i32
          %jit3A_987 = arith.constant 16 : i32
          %div3A_988 = arith.divsi %add3A_191, %jit3A_987 : i32
          %sign3A_989 = arith.constant 0 : i32
          %sign3A_990 = arith.cmpi sgt, %add3A_191, %sign3A_989 : i32
          %sign3A_991 = arith.extui %sign3A_990 : i1 to i32
          %sign3A_992 = arith.constant 0 : i32
          %sign3A_993 = arith.cmpi slt, %add3A_191, %sign3A_992 : i32
          %sign3A_994 = arith.extui %sign3A_993 : i1 to i32
          %sign3A_995 = arith.subi %sign3A_991, %sign3A_994 : i32
          %sign3A_996 = arith.constant 0 : i32
          %sign3A_997 = arith.cmpi sgt, %jit3A_987, %sign3A_996 : i32
          %sign3A_998 = arith.extui %sign3A_997 : i1 to i32
          %sign3A_999 = arith.constant 0 : i32
          %sign3A_1000 = arith.cmpi slt, %jit3A_987, %sign3A_999 : i32
          %sign3A_1001 = arith.extui %sign3A_1000 : i1 to i32
          %sign3A_1002 = arith.subi %sign3A_998, %sign3A_1001 : i32
          %ne3A_1003 = arith.cmpi ne, %sign3A_995, %sign3A_1002 : i32
          %rem3A_1004 = arith.remsi %add3A_191, %jit3A_987 : i32
          %ne3A_1005 = arith.constant 0 : i32
          %ne3A_1006 = arith.cmpi ne, %rem3A_1004, %ne3A_1005 : i32
          %and3A_1007 = arith.andi %ne3A_1003, %ne3A_1006 : i1
          %sub3A_1008 = arith.constant 1 : i32
          %sub3A_1009 = arith.subi %div3A_988, %sub3A_1008 : i32
          %select_n3A_1010 = arith.select %and3A_1007, %sub3A_1009, %div3A_988 : i32
          %jit3A_1011 = arith.constant 16 : i32
          %eq3A_1012 = arith.constant 0 : i32
          %eq3A_1013 = arith.cmpi eq, %jit3A_1011, %eq3A_1012 : i32
          %jit3A_1014 = arith.constant 1 : i32
          %select_n3A_1015 = arith.select %eq3A_1013, %jit3A_1014, %jit3A_1011 : i32
          %rem3A_1016 = arith.remsi %add3A_191, %select_n3A_1015 : i32
          %ne3A_1017 = arith.constant 0 : i32
          %ne3A_1018 = arith.cmpi ne, %rem3A_1016, %ne3A_1017 : i32
          %lt3A_1019 = arith.constant 0 : i32
          %lt3A_1020 = arith.cmpi slt, %rem3A_1016, %lt3A_1019 : i32
          %lt3A_1021 = arith.constant 0 : i32
          %lt3A_1022 = arith.cmpi slt, %select_n3A_1015, %lt3A_1021 : i32
          %ne3A_1023 = arith.xori %lt3A_1020, %lt3A_1022 : i1
          %and3A_1024 = arith.andi %ne3A_1023, %ne3A_1018 : i1
          %add3A_1025 = arith.addi %rem3A_1016, %select_n3A_1015 : i32
          %select_n3A_1026 = arith.select %and3A_1024, %add3A_1025, %rem3A_1016 : i32
          %jit3A_1027 = arith.constant 16 : i32
          %div3A_1028 = arith.divsi %add3A_209, %jit3A_1027 : i32
          %sign3A_1029 = arith.constant 0 : i32
          %sign3A_1030 = arith.cmpi sgt, %add3A_209, %sign3A_1029 : i32
          %sign3A_1031 = arith.extui %sign3A_1030 : i1 to i32
          %sign3A_1032 = arith.constant 0 : i32
          %sign3A_1033 = arith.cmpi slt, %add3A_209, %sign3A_1032 : i32
          %sign3A_1034 = arith.extui %sign3A_1033 : i1 to i32
          %sign3A_1035 = arith.subi %sign3A_1031, %sign3A_1034 : i32
          %sign3A_1036 = arith.constant 0 : i32
          %sign3A_1037 = arith.cmpi sgt, %jit3A_1027, %sign3A_1036 : i32
          %sign3A_1038 = arith.extui %sign3A_1037 : i1 to i32
          %sign3A_1039 = arith.constant 0 : i32
          %sign3A_1040 = arith.cmpi slt, %jit3A_1027, %sign3A_1039 : i32
          %sign3A_1041 = arith.extui %sign3A_1040 : i1 to i32
          %sign3A_1042 = arith.subi %sign3A_1038, %sign3A_1041 : i32
          %ne3A_1043 = arith.cmpi ne, %sign3A_1035, %sign3A_1042 : i32
          %rem3A_1044 = arith.remsi %add3A_209, %jit3A_1027 : i32
          %ne3A_1045 = arith.constant 0 : i32
          %ne3A_1046 = arith.cmpi ne, %rem3A_1044, %ne3A_1045 : i32
          %and3A_1047 = arith.andi %ne3A_1043, %ne3A_1046 : i1
          %sub3A_1048 = arith.constant 1 : i32
          %sub3A_1049 = arith.subi %div3A_1028, %sub3A_1048 : i32
          %select_n3A_1050 = arith.select %and3A_1047, %sub3A_1049, %div3A_1028 : i32
          %jit3A_1051 = arith.constant 16 : i32
          %eq3A_1052 = arith.constant 0 : i32
          %eq3A_1053 = arith.cmpi eq, %jit3A_1051, %eq3A_1052 : i32
          %jit3A_1054 = arith.constant 1 : i32
          %select_n3A_1055 = arith.select %eq3A_1053, %jit3A_1054, %jit3A_1051 : i32
          %rem3A_1056 = arith.remsi %add3A_209, %select_n3A_1055 : i32
          %ne3A_1057 = arith.constant 0 : i32
          %ne3A_1058 = arith.cmpi ne, %rem3A_1056, %ne3A_1057 : i32
          %lt3A_1059 = arith.constant 0 : i32
          %lt3A_1060 = arith.cmpi slt, %rem3A_1056, %lt3A_1059 : i32
          %lt3A_1061 = arith.constant 0 : i32
          %lt3A_1062 = arith.cmpi slt, %select_n3A_1055, %lt3A_1061 : i32
          %ne3A_1063 = arith.xori %lt3A_1060, %lt3A_1062 : i1
          %and3A_1064 = arith.andi %ne3A_1063, %ne3A_1058 : i1
          %add3A_1065 = arith.addi %rem3A_1056, %select_n3A_1055 : i32
          %select_n3A_1066 = arith.select %and3A_1064, %add3A_1065, %rem3A_1056 : i32
          %ne3A_1067 = arith.cmpi ne, %select_n3A_1010, %select_n3A_1050 : i32
          %ne3A_1068 = arith.cmpi ne, %select_n3A_1026, %select_n3A_1066 : i32
          %or3A_1069 = arith.constant false
          %or3A_1070 = arith.ori %or3A_1069, %ne3A_1067 : i1
          %or3A_1071 = arith.ori %or3A_1070, %ne3A_1068 : i1
          %or3A_1072 = arith.ori %or3A_1071, %eq3A_190 : i1
          %add3A_1073 = arith.constant 1 : i32
          %add3A_1074 = arith.addi %while3A_180, %add3A_1073 : i32
          %select_n3A_1075 = arith.select %or3A_1072, %add3A_1074, %while3A_180 : i32
          %add3A_1076 = arith.constant 1 : i32
          %add3A_1077 = arith.addi %while3A_183, %add3A_1076 : i32
          %select_n3A_1078 = arith.constant true
          %select_n3A_1079 = arith.select %select_n3A_1078, %add3A_1077, %while3A_183 : i32
          %eq3A_1080 = arith.cmpi eq, %select_n3A_1079, %select_n3A : i32
          %select_n3A_1081 = arith.constant 0 : i32
          %select_n3A_1082 = arith.select %eq3A_1080, %select_n3A_1081, %select_n3A_1079 : i32
          scf.yield %select_n3A_315, %select_n3A_1075, %select_n3A_795, %select_n3A_986, %select_n3A_1082 : i32, i32, i32, i32, i32
        }
        %while3A_125 = arith.constant 1 : i32
        %while3A_126:5 = scf.for %while3A_178 = %while3A_122 to %while3A_118 step %while3A_125 iter_args(%while3A_179 = %while3A_124#0, %while3A_180 = %while3A_124#1, %while3A_181 = %while3A_124#2, %while3A_182 = %while3A_124#3, %while3A_183 = %while3A_124#4) -> (i32, i32, i32, i32, i32)  : i32 {
          %mul3A_184 = arith.constant 1 : i32
          %mul3A_185 = arith.muli %mul3A_184, %select_n3A : i32
          %eq3A_186 = arith.constant 0 : i32
          %eq3A_187 = arith.cmpi eq, %while3A_178, %eq3A_186 : i32
          %sub3A_188 = arith.constant 1 : i32
          %sub3A_189 = arith.subi %mul3A_185, %sub3A_188 : i32
          %eq3A_190 = arith.cmpi eq, %while3A_178, %sub3A_189 : i32
          %add3A_191 = arith.addi %while3A_183, %select_n3A_14 : i32
          %sub3A_192 = arith.constant 1 : i32
          %sub3A_193 = arith.subi %while3A_183, %sub3A_192 : i32
          %select_n3A_194 = arith.constant true
          %select_n3A_195 = arith.select %select_n3A_194, %sub3A_193, %while3A_183 : i32
          %eq3A_196 = arith.constant -1 : i32
          %eq3A_197 = arith.cmpi eq, %select_n3A_195, %eq3A_196 : i32
          %sub3A_198 = arith.constant 1 : i32
          %sub3A_199 = arith.subi %select_n3A, %sub3A_198 : i32
          %select_n3A_200 = arith.select %eq3A_197, %sub3A_199, %select_n3A_195 : i32
          %add3A_201 = arith.addi %select_n3A_200, %select_n3A_14 : i32
          %add3A_202 = arith.constant 1 : i32
          %add3A_203 = arith.addi %while3A_183, %add3A_202 : i32
          %select_n3A_204 = arith.constant true
          %select_n3A_205 = arith.select %select_n3A_204, %add3A_203, %while3A_183 : i32
          %eq3A_206 = arith.cmpi eq, %select_n3A_205, %select_n3A : i32
          %select_n3A_207 = arith.constant 0 : i32
          %select_n3A_208 = arith.select %eq3A_206, %select_n3A_207, %select_n3A_205 : i32
          %add3A_209 = arith.addi %select_n3A_208, %select_n3A_14 : i32
          %add3A_210 = arith.constant 1 : i32
          %add3A_211 = arith.addi %select_n3A_208, %add3A_210 : i32
          %select_n3A_212 = arith.constant true
          %select_n3A_213 = arith.select %select_n3A_212, %add3A_211, %select_n3A_208 : i32
          %eq3A_214 = arith.cmpi eq, %select_n3A_213, %select_n3A : i32
          %select_n3A_215 = arith.constant 0 : i32
          %select_n3A_216 = arith.select %eq3A_214, %select_n3A_215, %select_n3A_213 : i32
          %add3A_217 = arith.addi %select_n3A_216, %select_n3A_14 : i32
          %jit3A_218 = arith.constant 16 : i32
          %div3A_219 = arith.divsi %add3A_191, %jit3A_218 : i32
          %sign3A_220 = arith.constant 0 : i32
          %sign3A_221 = arith.cmpi sgt, %add3A_191, %sign3A_220 : i32
          %sign3A_222 = arith.extui %sign3A_221 : i1 to i32
          %sign3A_223 = arith.constant 0 : i32
          %sign3A_224 = arith.cmpi slt, %add3A_191, %sign3A_223 : i32
          %sign3A_225 = arith.extui %sign3A_224 : i1 to i32
          %sign3A_226 = arith.subi %sign3A_222, %sign3A_225 : i32
          %sign3A_227 = arith.constant 0 : i32
          %sign3A_228 = arith.cmpi sgt, %jit3A_218, %sign3A_227 : i32
          %sign3A_229 = arith.extui %sign3A_228 : i1 to i32
          %sign3A_230 = arith.constant 0 : i32
          %sign3A_231 = arith.cmpi slt, %jit3A_218, %sign3A_230 : i32
          %sign3A_232 = arith.extui %sign3A_231 : i1 to i32
          %sign3A_233 = arith.subi %sign3A_229, %sign3A_232 : i32
          %ne3A_234 = arith.cmpi ne, %sign3A_226, %sign3A_233 : i32
          %rem3A_235 = arith.remsi %add3A_191, %jit3A_218 : i32
          %ne3A_236 = arith.constant 0 : i32
          %ne3A_237 = arith.cmpi ne, %rem3A_235, %ne3A_236 : i32
          %and3A_238 = arith.andi %ne3A_234, %ne3A_237 : i1
          %sub3A_239 = arith.constant 1 : i32
          %sub3A_240 = arith.subi %div3A_219, %sub3A_239 : i32
          %select_n3A_241 = arith.select %and3A_238, %sub3A_240, %div3A_219 : i32
          %jit3A_242 = arith.constant 16 : i32
          %eq3A_243 = arith.constant 0 : i32
          %eq3A_244 = arith.cmpi eq, %jit3A_242, %eq3A_243 : i32
          %jit3A_245 = arith.constant 1 : i32
          %select_n3A_246 = arith.select %eq3A_244, %jit3A_245, %jit3A_242 : i32
          %rem3A_247 = arith.remsi %add3A_191, %select_n3A_246 : i32
          %ne3A_248 = arith.constant 0 : i32
          %ne3A_249 = arith.cmpi ne, %rem3A_247, %ne3A_248 : i32
          %lt3A_250 = arith.constant 0 : i32
          %lt3A_251 = arith.cmpi slt, %rem3A_247, %lt3A_250 : i32
          %lt3A_252 = arith.constant 0 : i32
          %lt3A_253 = arith.cmpi slt, %select_n3A_246, %lt3A_252 : i32
          %ne3A_254 = arith.xori %lt3A_251, %lt3A_253 : i1
          %and3A_255 = arith.andi %ne3A_254, %ne3A_249 : i1
          %add3A_256 = arith.addi %rem3A_247, %select_n3A_246 : i32
          %select_n3A_257 = arith.select %and3A_255, %add3A_256, %rem3A_247 : i32
          %jit3A_258 = arith.constant 16 : i32
          %div3A_259 = arith.divsi %add3A_209, %jit3A_258 : i32
          %sign3A_260 = arith.constant 0 : i32
          %sign3A_261 = arith.cmpi sgt, %add3A_209, %sign3A_260 : i32
          %sign3A_262 = arith.extui %sign3A_261 : i1 to i32
          %sign3A_263 = arith.constant 0 : i32
          %sign3A_264 = arith.cmpi slt, %add3A_209, %sign3A_263 : i32
          %sign3A_265 = arith.extui %sign3A_264 : i1 to i32
          %sign3A_266 = arith.subi %sign3A_262, %sign3A_265 : i32
          %sign3A_267 = arith.constant 0 : i32
          %sign3A_268 = arith.cmpi sgt, %jit3A_258, %sign3A_267 : i32
          %sign3A_269 = arith.extui %sign3A_268 : i1 to i32
          %sign3A_270 = arith.constant 0 : i32
          %sign3A_271 = arith.cmpi slt, %jit3A_258, %sign3A_270 : i32
          %sign3A_272 = arith.extui %sign3A_271 : i1 to i32
          %sign3A_273 = arith.subi %sign3A_269, %sign3A_272 : i32
          %ne3A_274 = arith.cmpi ne, %sign3A_266, %sign3A_273 : i32
          %rem3A_275 = arith.remsi %add3A_209, %jit3A_258 : i32
          %ne3A_276 = arith.constant 0 : i32
          %ne3A_277 = arith.cmpi ne, %rem3A_275, %ne3A_276 : i32
          %and3A_278 = arith.andi %ne3A_274, %ne3A_277 : i1
          %sub3A_279 = arith.constant 1 : i32
          %sub3A_280 = arith.subi %div3A_259, %sub3A_279 : i32
          %select_n3A_281 = arith.select %and3A_278, %sub3A_280, %div3A_259 : i32
          %jit3A_282 = arith.constant 16 : i32
          %eq3A_283 = arith.constant 0 : i32
          %eq3A_284 = arith.cmpi eq, %jit3A_282, %eq3A_283 : i32
          %jit3A_285 = arith.constant 1 : i32
          %select_n3A_286 = arith.select %eq3A_284, %jit3A_285, %jit3A_282 : i32
          %rem3A_287 = arith.remsi %add3A_209, %select_n3A_286 : i32
          %ne3A_288 = arith.constant 0 : i32
          %ne3A_289 = arith.cmpi ne, %rem3A_287, %ne3A_288 : i32
          %lt3A_290 = arith.constant 0 : i32
          %lt3A_291 = arith.cmpi slt, %rem3A_287, %lt3A_290 : i32
          %lt3A_292 = arith.constant 0 : i32
          %lt3A_293 = arith.cmpi slt, %select_n3A_286, %lt3A_292 : i32
          %ne3A_294 = arith.xori %lt3A_291, %lt3A_293 : i1
          %and3A_295 = arith.andi %ne3A_294, %ne3A_289 : i1
          %add3A_296 = arith.addi %rem3A_287, %select_n3A_286 : i32
          %select_n3A_297 = arith.select %and3A_295, %add3A_296, %rem3A_287 : i32
          %ne3A_298 = arith.cmpi ne, %select_n3A_241, %select_n3A_281 : i32
          %ne3A_299 = arith.cmpi ne, %select_n3A_257, %select_n3A_297 : i32
          %or3A = arith.constant false
          %or3A_300 = arith.ori %or3A, %ne3A_298 : i1
          %or3A_301 = arith.ori %or3A_300, %ne3A_299 : i1
          %sub3A_302 = arith.constant 2 : i32
          %sub3A_303 = arith.subi %mul3A_185, %sub3A_302 : i32
          %add3A_304 = arith.constant 1 : i32
          %add3A_305 = arith.addi %sub3A_303, %add3A_304 : i32
          %ge3A = arith.cmpi sge, %while3A_178, %add3A_305 : i32
          %not3A = arith.constant true
          %not3A_306 = arith.xori %ge3A, %not3A : i1
          %and3A_307 = arith.andi %or3A_301, %not3A_306 : i1
          %convert_element_type3A_308 = arith.extui %and3A_307 : i1 to i32
          %cond3A_309 = arith.constant 0 : i32
          %cond3A_310 = arith.cmpi ne, %convert_element_type3A_308, %cond3A_309 : i32
          scf.if %cond3A_310 {
            %rem3A_1083 = arith.constant 2 : i32
            %rem3A_1084 = arith.remui %while3A_179, %rem3A_1083 : i32
            %jit3A_1085 = arith.constant 16 : i32
            %div3A_1086 = arith.divsi %add3A_209, %jit3A_1085 : i32
            %sign3A_1087 = arith.constant 0 : i32
            %sign3A_1088 = arith.cmpi sgt, %add3A_209, %sign3A_1087 : i32
            %sign3A_1089 = arith.extui %sign3A_1088 : i1 to i32
            %sign3A_1090 = arith.constant 0 : i32
            %sign3A_1091 = arith.cmpi slt, %add3A_209, %sign3A_1090 : i32
            %sign3A_1092 = arith.extui %sign3A_1091 : i1 to i32
            %sign3A_1093 = arith.subi %sign3A_1089, %sign3A_1092 : i32
            %sign3A_1094 = arith.constant 0 : i32
            %sign3A_1095 = arith.cmpi sgt, %jit3A_1085, %sign3A_1094 : i32
            %sign3A_1096 = arith.extui %sign3A_1095 : i1 to i32
            %sign3A_1097 = arith.constant 0 : i32
            %sign3A_1098 = arith.cmpi slt, %jit3A_1085, %sign3A_1097 : i32
            %sign3A_1099 = arith.extui %sign3A_1098 : i1 to i32
            %sign3A_1100 = arith.subi %sign3A_1096, %sign3A_1099 : i32
            %ne3A_1101 = arith.cmpi ne, %sign3A_1093, %sign3A_1100 : i32
            %rem3A_1102 = arith.remsi %add3A_209, %jit3A_1085 : i32
            %ne3A_1103 = arith.constant 0 : i32
            %ne3A_1104 = arith.cmpi ne, %rem3A_1102, %ne3A_1103 : i32
            %and3A_1105 = arith.andi %ne3A_1101, %ne3A_1104 : i1
            %sub3A_1106 = arith.constant 1 : i32
            %sub3A_1107 = arith.subi %div3A_1086, %sub3A_1106 : i32
            %select_n3A_1108 = arith.select %and3A_1105, %sub3A_1107, %div3A_1086 : i32
            %jit3A_1109 = arith.constant 16 : i32
            %eq3A_1110 = arith.constant 0 : i32
            %eq3A_1111 = arith.cmpi eq, %jit3A_1109, %eq3A_1110 : i32
            %jit3A_1112 = arith.constant 1 : i32
            %select_n3A_1113 = arith.select %eq3A_1111, %jit3A_1112, %jit3A_1109 : i32
            %rem3A_1114 = arith.remsi %add3A_209, %select_n3A_1113 : i32
            %ne3A_1115 = arith.constant 0 : i32
            %ne3A_1116 = arith.cmpi ne, %rem3A_1114, %ne3A_1115 : i32
            %lt3A_1117 = arith.constant 0 : i32
            %lt3A_1118 = arith.cmpi slt, %rem3A_1114, %lt3A_1117 : i32
            %lt3A_1119 = arith.constant 0 : i32
            %lt3A_1120 = arith.cmpi slt, %select_n3A_1113, %lt3A_1119 : i32
            %ne3A_1121 = arith.xori %lt3A_1118, %lt3A_1120 : i1
            %and3A_1122 = arith.andi %ne3A_1121, %ne3A_1116 : i1
            %add3A_1123 = arith.addi %rem3A_1114, %select_n3A_1113 : i32
            %select_n3A_1124 = arith.select %and3A_1122, %add3A_1123, %rem3A_1114 : i32
            %mul3A_1125 = arith.constant 8 : i32
            %mul3A_1126 = arith.muli %mul3A_1125, %select_n3A_1108 : i32
            %mul3A_1127 = arith.constant 1024 : i32
            %mul3A_1128 = arith.muli %mul3A_1127, %select_n3A_1124 : i32
            %dma_start3A_1129 = arith.constant 0 : i32
            %dma_start3A_1130 = arith.constant 0 : i32
            %dma_start3A_1131 = tpu.memref_slice %run_scoped3A[%rem3A_1084, %dma_start3A_1129, %dma_start3A_1130] : memref<2x8x1024xi32, #tpu.memory_space<vmem>> -> memref<1x8x1024xi32, #tpu.memory_space<vmem>>
            %dma_start3A_1132 = tpu.memref_squeeze %dma_start3A_1131 : memref<1x8x1024xi32, #tpu.memory_space<vmem>> -> memref<8x1024xi32, #tpu.memory_space<vmem>>
            %dma_start3A_1133 = tpu.memref_slice %arg2[%mul3A_1126, %mul3A_1128] : memref<200x16384xi32, #tpu.memory_space<hbm>> -> memref<8x1024xi32, #tpu.memory_space<hbm>>
            %dma_start3A_1134 = tpu.memref_slice %run_scoped3A_17[%rem3A_1084] : memref<2x!tpu.dma_semaphore, #tpu.memory_space<semaphore_mem>> -> memref<1x!tpu.dma_semaphore, #tpu.memory_space<semaphore_mem>>
            %dma_start3A_1135 = tpu.memref_squeeze %dma_start3A_1134 : memref<1x!tpu.dma_semaphore, #tpu.memory_space<semaphore_mem>> -> memref<!tpu.dma_semaphore, #tpu.memory_space<semaphore_mem>>
            %dma_start3A_1136 = arith.constant 0 : i32
            %dma_start3A_1137 = arith.constant 0 : i32
            %dma_start3A_1138 = tpu.memref_slice %run_scoped3A[%rem3A_1084, %dma_start3A_1136, %dma_start3A_1137] : memref<2x8x1024xi32, #tpu.memory_space<vmem>> -> memref<1x8x1024xi32, #tpu.memory_space<vmem>>
            %dma_start3A_1139 = tpu.memref_squeeze %dma_start3A_1138 : memref<1x8x1024xi32, #tpu.memory_space<vmem>> -> memref<8x1024xi32, #tpu.memory_space<vmem>>
            %dma_start3A_1140 = tpu.memref_slice %arg2[%mul3A_1126, %mul3A_1128] : memref<200x16384xi32, #tpu.memory_space<hbm>> -> memref<8x1024xi32, #tpu.memory_space<hbm>>
            tpu.enqueue_dma source(%dma_start3A_1140 : memref<8x1024xi32, #tpu.memory_space<hbm>>) target(%dma_start3A_1139 : memref<8x1024xi32, #tpu.memory_space<vmem>>) target_semaphore(%dma_start3A_1135 : memref<!tpu.dma_semaphore, #tpu.memory_space<semaphore_mem>>)
          } else {
          }
          %and3A_311 = arith.constant true
          %and3A_312 = arith.andi %and3A_307, %and3A_311 : i1
          %add3A_313 = arith.constant 1 : i32
          %add3A_314 = arith.addi %while3A_179, %add3A_313 : i32
          %select_n3A_315 = arith.select %and3A_312, %add3A_314, %while3A_179 : i32
          %jit3A_316 = arith.constant 16 : i32
          %div3A_317 = arith.divsi %add3A_191, %jit3A_316 : i32
          %sign3A_318 = arith.constant 0 : i32
          %sign3A_319 = arith.cmpi sgt, %add3A_191, %sign3A_318 : i32
          %sign3A_320 = arith.extui %sign3A_319 : i1 to i32
          %sign3A_321 = arith.constant 0 : i32
          %sign3A_322 = arith.cmpi slt, %add3A_191, %sign3A_321 : i32
          %sign3A_323 = arith.extui %sign3A_322 : i1 to i32
          %sign3A_324 = arith.subi %sign3A_320, %sign3A_323 : i32
          %sign3A_325 = arith.constant 0 : i32
          %sign3A_326 = arith.cmpi sgt, %jit3A_316, %sign3A_325 : i32
          %sign3A_327 = arith.extui %sign3A_326 : i1 to i32
          %sign3A_328 = arith.constant 0 : i32
          %sign3A_329 = arith.cmpi slt, %jit3A_316, %sign3A_328 : i32
          %sign3A_330 = arith.extui %sign3A_329 : i1 to i32
          %sign3A_331 = arith.subi %sign3A_327, %sign3A_330 : i32
          %ne3A_332 = arith.cmpi ne, %sign3A_324, %sign3A_331 : i32
          %rem3A_333 = arith.remsi %add3A_191, %jit3A_316 : i32
          %ne3A_334 = arith.constant 0 : i32
          %ne3A_335 = arith.cmpi ne, %rem3A_333, %ne3A_334 : i32
          %and3A_336 = arith.andi %ne3A_332, %ne3A_335 : i1
          %sub3A_337 = arith.constant 1 : i32
          %sub3A_338 = arith.subi %div3A_317, %sub3A_337 : i32
          %select_n3A_339 = arith.select %and3A_336, %sub3A_338, %div3A_317 : i32
          %jit3A_340 = arith.constant 16 : i32
          %eq3A_341 = arith.constant 0 : i32
          %eq3A_342 = arith.cmpi eq, %jit3A_340, %eq3A_341 : i32
          %jit3A_343 = arith.constant 1 : i32
          %select_n3A_344 = arith.select %eq3A_342, %jit3A_343, %jit3A_340 : i32
          %rem3A_345 = arith.remsi %add3A_191, %select_n3A_344 : i32
          %ne3A_346 = arith.constant 0 : i32
          %ne3A_347 = arith.cmpi ne, %rem3A_345, %ne3A_346 : i32
          %lt3A_348 = arith.constant 0 : i32
          %lt3A_349 = arith.cmpi slt, %rem3A_345, %lt3A_348 : i32
          %lt3A_350 = arith.constant 0 : i32
          %lt3A_351 = arith.cmpi slt, %select_n3A_344, %lt3A_350 : i32
          %ne3A_352 = arith.xori %lt3A_349, %lt3A_351 : i1
          %and3A_353 = arith.andi %ne3A_352, %ne3A_347 : i1
          %add3A_354 = arith.addi %rem3A_345, %select_n3A_344 : i32
          %select_n3A_355 = arith.select %and3A_353, %add3A_354, %rem3A_345 : i32
          %jit3A_356 = arith.constant 16 : i32
          %div3A_357 = arith.divsi %add3A_209, %jit3A_356 : i32
          %sign3A_358 = arith.constant 0 : i32
          %sign3A_359 = arith.cmpi sgt, %add3A_209, %sign3A_358 : i32
          %sign3A_360 = arith.extui %sign3A_359 : i1 to i32
          %sign3A_361 = arith.constant 0 : i32
          %sign3A_362 = arith.cmpi slt, %add3A_209, %sign3A_361 : i32
          %sign3A_363 = arith.extui %sign3A_362 : i1 to i32
          %sign3A_364 = arith.subi %sign3A_360, %sign3A_363 : i32
          %sign3A_365 = arith.constant 0 : i32
          %sign3A_366 = arith.cmpi sgt, %jit3A_356, %sign3A_365 : i32
          %sign3A_367 = arith.extui %sign3A_366 : i1 to i32
          %sign3A_368 = arith.constant 0 : i32
          %sign3A_369 = arith.cmpi slt, %jit3A_356, %sign3A_368 : i32
          %sign3A_370 = arith.extui %sign3A_369 : i1 to i32
          %sign3A_371 = arith.subi %sign3A_367, %sign3A_370 : i32
          %ne3A_372 = arith.cmpi ne, %sign3A_364, %sign3A_371 : i32
          %rem3A_373 = arith.remsi %add3A_209, %jit3A_356 : i32
          %ne3A_374 = arith.constant 0 : i32
          %ne3A_375 = arith.cmpi ne, %rem3A_373, %ne3A_374 : i32
          %and3A_376 = arith.andi %ne3A_372, %ne3A_375 : i1
          %sub3A_377 = arith.constant 1 : i32
          %sub3A_378 = arith.subi %div3A_357, %sub3A_377 : i32
          %select_n3A_379 = arith.select %and3A_376, %sub3A_378, %div3A_357 : i32
          %jit3A_380 = arith.constant 16 : i32
          %eq3A_381 = arith.constant 0 : i32
          %eq3A_382 = arith.cmpi eq, %jit3A_380, %eq3A_381 : i32
          %jit3A_383 = arith.constant 1 : i32
          %select_n3A_384 = arith.select %eq3A_382, %jit3A_383, %jit3A_380 : i32
          %rem3A_385 = arith.remsi %add3A_209, %select_n3A_384 : i32
          %ne3A_386 = arith.constant 0 : i32
          %ne3A_387 = arith.cmpi ne, %rem3A_385, %ne3A_386 : i32
          %lt3A_388 = arith.constant 0 : i32
          %lt3A_389 = arith.cmpi slt, %rem3A_385, %lt3A_388 : i32
          %lt3A_390 = arith.constant 0 : i32
          %lt3A_391 = arith.cmpi slt, %select_n3A_384, %lt3A_390 : i32
          %ne3A_392 = arith.xori %lt3A_389, %lt3A_391 : i1
          %and3A_393 = arith.andi %ne3A_392, %ne3A_387 : i1
          %add3A_394 = arith.addi %rem3A_385, %select_n3A_384 : i32
          %select_n3A_395 = arith.select %and3A_393, %add3A_394, %rem3A_385 : i32
          %ne3A_396 = arith.cmpi ne, %select_n3A_339, %select_n3A_379 : i32
          %ne3A_397 = arith.cmpi ne, %select_n3A_355, %select_n3A_395 : i32
          %or3A_398 = arith.constant false
          %or3A_399 = arith.ori %or3A_398, %ne3A_396 : i1
          %or3A_400 = arith.ori %or3A_399, %ne3A_397 : i1
          %or3A_401 = arith.constant false
          %or3A_402 = arith.ori %or3A_400, %or3A_401 : i1
          %sub3A_403 = arith.constant 2 : i32
          %sub3A_404 = arith.subi %mul3A_185, %sub3A_403 : i32
          %add3A_405 = arith.constant 1 : i32
          %add3A_406 = arith.addi %sub3A_404, %add3A_405 : i32
          %ge3A_407 = arith.cmpi sge, %while3A_178, %add3A_406 : i32
          %not3A_408 = arith.constant true
          %not3A_409 = arith.xori %ge3A_407, %not3A_408 : i1
          %and3A_410 = arith.andi %or3A_402, %not3A_409 : i1
          %jit3A_411 = arith.constant 16 : i32
          %div3A_412 = arith.divsi %add3A_191, %jit3A_411 : i32
          %sign3A_413 = arith.constant 0 : i32
          %sign3A_414 = arith.cmpi sgt, %add3A_191, %sign3A_413 : i32
          %sign3A_415 = arith.extui %sign3A_414 : i1 to i32
          %sign3A_416 = arith.constant 0 : i32
          %sign3A_417 = arith.cmpi slt, %add3A_191, %sign3A_416 : i32
          %sign3A_418 = arith.extui %sign3A_417 : i1 to i32
          %sign3A_419 = arith.subi %sign3A_415, %sign3A_418 : i32
          %sign3A_420 = arith.constant 0 : i32
          %sign3A_421 = arith.cmpi sgt, %jit3A_411, %sign3A_420 : i32
          %sign3A_422 = arith.extui %sign3A_421 : i1 to i32
          %sign3A_423 = arith.constant 0 : i32
          %sign3A_424 = arith.cmpi slt, %jit3A_411, %sign3A_423 : i32
          %sign3A_425 = arith.extui %sign3A_424 : i1 to i32
          %sign3A_426 = arith.subi %sign3A_422, %sign3A_425 : i32
          %ne3A_427 = arith.cmpi ne, %sign3A_419, %sign3A_426 : i32
          %rem3A_428 = arith.remsi %add3A_191, %jit3A_411 : i32
          %ne3A_429 = arith.constant 0 : i32
          %ne3A_430 = arith.cmpi ne, %rem3A_428, %ne3A_429 : i32
          %and3A_431 = arith.andi %ne3A_427, %ne3A_430 : i1
          %sub3A_432 = arith.constant 1 : i32
          %sub3A_433 = arith.subi %div3A_412, %sub3A_432 : i32
          %select_n3A_434 = arith.select %and3A_431, %sub3A_433, %div3A_412 : i32
          %jit3A_435 = arith.constant 16 : i32
          %eq3A_436 = arith.constant 0 : i32
          %eq3A_437 = arith.cmpi eq, %jit3A_435, %eq3A_436 : i32
          %jit3A_438 = arith.constant 1 : i32
          %select_n3A_439 = arith.select %eq3A_437, %jit3A_438, %jit3A_435 : i32
          %rem3A_440 = arith.remsi %add3A_191, %select_n3A_439 : i32
          %ne3A_441 = arith.constant 0 : i32
          %ne3A_442 = arith.cmpi ne, %rem3A_440, %ne3A_441 : i32
          %lt3A_443 = arith.constant 0 : i32
          %lt3A_444 = arith.cmpi slt, %rem3A_440, %lt3A_443 : i32
          %lt3A_445 = arith.constant 0 : i32
          %lt3A_446 = arith.cmpi slt, %select_n3A_439, %lt3A_445 : i32
          %ne3A_447 = arith.xori %lt3A_444, %lt3A_446 : i1
          %and3A_448 = arith.andi %ne3A_447, %ne3A_442 : i1
          %add3A_449 = arith.addi %rem3A_440, %select_n3A_439 : i32
          %select_n3A_450 = arith.select %and3A_448, %add3A_449, %rem3A_440 : i32
          %jit3A_451 = arith.constant 16 : i32
          %div3A_452 = arith.divsi %add3A_201, %jit3A_451 : i32
          %sign3A_453 = arith.constant 0 : i32
          %sign3A_454 = arith.cmpi sgt, %add3A_201, %sign3A_453 : i32
          %sign3A_455 = arith.extui %sign3A_454 : i1 to i32
          %sign3A_456 = arith.constant 0 : i32
          %sign3A_457 = arith.cmpi slt, %add3A_201, %sign3A_456 : i32
          %sign3A_458 = arith.extui %sign3A_457 : i1 to i32
          %sign3A_459 = arith.subi %sign3A_455, %sign3A_458 : i32
          %sign3A_460 = arith.constant 0 : i32
          %sign3A_461 = arith.cmpi sgt, %jit3A_451, %sign3A_460 : i32
          %sign3A_462 = arith.extui %sign3A_461 : i1 to i32
          %sign3A_463 = arith.constant 0 : i32
          %sign3A_464 = arith.cmpi slt, %jit3A_451, %sign3A_463 : i32
          %sign3A_465 = arith.extui %sign3A_464 : i1 to i32
          %sign3A_466 = arith.subi %sign3A_462, %sign3A_465 : i32
          %ne3A_467 = arith.cmpi ne, %sign3A_459, %sign3A_466 : i32
          %rem3A_468 = arith.remsi %add3A_201, %jit3A_451 : i32
          %ne3A_469 = arith.constant 0 : i32
          %ne3A_470 = arith.cmpi ne, %rem3A_468, %ne3A_469 : i32
          %and3A_471 = arith.andi %ne3A_467, %ne3A_470 : i1
          %sub3A_472 = arith.constant 1 : i32
          %sub3A_473 = arith.subi %div3A_452, %sub3A_472 : i32
          %select_n3A_474 = arith.select %and3A_471, %sub3A_473, %div3A_452 : i32
          %jit3A_475 = arith.constant 16 : i32
          %eq3A_476 = arith.constant 0 : i32
          %eq3A_477 = arith.cmpi eq, %jit3A_475, %eq3A_476 : i32
          %jit3A_478 = arith.constant 1 : i32
          %select_n3A_479 = arith.select %eq3A_477, %jit3A_478, %jit3A_475 : i32
          %rem3A_480 = arith.remsi %add3A_201, %select_n3A_479 : i32
          %ne3A_481 = arith.constant 0 : i32
          %ne3A_482 = arith.cmpi ne, %rem3A_480, %ne3A_481 : i32
          %lt3A_483 = arith.constant 0 : i32
          %lt3A_484 = arith.cmpi slt, %rem3A_480, %lt3A_483 : i32
          %lt3A_485 = arith.constant 0 : i32
          %lt3A_486 = arith.cmpi slt, %select_n3A_479, %lt3A_485 : i32
          %ne3A_487 = arith.xori %lt3A_484, %lt3A_486 : i1
          %and3A_488 = arith.andi %ne3A_487, %ne3A_482 : i1
          %add3A_489 = arith.addi %rem3A_480, %select_n3A_479 : i32
          %select_n3A_490 = arith.select %and3A_488, %add3A_489, %rem3A_480 : i32
          %ne3A_491 = arith.cmpi ne, %select_n3A_434, %select_n3A_474 : i32
          %ne3A_492 = arith.cmpi ne, %select_n3A_450, %select_n3A_490 : i32
          %or3A_493 = arith.constant false
          %or3A_494 = arith.ori %or3A_493, %ne3A_491 : i1
          %or3A_495 = arith.ori %or3A_494, %ne3A_492 : i1
          %or3A_496 = arith.ori %or3A_495, %eq3A_187 : i1
          %convert_element_type3A_497 = arith.extui %or3A_496 : i1 to i32
          %cond3A_498 = arith.constant 0 : i32
          %cond3A_499 = arith.cmpi ne, %convert_element_type3A_497, %cond3A_498 : i32
          scf.if %cond3A_499 {
            %jit3A_1083 = arith.constant 16 : i32
            %div3A_1084 = arith.divsi %add3A_191, %jit3A_1083 : i32
            %sign3A_1085 = arith.constant 0 : i32
            %sign3A_1086 = arith.cmpi sgt, %add3A_191, %sign3A_1085 : i32
            %sign3A_1087 = arith.extui %sign3A_1086 : i1 to i32
            %sign3A_1088 = arith.constant 0 : i32
            %sign3A_1089 = arith.cmpi slt, %add3A_191, %sign3A_1088 : i32
            %sign3A_1090 = arith.extui %sign3A_1089 : i1 to i32
            %sign3A_1091 = arith.subi %sign3A_1087, %sign3A_1090 : i32
            %sign3A_1092 = arith.constant 0 : i32
            %sign3A_1093 = arith.cmpi sgt, %jit3A_1083, %sign3A_1092 : i32
            %sign3A_1094 = arith.extui %sign3A_1093 : i1 to i32
            %sign3A_1095 = arith.constant 0 : i32
            %sign3A_1096 = arith.cmpi slt, %jit3A_1083, %sign3A_1095 : i32
            %sign3A_1097 = arith.extui %sign3A_1096 : i1 to i32
            %sign3A_1098 = arith.subi %sign3A_1094, %sign3A_1097 : i32
            %ne3A_1099 = arith.cmpi ne, %sign3A_1091, %sign3A_1098 : i32
            %rem3A_1100 = arith.remsi %add3A_191, %jit3A_1083 : i32
            %ne3A_1101 = arith.constant 0 : i32
            %ne3A_1102 = arith.cmpi ne, %rem3A_1100, %ne3A_1101 : i32
            %and3A_1103 = arith.andi %ne3A_1099, %ne3A_1102 : i1
            %sub3A_1104 = arith.constant 1 : i32
            %sub3A_1105 = arith.subi %div3A_1084, %sub3A_1104 : i32
            %select_n3A_1106 = arith.select %and3A_1103, %sub3A_1105, %div3A_1084 : i32
            %jit3A_1107 = arith.constant 16 : i32
            %eq3A_1108 = arith.constant 0 : i32
            %eq3A_1109 = arith.cmpi eq, %jit3A_1107, %eq3A_1108 : i32
            %jit3A_1110 = arith.constant 1 : i32
            %select_n3A_1111 = arith.select %eq3A_1109, %jit3A_1110, %jit3A_1107 : i32
            %rem3A_1112 = arith.remsi %add3A_191, %select_n3A_1111 : i32
            %ne3A_1113 = arith.constant 0 : i32
            %ne3A_1114 = arith.cmpi ne, %rem3A_1112, %ne3A_1113 : i32
            %lt3A_1115 = arith.constant 0 : i32
            %lt3A_1116 = arith.cmpi slt, %rem3A_1112, %lt3A_1115 : i32
            %lt3A_1117 = arith.constant 0 : i32
            %lt3A_1118 = arith.cmpi slt, %select_n3A_1111, %lt3A_1117 : i32
            %ne3A_1119 = arith.xori %lt3A_1116, %lt3A_1118 : i1
            %and3A_1120 = arith.andi %ne3A_1119, %ne3A_1114 : i1
            %add3A_1121 = arith.addi %rem3A_1112, %select_n3A_1111 : i32
            %select_n3A_1122 = arith.select %and3A_1120, %add3A_1121, %rem3A_1112 : i32
            %mul3A_1123 = arith.constant 8 : i32
            %mul3A_1124 = arith.muli %mul3A_1123, %select_n3A_1106 : i32
            %mul3A_1125 = arith.constant 1024 : i32
            %mul3A_1126 = arith.muli %mul3A_1125, %select_n3A_1122 : i32
            %rem3A_1127 = arith.constant 2 : i32
            %rem3A_1128 = arith.remui %while3A_180, %rem3A_1127 : i32
            %dma_wait3A = arith.constant 0 : i32
            %dma_wait3A_1129 = arith.constant 0 : i32
            %dma_wait3A_1130 = tpu.memref_slice %run_scoped3A[%rem3A_1128, %dma_wait3A, %dma_wait3A_1129] : memref<2x8x1024xi32, #tpu.memory_space<vmem>> -> memref<1x8x1024xi32, #tpu.memory_space<vmem>>
            %dma_wait3A_1131 = tpu.memref_squeeze %dma_wait3A_1130 : memref<1x8x1024xi32, #tpu.memory_space<vmem>> -> memref<8x1024xi32, #tpu.memory_space<vmem>>
            %dma_wait3A_1132 = tpu.memref_slice %arg2[%mul3A_1124, %mul3A_1126] : memref<200x16384xi32, #tpu.memory_space<hbm>> -> memref<8x1024xi32, #tpu.memory_space<hbm>>
            %dma_wait3A_1133 = tpu.memref_slice %run_scoped3A_17[%rem3A_1128] : memref<2x!tpu.dma_semaphore, #tpu.memory_space<semaphore_mem>> -> memref<1x!tpu.dma_semaphore, #tpu.memory_space<semaphore_mem>>
            %dma_wait3A_1134 = tpu.memref_squeeze %dma_wait3A_1133 : memref<1x!tpu.dma_semaphore, #tpu.memory_space<semaphore_mem>> -> memref<!tpu.dma_semaphore, #tpu.memory_space<semaphore_mem>>
            %dma_wait3A_1135 = arith.constant 0 : i32
            %dma_wait3A_1136 = arith.constant 0 : i32
            %dma_wait3A_1137 = tpu.memref_slice %run_scoped3A[%rem3A_1128, %dma_wait3A_1135, %dma_wait3A_1136] : memref<2x8x1024xi32, #tpu.memory_space<vmem>> -> memref<1x8x1024xi32, #tpu.memory_space<vmem>>
            %dma_wait3A_1138 = tpu.memref_squeeze %dma_wait3A_1137 : memref<1x8x1024xi32, #tpu.memory_space<vmem>> -> memref<8x1024xi32, #tpu.memory_space<vmem>>
            %dma_wait3A_1139 = tpu.memref_slice %arg2[%mul3A_1124, %mul3A_1126] : memref<200x16384xi32, #tpu.memory_space<hbm>> -> memref<8x1024xi32, #tpu.memory_space<hbm>>
            tpu.wait_dma2 semaphore(%dma_wait3A_1134 : memref<!tpu.dma_semaphore, #tpu.memory_space<semaphore_mem>>) src(%dma_wait3A_1139 : memref<8x1024xi32, #tpu.memory_space<hbm>>) dst(%dma_wait3A_1138 : memref<8x1024xi32, #tpu.memory_space<vmem>>)
          } else {
          }
          %jit3A_500 = arith.constant 16 : i32
          %div3A_501 = arith.divsi %add3A_191, %jit3A_500 : i32
          %sign3A_502 = arith.constant 0 : i32
          %sign3A_503 = arith.cmpi sgt, %add3A_191, %sign3A_502 : i32
          %sign3A_504 = arith.extui %sign3A_503 : i1 to i32
          %sign3A_505 = arith.constant 0 : i32
          %sign3A_506 = arith.cmpi slt, %add3A_191, %sign3A_505 : i32
          %sign3A_507 = arith.extui %sign3A_506 : i1 to i32
          %sign3A_508 = arith.subi %sign3A_504, %sign3A_507 : i32
          %sign3A_509 = arith.constant 0 : i32
          %sign3A_510 = arith.cmpi sgt, %jit3A_500, %sign3A_509 : i32
          %sign3A_511 = arith.extui %sign3A_510 : i1 to i32
          %sign3A_512 = arith.constant 0 : i32
          %sign3A_513 = arith.cmpi slt, %jit3A_500, %sign3A_512 : i32
          %sign3A_514 = arith.extui %sign3A_513 : i1 to i32
          %sign3A_515 = arith.subi %sign3A_511, %sign3A_514 : i32
          %ne3A_516 = arith.cmpi ne, %sign3A_508, %sign3A_515 : i32
          %rem3A_517 = arith.remsi %add3A_191, %jit3A_500 : i32
          %ne3A_518 = arith.constant 0 : i32
          %ne3A_519 = arith.cmpi ne, %rem3A_517, %ne3A_518 : i32
          %and3A_520 = arith.andi %ne3A_516, %ne3A_519 : i1
          %sub3A_521 = arith.constant 1 : i32
          %sub3A_522 = arith.subi %div3A_501, %sub3A_521 : i32
          %select_n3A_523 = arith.select %and3A_520, %sub3A_522, %div3A_501 : i32
          %jit3A_524 = arith.constant 16 : i32
          %eq3A_525 = arith.constant 0 : i32
          %eq3A_526 = arith.cmpi eq, %jit3A_524, %eq3A_525 : i32
          %jit3A_527 = arith.constant 1 : i32
          %select_n3A_528 = arith.select %eq3A_526, %jit3A_527, %jit3A_524 : i32
          %rem3A_529 = arith.remsi %add3A_191, %select_n3A_528 : i32
          %ne3A_530 = arith.constant 0 : i32
          %ne3A_531 = arith.cmpi ne, %rem3A_529, %ne3A_530 : i32
          %lt3A_532 = arith.constant 0 : i32
          %lt3A_533 = arith.cmpi slt, %rem3A_529, %lt3A_532 : i32
          %lt3A_534 = arith.constant 0 : i32
          %lt3A_535 = arith.cmpi slt, %select_n3A_528, %lt3A_534 : i32
          %ne3A_536 = arith.xori %lt3A_533, %lt3A_535 : i1
          %and3A_537 = arith.andi %ne3A_536, %ne3A_531 : i1
          %add3A_538 = arith.addi %rem3A_529, %select_n3A_528 : i32
          %select_n3A_539 = arith.select %and3A_537, %add3A_538, %rem3A_529 : i32
          %jit3A_540 = arith.constant 16 : i32
          %div3A_541 = arith.divsi %add3A_201, %jit3A_540 : i32
          %sign3A_542 = arith.constant 0 : i32
          %sign3A_543 = arith.cmpi sgt, %add3A_201, %sign3A_542 : i32
          %sign3A_544 = arith.extui %sign3A_543 : i1 to i32
          %sign3A_545 = arith.constant 0 : i32
          %sign3A_546 = arith.cmpi slt, %add3A_201, %sign3A_545 : i32
          %sign3A_547 = arith.extui %sign3A_546 : i1 to i32
          %sign3A_548 = arith.subi %sign3A_544, %sign3A_547 : i32
          %sign3A_549 = arith.constant 0 : i32
          %sign3A_550 = arith.cmpi sgt, %jit3A_540, %sign3A_549 : i32
          %sign3A_551 = arith.extui %sign3A_550 : i1 to i32
          %sign3A_552 = arith.constant 0 : i32
          %sign3A_553 = arith.cmpi slt, %jit3A_540, %sign3A_552 : i32
          %sign3A_554 = arith.extui %sign3A_553 : i1 to i32
          %sign3A_555 = arith.subi %sign3A_551, %sign3A_554 : i32
          %ne3A_556 = arith.cmpi ne, %sign3A_548, %sign3A_555 : i32
          %rem3A_557 = arith.remsi %add3A_201, %jit3A_540 : i32
          %ne3A_558 = arith.constant 0 : i32
          %ne3A_559 = arith.cmpi ne, %rem3A_557, %ne3A_558 : i32
          %and3A_560 = arith.andi %ne3A_556, %ne3A_559 : i1
          %sub3A_561 = arith.constant 1 : i32
          %sub3A_562 = arith.subi %div3A_541, %sub3A_561 : i32
          %select_n3A_563 = arith.select %and3A_560, %sub3A_562, %div3A_541 : i32
          %jit3A_564 = arith.constant 16 : i32
          %eq3A_565 = arith.constant 0 : i32
          %eq3A_566 = arith.cmpi eq, %jit3A_564, %eq3A_565 : i32
          %jit3A_567 = arith.constant 1 : i32
          %select_n3A_568 = arith.select %eq3A_566, %jit3A_567, %jit3A_564 : i32
          %rem3A_569 = arith.remsi %add3A_201, %select_n3A_568 : i32
          %ne3A_570 = arith.constant 0 : i32
          %ne3A_571 = arith.cmpi ne, %rem3A_569, %ne3A_570 : i32
          %lt3A_572 = arith.constant 0 : i32
          %lt3A_573 = arith.cmpi slt, %rem3A_569, %lt3A_572 : i32
          %lt3A_574 = arith.constant 0 : i32
          %lt3A_575 = arith.cmpi slt, %select_n3A_568, %lt3A_574 : i32
          %ne3A_576 = arith.xori %lt3A_573, %lt3A_575 : i1
          %and3A_577 = arith.andi %ne3A_576, %ne3A_571 : i1
          %add3A_578 = arith.addi %rem3A_569, %select_n3A_568 : i32
          %select_n3A_579 = arith.select %and3A_577, %add3A_578, %rem3A_569 : i32
          %ne3A_580 = arith.cmpi ne, %select_n3A_523, %select_n3A_563 : i32
          %ne3A_581 = arith.cmpi ne, %select_n3A_539, %select_n3A_579 : i32
          %or3A_582 = arith.constant false
          %or3A_583 = arith.ori %or3A_582, %ne3A_580 : i1
          %or3A_584 = arith.ori %or3A_583, %ne3A_581 : i1
          %or3A_585 = arith.constant false
          %or3A_586 = arith.ori %or3A_584, %or3A_585 : i1
          %or3A_587 = arith.ori %or3A_586, %eq3A_187 : i1
          %convert_element_type3A_588 = arith.extui %or3A_587 : i1 to i32
          %cond3A_589 = arith.constant 0 : i32
          %cond3A_590 = arith.cmpi ne, %convert_element_type3A_588, %cond3A_589 : i32
          scf.if %cond3A_590 {
          } else {
          }
          %rem3A_591 = arith.constant 2 : i32
          %rem3A_592 = arith.remui %while3A_180, %rem3A_591 : i32
          %rem3A_593 = arith.constant 2 : i32
          %rem3A_594 = arith.remui %while3A_181, %rem3A_593 : i32
          %iota3A = tpu.iota {dimensions = array<i32: 0>} : vector<16xi32>
          %add3A_595 = arith.constant 0 : i32
          %add3A_596 = vector.broadcast %add3A_595 : i32 to vector<16xi32>
          %add3A_597 = arith.addi %iota3A, %add3A_596 : vector<16xi32>
          %add3A_598 = arith.constant 16 : i32
          %add3A_599 = vector.broadcast %add3A_598 : i32 to vector<16xi32>
          %add3A_600 = arith.addi %iota3A, %add3A_599 : vector<16xi32>
          %add3A_601 = arith.constant 32 : i32
          %add3A_602 = vector.broadcast %add3A_601 : i32 to vector<16xi32>
          %add3A_603 = arith.addi %iota3A, %add3A_602 : vector<16xi32>
          %add3A_604 = arith.constant 48 : i32
          %add3A_605 = vector.broadcast %add3A_604 : i32 to vector<16xi32>
          %add3A_606 = arith.addi %iota3A, %add3A_605 : vector<16xi32>
          %parallel_loop3A = arith.constant 0 : i32
          %parallel_loop3A_607 = arith.constant 8 : i32
          %parallel_loop3A_608 = arith.constant 1 : i32
          scf.for %parallel_loop3A_1083 = %parallel_loop3A to %parallel_loop3A_607 step %parallel_loop3A_608  : i32 {
            %parallel_loop3A_1084 = arith.constant 0 : i32
            %parallel_loop3A_1085 = arith.constant 8 : i32
            %parallel_loop3A_1086 = arith.constant 1 : i32
            scf.for %parallel_loop3A_1087 = %parallel_loop3A_1084 to %parallel_loop3A_1085 step %parallel_loop3A_1086  : i32 {
              %parallel_loop3A_1088 = arith.constant 128 : i32
              %parallel_loop3A_1089 = arith.muli %parallel_loop3A_1087, %parallel_loop3A_1088 : i32
              %parallel_loop3A_1090 = arith.constant 0 : i32
              %parallel_loop3A_1091 = arith.addi %parallel_loop3A_1089, %parallel_loop3A_1090 : i32
              %parallel_loop3A_1092 = arith.constant 0 : i32
              %parallel_loop3A_1093 = arith.constant 0 : i32
              %parallel_loop3A_1094 = tpu.memref_slice %run_scoped3A[%rem3A_592, %parallel_loop3A_1092, %parallel_loop3A_1093] : memref<2x8x1024xi32, #tpu.memory_space<vmem>> -> memref<1x8x1024xi32, #tpu.memory_space<vmem>>
              %parallel_loop3A_1095 = tpu.memref_squeeze %parallel_loop3A_1094 : memref<1x8x1024xi32, #tpu.memory_space<vmem>> -> memref<8x1024xi32, #tpu.memory_space<vmem>>
              %parallel_loop3A_1096 = arith.index_cast %parallel_loop3A_1083 : i32 to index
              %parallel_loop3A_1097 = arith.index_cast %parallel_loop3A_1091 : i32 to index
              %parallel_loop3A_1098 = tpu.vector_load %parallel_loop3A_1095[%parallel_loop3A_1096, %parallel_loop3A_1097] {strides = array<i32>} : memref<8x1024xi32, #tpu.memory_space<vmem>>, vector<16xi32>,
              %parallel_loop3A_1099 = arith.constant 64 : i32
              %parallel_loop3A_1100 = vector.broadcast %parallel_loop3A_1099 : i32 to vector<16xi32>
              %parallel_loop3A_1101 = arith.muli %parallel_loop3A_1098, %parallel_loop3A_1100 : vector<16xi32>
              %parallel_loop3A_1102 = arith.addi %parallel_loop3A_1101, %add3A_597 : vector<16xi32>
              %parallel_loop3A_1103 = tpu.vector_load_idx %arg5[%parallel_loop3A_1102] : memref<576xf32, #tpu.memory_space<vmem>>[vector<16xi32>], vector<16xf32>,
              %parallel_loop3A_1104 = arith.constant 4 : i32
              %parallel_loop3A_1105 = arith.muli %parallel_loop3A_1087, %parallel_loop3A_1104 : i32
              %parallel_loop3A_1106 = arith.constant 0 : i32
              %parallel_loop3A_1107 = arith.addi %parallel_loop3A_1105, %parallel_loop3A_1106 : i32
              %parallel_loop3A_1108 = arith.constant 0 : i32
              %parallel_loop3A_1109 = arith.constant 0 : i32
              %parallel_loop3A_1110 = arith.constant 0 : i32
              %parallel_loop3A_1111 = tpu.memref_slice %run_scoped3A_18[%rem3A_594, %parallel_loop3A_1108, %parallel_loop3A_1109, %parallel_loop3A_1110] : memref<2x8x32x128xf32, #tpu.memory_space<vmem>> -> memref<1x8x32x128xf32, #tpu.memory_space<vmem>>
              %parallel_loop3A_1112 = tpu.memref_squeeze %parallel_loop3A_1111 : memref<1x8x32x128xf32, #tpu.memory_space<vmem>> -> memref<8x32x128xf32, #tpu.memory_space<vmem>>
              %parallel_loop3A_1113 = arith.index_cast %parallel_loop3A_1083 : i32 to index
              %parallel_loop3A_1114 = arith.index_cast %parallel_loop3A_1107 : i32 to index
              %parallel_loop3A_1115 = arith.constant 0 : index
              %parallel_loop3A_1116 = tpu.vector_load %parallel_loop3A_1112[%parallel_loop3A_1113, %parallel_loop3A_1114, %parallel_loop3A_1115] {strides = array<i32>} : memref<8x32x128xf32, #tpu.memory_space<vmem>>, vector<16xf32>,
              tpu.vector_store %parallel_loop3A_1112[%parallel_loop3A_1113, %parallel_loop3A_1114, %parallel_loop3A_1115], %parallel_loop3A_1103 {strides = array<i32>} : memref<8x32x128xf32, #tpu.memory_space<vmem>>, vector<16xf32>,
              %parallel_loop3A_1117 = arith.addi %parallel_loop3A_1101, %add3A_600 : vector<16xi32>
              %parallel_loop3A_1118 = tpu.vector_load_idx %arg5[%parallel_loop3A_1117] : memref<576xf32, #tpu.memory_space<vmem>>[vector<16xi32>], vector<16xf32>,
              %parallel_loop3A_1119 = arith.constant 4 : i32
              %parallel_loop3A_1120 = arith.muli %parallel_loop3A_1087, %parallel_loop3A_1119 : i32
              %parallel_loop3A_1121 = arith.constant 1 : i32
              %parallel_loop3A_1122 = arith.addi %parallel_loop3A_1120, %parallel_loop3A_1121 : i32
              %parallel_loop3A_1123 = arith.constant 0 : i32
              %parallel_loop3A_1124 = arith.constant 0 : i32
              %parallel_loop3A_1125 = arith.constant 0 : i32
              %parallel_loop3A_1126 = tpu.memref_slice %run_scoped3A_18[%rem3A_594, %parallel_loop3A_1123, %parallel_loop3A_1124, %parallel_loop3A_1125] : memref<2x8x32x128xf32, #tpu.memory_space<vmem>> -> memref<1x8x32x128xf32, #tpu.memory_space<vmem>>
              %parallel_loop3A_1127 = tpu.memref_squeeze %parallel_loop3A_1126 : memref<1x8x32x128xf32, #tpu.memory_space<vmem>> -> memref<8x32x128xf32, #tpu.memory_space<vmem>>
              %parallel_loop3A_1128 = arith.index_cast %parallel_loop3A_1083 : i32 to index
              %parallel_loop3A_1129 = arith.index_cast %parallel_loop3A_1122 : i32 to index
              %parallel_loop3A_1130 = arith.constant 0 : index
              %parallel_loop3A_1131 = tpu.vector_load %parallel_loop3A_1127[%parallel_loop3A_1128, %parallel_loop3A_1129, %parallel_loop3A_1130] {strides = array<i32>} : memref<8x32x128xf32, #tpu.memory_space<vmem>>, vector<16xf32>,
              tpu.vector_store %parallel_loop3A_1127[%parallel_loop3A_1128, %parallel_loop3A_1129, %parallel_loop3A_1130], %parallel_loop3A_1118 {strides = array<i32>} : memref<8x32x128xf32, #tpu.memory_space<vmem>>, vector<16xf32>,
              %parallel_loop3A_1132 = arith.addi %parallel_loop3A_1101, %add3A_603 : vector<16xi32>
              %parallel_loop3A_1133 = tpu.vector_load_idx %arg5[%parallel_loop3A_1132] : memref<576xf32, #tpu.memory_space<vmem>>[vector<16xi32>], vector<16xf32>,
              %parallel_loop3A_1134 = arith.constant 4 : i32
              %parallel_loop3A_1135 = arith.muli %parallel_loop3A_1087, %parallel_loop3A_1134 : i32
              %parallel_loop3A_1136 = arith.constant 2 : i32
              %parallel_loop3A_1137 = arith.addi %parallel_loop3A_1135, %parallel_loop3A_1136 : i32
              %parallel_loop3A_1138 = arith.constant 0 : i32
              %parallel_loop3A_1139 = arith.constant 0 : i32
              %parallel_loop3A_1140 = arith.constant 0 : i32
              %parallel_loop3A_1141 = tpu.memref_slice %run_scoped3A_18[%rem3A_594, %parallel_loop3A_1138, %parallel_loop3A_1139, %parallel_loop3A_1140] : memref<2x8x32x128xf32, #tpu.memory_space<vmem>> -> memref<1x8x32x128xf32, #tpu.memory_space<vmem>>
              %parallel_loop3A_1142 = tpu.memref_squeeze %parallel_loop3A_1141 : memref<1x8x32x128xf32, #tpu.memory_space<vmem>> -> memref<8x32x128xf32, #tpu.memory_space<vmem>>
              %parallel_loop3A_1143 = arith.index_cast %parallel_loop3A_1083 : i32 to index
              %parallel_loop3A_1144 = arith.index_cast %parallel_loop3A_1137 : i32 to index
              %parallel_loop3A_1145 = arith.constant 0 : index
              %parallel_loop3A_1146 = tpu.vector_load %parallel_loop3A_1142[%parallel_loop3A_1143, %parallel_loop3A_1144, %parallel_loop3A_1145] {strides = array<i32>} : memref<8x32x128xf32, #tpu.memory_space<vmem>>, vector<16xf32>,
              tpu.vector_store %parallel_loop3A_1142[%parallel_loop3A_1143, %parallel_loop3A_1144, %parallel_loop3A_1145], %parallel_loop3A_1133 {strides = array<i32>} : memref<8x32x128xf32, #tpu.memory_space<vmem>>, vector<16xf32>,
              %parallel_loop3A_1147 = arith.addi %parallel_loop3A_1101, %add3A_606 : vector<16xi32>
              %parallel_loop3A_1148 = tpu.vector_load_idx %arg5[%parallel_loop3A_1147] : memref<576xf32, #tpu.memory_space<vmem>>[vector<16xi32>], vector<16xf32>,
              %parallel_loop3A_1149 = arith.constant 4 : i32
              %parallel_loop3A_1150 = arith.muli %parallel_loop3A_1087, %parallel_loop3A_1149 : i32
              %parallel_loop3A_1151 = arith.constant 3 : i32
              %parallel_loop3A_1152 = arith.addi %parallel_loop3A_1150, %parallel_loop3A_1151 : i32
              %parallel_loop3A_1153 = arith.constant 0 : i32
              %parallel_loop3A_1154 = arith.constant 0 : i32
              %parallel_loop3A_1155 = arith.constant 0 : i32
              %parallel_loop3A_1156 = tpu.memref_slice %run_scoped3A_18[%rem3A_594, %parallel_loop3A_1153, %parallel_loop3A_1154, %parallel_loop3A_1155] : memref<2x8x32x128xf32, #tpu.memory_space<vmem>> -> memref<1x8x32x128xf32, #tpu.memory_space<vmem>>
              %parallel_loop3A_1157 = tpu.memref_squeeze %parallel_loop3A_1156 : memref<1x8x32x128xf32, #tpu.memory_space<vmem>> -> memref<8x32x128xf32, #tpu.memory_space<vmem>>
              %parallel_loop3A_1158 = arith.index_cast %parallel_loop3A_1083 : i32 to index
              %parallel_loop3A_1159 = arith.index_cast %parallel_loop3A_1152 : i32 to index
              %parallel_loop3A_1160 = arith.constant 0 : index
              %parallel_loop3A_1161 = tpu.vector_load %parallel_loop3A_1157[%parallel_loop3A_1158, %parallel_loop3A_1159, %parallel_loop3A_1160] {strides = array<i32>} : memref<8x32x128xf32, #tpu.memory_space<vmem>>, vector<16xf32>,
              tpu.vector_store %parallel_loop3A_1157[%parallel_loop3A_1158, %parallel_loop3A_1159, %parallel_loop3A_1160], %parallel_loop3A_1148 {strides = array<i32>} : memref<8x32x128xf32, #tpu.memory_space<vmem>>, vector<16xf32>,
              %parallel_loop3A_1162 = arith.constant 128 : i32
              %parallel_loop3A_1163 = arith.muli %parallel_loop3A_1087, %parallel_loop3A_1162 : i32
              %parallel_loop3A_1164 = arith.constant 16 : i32
              %parallel_loop3A_1165 = arith.addi %parallel_loop3A_1163, %parallel_loop3A_1164 : i32
              %parallel_loop3A_1166 = arith.constant 0 : i32
              %parallel_loop3A_1167 = arith.constant 0 : i32
              %parallel_loop3A_1168 = tpu.memref_slice %run_scoped3A[%rem3A_592, %parallel_loop3A_1166, %parallel_loop3A_1167] : memref<2x8x1024xi32, #tpu.memory_space<vmem>> -> memref<1x8x1024xi32, #tpu.memory_space<vmem>>
              %parallel_loop3A_1169 = tpu.memref_squeeze %parallel_loop3A_1168 : memref<1x8x1024xi32, #tpu.memory_space<vmem>> -> memref<8x1024xi32, #tpu.memory_space<vmem>>
              %parallel_loop3A_1170 = arith.index_cast %parallel_loop3A_1083 : i32 to index
              %parallel_loop3A_1171 = arith.index_cast %parallel_loop3A_1165 : i32 to index
              %parallel_loop3A_1172 = tpu.vector_load %parallel_loop3A_1169[%parallel_loop3A_1170, %parallel_loop3A_1171] {strides = array<i32>} : memref<8x1024xi32, #tpu.memory_space<vmem>>, vector<16xi32>,
              %parallel_loop3A_1173 = arith.constant 64 : i32
              %parallel_loop3A_1174 = vector.broadcast %parallel_loop3A_1173 : i32 to vector<16xi32>
              %parallel_loop3A_1175 = arith.muli %parallel_loop3A_1172, %parallel_loop3A_1174 : vector<16xi32>
              %parallel_loop3A_1176 = arith.addi %parallel_loop3A_1175, %add3A_597 : vector<16xi32>
              %parallel_loop3A_1177 = tpu.vector_load_idx %arg5[%parallel_loop3A_1176] : memref<576xf32, #tpu.memory_space<vmem>>[vector<16xi32>], vector<16xf32>,
              %parallel_loop3A_1178 = arith.constant 4 : i32
              %parallel_loop3A_1179 = arith.muli %parallel_loop3A_1087, %parallel_loop3A_1178 : i32
              %parallel_loop3A_1180 = arith.constant 0 : i32
              %parallel_loop3A_1181 = arith.addi %parallel_loop3A_1179, %parallel_loop3A_1180 : i32
              %parallel_loop3A_1182 = arith.constant 0 : i32
              %parallel_loop3A_1183 = arith.constant 0 : i32
              %parallel_loop3A_1184 = arith.constant 0 : i32
              %parallel_loop3A_1185 = tpu.memref_slice %run_scoped3A_18[%rem3A_594, %parallel_loop3A_1182, %parallel_loop3A_1183, %parallel_loop3A_1184] : memref<2x8x32x128xf32, #tpu.memory_space<vmem>> -> memref<1x8x32x128xf32, #tpu.memory_space<vmem>>
              %parallel_loop3A_1186 = tpu.memref_squeeze %parallel_loop3A_1185 : memref<1x8x32x128xf32, #tpu.memory_space<vmem>> -> memref<8x32x128xf32, #tpu.memory_space<vmem>>
              %parallel_loop3A_1187 = arith.index_cast %parallel_loop3A_1083 : i32 to index
              %parallel_loop3A_1188 = arith.index_cast %parallel_loop3A_1181 : i32 to index
              %parallel_loop3A_1189 = arith.constant 16 : index
              %parallel_loop3A_1190 = tpu.vector_load %parallel_loop3A_1186[%parallel_loop3A_1187, %parallel_loop3A_1188, %parallel_loop3A_1189] {strides = array<i32>} : memref<8x32x128xf32, #tpu.memory_space<vmem>>, vector<16xf32>,
              tpu.vector_store %parallel_loop3A_1186[%parallel_loop3A_1187, %parallel_loop3A_1188, %parallel_loop3A_1189], %parallel_loop3A_1177 {strides = array<i32>} : memref<8x32x128xf32, #tpu.memory_space<vmem>>, vector<16xf32>,
              %parallel_loop3A_1191 = arith.addi %parallel_loop3A_1175, %add3A_600 : vector<16xi32>
              %parallel_loop3A_1192 = tpu.vector_load_idx %arg5[%parallel_loop3A_1191] : memref<576xf32, #tpu.memory_space<vmem>>[vector<16xi32>], vector<16xf32>,
              %parallel_loop3A_1193 = arith.constant 4 : i32
              %parallel_loop3A_1194 = arith.muli %parallel_loop3A_1087, %parallel_loop3A_1193 : i32
              %parallel_loop3A_1195 = arith.constant 1 : i32
              %parallel_loop3A_1196 = arith.addi %parallel_loop3A_1194, %parallel_loop3A_1195 : i32
              %parallel_loop3A_1197 = arith.constant 0 : i32
              %parallel_loop3A_1198 = arith.constant 0 : i32
              %parallel_loop3A_1199 = arith.constant 0 : i32
              %parallel_loop3A_1200 = tpu.memref_slice %run_scoped3A_18[%rem3A_594, %parallel_loop3A_1197, %parallel_loop3A_1198, %parallel_loop3A_1199] : memref<2x8x32x128xf32, #tpu.memory_space<vmem>> -> memref<1x8x32x128xf32, #tpu.memory_space<vmem>>
              %parallel_loop3A_1201 = tpu.memref_squeeze %parallel_loop3A_1200 : memref<1x8x32x128xf32, #tpu.memory_space<vmem>> -> memref<8x32x128xf32, #tpu.memory_space<vmem>>
              %parallel_loop3A_1202 = arith.index_cast %parallel_loop3A_1083 : i32 to index
              %parallel_loop3A_1203 = arith.index_cast %parallel_loop3A_1196 : i32 to index
              %parallel_loop3A_1204 = arith.constant 16 : index
              %parallel_loop3A_1205 = tpu.vector_load %parallel_loop3A_1201[%parallel_loop3A_1202, %parallel_loop3A_1203, %parallel_loop3A_1204] {strides = array<i32>} : memref<8x32x128xf32, #tpu.memory_space<vmem>>, vector<16xf32>,
              tpu.vector_store %parallel_loop3A_1201[%parallel_loop3A_1202, %parallel_loop3A_1203, %parallel_loop3A_1204], %parallel_loop3A_1192 {strides = array<i32>} : memref<8x32x128xf32, #tpu.memory_space<vmem>>, vector<16xf32>,
              %parallel_loop3A_1206 = arith.addi %parallel_loop3A_1175, %add3A_603 : vector<16xi32>
              %parallel_loop3A_1207 = tpu.vector_load_idx %arg5[%parallel_loop3A_1206] : memref<576xf32, #tpu.memory_space<vmem>>[vector<16xi32>], vector<16xf32>,
              %parallel_loop3A_1208 = arith.constant 4 : i32
              %parallel_loop3A_1209 = arith.muli %parallel_loop3A_1087, %parallel_loop3A_1208 : i32
              %parallel_loop3A_1210 = arith.constant 2 : i32
              %parallel_loop3A_1211 = arith.addi %parallel_loop3A_1209, %parallel_loop3A_1210 : i32
              %parallel_loop3A_1212 = arith.constant 0 : i32
              %parallel_loop3A_1213 = arith.constant 0 : i32
              %parallel_loop3A_1214 = arith.constant 0 : i32
              %parallel_loop3A_1215 = tpu.memref_slice %run_scoped3A_18[%rem3A_594, %parallel_loop3A_1212, %parallel_loop3A_1213, %parallel_loop3A_1214] : memref<2x8x32x128xf32, #tpu.memory_space<vmem>> -> memref<1x8x32x128xf32, #tpu.memory_space<vmem>>
              %parallel_loop3A_1216 = tpu.memref_squeeze %parallel_loop3A_1215 : memref<1x8x32x128xf32, #tpu.memory_space<vmem>> -> memref<8x32x128xf32, #tpu.memory_space<vmem>>
              %parallel_loop3A_1217 = arith.index_cast %parallel_loop3A_1083 : i32 to index
              %parallel_loop3A_1218 = arith.index_cast %parallel_loop3A_1211 : i32 to index
              %parallel_loop3A_1219 = arith.constant 16 : index
              %parallel_loop3A_1220 = tpu.vector_load %parallel_loop3A_1216[%parallel_loop3A_1217, %parallel_loop3A_1218, %parallel_loop3A_1219] {strides = array<i32>} : memref<8x32x128xf32, #tpu.memory_space<vmem>>, vector<16xf32>,
              tpu.vector_store %parallel_loop3A_1216[%parallel_loop3A_1217, %parallel_loop3A_1218, %parallel_loop3A_1219], %parallel_loop3A_1207 {strides = array<i32>} : memref<8x32x128xf32, #tpu.memory_space<vmem>>, vector<16xf32>,
              %parallel_loop3A_1221 = arith.addi %parallel_loop3A_1175, %add3A_606 : vector<16xi32>
              %parallel_loop3A_1222 = tpu.vector_load_idx %arg5[%parallel_loop3A_1221] : memref<576xf32, #tpu.memory_space<vmem>>[vector<16xi32>], vector<16xf32>,
              %parallel_loop3A_1223 = arith.constant 4 : i32
              %parallel_loop3A_1224 = arith.muli %parallel_loop3A_1087, %parallel_loop3A_1223 : i32
              %parallel_loop3A_1225 = arith.constant 3 : i32
              %parallel_loop3A_1226 = arith.addi %parallel_loop3A_1224, %parallel_loop3A_1225 : i32
              %parallel_loop3A_1227 = arith.constant 0 : i32
              %parallel_loop3A_1228 = arith.constant 0 : i32
              %parallel_loop3A_1229 = arith.constant 0 : i32
              %parallel_loop3A_1230 = tpu.memref_slice %run_scoped3A_18[%rem3A_594, %parallel_loop3A_1227, %parallel_loop3A_1228, %parallel_loop3A_1229] : memref<2x8x32x128xf32, #tpu.memory_space<vmem>> -> memref<1x8x32x128xf32, #tpu.memory_space<vmem>>
              %parallel_loop3A_1231 = tpu.memref_squeeze %parallel_loop3A_1230 : memref<1x8x32x128xf32, #tpu.memory_space<vmem>> -> memref<8x32x128xf32, #tpu.memory_space<vmem>>
              %parallel_loop3A_1232 = arith.index_cast %parallel_loop3A_1083 : i32 to index
              %parallel_loop3A_1233 = arith.index_cast %parallel_loop3A_1226 : i32 to index
              %parallel_loop3A_1234 = arith.constant 16 : index
              %parallel_loop3A_1235 = tpu.vector_load %parallel_loop3A_1231[%parallel_loop3A_1232, %parallel_loop3A_1233, %parallel_loop3A_1234] {strides = array<i32>} : memref<8x32x128xf32, #tpu.memory_space<vmem>>, vector<16xf32>,
              tpu.vector_store %parallel_loop3A_1231[%parallel_loop3A_1232, %parallel_loop3A_1233, %parallel_loop3A_1234], %parallel_loop3A_1222 {strides = array<i32>} : memref<8x32x128xf32, #tpu.memory_space<vmem>>, vector<16xf32>,
              %parallel_loop3A_1236 = arith.constant 128 : i32
              %parallel_loop3A_1237 = arith.muli %parallel_loop3A_1087, %parallel_loop3A_1236 : i32
              %parallel_loop3A_1238 = arith.constant 32 : i32
              %parallel_loop3A_1239 = arith.addi %parallel_loop3A_1237, %parallel_loop3A_1238 : i32
              %parallel_loop3A_1240 = arith.constant 0 : i32
              %parallel_loop3A_1241 = arith.constant 0 : i32
              %parallel_loop3A_1242 = tpu.memref_slice %run_scoped3A[%rem3A_592, %parallel_loop3A_1240, %parallel_loop3A_1241] : memref<2x8x1024xi32, #tpu.memory_space<vmem>> -> memref<1x8x1024xi32, #tpu.memory_space<vmem>>
              %parallel_loop3A_1243 = tpu.memref_squeeze %parallel_loop3A_1242 : memref<1x8x1024xi32, #tpu.memory_space<vmem>> -> memref<8x1024xi32, #tpu.memory_space<vmem>>
              %parallel_loop3A_1244 = arith.index_cast %parallel_loop3A_1083 : i32 to index
              %parallel_loop3A_1245 = arith.index_cast %parallel_loop3A_1239 : i32 to index
              %parallel_loop3A_1246 = tpu.vector_load %parallel_loop3A_1243[%parallel_loop3A_1244, %parallel_loop3A_1245] {strides = array<i32>} : memref<8x1024xi32, #tpu.memory_space<vmem>>, vector<16xi32>,
              %parallel_loop3A_1247 = arith.constant 64 : i32
              %parallel_loop3A_1248 = vector.broadcast %parallel_loop3A_1247 : i32 to vector<16xi32>
              %parallel_loop3A_1249 = arith.muli %parallel_loop3A_1246, %parallel_loop3A_1248 : vector<16xi32>
              %parallel_loop3A_1250 = arith.addi %parallel_loop3A_1249, %add3A_597 : vector<16xi32>
              %parallel_loop3A_1251 = tpu.vector_load_idx %arg5[%parallel_loop3A_1250] : memref<576xf32, #tpu.memory_space<vmem>>[vector<16xi32>], vector<16xf32>,
              %parallel_loop3A_1252 = arith.constant 4 : i32
              %parallel_loop3A_1253 = arith.muli %parallel_loop3A_1087, %parallel_loop3A_1252 : i32
              %parallel_loop3A_1254 = arith.constant 0 : i32
              %parallel_loop3A_1255 = arith.addi %parallel_loop3A_1253, %parallel_loop3A_1254 : i32
              %parallel_loop3A_1256 = arith.constant 0 : i32
              %parallel_loop3A_1257 = arith.constant 0 : i32
              %parallel_loop3A_1258 = arith.constant 0 : i32
              %parallel_loop3A_1259 = tpu.memref_slice %run_scoped3A_18[%rem3A_594, %parallel_loop3A_1256, %parallel_loop3A_1257, %parallel_loop3A_1258] : memref<2x8x32x128xf32, #tpu.memory_space<vmem>> -> memref<1x8x32x128xf32, #tpu.memory_space<vmem>>
              %parallel_loop3A_1260 = tpu.memref_squeeze %parallel_loop3A_1259 : memref<1x8x32x128xf32, #tpu.memory_space<vmem>> -> memref<8x32x128xf32, #tpu.memory_space<vmem>>
              %parallel_loop3A_1261 = arith.index_cast %parallel_loop3A_1083 : i32 to index
              %parallel_loop3A_1262 = arith.index_cast %parallel_loop3A_1255 : i32 to index
              %parallel_loop3A_1263 = arith.constant 32 : index
              %parallel_loop3A_1264 = tpu.vector_load %parallel_loop3A_1260[%parallel_loop3A_1261, %parallel_loop3A_1262, %parallel_loop3A_1263] {strides = array<i32>} : memref<8x32x128xf32, #tpu.memory_space<vmem>>, vector<16xf32>,
              tpu.vector_store %parallel_loop3A_1260[%parallel_loop3A_1261, %parallel_loop3A_1262, %parallel_loop3A_1263], %parallel_loop3A_1251 {strides = array<i32>} : memref<8x32x128xf32, #tpu.memory_space<vmem>>, vector<16xf32>,
              %parallel_loop3A_1265 = arith.addi %parallel_loop3A_1249, %add3A_600 : vector<16xi32>
              %parallel_loop3A_1266 = tpu.vector_load_idx %arg5[%parallel_loop3A_1265] : memref<576xf32, #tpu.memory_space<vmem>>[vector<16xi32>], vector<16xf32>,
              %parallel_loop3A_1267 = arith.constant 4 : i32
              %parallel_loop3A_1268 = arith.muli %parallel_loop3A_1087, %parallel_loop3A_1267 : i32
              %parallel_loop3A_1269 = arith.constant 1 : i32
              %parallel_loop3A_1270 = arith.addi %parallel_loop3A_1268, %parallel_loop3A_1269 : i32
              %parallel_loop3A_1271 = arith.constant 0 : i32
              %parallel_loop3A_1272 = arith.constant 0 : i32
              %parallel_loop3A_1273 = arith.constant 0 : i32
              %parallel_loop3A_1274 = tpu.memref_slice %run_scoped3A_18[%rem3A_594, %parallel_loop3A_1271, %parallel_loop3A_1272, %parallel_loop3A_1273] : memref<2x8x32x128xf32, #tpu.memory_space<vmem>> -> memref<1x8x32x128xf32, #tpu.memory_space<vmem>>
              %parallel_loop3A_1275 = tpu.memref_squeeze %parallel_loop3A_1274 : memref<1x8x32x128xf32, #tpu.memory_space<vmem>> -> memref<8x32x128xf32, #tpu.memory_space<vmem>>
              %parallel_loop3A_1276 = arith.index_cast %parallel_loop3A_1083 : i32 to index
              %parallel_loop3A_1277 = arith.index_cast %parallel_loop3A_1270 : i32 to index
              %parallel_loop3A_1278 = arith.constant 32 : index
              %parallel_loop3A_1279 = tpu.vector_load %parallel_loop3A_1275[%parallel_loop3A_1276, %parallel_loop3A_1277, %parallel_loop3A_1278] {strides = array<i32>} : memref<8x32x128xf32, #tpu.memory_space<vmem>>, vector<16xf32>,
              tpu.vector_store %parallel_loop3A_1275[%parallel_loop3A_1276, %parallel_loop3A_1277, %parallel_loop3A_1278], %parallel_loop3A_1266 {strides = array<i32>} : memref<8x32x128xf32, #tpu.memory_space<vmem>>, vector<16xf32>,
              %parallel_loop3A_1280 = arith.addi %parallel_loop3A_1249, %add3A_603 : vector<16xi32>
              %parallel_loop3A_1281 = tpu.vector_load_idx %arg5[%parallel_loop3A_1280] : memref<576xf32, #tpu.memory_space<vmem>>[vector<16xi32>], vector<16xf32>,
              %parallel_loop3A_1282 = arith.constant 4 : i32
              %parallel_loop3A_1283 = arith.muli %parallel_loop3A_1087, %parallel_loop3A_1282 : i32
              %parallel_loop3A_1284 = arith.constant 2 : i32
              %parallel_loop3A_1285 = arith.addi %parallel_loop3A_1283, %parallel_loop3A_1284 : i32
              %parallel_loop3A_1286 = arith.constant 0 : i32
              %parallel_loop3A_1287 = arith.constant 0 : i32
              %parallel_loop3A_1288 = arith.constant 0 : i32
              %parallel_loop3A_1289 = tpu.memref_slice %run_scoped3A_18[%rem3A_594, %parallel_loop3A_1286, %parallel_loop3A_1287, %parallel_loop3A_1288] : memref<2x8x32x128xf32, #tpu.memory_space<vmem>> -> memref<1x8x32x128xf32, #tpu.memory_space<vmem>>
              %parallel_loop3A_1290 = tpu.memref_squeeze %parallel_loop3A_1289 : memref<1x8x32x128xf32, #tpu.memory_space<vmem>> -> memref<8x32x128xf32, #tpu.memory_space<vmem>>
              %parallel_loop3A_1291 = arith.index_cast %parallel_loop3A_1083 : i32 to index
              %parallel_loop3A_1292 = arith.index_cast %parallel_loop3A_1285 : i32 to index
              %parallel_loop3A_1293 = arith.constant 32 : index
              %parallel_loop3A_1294 = tpu.vector_load %parallel_loop3A_1290[%parallel_loop3A_1291, %parallel_loop3A_1292, %parallel_loop3A_1293] {strides = array<i32>} : memref<8x32x128xf32, #tpu.memory_space<vmem>>, vector<16xf32>,
              tpu.vector_store %parallel_loop3A_1290[%parallel_loop3A_1291, %parallel_loop3A_1292, %parallel_loop3A_1293], %parallel_loop3A_1281 {strides = array<i32>} : memref<8x32x128xf32, #tpu.memory_space<vmem>>, vector<16xf32>,
              %parallel_loop3A_1295 = arith.addi %parallel_loop3A_1249, %add3A_606 : vector<16xi32>
              %parallel_loop3A_1296 = tpu.vector_load_idx %arg5[%parallel_loop3A_1295] : memref<576xf32, #tpu.memory_space<vmem>>[vector<16xi32>], vector<16xf32>,
              %parallel_loop3A_1297 = arith.constant 4 : i32
              %parallel_loop3A_1298 = arith.muli %parallel_loop3A_1087, %parallel_loop3A_1297 : i32
              %parallel_loop3A_1299 = arith.constant 3 : i32
              %parallel_loop3A_1300 = arith.addi %parallel_loop3A_1298, %parallel_loop3A_1299 : i32
              %parallel_loop3A_1301 = arith.constant 0 : i32
              %parallel_loop3A_1302 = arith.constant 0 : i32
              %parallel_loop3A_1303 = arith.constant 0 : i32
              %parallel_loop3A_1304 = tpu.memref_slice %run_scoped3A_18[%rem3A_594, %parallel_loop3A_1301, %parallel_loop3A_1302, %parallel_loop3A_1303] : memref<2x8x32x128xf32, #tpu.memory_space<vmem>> -> memref<1x8x32x128xf32, #tpu.memory_space<vmem>>
              %parallel_loop3A_1305 = tpu.memref_squeeze %parallel_loop3A_1304 : memref<1x8x32x128xf32, #tpu.memory_space<vmem>> -> memref<8x32x128xf32, #tpu.memory_space<vmem>>
              %parallel_loop3A_1306 = arith.index_cast %parallel_loop3A_1083 : i32 to index
              %parallel_loop3A_1307 = arith.index_cast %parallel_loop3A_1300 : i32 to index
              %parallel_loop3A_1308 = arith.constant 32 : index
              %parallel_loop3A_1309 = tpu.vector_load %parallel_loop3A_1305[%parallel_loop3A_1306, %parallel_loop3A_1307, %parallel_loop3A_1308] {strides = array<i32>} : memref<8x32x128xf32, #tpu.memory_space<vmem>>, vector<16xf32>,
              tpu.vector_store %parallel_loop3A_1305[%parallel_loop3A_1306, %parallel_loop3A_1307, %parallel_loop3A_1308], %parallel_loop3A_1296 {strides = array<i32>} : memref<8x32x128xf32, #tpu.memory_space<vmem>>, vector<16xf32>,
              %parallel_loop3A_1310 = arith.constant 128 : i32
              %parallel_loop3A_1311 = arith.muli %parallel_loop3A_1087, %parallel_loop3A_1310 : i32
              %parallel_loop3A_1312 = arith.constant 48 : i32
              %parallel_loop3A_1313 = arith.addi %parallel_loop3A_1311, %parallel_loop3A_1312 : i32
              %parallel_loop3A_1314 = arith.constant 0 : i32
              %parallel_loop3A_1315 = arith.constant 0 : i32
              %parallel_loop3A_1316 = tpu.memref_slice %run_scoped3A[%rem3A_592, %parallel_loop3A_1314, %parallel_loop3A_1315] : memref<2x8x1024xi32, #tpu.memory_space<vmem>> -> memref<1x8x1024xi32, #tpu.memory_space<vmem>>
              %parallel_loop3A_1317 = tpu.memref_squeeze %parallel_loop3A_1316 : memref<1x8x1024xi32, #tpu.memory_space<vmem>> -> memref<8x1024xi32, #tpu.memory_space<vmem>>
              %parallel_loop3A_1318 = arith.index_cast %parallel_loop3A_1083 : i32 to index
              %parallel_loop3A_1319 = arith.index_cast %parallel_loop3A_1313 : i32 to index
              %parallel_loop3A_1320 = tpu.vector_load %parallel_loop3A_1317[%parallel_loop3A_1318, %parallel_loop3A_1319] {strides = array<i32>} : memref<8x1024xi32, #tpu.memory_space<vmem>>, vector<16xi32>,
              %parallel_loop3A_1321 = arith.constant 64 : i32
              %parallel_loop3A_1322 = vector.broadcast %parallel_loop3A_1321 : i32 to vector<16xi32>
              %parallel_loop3A_1323 = arith.muli %parallel_loop3A_1320, %parallel_loop3A_1322 : vector<16xi32>
              %parallel_loop3A_1324 = arith.addi %parallel_loop3A_1323, %add3A_597 : vector<16xi32>
              %parallel_loop3A_1325 = tpu.vector_load_idx %arg5[%parallel_loop3A_1324] : memref<576xf32, #tpu.memory_space<vmem>>[vector<16xi32>], vector<16xf32>,
              %parallel_loop3A_1326 = arith.constant 4 : i32
              %parallel_loop3A_1327 = arith.muli %parallel_loop3A_1087, %parallel_loop3A_1326 : i32
              %parallel_loop3A_1328 = arith.constant 0 : i32
              %parallel_loop3A_1329 = arith.addi %parallel_loop3A_1327, %parallel_loop3A_1328 : i32
              %parallel_loop3A_1330 = arith.constant 0 : i32
              %parallel_loop3A_1331 = arith.constant 0 : i32
              %parallel_loop3A_1332 = arith.constant 0 : i32
              %parallel_loop3A_1333 = tpu.memref_slice %run_scoped3A_18[%rem3A_594, %parallel_loop3A_1330, %parallel_loop3A_1331, %parallel_loop3A_1332] : memref<2x8x32x128xf32, #tpu.memory_space<vmem>> -> memref<1x8x32x128xf32, #tpu.memory_space<vmem>>
              %parallel_loop3A_1334 = tpu.memref_squeeze %parallel_loop3A_1333 : memref<1x8x32x128xf32, #tpu.memory_space<vmem>> -> memref<8x32x128xf32, #tpu.memory_space<vmem>>
              %parallel_loop3A_1335 = arith.index_cast %parallel_loop3A_1083 : i32 to index
              %parallel_loop3A_1336 = arith.index_cast %parallel_loop3A_1329 : i32 to index
              %parallel_loop3A_1337 = arith.constant 48 : index
              %parallel_loop3A_1338 = tpu.vector_load %parallel_loop3A_1334[%parallel_loop3A_1335, %parallel_loop3A_1336, %parallel_loop3A_1337] {strides = array<i32>} : memref<8x32x128xf32, #tpu.memory_space<vmem>>, vector<16xf32>,
              tpu.vector_store %parallel_loop3A_1334[%parallel_loop3A_1335, %parallel_loop3A_1336, %parallel_loop3A_1337], %parallel_loop3A_1325 {strides = array<i32>} : memref<8x32x128xf32, #tpu.memory_space<vmem>>, vector<16xf32>,
              %parallel_loop3A_1339 = arith.addi %parallel_loop3A_1323, %add3A_600 : vector<16xi32>
              %parallel_loop3A_1340 = tpu.vector_load_idx %arg5[%parallel_loop3A_1339] : memref<576xf32, #tpu.memory_space<vmem>>[vector<16xi32>], vector<16xf32>,
              %parallel_loop3A_1341 = arith.constant 4 : i32
              %parallel_loop3A_1342 = arith.muli %parallel_loop3A_1087, %parallel_loop3A_1341 : i32
              %parallel_loop3A_1343 = arith.constant 1 : i32
              %parallel_loop3A_1344 = arith.addi %parallel_loop3A_1342, %parallel_loop3A_1343 : i32
              %parallel_loop3A_1345 = arith.constant 0 : i32
              %parallel_loop3A_1346 = arith.constant 0 : i32
              %parallel_loop3A_1347 = arith.constant 0 : i32
              %parallel_loop3A_1348 = tpu.memref_slice %run_scoped3A_18[%rem3A_594, %parallel_loop3A_1345, %parallel_loop3A_1346, %parallel_loop3A_1347] : memref<2x8x32x128xf32, #tpu.memory_space<vmem>> -> memref<1x8x32x128xf32, #tpu.memory_space<vmem>>
              %parallel_loop3A_1349 = tpu.memref_squeeze %parallel_loop3A_1348 : memref<1x8x32x128xf32, #tpu.memory_space<vmem>> -> memref<8x32x128xf32, #tpu.memory_space<vmem>>
              %parallel_loop3A_1350 = arith.index_cast %parallel_loop3A_1083 : i32 to index
              %parallel_loop3A_1351 = arith.index_cast %parallel_loop3A_1344 : i32 to index
              %parallel_loop3A_1352 = arith.constant 48 : index
              %parallel_loop3A_1353 = tpu.vector_load %parallel_loop3A_1349[%parallel_loop3A_1350, %parallel_loop3A_1351, %parallel_loop3A_1352] {strides = array<i32>} : memref<8x32x128xf32, #tpu.memory_space<vmem>>, vector<16xf32>,
              tpu.vector_store %parallel_loop3A_1349[%parallel_loop3A_1350, %parallel_loop3A_1351, %parallel_loop3A_1352], %parallel_loop3A_1340 {strides = array<i32>} : memref<8x32x128xf32, #tpu.memory_space<vmem>>, vector<16xf32>,
              %parallel_loop3A_1354 = arith.addi %parallel_loop3A_1323, %add3A_603 : vector<16xi32>
              %parallel_loop3A_1355 = tpu.vector_load_idx %arg5[%parallel_loop3A_1354] : memref<576xf32, #tpu.memory_space<vmem>>[vector<16xi32>], vector<16xf32>,
              %parallel_loop3A_1356 = arith.constant 4 : i32
              %parallel_loop3A_1357 = arith.muli %parallel_loop3A_1087, %parallel_loop3A_1356 : i32
              %parallel_loop3A_1358 = arith.constant 2 : i32
              %parallel_loop3A_1359 = arith.addi %parallel_loop3A_1357, %parallel_loop3A_1358 : i32
              %parallel_loop3A_1360 = arith.constant 0 : i32
              %parallel_loop3A_1361 = arith.constant 0 : i32
              %parallel_loop3A_1362 = arith.constant 0 : i32
              %parallel_loop3A_1363 = tpu.memref_slice %run_scoped3A_18[%rem3A_594, %parallel_loop3A_1360, %parallel_loop3A_1361, %parallel_loop3A_1362] : memref<2x8x32x128xf32, #tpu.memory_space<vmem>> -> memref<1x8x32x128xf32, #tpu.memory_space<vmem>>
              %parallel_loop3A_1364 = tpu.memref_squeeze %parallel_loop3A_1363 : memref<1x8x32x128xf32, #tpu.memory_space<vmem>> -> memref<8x32x128xf32, #tpu.memory_space<vmem>>
              %parallel_loop3A_1365 = arith.index_cast %parallel_loop3A_1083 : i32 to index
              %parallel_loop3A_1366 = arith.index_cast %parallel_loop3A_1359 : i32 to index
              %parallel_loop3A_1367 = arith.constant 48 : index
              %parallel_loop3A_1368 = tpu.vector_load %parallel_loop3A_1364[%parallel_loop3A_1365, %parallel_loop3A_1366, %parallel_loop3A_1367] {strides = array<i32>} : memref<8x32x128xf32, #tpu.memory_space<vmem>>, vector<16xf32>,
              tpu.vector_store %parallel_loop3A_1364[%parallel_loop3A_1365, %parallel_loop3A_1366, %parallel_loop3A_1367], %parallel_loop3A_1355 {strides = array<i32>} : memref<8x32x128xf32, #tpu.memory_space<vmem>>, vector<16xf32>,
              %parallel_loop3A_1369 = arith.addi %parallel_loop3A_1323, %add3A_606 : vector<16xi32>
              %parallel_loop3A_1370 = tpu.vector_load_idx %arg5[%parallel_loop3A_1369] : memref<576xf32, #tpu.memory_space<vmem>>[vector<16xi32>], vector<16xf32>,
              %parallel_loop3A_1371 = arith.constant 4 : i32
              %parallel_loop3A_1372 = arith.muli %parallel_loop3A_1087, %parallel_loop3A_1371 : i32
              %parallel_loop3A_1373 = arith.constant 3 : i32
              %parallel_loop3A_1374 = arith.addi %parallel_loop3A_1372, %parallel_loop3A_1373 : i32
              %parallel_loop3A_1375 = arith.constant 0 : i32
              %parallel_loop3A_1376 = arith.constant 0 : i32
              %parallel_loop3A_1377 = arith.constant 0 : i32
              %parallel_loop3A_1378 = tpu.memref_slice %run_scoped3A_18[%rem3A_594, %parallel_loop3A_1375, %parallel_loop3A_1376, %parallel_loop3A_1377] : memref<2x8x32x128xf32, #tpu.memory_space<vmem>> -> memref<1x8x32x128xf32, #tpu.memory_space<vmem>>
              %parallel_loop3A_1379 = tpu.memref_squeeze %parallel_loop3A_1378 : memref<1x8x32x128xf32, #tpu.memory_space<vmem>> -> memref<8x32x128xf32, #tpu.memory_space<vmem>>
              %parallel_loop3A_1380 = arith.index_cast %parallel_loop3A_1083 : i32 to index
              %parallel_loop3A_1381 = arith.index_cast %parallel_loop3A_1374 : i32 to index
              %parallel_loop3A_1382 = arith.constant 48 : index
              %parallel_loop3A_1383 = tpu.vector_load %parallel_loop3A_1379[%parallel_loop3A_1380, %parallel_loop3A_1381, %parallel_loop3A_1382] {strides = array<i32>} : memref<8x32x128xf32, #tpu.memory_space<vmem>>, vector<16xf32>,
              tpu.vector_store %parallel_loop3A_1379[%parallel_loop3A_1380, %parallel_loop3A_1381, %parallel_loop3A_1382], %parallel_loop3A_1370 {strides = array<i32>} : memref<8x32x128xf32, #tpu.memory_space<vmem>>, vector<16xf32>,
              %parallel_loop3A_1384 = arith.constant 128 : i32
              %parallel_loop3A_1385 = arith.muli %parallel_loop3A_1087, %parallel_loop3A_1384 : i32
              %parallel_loop3A_1386 = arith.constant 64 : i32
              %parallel_loop3A_1387 = arith.addi %parallel_loop3A_1385, %parallel_loop3A_1386 : i32
              %parallel_loop3A_1388 = arith.constant 0 : i32
              %parallel_loop3A_1389 = arith.constant 0 : i32
              %parallel_loop3A_1390 = tpu.memref_slice %run_scoped3A[%rem3A_592, %parallel_loop3A_1388, %parallel_loop3A_1389] : memref<2x8x1024xi32, #tpu.memory_space<vmem>> -> memref<1x8x1024xi32, #tpu.memory_space<vmem>>
              %parallel_loop3A_1391 = tpu.memref_squeeze %parallel_loop3A_1390 : memref<1x8x1024xi32, #tpu.memory_space<vmem>> -> memref<8x1024xi32, #tpu.memory_space<vmem>>
              %parallel_loop3A_1392 = arith.index_cast %parallel_loop3A_1083 : i32 to index
              %parallel_loop3A_1393 = arith.index_cast %parallel_loop3A_1387 : i32 to index
              %parallel_loop3A_1394 = tpu.vector_load %parallel_loop3A_1391[%parallel_loop3A_1392, %parallel_loop3A_1393] {strides = array<i32>} : memref<8x1024xi32, #tpu.memory_space<vmem>>, vector<16xi32>,
              %parallel_loop3A_1395 = arith.constant 64 : i32
              %parallel_loop3A_1396 = vector.broadcast %parallel_loop3A_1395 : i32 to vector<16xi32>
              %parallel_loop3A_1397 = arith.muli %parallel_loop3A_1394, %parallel_loop3A_1396 : vector<16xi32>
              %parallel_loop3A_1398 = arith.addi %parallel_loop3A_1397, %add3A_597 : vector<16xi32>
              %parallel_loop3A_1399 = tpu.vector_load_idx %arg5[%parallel_loop3A_1398] : memref<576xf32, #tpu.memory_space<vmem>>[vector<16xi32>], vector<16xf32>,
              %parallel_loop3A_1400 = arith.constant 4 : i32
              %parallel_loop3A_1401 = arith.muli %parallel_loop3A_1087, %parallel_loop3A_1400 : i32
              %parallel_loop3A_1402 = arith.constant 0 : i32
              %parallel_loop3A_1403 = arith.addi %parallel_loop3A_1401, %parallel_loop3A_1402 : i32
              %parallel_loop3A_1404 = arith.constant 0 : i32
              %parallel_loop3A_1405 = arith.constant 0 : i32
              %parallel_loop3A_1406 = arith.constant 0 : i32
              %parallel_loop3A_1407 = tpu.memref_slice %run_scoped3A_18[%rem3A_594, %parallel_loop3A_1404, %parallel_loop3A_1405, %parallel_loop3A_1406] : memref<2x8x32x128xf32, #tpu.memory_space<vmem>> -> memref<1x8x32x128xf32, #tpu.memory_space<vmem>>
              %parallel_loop3A_1408 = tpu.memref_squeeze %parallel_loop3A_1407 : memref<1x8x32x128xf32, #tpu.memory_space<vmem>> -> memref<8x32x128xf32, #tpu.memory_space<vmem>>
              %parallel_loop3A_1409 = arith.index_cast %parallel_loop3A_1083 : i32 to index
              %parallel_loop3A_1410 = arith.index_cast %parallel_loop3A_1403 : i32 to index
              %parallel_loop3A_1411 = arith.constant 64 : index
              %parallel_loop3A_1412 = tpu.vector_load %parallel_loop3A_1408[%parallel_loop3A_1409, %parallel_loop3A_1410, %parallel_loop3A_1411] {strides = array<i32>} : memref<8x32x128xf32, #tpu.memory_space<vmem>>, vector<16xf32>,
              tpu.vector_store %parallel_loop3A_1408[%parallel_loop3A_1409, %parallel_loop3A_1410, %parallel_loop3A_1411], %parallel_loop3A_1399 {strides = array<i32>} : memref<8x32x128xf32, #tpu.memory_space<vmem>>, vector<16xf32>,
              %parallel_loop3A_1413 = arith.addi %parallel_loop3A_1397, %add3A_600 : vector<16xi32>
              %parallel_loop3A_1414 = tpu.vector_load_idx %arg5[%parallel_loop3A_1413] : memref<576xf32, #tpu.memory_space<vmem>>[vector<16xi32>], vector<16xf32>,
              %parallel_loop3A_1415 = arith.constant 4 : i32
              %parallel_loop3A_1416 = arith.muli %parallel_loop3A_1087, %parallel_loop3A_1415 : i32
              %parallel_loop3A_1417 = arith.constant 1 : i32
              %parallel_loop3A_1418 = arith.addi %parallel_loop3A_1416, %parallel_loop3A_1417 : i32
              %parallel_loop3A_1419 = arith.constant 0 : i32
              %parallel_loop3A_1420 = arith.constant 0 : i32
              %parallel_loop3A_1421 = arith.constant 0 : i32
              %parallel_loop3A_1422 = tpu.memref_slice %run_scoped3A_18[%rem3A_594, %parallel_loop3A_1419, %parallel_loop3A_1420, %parallel_loop3A_1421] : memref<2x8x32x128xf32, #tpu.memory_space<vmem>> -> memref<1x8x32x128xf32, #tpu.memory_space<vmem>>
              %parallel_loop3A_1423 = tpu.memref_squeeze %parallel_loop3A_1422 : memref<1x8x32x128xf32, #tpu.memory_space<vmem>> -> memref<8x32x128xf32, #tpu.memory_space<vmem>>
              %parallel_loop3A_1424 = arith.index_cast %parallel_loop3A_1083 : i32 to index
              %parallel_loop3A_1425 = arith.index_cast %parallel_loop3A_1418 : i32 to index
              %parallel_loop3A_1426 = arith.constant 64 : index
              %parallel_loop3A_1427 = tpu.vector_load %parallel_loop3A_1423[%parallel_loop3A_1424, %parallel_loop3A_1425, %parallel_loop3A_1426] {strides = array<i32>} : memref<8x32x128xf32, #tpu.memory_space<vmem>>, vector<16xf32>,
              tpu.vector_store %parallel_loop3A_1423[%parallel_loop3A_1424, %parallel_loop3A_1425, %parallel_loop3A_1426], %parallel_loop3A_1414 {strides = array<i32>} : memref<8x32x128xf32, #tpu.memory_space<vmem>>, vector<16xf32>,
              %parallel_loop3A_1428 = arith.addi %parallel_loop3A_1397, %add3A_603 : vector<16xi32>
              %parallel_loop3A_1429 = tpu.vector_load_idx %arg5[%parallel_loop3A_1428] : memref<576xf32, #tpu.memory_space<vmem>>[vector<16xi32>], vector<16xf32>,
              %parallel_loop3A_1430 = arith.constant 4 : i32
              %parallel_loop3A_1431 = arith.muli %parallel_loop3A_1087, %parallel_loop3A_1430 : i32
              %parallel_loop3A_1432 = arith.constant 2 : i32
              %parallel_loop3A_1433 = arith.addi %parallel_loop3A_1431, %parallel_loop3A_1432 : i32
              %parallel_loop3A_1434 = arith.constant 0 : i32
              %parallel_loop3A_1435 = arith.constant 0 : i32
              %parallel_loop3A_1436 = arith.constant 0 : i32
              %parallel_loop3A_1437 = tpu.memref_slice %run_scoped3A_18[%rem3A_594, %parallel_loop3A_1434, %parallel_loop3A_1435, %parallel_loop3A_1436] : memref<2x8x32x128xf32, #tpu.memory_space<vmem>> -> memref<1x8x32x128xf32, #tpu.memory_space<vmem>>
              %parallel_loop3A_1438 = tpu.memref_squeeze %parallel_loop3A_1437 : memref<1x8x32x128xf32, #tpu.memory_space<vmem>> -> memref<8x32x128xf32, #tpu.memory_space<vmem>>
              %parallel_loop3A_1439 = arith.index_cast %parallel_loop3A_1083 : i32 to index
              %parallel_loop3A_1440 = arith.index_cast %parallel_loop3A_1433 : i32 to index
              %parallel_loop3A_1441 = arith.constant 64 : index
              %parallel_loop3A_1442 = tpu.vector_load %parallel_loop3A_1438[%parallel_loop3A_1439, %parallel_loop3A_1440, %parallel_loop3A_1441] {strides = array<i32>} : memref<8x32x128xf32, #tpu.memory_space<vmem>>, vector<16xf32>,
              tpu.vector_store %parallel_loop3A_1438[%parallel_loop3A_1439, %parallel_loop3A_1440, %parallel_loop3A_1441], %parallel_loop3A_1429 {strides = array<i32>} : memref<8x32x128xf32, #tpu.memory_space<vmem>>, vector<16xf32>,
              %parallel_loop3A_1443 = arith.addi %parallel_loop3A_1397, %add3A_606 : vector<16xi32>
              %parallel_loop3A_1444 = tpu.vector_load_idx %arg5[%parallel_loop3A_1443] : memref<576xf32, #tpu.memory_space<vmem>>[vector<16xi32>], vector<16xf32>,
              %parallel_loop3A_1445 = arith.constant 4 : i32
              %parallel_loop3A_1446 = arith.muli %parallel_loop3A_1087, %parallel_loop3A_1445 : i32
              %parallel_loop3A_1447 = arith.constant 3 : i32
              %parallel_loop3A_1448 = arith.addi %parallel_loop3A_1446, %parallel_loop3A_1447 : i32
              %parallel_loop3A_1449 = arith.constant 0 : i32
              %parallel_loop3A_1450 = arith.constant 0 : i32
              %parallel_loop3A_1451 = arith.constant 0 : i32
              %parallel_loop3A_1452 = tpu.memref_slice %run_scoped3A_18[%rem3A_594, %parallel_loop3A_1449, %parallel_loop3A_1450, %parallel_loop3A_1451] : memref<2x8x32x128xf32, #tpu.memory_space<vmem>> -> memref<1x8x32x128xf32, #tpu.memory_space<vmem>>
              %parallel_loop3A_1453 = tpu.memref_squeeze %parallel_loop3A_1452 : memref<1x8x32x128xf32, #tpu.memory_space<vmem>> -> memref<8x32x128xf32, #tpu.memory_space<vmem>>
              %parallel_loop3A_1454 = arith.index_cast %parallel_loop3A_1083 : i32 to index
              %parallel_loop3A_1455 = arith.index_cast %parallel_loop3A_1448 : i32 to index
              %parallel_loop3A_1456 = arith.constant 64 : index
              %parallel_loop3A_1457 = tpu.vector_load %parallel_loop3A_1453[%parallel_loop3A_1454, %parallel_loop3A_1455, %parallel_loop3A_1456] {strides = array<i32>} : memref<8x32x128xf32, #tpu.memory_space<vmem>>, vector<16xf32>,
              tpu.vector_store %parallel_loop3A_1453[%parallel_loop3A_1454, %parallel_loop3A_1455, %parallel_loop3A_1456], %parallel_loop3A_1444 {strides = array<i32>} : memref<8x32x128xf32, #tpu.memory_space<vmem>>, vector<16xf32>,
              %parallel_loop3A_1458 = arith.constant 128 : i32
              %parallel_loop3A_1459 = arith.muli %parallel_loop3A_1087, %parallel_loop3A_1458 : i32
              %parallel_loop3A_1460 = arith.constant 80 : i32
              %parallel_loop3A_1461 = arith.addi %parallel_loop3A_1459, %parallel_loop3A_1460 : i32
              %parallel_loop3A_1462 = arith.constant 0 : i32
              %parallel_loop3A_1463 = arith.constant 0 : i32
              %parallel_loop3A_1464 = tpu.memref_slice %run_scoped3A[%rem3A_592, %parallel_loop3A_1462, %parallel_loop3A_1463] : memref<2x8x1024xi32, #tpu.memory_space<vmem>> -> memref<1x8x1024xi32, #tpu.memory_space<vmem>>
              %parallel_loop3A_1465 = tpu.memref_squeeze %parallel_loop3A_1464 : memref<1x8x1024xi32, #tpu.memory_space<vmem>> -> memref<8x1024xi32, #tpu.memory_space<vmem>>
              %parallel_loop3A_1466 = arith.index_cast %parallel_loop3A_1083 : i32 to index
              %parallel_loop3A_1467 = arith.index_cast %parallel_loop3A_1461 : i32 to index
              %parallel_loop3A_1468 = tpu.vector_load %parallel_loop3A_1465[%parallel_loop3A_1466, %parallel_loop3A_1467] {strides = array<i32>} : memref<8x1024xi32, #tpu.memory_space<vmem>>, vector<16xi32>,
              %parallel_loop3A_1469 = arith.constant 64 : i32
              %parallel_loop3A_1470 = vector.broadcast %parallel_loop3A_1469 : i32 to vector<16xi32>
              %parallel_loop3A_1471 = arith.muli %parallel_loop3A_1468, %parallel_loop3A_1470 : vector<16xi32>
              %parallel_loop3A_1472 = arith.addi %parallel_loop3A_1471, %add3A_597 : vector<16xi32>
              %parallel_loop3A_1473 = tpu.vector_load_idx %arg5[%parallel_loop3A_1472] : memref<576xf32, #tpu.memory_space<vmem>>[vector<16xi32>], vector<16xf32>,
              %parallel_loop3A_1474 = arith.constant 4 : i32
              %parallel_loop3A_1475 = arith.muli %parallel_loop3A_1087, %parallel_loop3A_1474 : i32
              %parallel_loop3A_1476 = arith.constant 0 : i32
              %parallel_loop3A_1477 = arith.addi %parallel_loop3A_1475, %parallel_loop3A_1476 : i32
              %parallel_loop3A_1478 = arith.constant 0 : i32
              %parallel_loop3A_1479 = arith.constant 0 : i32
              %parallel_loop3A_1480 = arith.constant 0 : i32
              %parallel_loop3A_1481 = tpu.memref_slice %run_scoped3A_18[%rem3A_594, %parallel_loop3A_1478, %parallel_loop3A_1479, %parallel_loop3A_1480] : memref<2x8x32x128xf32, #tpu.memory_space<vmem>> -> memref<1x8x32x128xf32, #tpu.memory_space<vmem>>
              %parallel_loop3A_1482 = tpu.memref_squeeze %parallel_loop3A_1481 : memref<1x8x32x128xf32, #tpu.memory_space<vmem>> -> memref<8x32x128xf32, #tpu.memory_space<vmem>>
              %parallel_loop3A_1483 = arith.index_cast %parallel_loop3A_1083 : i32 to index
              %parallel_loop3A_1484 = arith.index_cast %parallel_loop3A_1477 : i32 to index
              %parallel_loop3A_1485 = arith.constant 80 : index
              %parallel_loop3A_1486 = tpu.vector_load %parallel_loop3A_1482[%parallel_loop3A_1483, %parallel_loop3A_1484, %parallel_loop3A_1485] {strides = array<i32>} : memref<8x32x128xf32, #tpu.memory_space<vmem>>, vector<16xf32>,
              tpu.vector_store %parallel_loop3A_1482[%parallel_loop3A_1483, %parallel_loop3A_1484, %parallel_loop3A_1485], %parallel_loop3A_1473 {strides = array<i32>} : memref<8x32x128xf32, #tpu.memory_space<vmem>>, vector<16xf32>,
              %parallel_loop3A_1487 = arith.addi %parallel_loop3A_1471, %add3A_600 : vector<16xi32>
              %parallel_loop3A_1488 = tpu.vector_load_idx %arg5[%parallel_loop3A_1487] : memref<576xf32, #tpu.memory_space<vmem>>[vector<16xi32>], vector<16xf32>,
              %parallel_loop3A_1489 = arith.constant 4 : i32
              %parallel_loop3A_1490 = arith.muli %parallel_loop3A_1087, %parallel_loop3A_1489 : i32
              %parallel_loop3A_1491 = arith.constant 1 : i32
              %parallel_loop3A_1492 = arith.addi %parallel_loop3A_1490, %parallel_loop3A_1491 : i32
              %parallel_loop3A_1493 = arith.constant 0 : i32
              %parallel_loop3A_1494 = arith.constant 0 : i32
              %parallel_loop3A_1495 = arith.constant 0 : i32
              %parallel_loop3A_1496 = tpu.memref_slice %run_scoped3A_18[%rem3A_594, %parallel_loop3A_1493, %parallel_loop3A_1494, %parallel_loop3A_1495] : memref<2x8x32x128xf32, #tpu.memory_space<vmem>> -> memref<1x8x32x128xf32, #tpu.memory_space<vmem>>
              %parallel_loop3A_1497 = tpu.memref_squeeze %parallel_loop3A_1496 : memref<1x8x32x128xf32, #tpu.memory_space<vmem>> -> memref<8x32x128xf32, #tpu.memory_space<vmem>>
              %parallel_loop3A_1498 = arith.index_cast %parallel_loop3A_1083 : i32 to index
              %parallel_loop3A_1499 = arith.index_cast %parallel_loop3A_1492 : i32 to index
              %parallel_loop3A_1500 = arith.constant 80 : index
              %parallel_loop3A_1501 = tpu.vector_load %parallel_loop3A_1497[%parallel_loop3A_1498, %parallel_loop3A_1499, %parallel_loop3A_1500] {strides = array<i32>} : memref<8x32x128xf32, #tpu.memory_space<vmem>>, vector<16xf32>,
              tpu.vector_store %parallel_loop3A_1497[%parallel_loop3A_1498, %parallel_loop3A_1499, %parallel_loop3A_1500], %parallel_loop3A_1488 {strides = array<i32>} : memref<8x32x128xf32, #tpu.memory_space<vmem>>, vector<16xf32>,
              %parallel_loop3A_1502 = arith.addi %parallel_loop3A_1471, %add3A_603 : vector<16xi32>
              %parallel_loop3A_1503 = tpu.vector_load_idx %arg5[%parallel_loop3A_1502] : memref<576xf32, #tpu.memory_space<vmem>>[vector<16xi32>], vector<16xf32>,
              %parallel_loop3A_1504 = arith.constant 4 : i32
              %parallel_loop3A_1505 = arith.muli %parallel_loop3A_1087, %parallel_loop3A_1504 : i32
              %parallel_loop3A_1506 = arith.constant 2 : i32
              %parallel_loop3A_1507 = arith.addi %parallel_loop3A_1505, %parallel_loop3A_1506 : i32
              %parallel_loop3A_1508 = arith.constant 0 : i32
              %parallel_loop3A_1509 = arith.constant 0 : i32
              %parallel_loop3A_1510 = arith.constant 0 : i32
              %parallel_loop3A_1511 = tpu.memref_slice %run_scoped3A_18[%rem3A_594, %parallel_loop3A_1508, %parallel_loop3A_1509, %parallel_loop3A_1510] : memref<2x8x32x128xf32, #tpu.memory_space<vmem>> -> memref<1x8x32x128xf32, #tpu.memory_space<vmem>>
              %parallel_loop3A_1512 = tpu.memref_squeeze %parallel_loop3A_1511 : memref<1x8x32x128xf32, #tpu.memory_space<vmem>> -> memref<8x32x128xf32, #tpu.memory_space<vmem>>
              %parallel_loop3A_1513 = arith.index_cast %parallel_loop3A_1083 : i32 to index
              %parallel_loop3A_1514 = arith.index_cast %parallel_loop3A_1507 : i32 to index
              %parallel_loop3A_1515 = arith.constant 80 : index
              %parallel_loop3A_1516 = tpu.vector_load %parallel_loop3A_1512[%parallel_loop3A_1513, %parallel_loop3A_1514, %parallel_loop3A_1515] {strides = array<i32>} : memref<8x32x128xf32, #tpu.memory_space<vmem>>, vector<16xf32>,
              tpu.vector_store %parallel_loop3A_1512[%parallel_loop3A_1513, %parallel_loop3A_1514, %parallel_loop3A_1515], %parallel_loop3A_1503 {strides = array<i32>} : memref<8x32x128xf32, #tpu.memory_space<vmem>>, vector<16xf32>,
              %parallel_loop3A_1517 = arith.addi %parallel_loop3A_1471, %add3A_606 : vector<16xi32>
              %parallel_loop3A_1518 = tpu.vector_load_idx %arg5[%parallel_loop3A_1517] : memref<576xf32, #tpu.memory_space<vmem>>[vector<16xi32>], vector<16xf32>,
              %parallel_loop3A_1519 = arith.constant 4 : i32
              %parallel_loop3A_1520 = arith.muli %parallel_loop3A_1087, %parallel_loop3A_1519 : i32
              %parallel_loop3A_1521 = arith.constant 3 : i32
              %parallel_loop3A_1522 = arith.addi %parallel_loop3A_1520, %parallel_loop3A_1521 : i32
              %parallel_loop3A_1523 = arith.constant 0 : i32
              %parallel_loop3A_1524 = arith.constant 0 : i32
              %parallel_loop3A_1525 = arith.constant 0 : i32
              %parallel_loop3A_1526 = tpu.memref_slice %run_scoped3A_18[%rem3A_594, %parallel_loop3A_1523, %parallel_loop3A_1524, %parallel_loop3A_1525] : memref<2x8x32x128xf32, #tpu.memory_space<vmem>> -> memref<1x8x32x128xf32, #tpu.memory_space<vmem>>
              %parallel_loop3A_1527 = tpu.memref_squeeze %parallel_loop3A_1526 : memref<1x8x32x128xf32, #tpu.memory_space<vmem>> -> memref<8x32x128xf32, #tpu.memory_space<vmem>>
              %parallel_loop3A_1528 = arith.index_cast %parallel_loop3A_1083 : i32 to index
              %parallel_loop3A_1529 = arith.index_cast %parallel_loop3A_1522 : i32 to index
              %parallel_loop3A_1530 = arith.constant 80 : index
              %parallel_loop3A_1531 = tpu.vector_load %parallel_loop3A_1527[%parallel_loop3A_1528, %parallel_loop3A_1529, %parallel_loop3A_1530] {strides = array<i32>} : memref<8x32x128xf32, #tpu.memory_space<vmem>>, vector<16xf32>,
              tpu.vector_store %parallel_loop3A_1527[%parallel_loop3A_1528, %parallel_loop3A_1529, %parallel_loop3A_1530], %parallel_loop3A_1518 {strides = array<i32>} : memref<8x32x128xf32, #tpu.memory_space<vmem>>, vector<16xf32>,
              %parallel_loop3A_1532 = arith.constant 128 : i32
              %parallel_loop3A_1533 = arith.muli %parallel_loop3A_1087, %parallel_loop3A_1532 : i32
              %parallel_loop3A_1534 = arith.constant 96 : i32
              %parallel_loop3A_1535 = arith.addi %parallel_loop3A_1533, %parallel_loop3A_1534 : i32
              %parallel_loop3A_1536 = arith.constant 0 : i32
              %parallel_loop3A_1537 = arith.constant 0 : i32
              %parallel_loop3A_1538 = tpu.memref_slice %run_scoped3A[%rem3A_592, %parallel_loop3A_1536, %parallel_loop3A_1537] : memref<2x8x1024xi32, #tpu.memory_space<vmem>> -> memref<1x8x1024xi32, #tpu.memory_space<vmem>>
              %parallel_loop3A_1539 = tpu.memref_squeeze %parallel_loop3A_1538 : memref<1x8x1024xi32, #tpu.memory_space<vmem>> -> memref<8x1024xi32, #tpu.memory_space<vmem>>
              %parallel_loop3A_1540 = arith.index_cast %parallel_loop3A_1083 : i32 to index
              %parallel_loop3A_1541 = arith.index_cast %parallel_loop3A_1535 : i32 to index
              %parallel_loop3A_1542 = tpu.vector_load %parallel_loop3A_1539[%parallel_loop3A_1540, %parallel_loop3A_1541] {strides = array<i32>} : memref<8x1024xi32, #tpu.memory_space<vmem>>, vector<16xi32>,
              %parallel_loop3A_1543 = arith.constant 64 : i32
              %parallel_loop3A_1544 = vector.broadcast %parallel_loop3A_1543 : i32 to vector<16xi32>
              %parallel_loop3A_1545 = arith.muli %parallel_loop3A_1542, %parallel_loop3A_1544 : vector<16xi32>
              %parallel_loop3A_1546 = arith.addi %parallel_loop3A_1545, %add3A_597 : vector<16xi32>
              %parallel_loop3A_1547 = tpu.vector_load_idx %arg5[%parallel_loop3A_1546] : memref<576xf32, #tpu.memory_space<vmem>>[vector<16xi32>], vector<16xf32>,
              %parallel_loop3A_1548 = arith.constant 4 : i32
              %parallel_loop3A_1549 = arith.muli %parallel_loop3A_1087, %parallel_loop3A_1548 : i32
              %parallel_loop3A_1550 = arith.constant 0 : i32
              %parallel_loop3A_1551 = arith.addi %parallel_loop3A_1549, %parallel_loop3A_1550 : i32
              %parallel_loop3A_1552 = arith.constant 0 : i32
              %parallel_loop3A_1553 = arith.constant 0 : i32
              %parallel_loop3A_1554 = arith.constant 0 : i32
              %parallel_loop3A_1555 = tpu.memref_slice %run_scoped3A_18[%rem3A_594, %parallel_loop3A_1552, %parallel_loop3A_1553, %parallel_loop3A_1554] : memref<2x8x32x128xf32, #tpu.memory_space<vmem>> -> memref<1x8x32x128xf32, #tpu.memory_space<vmem>>
              %parallel_loop3A_1556 = tpu.memref_squeeze %parallel_loop3A_1555 : memref<1x8x32x128xf32, #tpu.memory_space<vmem>> -> memref<8x32x128xf32, #tpu.memory_space<vmem>>
              %parallel_loop3A_1557 = arith.index_cast %parallel_loop3A_1083 : i32 to index
              %parallel_loop3A_1558 = arith.index_cast %parallel_loop3A_1551 : i32 to index
              %parallel_loop3A_1559 = arith.constant 96 : index
              %parallel_loop3A_1560 = tpu.vector_load %parallel_loop3A_1556[%parallel_loop3A_1557, %parallel_loop3A_1558, %parallel_loop3A_1559] {strides = array<i32>} : memref<8x32x128xf32, #tpu.memory_space<vmem>>, vector<16xf32>,
              tpu.vector_store %parallel_loop3A_1556[%parallel_loop3A_1557, %parallel_loop3A_1558, %parallel_loop3A_1559], %parallel_loop3A_1547 {strides = array<i32>} : memref<8x32x128xf32, #tpu.memory_space<vmem>>, vector<16xf32>,
              %parallel_loop3A_1561 = arith.addi %parallel_loop3A_1545, %add3A_600 : vector<16xi32>
              %parallel_loop3A_1562 = tpu.vector_load_idx %arg5[%parallel_loop3A_1561] : memref<576xf32, #tpu.memory_space<vmem>>[vector<16xi32>], vector<16xf32>,
              %parallel_loop3A_1563 = arith.constant 4 : i32
              %parallel_loop3A_1564 = arith.muli %parallel_loop3A_1087, %parallel_loop3A_1563 : i32
              %parallel_loop3A_1565 = arith.constant 1 : i32
              %parallel_loop3A_1566 = arith.addi %parallel_loop3A_1564, %parallel_loop3A_1565 : i32
              %parallel_loop3A_1567 = arith.constant 0 : i32
              %parallel_loop3A_1568 = arith.constant 0 : i32
              %parallel_loop3A_1569 = arith.constant 0 : i32
              %parallel_loop3A_1570 = tpu.memref_slice %run_scoped3A_18[%rem3A_594, %parallel_loop3A_1567, %parallel_loop3A_1568, %parallel_loop3A_1569] : memref<2x8x32x128xf32, #tpu.memory_space<vmem>> -> memref<1x8x32x128xf32, #tpu.memory_space<vmem>>
              %parallel_loop3A_1571 = tpu.memref_squeeze %parallel_loop3A_1570 : memref<1x8x32x128xf32, #tpu.memory_space<vmem>> -> memref<8x32x128xf32, #tpu.memory_space<vmem>>
              %parallel_loop3A_1572 = arith.index_cast %parallel_loop3A_1083 : i32 to index
              %parallel_loop3A_1573 = arith.index_cast %parallel_loop3A_1566 : i32 to index
              %parallel_loop3A_1574 = arith.constant 96 : index
              %parallel_loop3A_1575 = tpu.vector_load %parallel_loop3A_1571[%parallel_loop3A_1572, %parallel_loop3A_1573, %parallel_loop3A_1574] {strides = array<i32>} : memref<8x32x128xf32, #tpu.memory_space<vmem>>, vector<16xf32>,
              tpu.vector_store %parallel_loop3A_1571[%parallel_loop3A_1572, %parallel_loop3A_1573, %parallel_loop3A_1574], %parallel_loop3A_1562 {strides = array<i32>} : memref<8x32x128xf32, #tpu.memory_space<vmem>>, vector<16xf32>,
              %parallel_loop3A_1576 = arith.addi %parallel_loop3A_1545, %add3A_603 : vector<16xi32>
              %parallel_loop3A_1577 = tpu.vector_load_idx %arg5[%parallel_loop3A_1576] : memref<576xf32, #tpu.memory_space<vmem>>[vector<16xi32>], vector<16xf32>,
              %parallel_loop3A_1578 = arith.constant 4 : i32
              %parallel_loop3A_1579 = arith.muli %parallel_loop3A_1087, %parallel_loop3A_1578 : i32
              %parallel_loop3A_1580 = arith.constant 2 : i32
              %parallel_loop3A_1581 = arith.addi %parallel_loop3A_1579, %parallel_loop3A_1580 : i32
              %parallel_loop3A_1582 = arith.constant 0 : i32
              %parallel_loop3A_1583 = arith.constant 0 : i32
              %parallel_loop3A_1584 = arith.constant 0 : i32
              %parallel_loop3A_1585 = tpu.memref_slice %run_scoped3A_18[%rem3A_594, %parallel_loop3A_1582, %parallel_loop3A_1583, %parallel_loop3A_1584] : memref<2x8x32x128xf32, #tpu.memory_space<vmem>> -> memref<1x8x32x128xf32, #tpu.memory_space<vmem>>
              %parallel_loop3A_1586 = tpu.memref_squeeze %parallel_loop3A_1585 : memref<1x8x32x128xf32, #tpu.memory_space<vmem>> -> memref<8x32x128xf32, #tpu.memory_space<vmem>>
              %parallel_loop3A_1587 = arith.index_cast %parallel_loop3A_1083 : i32 to index
              %parallel_loop3A_1588 = arith.index_cast %parallel_loop3A_1581 : i32 to index
              %parallel_loop3A_1589 = arith.constant 96 : index
              %parallel_loop3A_1590 = tpu.vector_load %parallel_loop3A_1586[%parallel_loop3A_1587, %parallel_loop3A_1588, %parallel_loop3A_1589] {strides = array<i32>} : memref<8x32x128xf32, #tpu.memory_space<vmem>>, vector<16xf32>,
              tpu.vector_store %parallel_loop3A_1586[%parallel_loop3A_1587, %parallel_loop3A_1588, %parallel_loop3A_1589], %parallel_loop3A_1577 {strides = array<i32>} : memref<8x32x128xf32, #tpu.memory_space<vmem>>, vector<16xf32>,
              %parallel_loop3A_1591 = arith.addi %parallel_loop3A_1545, %add3A_606 : vector<16xi32>
              %parallel_loop3A_1592 = tpu.vector_load_idx %arg5[%parallel_loop3A_1591] : memref<576xf32, #tpu.memory_space<vmem>>[vector<16xi32>], vector<16xf32>,
              %parallel_loop3A_1593 = arith.constant 4 : i32
              %parallel_loop3A_1594 = arith.muli %parallel_loop3A_1087, %parallel_loop3A_1593 : i32
              %parallel_loop3A_1595 = arith.constant 3 : i32
              %parallel_loop3A_1596 = arith.addi %parallel_loop3A_1594, %parallel_loop3A_1595 : i32
              %parallel_loop3A_1597 = arith.constant 0 : i32
              %parallel_loop3A_1598 = arith.constant 0 : i32
              %parallel_loop3A_1599 = arith.constant 0 : i32
              %parallel_loop3A_1600 = tpu.memref_slice %run_scoped3A_18[%rem3A_594, %parallel_loop3A_1597, %parallel_loop3A_1598, %parallel_loop3A_1599] : memref<2x8x32x128xf32, #tpu.memory_space<vmem>> -> memref<1x8x32x128xf32, #tpu.memory_space<vmem>>
              %parallel_loop3A_1601 = tpu.memref_squeeze %parallel_loop3A_1600 : memref<1x8x32x128xf32, #tpu.memory_space<vmem>> -> memref<8x32x128xf32, #tpu.memory_space<vmem>>
              %parallel_loop3A_1602 = arith.index_cast %parallel_loop3A_1083 : i32 to index
              %parallel_loop3A_1603 = arith.index_cast %parallel_loop3A_1596 : i32 to index
              %parallel_loop3A_1604 = arith.constant 96 : index
              %parallel_loop3A_1605 = tpu.vector_load %parallel_loop3A_1601[%parallel_loop3A_1602, %parallel_loop3A_1603, %parallel_loop3A_1604] {strides = array<i32>} : memref<8x32x128xf32, #tpu.memory_space<vmem>>, vector<16xf32>,
              tpu.vector_store %parallel_loop3A_1601[%parallel_loop3A_1602, %parallel_loop3A_1603, %parallel_loop3A_1604], %parallel_loop3A_1592 {strides = array<i32>} : memref<8x32x128xf32, #tpu.memory_space<vmem>>, vector<16xf32>,
              %parallel_loop3A_1606 = arith.constant 128 : i32
              %parallel_loop3A_1607 = arith.muli %parallel_loop3A_1087, %parallel_loop3A_1606 : i32
              %parallel_loop3A_1608 = arith.constant 112 : i32
              %parallel_loop3A_1609 = arith.addi %parallel_loop3A_1607, %parallel_loop3A_1608 : i32
              %parallel_loop3A_1610 = arith.constant 0 : i32
              %parallel_loop3A_1611 = arith.constant 0 : i32
              %parallel_loop3A_1612 = tpu.memref_slice %run_scoped3A[%rem3A_592, %parallel_loop3A_1610, %parallel_loop3A_1611] : memref<2x8x1024xi32, #tpu.memory_space<vmem>> -> memref<1x8x1024xi32, #tpu.memory_space<vmem>>
              %parallel_loop3A_1613 = tpu.memref_squeeze %parallel_loop3A_1612 : memref<1x8x1024xi32, #tpu.memory_space<vmem>> -> memref<8x1024xi32, #tpu.memory_space<vmem>>
              %parallel_loop3A_1614 = arith.index_cast %parallel_loop3A_1083 : i32 to index
              %parallel_loop3A_1615 = arith.index_cast %parallel_loop3A_1609 : i32 to index
              %parallel_loop3A_1616 = tpu.vector_load %parallel_loop3A_1613[%parallel_loop3A_1614, %parallel_loop3A_1615] {strides = array<i32>} : memref<8x1024xi32, #tpu.memory_space<vmem>>, vector<16xi32>,
              %parallel_loop3A_1617 = arith.constant 64 : i32
              %parallel_loop3A_1618 = vector.broadcast %parallel_loop3A_1617 : i32 to vector<16xi32>
              %parallel_loop3A_1619 = arith.muli %parallel_loop3A_1616, %parallel_loop3A_1618 : vector<16xi32>
              %parallel_loop3A_1620 = arith.addi %parallel_loop3A_1619, %add3A_597 : vector<16xi32>
              %parallel_loop3A_1621 = tpu.vector_load_idx %arg5[%parallel_loop3A_1620] : memref<576xf32, #tpu.memory_space<vmem>>[vector<16xi32>], vector<16xf32>,
              %parallel_loop3A_1622 = arith.constant 4 : i32
              %parallel_loop3A_1623 = arith.muli %parallel_loop3A_1087, %parallel_loop3A_1622 : i32
              %parallel_loop3A_1624 = arith.constant 0 : i32
              %parallel_loop3A_1625 = arith.addi %parallel_loop3A_1623, %parallel_loop3A_1624 : i32
              %parallel_loop3A_1626 = arith.constant 0 : i32
              %parallel_loop3A_1627 = arith.constant 0 : i32
              %parallel_loop3A_1628 = arith.constant 0 : i32
              %parallel_loop3A_1629 = tpu.memref_slice %run_scoped3A_18[%rem3A_594, %parallel_loop3A_1626, %parallel_loop3A_1627, %parallel_loop3A_1628] : memref<2x8x32x128xf32, #tpu.memory_space<vmem>> -> memref<1x8x32x128xf32, #tpu.memory_space<vmem>>
              %parallel_loop3A_1630 = tpu.memref_squeeze %parallel_loop3A_1629 : memref<1x8x32x128xf32, #tpu.memory_space<vmem>> -> memref<8x32x128xf32, #tpu.memory_space<vmem>>
              %parallel_loop3A_1631 = arith.index_cast %parallel_loop3A_1083 : i32 to index
              %parallel_loop3A_1632 = arith.index_cast %parallel_loop3A_1625 : i32 to index
              %parallel_loop3A_1633 = arith.constant 112 : index
              %parallel_loop3A_1634 = tpu.vector_load %parallel_loop3A_1630[%parallel_loop3A_1631, %parallel_loop3A_1632, %parallel_loop3A_1633] {strides = array<i32>} : memref<8x32x128xf32, #tpu.memory_space<vmem>>, vector<16xf32>,
              tpu.vector_store %parallel_loop3A_1630[%parallel_loop3A_1631, %parallel_loop3A_1632, %parallel_loop3A_1633], %parallel_loop3A_1621 {strides = array<i32>} : memref<8x32x128xf32, #tpu.memory_space<vmem>>, vector<16xf32>,
              %parallel_loop3A_1635 = arith.addi %parallel_loop3A_1619, %add3A_600 : vector<16xi32>
              %parallel_loop3A_1636 = tpu.vector_load_idx %arg5[%parallel_loop3A_1635] : memref<576xf32, #tpu.memory_space<vmem>>[vector<16xi32>], vector<16xf32>,
              %parallel_loop3A_1637 = arith.constant 4 : i32
              %parallel_loop3A_1638 = arith.muli %parallel_loop3A_1087, %parallel_loop3A_1637 : i32
              %parallel_loop3A_1639 = arith.constant 1 : i32
              %parallel_loop3A_1640 = arith.addi %parallel_loop3A_1638, %parallel_loop3A_1639 : i32
              %parallel_loop3A_1641 = arith.constant 0 : i32
              %parallel_loop3A_1642 = arith.constant 0 : i32
              %parallel_loop3A_1643 = arith.constant 0 : i32
              %parallel_loop3A_1644 = tpu.memref_slice %run_scoped3A_18[%rem3A_594, %parallel_loop3A_1641, %parallel_loop3A_1642, %parallel_loop3A_1643] : memref<2x8x32x128xf32, #tpu.memory_space<vmem>> -> memref<1x8x32x128xf32, #tpu.memory_space<vmem>>
              %parallel_loop3A_1645 = tpu.memref_squeeze %parallel_loop3A_1644 : memref<1x8x32x128xf32, #tpu.memory_space<vmem>> -> memref<8x32x128xf32, #tpu.memory_space<vmem>>
              %parallel_loop3A_1646 = arith.index_cast %parallel_loop3A_1083 : i32 to index
              %parallel_loop3A_1647 = arith.index_cast %parallel_loop3A_1640 : i32 to index
              %parallel_loop3A_1648 = arith.constant 112 : index
              %parallel_loop3A_1649 = tpu.vector_load %parallel_loop3A_1645[%parallel_loop3A_1646, %parallel_loop3A_1647, %parallel_loop3A_1648] {strides = array<i32>} : memref<8x32x128xf32, #tpu.memory_space<vmem>>, vector<16xf32>,
              tpu.vector_store %parallel_loop3A_1645[%parallel_loop3A_1646, %parallel_loop3A_1647, %parallel_loop3A_1648], %parallel_loop3A_1636 {strides = array<i32>} : memref<8x32x128xf32, #tpu.memory_space<vmem>>, vector<16xf32>,
              %parallel_loop3A_1650 = arith.addi %parallel_loop3A_1619, %add3A_603 : vector<16xi32>
              %parallel_loop3A_1651 = tpu.vector_load_idx %arg5[%parallel_loop3A_1650] : memref<576xf32, #tpu.memory_space<vmem>>[vector<16xi32>], vector<16xf32>,
              %parallel_loop3A_1652 = arith.constant 4 : i32
              %parallel_loop3A_1653 = arith.muli %parallel_loop3A_1087, %parallel_loop3A_1652 : i32
              %parallel_loop3A_1654 = arith.constant 2 : i32
              %parallel_loop3A_1655 = arith.addi %parallel_loop3A_1653, %parallel_loop3A_1654 : i32
              %parallel_loop3A_1656 = arith.constant 0 : i32
              %parallel_loop3A_1657 = arith.constant 0 : i32
              %parallel_loop3A_1658 = arith.constant 0 : i32
              %parallel_loop3A_1659 = tpu.memref_slice %run_scoped3A_18[%rem3A_594, %parallel_loop3A_1656, %parallel_loop3A_1657, %parallel_loop3A_1658] : memref<2x8x32x128xf32, #tpu.memory_space<vmem>> -> memref<1x8x32x128xf32, #tpu.memory_space<vmem>>
              %parallel_loop3A_1660 = tpu.memref_squeeze %parallel_loop3A_1659 : memref<1x8x32x128xf32, #tpu.memory_space<vmem>> -> memref<8x32x128xf32, #tpu.memory_space<vmem>>
              %parallel_loop3A_1661 = arith.index_cast %parallel_loop3A_1083 : i32 to index
              %parallel_loop3A_1662 = arith.index_cast %parallel_loop3A_1655 : i32 to index
              %parallel_loop3A_1663 = arith.constant 112 : index
              %parallel_loop3A_1664 = tpu.vector_load %parallel_loop3A_1660[%parallel_loop3A_1661, %parallel_loop3A_1662, %parallel_loop3A_1663] {strides = array<i32>} : memref<8x32x128xf32, #tpu.memory_space<vmem>>, vector<16xf32>,
              tpu.vector_store %parallel_loop3A_1660[%parallel_loop3A_1661, %parallel_loop3A_1662, %parallel_loop3A_1663], %parallel_loop3A_1651 {strides = array<i32>} : memref<8x32x128xf32, #tpu.memory_space<vmem>>, vector<16xf32>,
              %parallel_loop3A_1665 = arith.addi %parallel_loop3A_1619, %add3A_606 : vector<16xi32>
              %parallel_loop3A_1666 = tpu.vector_load_idx %arg5[%parallel_loop3A_1665] : memref<576xf32, #tpu.memory_space<vmem>>[vector<16xi32>], vector<16xf32>,
              %parallel_loop3A_1667 = arith.constant 4 : i32
              %parallel_loop3A_1668 = arith.muli %parallel_loop3A_1087, %parallel_loop3A_1667 : i32
              %parallel_loop3A_1669 = arith.constant 3 : i32
              %parallel_loop3A_1670 = arith.addi %parallel_loop3A_1668, %parallel_loop3A_1669 : i32
              %parallel_loop3A_1671 = arith.constant 0 : i32
              %parallel_loop3A_1672 = arith.constant 0 : i32
              %parallel_loop3A_1673 = arith.constant 0 : i32
              %parallel_loop3A_1674 = tpu.memref_slice %run_scoped3A_18[%rem3A_594, %parallel_loop3A_1671, %parallel_loop3A_1672, %parallel_loop3A_1673] : memref<2x8x32x128xf32, #tpu.memory_space<vmem>> -> memref<1x8x32x128xf32, #tpu.memory_space<vmem>>
              %parallel_loop3A_1675 = tpu.memref_squeeze %parallel_loop3A_1674 : memref<1x8x32x128xf32, #tpu.memory_space<vmem>> -> memref<8x32x128xf32, #tpu.memory_space<vmem>>
              %parallel_loop3A_1676 = arith.index_cast %parallel_loop3A_1083 : i32 to index
              %parallel_loop3A_1677 = arith.index_cast %parallel_loop3A_1670 : i32 to index
              %parallel_loop3A_1678 = arith.constant 112 : index
              %parallel_loop3A_1679 = tpu.vector_load %parallel_loop3A_1675[%parallel_loop3A_1676, %parallel_loop3A_1677, %parallel_loop3A_1678] {strides = array<i32>} : memref<8x32x128xf32, #tpu.memory_space<vmem>>, vector<16xf32>,
              tpu.vector_store %parallel_loop3A_1675[%parallel_loop3A_1676, %parallel_loop3A_1677, %parallel_loop3A_1678], %parallel_loop3A_1666 {strides = array<i32>} : memref<8x32x128xf32, #tpu.memory_space<vmem>>, vector<16xf32>,
            } {sc.loop_unroll_factor = 4 : i64, sc.parallel_access}
          } {sc.loop_unroll_factor = 2 : i64, sc.parallel_access}
          %jit3A_609 = arith.constant 16 : i32
          %div3A_610 = arith.divsi %add3A_191, %jit3A_609 : i32
          %sign3A_611 = arith.constant 0 : i32
          %sign3A_612 = arith.cmpi sgt, %add3A_191, %sign3A_611 : i32
          %sign3A_613 = arith.extui %sign3A_612 : i1 to i32
          %sign3A_614 = arith.constant 0 : i32
          %sign3A_615 = arith.cmpi slt, %add3A_191, %sign3A_614 : i32
          %sign3A_616 = arith.extui %sign3A_615 : i1 to i32
          %sign3A_617 = arith.subi %sign3A_613, %sign3A_616 : i32
          %sign3A_618 = arith.constant 0 : i32
          %sign3A_619 = arith.cmpi sgt, %jit3A_609, %sign3A_618 : i32
          %sign3A_620 = arith.extui %sign3A_619 : i1 to i32
          %sign3A_621 = arith.constant 0 : i32
          %sign3A_622 = arith.cmpi slt, %jit3A_609, %sign3A_621 : i32
          %sign3A_623 = arith.extui %sign3A_622 : i1 to i32
          %sign3A_624 = arith.subi %sign3A_620, %sign3A_623 : i32
          %ne3A_625 = arith.cmpi ne, %sign3A_617, %sign3A_624 : i32
          %rem3A_626 = arith.remsi %add3A_191, %jit3A_609 : i32
          %ne3A_627 = arith.constant 0 : i32
          %ne3A_628 = arith.cmpi ne, %rem3A_626, %ne3A_627 : i32
          %and3A_629 = arith.andi %ne3A_625, %ne3A_628 : i1
          %sub3A_630 = arith.constant 1 : i32
          %sub3A_631 = arith.subi %div3A_610, %sub3A_630 : i32
          %select_n3A_632 = arith.select %and3A_629, %sub3A_631, %div3A_610 : i32
          %jit3A_633 = arith.constant 16 : i32
          %eq3A_634 = arith.constant 0 : i32
          %eq3A_635 = arith.cmpi eq, %jit3A_633, %eq3A_634 : i32
          %jit3A_636 = arith.constant 1 : i32
          %select_n3A_637 = arith.select %eq3A_635, %jit3A_636, %jit3A_633 : i32
          %rem3A_638 = arith.remsi %add3A_191, %select_n3A_637 : i32
          %ne3A_639 = arith.constant 0 : i32
          %ne3A_640 = arith.cmpi ne, %rem3A_638, %ne3A_639 : i32
          %lt3A_641 = arith.constant 0 : i32
          %lt3A_642 = arith.cmpi slt, %rem3A_638, %lt3A_641 : i32
          %lt3A_643 = arith.constant 0 : i32
          %lt3A_644 = arith.cmpi slt, %select_n3A_637, %lt3A_643 : i32
          %ne3A_645 = arith.xori %lt3A_642, %lt3A_644 : i1
          %and3A_646 = arith.andi %ne3A_645, %ne3A_640 : i1
          %add3A_647 = arith.addi %rem3A_638, %select_n3A_637 : i32
          %select_n3A_648 = arith.select %and3A_646, %add3A_647, %rem3A_638 : i32
          %jit3A_649 = arith.constant 16 : i32
          %div3A_650 = arith.divsi %add3A_209, %jit3A_649 : i32
          %sign3A_651 = arith.constant 0 : i32
          %sign3A_652 = arith.cmpi sgt, %add3A_209, %sign3A_651 : i32
          %sign3A_653 = arith.extui %sign3A_652 : i1 to i32
          %sign3A_654 = arith.constant 0 : i32
          %sign3A_655 = arith.cmpi slt, %add3A_209, %sign3A_654 : i32
          %sign3A_656 = arith.extui %sign3A_655 : i1 to i32
          %sign3A_657 = arith.subi %sign3A_653, %sign3A_656 : i32
          %sign3A_658 = arith.constant 0 : i32
          %sign3A_659 = arith.cmpi sgt, %jit3A_649, %sign3A_658 : i32
          %sign3A_660 = arith.extui %sign3A_659 : i1 to i32
          %sign3A_661 = arith.constant 0 : i32
          %sign3A_662 = arith.cmpi slt, %jit3A_649, %sign3A_661 : i32
          %sign3A_663 = arith.extui %sign3A_662 : i1 to i32
          %sign3A_664 = arith.subi %sign3A_660, %sign3A_663 : i32
          %ne3A_665 = arith.cmpi ne, %sign3A_657, %sign3A_664 : i32
          %rem3A_666 = arith.remsi %add3A_209, %jit3A_649 : i32
          %ne3A_667 = arith.constant 0 : i32
          %ne3A_668 = arith.cmpi ne, %rem3A_666, %ne3A_667 : i32
          %and3A_669 = arith.andi %ne3A_665, %ne3A_668 : i1
          %sub3A_670 = arith.constant 1 : i32
          %sub3A_671 = arith.subi %div3A_650, %sub3A_670 : i32
          %select_n3A_672 = arith.select %and3A_669, %sub3A_671, %div3A_650 : i32
          %jit3A_673 = arith.constant 16 : i32
          %eq3A_674 = arith.constant 0 : i32
          %eq3A_675 = arith.cmpi eq, %jit3A_673, %eq3A_674 : i32
          %jit3A_676 = arith.constant 1 : i32
          %select_n3A_677 = arith.select %eq3A_675, %jit3A_676, %jit3A_673 : i32
          %rem3A_678 = arith.remsi %add3A_209, %select_n3A_677 : i32
          %ne3A_679 = arith.constant 0 : i32
          %ne3A_680 = arith.cmpi ne, %rem3A_678, %ne3A_679 : i32
          %lt3A_681 = arith.constant 0 : i32
          %lt3A_682 = arith.cmpi slt, %rem3A_678, %lt3A_681 : i32
          %lt3A_683 = arith.constant 0 : i32
          %lt3A_684 = arith.cmpi slt, %select_n3A_677, %lt3A_683 : i32
          %ne3A_685 = arith.xori %lt3A_682, %lt3A_684 : i1
          %and3A_686 = arith.andi %ne3A_685, %ne3A_680 : i1
          %add3A_687 = arith.addi %rem3A_678, %select_n3A_677 : i32
          %select_n3A_688 = arith.select %and3A_686, %add3A_687, %rem3A_678 : i32
          %ne3A_689 = arith.cmpi ne, %select_n3A_632, %select_n3A_672 : i32
          %ne3A_690 = arith.cmpi ne, %select_n3A_648, %select_n3A_688 : i32
          %or3A_691 = arith.constant false
          %or3A_692 = arith.ori %or3A_691, %ne3A_689 : i1
          %or3A_693 = arith.ori %or3A_692, %ne3A_690 : i1
          %or3A_694 = arith.ori %or3A_693, %eq3A_190 : i1
          %convert_element_type3A_695 = arith.extui %or3A_694 : i1 to i32
          %cond3A_696 = arith.constant 0 : i32
          %cond3A_697 = arith.cmpi ne, %convert_element_type3A_695, %cond3A_696 : i32
          scf.if %cond3A_697 {
          } else {
          }
          %and3A_698 = arith.constant false
          %and3A_699 = arith.andi %or3A_694, %and3A_698 : i1
          %jit3A_700 = arith.constant 16 : i32
          %div3A_701 = arith.divsi %add3A_191, %jit3A_700 : i32
          %sign3A_702 = arith.constant 0 : i32
          %sign3A_703 = arith.cmpi sgt, %add3A_191, %sign3A_702 : i32
          %sign3A_704 = arith.extui %sign3A_703 : i1 to i32
          %sign3A_705 = arith.constant 0 : i32
          %sign3A_706 = arith.cmpi slt, %add3A_191, %sign3A_705 : i32
          %sign3A_707 = arith.extui %sign3A_706 : i1 to i32
          %sign3A_708 = arith.subi %sign3A_704, %sign3A_707 : i32
          %sign3A_709 = arith.constant 0 : i32
          %sign3A_710 = arith.cmpi sgt, %jit3A_700, %sign3A_709 : i32
          %sign3A_711 = arith.extui %sign3A_710 : i1 to i32
          %sign3A_712 = arith.constant 0 : i32
          %sign3A_713 = arith.cmpi slt, %jit3A_700, %sign3A_712 : i32
          %sign3A_714 = arith.extui %sign3A_713 : i1 to i32
          %sign3A_715 = arith.subi %sign3A_711, %sign3A_714 : i32
          %ne3A_716 = arith.cmpi ne, %sign3A_708, %sign3A_715 : i32
          %rem3A_717 = arith.remsi %add3A_191, %jit3A_700 : i32
          %ne3A_718 = arith.constant 0 : i32
          %ne3A_719 = arith.cmpi ne, %rem3A_717, %ne3A_718 : i32
          %and3A_720 = arith.andi %ne3A_716, %ne3A_719 : i1
          %sub3A_721 = arith.constant 1 : i32
          %sub3A_722 = arith.subi %div3A_701, %sub3A_721 : i32
          %select_n3A_723 = arith.select %and3A_720, %sub3A_722, %div3A_701 : i32
          %jit3A_724 = arith.constant 16 : i32
          %eq3A_725 = arith.constant 0 : i32
          %eq3A_726 = arith.cmpi eq, %jit3A_724, %eq3A_725 : i32
          %jit3A_727 = arith.constant 1 : i32
          %select_n3A_728 = arith.select %eq3A_726, %jit3A_727, %jit3A_724 : i32
          %rem3A_729 = arith.remsi %add3A_191, %select_n3A_728 : i32
          %ne3A_730 = arith.constant 0 : i32
          %ne3A_731 = arith.cmpi ne, %rem3A_729, %ne3A_730 : i32
          %lt3A_732 = arith.constant 0 : i32
          %lt3A_733 = arith.cmpi slt, %rem3A_729, %lt3A_732 : i32
          %lt3A_734 = arith.constant 0 : i32
          %lt3A_735 = arith.cmpi slt, %select_n3A_728, %lt3A_734 : i32
          %ne3A_736 = arith.xori %lt3A_733, %lt3A_735 : i1
          %and3A_737 = arith.andi %ne3A_736, %ne3A_731 : i1
          %add3A_738 = arith.addi %rem3A_729, %select_n3A_728 : i32
          %select_n3A_739 = arith.select %and3A_737, %add3A_738, %rem3A_729 : i32
          %jit3A_740 = arith.constant 16 : i32
          %div3A_741 = arith.divsi %add3A_209, %jit3A_740 : i32
          %sign3A_742 = arith.constant 0 : i32
          %sign3A_743 = arith.cmpi sgt, %add3A_209, %sign3A_742 : i32
          %sign3A_744 = arith.extui %sign3A_743 : i1 to i32
          %sign3A_745 = arith.constant 0 : i32
          %sign3A_746 = arith.cmpi slt, %add3A_209, %sign3A_745 : i32
          %sign3A_747 = arith.extui %sign3A_746 : i1 to i32
          %sign3A_748 = arith.subi %sign3A_744, %sign3A_747 : i32
          %sign3A_749 = arith.constant 0 : i32
          %sign3A_750 = arith.cmpi sgt, %jit3A_740, %sign3A_749 : i32
          %sign3A_751 = arith.extui %sign3A_750 : i1 to i32
          %sign3A_752 = arith.constant 0 : i32
          %sign3A_753 = arith.cmpi slt, %jit3A_740, %sign3A_752 : i32
          %sign3A_754 = arith.extui %sign3A_753 : i1 to i32
          %sign3A_755 = arith.subi %sign3A_751, %sign3A_754 : i32
          %ne3A_756 = arith.cmpi ne, %sign3A_748, %sign3A_755 : i32
          %rem3A_757 = arith.remsi %add3A_209, %jit3A_740 : i32
          %ne3A_758 = arith.constant 0 : i32
          %ne3A_759 = arith.cmpi ne, %rem3A_757, %ne3A_758 : i32
          %and3A_760 = arith.andi %ne3A_756, %ne3A_759 : i1
          %sub3A_761 = arith.constant 1 : i32
          %sub3A_762 = arith.subi %div3A_741, %sub3A_761 : i32
          %select_n3A_763 = arith.select %and3A_760, %sub3A_762, %div3A_741 : i32
          %jit3A_764 = arith.constant 16 : i32
          %eq3A_765 = arith.constant 0 : i32
          %eq3A_766 = arith.cmpi eq, %jit3A_764, %eq3A_765 : i32
          %jit3A_767 = arith.constant 1 : i32
          %select_n3A_768 = arith.select %eq3A_766, %jit3A_767, %jit3A_764 : i32
          %rem3A_769 = arith.remsi %add3A_209, %select_n3A_768 : i32
          %ne3A_770 = arith.constant 0 : i32
          %ne3A_771 = arith.cmpi ne, %rem3A_769, %ne3A_770 : i32
          %lt3A_772 = arith.constant 0 : i32
          %lt3A_773 = arith.cmpi slt, %rem3A_769, %lt3A_772 : i32
          %lt3A_774 = arith.constant 0 : i32
          %lt3A_775 = arith.cmpi slt, %select_n3A_768, %lt3A_774 : i32
          %ne3A_776 = arith.xori %lt3A_773, %lt3A_775 : i1
          %and3A_777 = arith.andi %ne3A_776, %ne3A_771 : i1
          %add3A_778 = arith.addi %rem3A_769, %select_n3A_768 : i32
          %select_n3A_779 = arith.select %and3A_777, %add3A_778, %rem3A_769 : i32
          %ne3A_780 = arith.cmpi ne, %select_n3A_723, %select_n3A_763 : i32
          %ne3A_781 = arith.cmpi ne, %select_n3A_739, %select_n3A_779 : i32
          %or3A_782 = arith.constant false
          %or3A_783 = arith.ori %or3A_782, %ne3A_780 : i1
          %or3A_784 = arith.ori %or3A_783, %ne3A_781 : i1
          %or3A_785 = arith.constant false
          %or3A_786 = arith.ori %or3A_784, %or3A_785 : i1
          %or3A_787 = arith.ori %or3A_786, %eq3A_190 : i1
          %convert_element_type3A_788 = arith.extui %or3A_787 : i1 to i32
          %cond3A_789 = arith.constant 0 : i32
          %cond3A_790 = arith.cmpi ne, %convert_element_type3A_788, %cond3A_789 : i32
          scf.if %cond3A_790 {
            %rem3A_1083 = arith.constant 2 : i32
            %rem3A_1084 = arith.remui %while3A_181, %rem3A_1083 : i32
            %jit3A_1085 = arith.constant 16 : i32
            %div3A_1086 = arith.divsi %add3A_191, %jit3A_1085 : i32
            %sign3A_1087 = arith.constant 0 : i32
            %sign3A_1088 = arith.cmpi sgt, %add3A_191, %sign3A_1087 : i32
            %sign3A_1089 = arith.extui %sign3A_1088 : i1 to i32
            %sign3A_1090 = arith.constant 0 : i32
            %sign3A_1091 = arith.cmpi slt, %add3A_191, %sign3A_1090 : i32
            %sign3A_1092 = arith.extui %sign3A_1091 : i1 to i32
            %sign3A_1093 = arith.subi %sign3A_1089, %sign3A_1092 : i32
            %sign3A_1094 = arith.constant 0 : i32
            %sign3A_1095 = arith.cmpi sgt, %jit3A_1085, %sign3A_1094 : i32
            %sign3A_1096 = arith.extui %sign3A_1095 : i1 to i32
            %sign3A_1097 = arith.constant 0 : i32
            %sign3A_1098 = arith.cmpi slt, %jit3A_1085, %sign3A_1097 : i32
            %sign3A_1099 = arith.extui %sign3A_1098 : i1 to i32
            %sign3A_1100 = arith.subi %sign3A_1096, %sign3A_1099 : i32
            %ne3A_1101 = arith.cmpi ne, %sign3A_1093, %sign3A_1100 : i32
            %rem3A_1102 = arith.remsi %add3A_191, %jit3A_1085 : i32
            %ne3A_1103 = arith.constant 0 : i32
            %ne3A_1104 = arith.cmpi ne, %rem3A_1102, %ne3A_1103 : i32
            %and3A_1105 = arith.andi %ne3A_1101, %ne3A_1104 : i1
            %sub3A_1106 = arith.constant 1 : i32
            %sub3A_1107 = arith.subi %div3A_1086, %sub3A_1106 : i32
            %select_n3A_1108 = arith.select %and3A_1105, %sub3A_1107, %div3A_1086 : i32
            %jit3A_1109 = arith.constant 16 : i32
            %eq3A_1110 = arith.constant 0 : i32
            %eq3A_1111 = arith.cmpi eq, %jit3A_1109, %eq3A_1110 : i32
            %jit3A_1112 = arith.constant 1 : i32
            %select_n3A_1113 = arith.select %eq3A_1111, %jit3A_1112, %jit3A_1109 : i32
            %rem3A_1114 = arith.remsi %add3A_191, %select_n3A_1113 : i32
            %ne3A_1115 = arith.constant 0 : i32
            %ne3A_1116 = arith.cmpi ne, %rem3A_1114, %ne3A_1115 : i32
            %lt3A_1117 = arith.constant 0 : i32
            %lt3A_1118 = arith.cmpi slt, %rem3A_1114, %lt3A_1117 : i32
            %lt3A_1119 = arith.constant 0 : i32
            %lt3A_1120 = arith.cmpi slt, %select_n3A_1113, %lt3A_1119 : i32
            %ne3A_1121 = arith.xori %lt3A_1118, %lt3A_1120 : i1
            %and3A_1122 = arith.andi %ne3A_1121, %ne3A_1116 : i1
            %add3A_1123 = arith.addi %rem3A_1114, %select_n3A_1113 : i32
            %select_n3A_1124 = arith.select %and3A_1122, %add3A_1123, %rem3A_1114 : i32
            %mul3A_1125 = arith.constant 8 : i32
            %mul3A_1126 = arith.muli %mul3A_1125, %select_n3A_1108 : i32
            %mul3A_1127 = arith.constant 32 : i32
            %mul3A_1128 = arith.muli %mul3A_1127, %select_n3A_1124 : i32
            %dma_start3A_1129 = arith.constant 0 : i32
            %dma_start3A_1130 = arith.constant 0 : i32
            %dma_start3A_1131 = arith.constant 0 : i32
            %dma_start3A_1132 = tpu.memref_slice %run_scoped3A_18[%rem3A_1084, %dma_start3A_1129, %dma_start3A_1130, %dma_start3A_1131] : memref<2x8x32x128xf32, #tpu.memory_space<vmem>> -> memref<1x8x32x128xf32, #tpu.memory_space<vmem>>
            %dma_start3A_1133 = tpu.memref_squeeze %dma_start3A_1132 : memref<1x8x32x128xf32, #tpu.memory_space<vmem>> -> memref<8x32x128xf32, #tpu.memory_space<vmem>>
            %dma_start3A_1134 = arith.constant 0 : i32
            %dma_start3A_1135 = tpu.memref_slice %arg4[%mul3A_1126, %mul3A_1128, %dma_start3A_1134] : memref<200x512x128xf32, #tpu.memory_space<hbm>> -> memref<8x32x128xf32, #tpu.memory_space<hbm>>
            %dma_start3A_1136 = tpu.memref_slice %run_scoped3A_19[%rem3A_1084] : memref<2x!tpu.dma_semaphore, #tpu.memory_space<semaphore_mem>> -> memref<1x!tpu.dma_semaphore, #tpu.memory_space<semaphore_mem>>
            %dma_start3A_1137 = tpu.memref_squeeze %dma_start3A_1136 : memref<1x!tpu.dma_semaphore, #tpu.memory_space<semaphore_mem>> -> memref<!tpu.dma_semaphore, #tpu.memory_space<semaphore_mem>>
            %dma_start3A_1138 = arith.constant 0 : i32
            %dma_start3A_1139 = tpu.memref_slice %arg4[%mul3A_1126, %mul3A_1128, %dma_start3A_1138] : memref<200x512x128xf32, #tpu.memory_space<hbm>> -> memref<8x32x128xf32, #tpu.memory_space<hbm>>
            %dma_start3A_1140 = arith.constant 0 : i32
            %dma_start3A_1141 = arith.constant 0 : i32
            %dma_start3A_1142 = arith.constant 0 : i32
            %dma_start3A_1143 = tpu.memref_slice %run_scoped3A_18[%rem3A_1084, %dma_start3A_1140, %dma_start3A_1141, %dma_start3A_1142] : memref<2x8x32x128xf32, #tpu.memory_space<vmem>> -> memref<1x8x32x128xf32, #tpu.memory_space<vmem>>
            %dma_start3A_1144 = tpu.memref_squeeze %dma_start3A_1143 : memref<1x8x32x128xf32, #tpu.memory_space<vmem>> -> memref<8x32x128xf32, #tpu.memory_space<vmem>>
            tpu.enqueue_dma source(%dma_start3A_1144 : memref<8x32x128xf32, #tpu.memory_space<vmem>>) target(%dma_start3A_1139 : memref<8x32x128xf32, #tpu.memory_space<hbm>>) target_semaphore(%dma_start3A_1137 : memref<!tpu.dma_semaphore, #tpu.memory_space<semaphore_mem>>)
          } else {
          }
          %and3A_791 = arith.constant true
          %and3A_792 = arith.andi %or3A_787, %and3A_791 : i1
          %add3A_793 = arith.constant 1 : i32
          %add3A_794 = arith.addi %while3A_181, %add3A_793 : i32
          %select_n3A_795 = arith.select %and3A_792, %add3A_794, %while3A_181 : i32
          %jit3A_796 = arith.constant 16 : i32
          %div3A_797 = arith.divsi %add3A_191, %jit3A_796 : i32
          %sign3A_798 = arith.constant 0 : i32
          %sign3A_799 = arith.cmpi sgt, %add3A_191, %sign3A_798 : i32
          %sign3A_800 = arith.extui %sign3A_799 : i1 to i32
          %sign3A_801 = arith.constant 0 : i32
          %sign3A_802 = arith.cmpi slt, %add3A_191, %sign3A_801 : i32
          %sign3A_803 = arith.extui %sign3A_802 : i1 to i32
          %sign3A_804 = arith.subi %sign3A_800, %sign3A_803 : i32
          %sign3A_805 = arith.constant 0 : i32
          %sign3A_806 = arith.cmpi sgt, %jit3A_796, %sign3A_805 : i32
          %sign3A_807 = arith.extui %sign3A_806 : i1 to i32
          %sign3A_808 = arith.constant 0 : i32
          %sign3A_809 = arith.cmpi slt, %jit3A_796, %sign3A_808 : i32
          %sign3A_810 = arith.extui %sign3A_809 : i1 to i32
          %sign3A_811 = arith.subi %sign3A_807, %sign3A_810 : i32
          %ne3A_812 = arith.cmpi ne, %sign3A_804, %sign3A_811 : i32
          %rem3A_813 = arith.remsi %add3A_191, %jit3A_796 : i32
          %ne3A_814 = arith.constant 0 : i32
          %ne3A_815 = arith.cmpi ne, %rem3A_813, %ne3A_814 : i32
          %and3A_816 = arith.andi %ne3A_812, %ne3A_815 : i1
          %sub3A_817 = arith.constant 1 : i32
          %sub3A_818 = arith.subi %div3A_797, %sub3A_817 : i32
          %select_n3A_819 = arith.select %and3A_816, %sub3A_818, %div3A_797 : i32
          %jit3A_820 = arith.constant 16 : i32
          %eq3A_821 = arith.constant 0 : i32
          %eq3A_822 = arith.cmpi eq, %jit3A_820, %eq3A_821 : i32
          %jit3A_823 = arith.constant 1 : i32
          %select_n3A_824 = arith.select %eq3A_822, %jit3A_823, %jit3A_820 : i32
          %rem3A_825 = arith.remsi %add3A_191, %select_n3A_824 : i32
          %ne3A_826 = arith.constant 0 : i32
          %ne3A_827 = arith.cmpi ne, %rem3A_825, %ne3A_826 : i32
          %lt3A_828 = arith.constant 0 : i32
          %lt3A_829 = arith.cmpi slt, %rem3A_825, %lt3A_828 : i32
          %lt3A_830 = arith.constant 0 : i32
          %lt3A_831 = arith.cmpi slt, %select_n3A_824, %lt3A_830 : i32
          %ne3A_832 = arith.xori %lt3A_829, %lt3A_831 : i1
          %and3A_833 = arith.andi %ne3A_832, %ne3A_827 : i1
          %add3A_834 = arith.addi %rem3A_825, %select_n3A_824 : i32
          %select_n3A_835 = arith.select %and3A_833, %add3A_834, %rem3A_825 : i32
          %jit3A_836 = arith.constant 16 : i32
          %div3A_837 = arith.divsi %add3A_201, %jit3A_836 : i32
          %sign3A_838 = arith.constant 0 : i32
          %sign3A_839 = arith.cmpi sgt, %add3A_201, %sign3A_838 : i32
          %sign3A_840 = arith.extui %sign3A_839 : i1 to i32
          %sign3A_841 = arith.constant 0 : i32
          %sign3A_842 = arith.cmpi slt, %add3A_201, %sign3A_841 : i32
          %sign3A_843 = arith.extui %sign3A_842 : i1 to i32
          %sign3A_844 = arith.subi %sign3A_840, %sign3A_843 : i32
          %sign3A_845 = arith.constant 0 : i32
          %sign3A_846 = arith.cmpi sgt, %jit3A_836, %sign3A_845 : i32
          %sign3A_847 = arith.extui %sign3A_846 : i1 to i32
          %sign3A_848 = arith.constant 0 : i32
          %sign3A_849 = arith.cmpi slt, %jit3A_836, %sign3A_848 : i32
          %sign3A_850 = arith.extui %sign3A_849 : i1 to i32
          %sign3A_851 = arith.subi %sign3A_847, %sign3A_850 : i32
          %ne3A_852 = arith.cmpi ne, %sign3A_844, %sign3A_851 : i32
          %rem3A_853 = arith.remsi %add3A_201, %jit3A_836 : i32
          %ne3A_854 = arith.constant 0 : i32
          %ne3A_855 = arith.cmpi ne, %rem3A_853, %ne3A_854 : i32
          %and3A_856 = arith.andi %ne3A_852, %ne3A_855 : i1
          %sub3A_857 = arith.constant 1 : i32
          %sub3A_858 = arith.subi %div3A_837, %sub3A_857 : i32
          %select_n3A_859 = arith.select %and3A_856, %sub3A_858, %div3A_837 : i32
          %jit3A_860 = arith.constant 16 : i32
          %eq3A_861 = arith.constant 0 : i32
          %eq3A_862 = arith.cmpi eq, %jit3A_860, %eq3A_861 : i32
          %jit3A_863 = arith.constant 1 : i32
          %select_n3A_864 = arith.select %eq3A_862, %jit3A_863, %jit3A_860 : i32
          %rem3A_865 = arith.remsi %add3A_201, %select_n3A_864 : i32
          %ne3A_866 = arith.constant 0 : i32
          %ne3A_867 = arith.cmpi ne, %rem3A_865, %ne3A_866 : i32
          %lt3A_868 = arith.constant 0 : i32
          %lt3A_869 = arith.cmpi slt, %rem3A_865, %lt3A_868 : i32
          %lt3A_870 = arith.constant 0 : i32
          %lt3A_871 = arith.cmpi slt, %select_n3A_864, %lt3A_870 : i32
          %ne3A_872 = arith.xori %lt3A_869, %lt3A_871 : i1
          %and3A_873 = arith.andi %ne3A_872, %ne3A_867 : i1
          %add3A_874 = arith.addi %rem3A_865, %select_n3A_864 : i32
          %select_n3A_875 = arith.select %and3A_873, %add3A_874, %rem3A_865 : i32
          %ne3A_876 = arith.cmpi ne, %select_n3A_819, %select_n3A_859 : i32
          %ne3A_877 = arith.cmpi ne, %select_n3A_835, %select_n3A_875 : i32
          %or3A_878 = arith.constant false
          %or3A_879 = arith.ori %or3A_878, %ne3A_876 : i1
          %or3A_880 = arith.ori %or3A_879, %ne3A_877 : i1
          %not3A_881 = arith.constant true
          %not3A_882 = arith.xori %eq3A_187, %not3A_881 : i1
          %and3A_883 = arith.andi %or3A_880, %not3A_882 : i1
          %convert_element_type3A_884 = arith.extui %and3A_883 : i1 to i32
          %cond3A_885 = arith.constant 0 : i32
          %cond3A_886 = arith.cmpi ne, %convert_element_type3A_884, %cond3A_885 : i32
          scf.if %cond3A_886 {
          } else {
          }
          %and3A_887 = arith.constant false
          %and3A_888 = arith.andi %and3A_883, %and3A_887 : i1
          %jit3A_889 = arith.constant 16 : i32
          %div3A_890 = arith.divsi %add3A_191, %jit3A_889 : i32
          %sign3A_891 = arith.constant 0 : i32
          %sign3A_892 = arith.cmpi sgt, %add3A_191, %sign3A_891 : i32
          %sign3A_893 = arith.extui %sign3A_892 : i1 to i32
          %sign3A_894 = arith.constant 0 : i32
          %sign3A_895 = arith.cmpi slt, %add3A_191, %sign3A_894 : i32
          %sign3A_896 = arith.extui %sign3A_895 : i1 to i32
          %sign3A_897 = arith.subi %sign3A_893, %sign3A_896 : i32
          %sign3A_898 = arith.constant 0 : i32
          %sign3A_899 = arith.cmpi sgt, %jit3A_889, %sign3A_898 : i32
          %sign3A_900 = arith.extui %sign3A_899 : i1 to i32
          %sign3A_901 = arith.constant 0 : i32
          %sign3A_902 = arith.cmpi slt, %jit3A_889, %sign3A_901 : i32
          %sign3A_903 = arith.extui %sign3A_902 : i1 to i32
          %sign3A_904 = arith.subi %sign3A_900, %sign3A_903 : i32
          %ne3A_905 = arith.cmpi ne, %sign3A_897, %sign3A_904 : i32
          %rem3A_906 = arith.remsi %add3A_191, %jit3A_889 : i32
          %ne3A_907 = arith.constant 0 : i32
          %ne3A_908 = arith.cmpi ne, %rem3A_906, %ne3A_907 : i32
          %and3A_909 = arith.andi %ne3A_905, %ne3A_908 : i1
          %sub3A_910 = arith.constant 1 : i32
          %sub3A_911 = arith.subi %div3A_890, %sub3A_910 : i32
          %select_n3A_912 = arith.select %and3A_909, %sub3A_911, %div3A_890 : i32
          %jit3A_913 = arith.constant 16 : i32
          %eq3A_914 = arith.constant 0 : i32
          %eq3A_915 = arith.cmpi eq, %jit3A_913, %eq3A_914 : i32
          %jit3A_916 = arith.constant 1 : i32
          %select_n3A_917 = arith.select %eq3A_915, %jit3A_916, %jit3A_913 : i32
          %rem3A_918 = arith.remsi %add3A_191, %select_n3A_917 : i32
          %ne3A_919 = arith.constant 0 : i32
          %ne3A_920 = arith.cmpi ne, %rem3A_918, %ne3A_919 : i32
          %lt3A_921 = arith.constant 0 : i32
          %lt3A_922 = arith.cmpi slt, %rem3A_918, %lt3A_921 : i32
          %lt3A_923 = arith.constant 0 : i32
          %lt3A_924 = arith.cmpi slt, %select_n3A_917, %lt3A_923 : i32
          %ne3A_925 = arith.xori %lt3A_922, %lt3A_924 : i1
          %and3A_926 = arith.andi %ne3A_925, %ne3A_920 : i1
          %add3A_927 = arith.addi %rem3A_918, %select_n3A_917 : i32
          %select_n3A_928 = arith.select %and3A_926, %add3A_927, %rem3A_918 : i32
          %jit3A_929 = arith.constant 16 : i32
          %div3A_930 = arith.divsi %add3A_201, %jit3A_929 : i32
          %sign3A_931 = arith.constant 0 : i32
          %sign3A_932 = arith.cmpi sgt, %add3A_201, %sign3A_931 : i32
          %sign3A_933 = arith.extui %sign3A_932 : i1 to i32
          %sign3A_934 = arith.constant 0 : i32
          %sign3A_935 = arith.cmpi slt, %add3A_201, %sign3A_934 : i32
          %sign3A_936 = arith.extui %sign3A_935 : i1 to i32
          %sign3A_937 = arith.subi %sign3A_933, %sign3A_936 : i32
          %sign3A_938 = arith.constant 0 : i32
          %sign3A_939 = arith.cmpi sgt, %jit3A_929, %sign3A_938 : i32
          %sign3A_940 = arith.extui %sign3A_939 : i1 to i32
          %sign3A_941 = arith.constant 0 : i32
          %sign3A_942 = arith.cmpi slt, %jit3A_929, %sign3A_941 : i32
          %sign3A_943 = arith.extui %sign3A_942 : i1 to i32
          %sign3A_944 = arith.subi %sign3A_940, %sign3A_943 : i32
          %ne3A_945 = arith.cmpi ne, %sign3A_937, %sign3A_944 : i32
          %rem3A_946 = arith.remsi %add3A_201, %jit3A_929 : i32
          %ne3A_947 = arith.constant 0 : i32
          %ne3A_948 = arith.cmpi ne, %rem3A_946, %ne3A_947 : i32
          %and3A_949 = arith.andi %ne3A_945, %ne3A_948 : i1
          %sub3A_950 = arith.constant 1 : i32
          %sub3A_951 = arith.subi %div3A_930, %sub3A_950 : i32
          %select_n3A_952 = arith.select %and3A_949, %sub3A_951, %div3A_930 : i32
          %jit3A_953 = arith.constant 16 : i32
          %eq3A_954 = arith.constant 0 : i32
          %eq3A_955 = arith.cmpi eq, %jit3A_953, %eq3A_954 : i32
          %jit3A_956 = arith.constant 1 : i32
          %select_n3A_957 = arith.select %eq3A_955, %jit3A_956, %jit3A_953 : i32
          %rem3A_958 = arith.remsi %add3A_201, %select_n3A_957 : i32
          %ne3A_959 = arith.constant 0 : i32
          %ne3A_960 = arith.cmpi ne, %rem3A_958, %ne3A_959 : i32
          %lt3A_961 = arith.constant 0 : i32
          %lt3A_962 = arith.cmpi slt, %rem3A_958, %lt3A_961 : i32
          %lt3A_963 = arith.constant 0 : i32
          %lt3A_964 = arith.cmpi slt, %select_n3A_957, %lt3A_963 : i32
          %ne3A_965 = arith.xori %lt3A_962, %lt3A_964 : i1
          %and3A_966 = arith.andi %ne3A_965, %ne3A_960 : i1
          %add3A_967 = arith.addi %rem3A_958, %select_n3A_957 : i32
          %select_n3A_968 = arith.select %and3A_966, %add3A_967, %rem3A_958 : i32
          %ne3A_969 = arith.cmpi ne, %select_n3A_912, %select_n3A_952 : i32
          %ne3A_970 = arith.cmpi ne, %select_n3A_928, %select_n3A_968 : i32
          %or3A_971 = arith.constant false
          %or3A_972 = arith.ori %or3A_971, %ne3A_969 : i1
          %or3A_973 = arith.ori %or3A_972, %ne3A_970 : i1
          %or3A_974 = arith.constant false
          %or3A_975 = arith.ori %or3A_973, %or3A_974 : i1
          %not3A_976 = arith.constant true
          %not3A_977 = arith.xori %eq3A_187, %not3A_976 : i1
          %and3A_978 = arith.andi %or3A_975, %not3A_977 : i1
          %convert_element_type3A_979 = arith.extui %and3A_978 : i1 to i32
          %cond3A_980 = arith.constant 0 : i32
          %cond3A_981 = arith.cmpi ne, %convert_element_type3A_979, %cond3A_980 : i32
          scf.if %cond3A_981 {
            %rem3A_1083 = arith.constant 2 : i32
            %rem3A_1084 = arith.remui %while3A_182, %rem3A_1083 : i32
            %jit3A_1085 = arith.constant 16 : i32
            %div3A_1086 = arith.divsi %add3A_201, %jit3A_1085 : i32
            %sign3A_1087 = arith.constant 0 : i32
            %sign3A_1088 = arith.cmpi sgt, %add3A_201, %sign3A_1087 : i32
            %sign3A_1089 = arith.extui %sign3A_1088 : i1 to i32
            %sign3A_1090 = arith.constant 0 : i32
            %sign3A_1091 = arith.cmpi slt, %add3A_201, %sign3A_1090 : i32
            %sign3A_1092 = arith.extui %sign3A_1091 : i1 to i32
            %sign3A_1093 = arith.subi %sign3A_1089, %sign3A_1092 : i32
            %sign3A_1094 = arith.constant 0 : i32
            %sign3A_1095 = arith.cmpi sgt, %jit3A_1085, %sign3A_1094 : i32
            %sign3A_1096 = arith.extui %sign3A_1095 : i1 to i32
            %sign3A_1097 = arith.constant 0 : i32
            %sign3A_1098 = arith.cmpi slt, %jit3A_1085, %sign3A_1097 : i32
            %sign3A_1099 = arith.extui %sign3A_1098 : i1 to i32
            %sign3A_1100 = arith.subi %sign3A_1096, %sign3A_1099 : i32
            %ne3A_1101 = arith.cmpi ne, %sign3A_1093, %sign3A_1100 : i32
            %rem3A_1102 = arith.remsi %add3A_201, %jit3A_1085 : i32
            %ne3A_1103 = arith.constant 0 : i32
            %ne3A_1104 = arith.cmpi ne, %rem3A_1102, %ne3A_1103 : i32
            %and3A_1105 = arith.andi %ne3A_1101, %ne3A_1104 : i1
            %sub3A_1106 = arith.constant 1 : i32
            %sub3A_1107 = arith.subi %div3A_1086, %sub3A_1106 : i32
            %select_n3A_1108 = arith.select %and3A_1105, %sub3A_1107, %div3A_1086 : i32
            %jit3A_1109 = arith.constant 16 : i32
            %eq3A_1110 = arith.constant 0 : i32
            %eq3A_1111 = arith.cmpi eq, %jit3A_1109, %eq3A_1110 : i32
            %jit3A_1112 = arith.constant 1 : i32
            %select_n3A_1113 = arith.select %eq3A_1111, %jit3A_1112, %jit3A_1109 : i32
            %rem3A_1114 = arith.remsi %add3A_201, %select_n3A_1113 : i32
            %ne3A_1115 = arith.constant 0 : i32
            %ne3A_1116 = arith.cmpi ne, %rem3A_1114, %ne3A_1115 : i32
            %lt3A_1117 = arith.constant 0 : i32
            %lt3A_1118 = arith.cmpi slt, %rem3A_1114, %lt3A_1117 : i32
            %lt3A_1119 = arith.constant 0 : i32
            %lt3A_1120 = arith.cmpi slt, %select_n3A_1113, %lt3A_1119 : i32
            %ne3A_1121 = arith.xori %lt3A_1118, %lt3A_1120 : i1
            %and3A_1122 = arith.andi %ne3A_1121, %ne3A_1116 : i1
            %add3A_1123 = arith.addi %rem3A_1114, %select_n3A_1113 : i32
            %select_n3A_1124 = arith.select %and3A_1122, %add3A_1123, %rem3A_1114 : i32
            %mul3A_1125 = arith.constant 8 : i32
            %mul3A_1126 = arith.muli %mul3A_1125, %select_n3A_1108 : i32
            %mul3A_1127 = arith.constant 32 : i32
            %mul3A_1128 = arith.muli %mul3A_1127, %select_n3A_1124 : i32
            %dma_wait3A = arith.constant 0 : i32
            %dma_wait3A_1129 = arith.constant 0 : i32
            %dma_wait3A_1130 = arith.constant 0 : i32
            %dma_wait3A_1131 = tpu.memref_slice %run_scoped3A_18[%rem3A_1084, %dma_wait3A, %dma_wait3A_1129, %dma_wait3A_1130] : memref<2x8x32x128xf32, #tpu.memory_space<vmem>> -> memref<1x8x32x128xf32, #tpu.memory_space<vmem>>
            %dma_wait3A_1132 = tpu.memref_squeeze %dma_wait3A_1131 : memref<1x8x32x128xf32, #tpu.memory_space<vmem>> -> memref<8x32x128xf32, #tpu.memory_space<vmem>>
            %dma_wait3A_1133 = arith.constant 0 : i32
            %dma_wait3A_1134 = tpu.memref_slice %arg4[%mul3A_1126, %mul3A_1128, %dma_wait3A_1133] : memref<200x512x128xf32, #tpu.memory_space<hbm>> -> memref<8x32x128xf32, #tpu.memory_space<hbm>>
            %dma_wait3A_1135 = tpu.memref_slice %run_scoped3A_19[%rem3A_1084] : memref<2x!tpu.dma_semaphore, #tpu.memory_space<semaphore_mem>> -> memref<1x!tpu.dma_semaphore, #tpu.memory_space<semaphore_mem>>
            %dma_wait3A_1136 = tpu.memref_squeeze %dma_wait3A_1135 : memref<1x!tpu.dma_semaphore, #tpu.memory_space<semaphore_mem>> -> memref<!tpu.dma_semaphore, #tpu.memory_space<semaphore_mem>>
            %dma_wait3A_1137 = arith.constant 0 : i32
            %dma_wait3A_1138 = tpu.memref_slice %arg4[%mul3A_1126, %mul3A_1128, %dma_wait3A_1137] : memref<200x512x128xf32, #tpu.memory_space<hbm>> -> memref<8x32x128xf32, #tpu.memory_space<hbm>>
            %dma_wait3A_1139 = arith.constant 0 : i32
            %dma_wait3A_1140 = arith.constant 0 : i32
            %dma_wait3A_1141 = arith.constant 0 : i32
            %dma_wait3A_1142 = tpu.memref_slice %run_scoped3A_18[%rem3A_1084, %dma_wait3A_1139, %dma_wait3A_1140, %dma_wait3A_1141] : memref<2x8x32x128xf32, #tpu.memory_space<vmem>> -> memref<1x8x32x128xf32, #tpu.memory_space<vmem>>
            %dma_wait3A_1143 = tpu.memref_squeeze %dma_wait3A_1142 : memref<1x8x32x128xf32, #tpu.memory_space<vmem>> -> memref<8x32x128xf32, #tpu.memory_space<vmem>>
            tpu.wait_dma2 semaphore(%dma_wait3A_1136 : memref<!tpu.dma_semaphore, #tpu.memory_space<semaphore_mem>>) src(%dma_wait3A_1143 : memref<8x32x128xf32, #tpu.memory_space<vmem>>) dst(%dma_wait3A_1138 : memref<8x32x128xf32, #tpu.memory_space<hbm>>)
          } else {
          }
          %and3A_982 = arith.constant true
          %and3A_983 = arith.andi %and3A_978, %and3A_982 : i1
          %add3A_984 = arith.constant 1 : i32
          %add3A_985 = arith.addi %while3A_182, %add3A_984 : i32
          %select_n3A_986 = arith.select %and3A_983, %add3A_985, %while3A_182 : i32
          %jit3A_987 = arith.constant 16 : i32
          %div3A_988 = arith.divsi %add3A_191, %jit3A_987 : i32
          %sign3A_989 = arith.constant 0 : i32
          %sign3A_990 = arith.cmpi sgt, %add3A_191, %sign3A_989 : i32
          %sign3A_991 = arith.extui %sign3A_990 : i1 to i32
          %sign3A_992 = arith.constant 0 : i32
          %sign3A_993 = arith.cmpi slt, %add3A_191, %sign3A_992 : i32
          %sign3A_994 = arith.extui %sign3A_993 : i1 to i32
          %sign3A_995 = arith.subi %sign3A_991, %sign3A_994 : i32
          %sign3A_996 = arith.constant 0 : i32
          %sign3A_997 = arith.cmpi sgt, %jit3A_987, %sign3A_996 : i32
          %sign3A_998 = arith.extui %sign3A_997 : i1 to i32
          %sign3A_999 = arith.constant 0 : i32
          %sign3A_1000 = arith.cmpi slt, %jit3A_987, %sign3A_999 : i32
          %sign3A_1001 = arith.extui %sign3A_1000 : i1 to i32
          %sign3A_1002 = arith.subi %sign3A_998, %sign3A_1001 : i32
          %ne3A_1003 = arith.cmpi ne, %sign3A_995, %sign3A_1002 : i32
          %rem3A_1004 = arith.remsi %add3A_191, %jit3A_987 : i32
          %ne3A_1005 = arith.constant 0 : i32
          %ne3A_1006 = arith.cmpi ne, %rem3A_1004, %ne3A_1005 : i32
          %and3A_1007 = arith.andi %ne3A_1003, %ne3A_1006 : i1
          %sub3A_1008 = arith.constant 1 : i32
          %sub3A_1009 = arith.subi %div3A_988, %sub3A_1008 : i32
          %select_n3A_1010 = arith.select %and3A_1007, %sub3A_1009, %div3A_988 : i32
          %jit3A_1011 = arith.constant 16 : i32
          %eq3A_1012 = arith.constant 0 : i32
          %eq3A_1013 = arith.cmpi eq, %jit3A_1011, %eq3A_1012 : i32
          %jit3A_1014 = arith.constant 1 : i32
          %select_n3A_1015 = arith.select %eq3A_1013, %jit3A_1014, %jit3A_1011 : i32
          %rem3A_1016 = arith.remsi %add3A_191, %select_n3A_1015 : i32
          %ne3A_1017 = arith.constant 0 : i32
          %ne3A_1018 = arith.cmpi ne, %rem3A_1016, %ne3A_1017 : i32
          %lt3A_1019 = arith.constant 0 : i32
          %lt3A_1020 = arith.cmpi slt, %rem3A_1016, %lt3A_1019 : i32
          %lt3A_1021 = arith.constant 0 : i32
          %lt3A_1022 = arith.cmpi slt, %select_n3A_1015, %lt3A_1021 : i32
          %ne3A_1023 = arith.xori %lt3A_1020, %lt3A_1022 : i1
          %and3A_1024 = arith.andi %ne3A_1023, %ne3A_1018 : i1
          %add3A_1025 = arith.addi %rem3A_1016, %select_n3A_1015 : i32
          %select_n3A_1026 = arith.select %and3A_1024, %add3A_1025, %rem3A_1016 : i32
          %jit3A_1027 = arith.constant 16 : i32
          %div3A_1028 = arith.divsi %add3A_209, %jit3A_1027 : i32
          %sign3A_1029 = arith.constant 0 : i32
          %sign3A_1030 = arith.cmpi sgt, %add3A_209, %sign3A_1029 : i32
          %sign3A_1031 = arith.extui %sign3A_1030 : i1 to i32
          %sign3A_1032 = arith.constant 0 : i32
          %sign3A_1033 = arith.cmpi slt, %add3A_209, %sign3A_1032 : i32
          %sign3A_1034 = arith.extui %sign3A_1033 : i1 to i32
          %sign3A_1035 = arith.subi %sign3A_1031, %sign3A_1034 : i32
          %sign3A_1036 = arith.constant 0 : i32
          %sign3A_1037 = arith.cmpi sgt, %jit3A_1027, %sign3A_1036 : i32
          %sign3A_1038 = arith.extui %sign3A_1037 : i1 to i32
          %sign3A_1039 = arith.constant 0 : i32
          %sign3A_1040 = arith.cmpi slt, %jit3A_1027, %sign3A_1039 : i32
          %sign3A_1041 = arith.extui %sign3A_1040 : i1 to i32
          %sign3A_1042 = arith.subi %sign3A_1038, %sign3A_1041 : i32
          %ne3A_1043 = arith.cmpi ne, %sign3A_1035, %sign3A_1042 : i32
          %rem3A_1044 = arith.remsi %add3A_209, %jit3A_1027 : i32
          %ne3A_1045 = arith.constant 0 : i32
          %ne3A_1046 = arith.cmpi ne, %rem3A_1044, %ne3A_1045 : i32
          %and3A_1047 = arith.andi %ne3A_1043, %ne3A_1046 : i1
          %sub3A_1048 = arith.constant 1 : i32
          %sub3A_1049 = arith.subi %div3A_1028, %sub3A_1048 : i32
          %select_n3A_1050 = arith.select %and3A_1047, %sub3A_1049, %div3A_1028 : i32
          %jit3A_1051 = arith.constant 16 : i32
          %eq3A_1052 = arith.constant 0 : i32
          %eq3A_1053 = arith.cmpi eq, %jit3A_1051, %eq3A_1052 : i32
          %jit3A_1054 = arith.constant 1 : i32
          %select_n3A_1055 = arith.select %eq3A_1053, %jit3A_1054, %jit3A_1051 : i32
          %rem3A_1056 = arith.remsi %add3A_209, %select_n3A_1055 : i32
          %ne3A_1057 = arith.constant 0 : i32
          %ne3A_1058 = arith.cmpi ne, %rem3A_1056, %ne3A_1057 : i32
          %lt3A_1059 = arith.constant 0 : i32
          %lt3A_1060 = arith.cmpi slt, %rem3A_1056, %lt3A_1059 : i32
          %lt3A_1061 = arith.constant 0 : i32
          %lt3A_1062 = arith.cmpi slt, %select_n3A_1055, %lt3A_1061 : i32
          %ne3A_1063 = arith.xori %lt3A_1060, %lt3A_1062 : i1
          %and3A_1064 = arith.andi %ne3A_1063, %ne3A_1058 : i1
          %add3A_1065 = arith.addi %rem3A_1056, %select_n3A_1055 : i32
          %select_n3A_1066 = arith.select %and3A_1064, %add3A_1065, %rem3A_1056 : i32
          %ne3A_1067 = arith.cmpi ne, %select_n3A_1010, %select_n3A_1050 : i32
          %ne3A_1068 = arith.cmpi ne, %select_n3A_1026, %select_n3A_1066 : i32
          %or3A_1069 = arith.constant false
          %or3A_1070 = arith.ori %or3A_1069, %ne3A_1067 : i1
          %or3A_1071 = arith.ori %or3A_1070, %ne3A_1068 : i1
          %or3A_1072 = arith.ori %or3A_1071, %eq3A_190 : i1
          %add3A_1073 = arith.constant 1 : i32
          %add3A_1074 = arith.addi %while3A_180, %add3A_1073 : i32
          %select_n3A_1075 = arith.select %or3A_1072, %add3A_1074, %while3A_180 : i32
          %add3A_1076 = arith.constant 1 : i32
          %add3A_1077 = arith.addi %while3A_183, %add3A_1076 : i32
          %select_n3A_1078 = arith.constant true
          %select_n3A_1079 = arith.select %select_n3A_1078, %add3A_1077, %while3A_183 : i32
          %eq3A_1080 = arith.cmpi eq, %select_n3A_1079, %select_n3A : i32
          %select_n3A_1081 = arith.constant 0 : i32
          %select_n3A_1082 = arith.select %eq3A_1080, %select_n3A_1081, %select_n3A_1079 : i32
          scf.yield %select_n3A_315, %select_n3A_1075, %select_n3A_795, %select_n3A_986, %select_n3A_1082 : i32, i32, i32, i32, i32
        }
        %sub3A_127 = arith.constant 1 : i32
        %sub3A_128 = arith.subi %while3A_126#4, %sub3A_127 : i32
        %select_n3A_129 = arith.constant true
        %select_n3A_130 = arith.select %select_n3A_129, %sub3A_128, %while3A_126#4 : i32
        %eq3A_131 = arith.constant -1 : i32
        %eq3A_132 = arith.cmpi eq, %select_n3A_130, %eq3A_131 : i32
        %sub3A_133 = arith.constant 1 : i32
        %sub3A_134 = arith.subi %select_n3A, %sub3A_133 : i32
        %select_n3A_135 = arith.select %eq3A_132, %sub3A_134, %select_n3A_130 : i32
        %sub3A_136 = arith.constant 1 : i32
        %sub3A_137 = arith.subi %mul3A_16, %sub3A_136 : i32
        %mul3A_138 = arith.constant 1 : i32
        %mul3A_139 = arith.muli %mul3A_138, %select_n3A : i32
        %eq3A_140 = arith.constant 0 : i32
        %eq3A_141 = arith.cmpi eq, %sub3A_137, %eq3A_140 : i32
        %sub3A_142 = arith.constant 1 : i32
        %sub3A_143 = arith.subi %mul3A_139, %sub3A_142 : i32
        %eq3A_144 = arith.cmpi eq, %sub3A_137, %sub3A_143 : i32
        %add3A_145 = arith.addi %select_n3A_135, %select_n3A_14 : i32
        %sub3A_146 = arith.constant 1 : i32
        %sub3A_147 = arith.subi %select_n3A_135, %sub3A_146 : i32
        %select_n3A_148 = arith.constant true
        %select_n3A_149 = arith.select %select_n3A_148, %sub3A_147, %select_n3A_135 : i32
        %eq3A_150 = arith.constant -1 : i32
        %eq3A_151 = arith.cmpi eq, %select_n3A_149, %eq3A_150 : i32
        %sub3A_152 = arith.constant 1 : i32
        %sub3A_153 = arith.subi %select_n3A, %sub3A_152 : i32
        %select_n3A_154 = arith.select %eq3A_151, %sub3A_153, %select_n3A_149 : i32
        %add3A_155 = arith.addi %select_n3A_154, %select_n3A_14 : i32
        %add3A_156 = arith.constant 1 : i32
        %add3A_157 = arith.addi %select_n3A_135, %add3A_156 : i32
        %select_n3A_158 = arith.constant true
        %select_n3A_159 = arith.select %select_n3A_158, %add3A_157, %select_n3A_135 : i32
        %eq3A_160 = arith.cmpi eq, %select_n3A_159, %select_n3A : i32
        %select_n3A_161 = arith.constant 0 : i32
        %select_n3A_162 = arith.select %eq3A_160, %select_n3A_161, %select_n3A_159 : i32
        %add3A_163 = arith.addi %select_n3A_162, %select_n3A_14 : i32
        %add3A_164 = arith.constant 1 : i32
        %add3A_165 = arith.addi %select_n3A_162, %add3A_164 : i32
        %select_n3A_166 = arith.constant true
        %select_n3A_167 = arith.select %select_n3A_166, %add3A_165, %select_n3A_162 : i32
        %eq3A_168 = arith.cmpi eq, %select_n3A_167, %select_n3A : i32
        %select_n3A_169 = arith.constant 0 : i32
        %select_n3A_170 = arith.select %eq3A_168, %select_n3A_169, %select_n3A_167 : i32
        %add3A_171 = arith.addi %select_n3A_170, %select_n3A_14 : i32
        %convert_element_type3A_172 = arith.extui %eq3A_144 : i1 to i32
        %cond3A_173 = arith.constant 0 : i32
        %cond3A_174 = arith.cmpi ne, %convert_element_type3A_172, %cond3A_173 : i32
        scf.if %cond3A_174 {
        } else {
        }
        %convert_element_type3A_175 = arith.extui %eq3A_144 : i1 to i32
        %cond3A_176 = arith.constant 0 : i32
        %cond3A_177 = arith.cmpi ne, %convert_element_type3A_175, %cond3A_176 : i32
        scf.if %cond3A_177 {
          %rem3A_178 = arith.constant 2 : i32
          %rem3A_179 = arith.remui %while3A_126#3, %rem3A_178 : i32
          %jit3A_180 = arith.constant 16 : i32
          %div3A_181 = arith.divsi %add3A_145, %jit3A_180 : i32
          %sign3A_182 = arith.constant 0 : i32
          %sign3A_183 = arith.cmpi sgt, %add3A_145, %sign3A_182 : i32
          %sign3A_184 = arith.extui %sign3A_183 : i1 to i32
          %sign3A_185 = arith.constant 0 : i32
          %sign3A_186 = arith.cmpi slt, %add3A_145, %sign3A_185 : i32
          %sign3A_187 = arith.extui %sign3A_186 : i1 to i32
          %sign3A_188 = arith.subi %sign3A_184, %sign3A_187 : i32
          %sign3A_189 = arith.constant 0 : i32
          %sign3A_190 = arith.cmpi sgt, %jit3A_180, %sign3A_189 : i32
          %sign3A_191 = arith.extui %sign3A_190 : i1 to i32
          %sign3A_192 = arith.constant 0 : i32
          %sign3A_193 = arith.cmpi slt, %jit3A_180, %sign3A_192 : i32
          %sign3A_194 = arith.extui %sign3A_193 : i1 to i32
          %sign3A_195 = arith.subi %sign3A_191, %sign3A_194 : i32
          %ne3A_196 = arith.cmpi ne, %sign3A_188, %sign3A_195 : i32
          %rem3A_197 = arith.remsi %add3A_145, %jit3A_180 : i32
          %ne3A_198 = arith.constant 0 : i32
          %ne3A_199 = arith.cmpi ne, %rem3A_197, %ne3A_198 : i32
          %and3A_200 = arith.andi %ne3A_196, %ne3A_199 : i1
          %sub3A_201 = arith.constant 1 : i32
          %sub3A_202 = arith.subi %div3A_181, %sub3A_201 : i32
          %select_n3A_203 = arith.select %and3A_200, %sub3A_202, %div3A_181 : i32
          %jit3A_204 = arith.constant 16 : i32
          %eq3A_205 = arith.constant 0 : i32
          %eq3A_206 = arith.cmpi eq, %jit3A_204, %eq3A_205 : i32
          %jit3A_207 = arith.constant 1 : i32
          %select_n3A_208 = arith.select %eq3A_206, %jit3A_207, %jit3A_204 : i32
          %rem3A_209 = arith.remsi %add3A_145, %select_n3A_208 : i32
          %ne3A_210 = arith.constant 0 : i32
          %ne3A_211 = arith.cmpi ne, %rem3A_209, %ne3A_210 : i32
          %lt3A_212 = arith.constant 0 : i32
          %lt3A_213 = arith.cmpi slt, %rem3A_209, %lt3A_212 : i32
          %lt3A_214 = arith.constant 0 : i32
          %lt3A_215 = arith.cmpi slt, %select_n3A_208, %lt3A_214 : i32
          %ne3A_216 = arith.xori %lt3A_213, %lt3A_215 : i1
          %and3A_217 = arith.andi %ne3A_216, %ne3A_211 : i1
          %add3A_218 = arith.addi %rem3A_209, %select_n3A_208 : i32
          %select_n3A_219 = arith.select %and3A_217, %add3A_218, %rem3A_209 : i32
          %mul3A_220 = arith.constant 8 : i32
          %mul3A_221 = arith.muli %mul3A_220, %select_n3A_203 : i32
          %mul3A_222 = arith.constant 32 : i32
          %mul3A_223 = arith.muli %mul3A_222, %select_n3A_219 : i32
          %dma_wait3A = arith.constant 0 : i32
          %dma_wait3A_224 = arith.constant 0 : i32
          %dma_wait3A_225 = arith.constant 0 : i32
          %dma_wait3A_226 = tpu.memref_slice %run_scoped3A_18[%rem3A_179, %dma_wait3A, %dma_wait3A_224, %dma_wait3A_225] : memref<2x8x32x128xf32, #tpu.memory_space<vmem>> -> memref<1x8x32x128xf32, #tpu.memory_space<vmem>>
          %dma_wait3A_227 = tpu.memref_squeeze %dma_wait3A_226 : memref<1x8x32x128xf32, #tpu.memory_space<vmem>> -> memref<8x32x128xf32, #tpu.memory_space<vmem>>
          %dma_wait3A_228 = arith.constant 0 : i32
          %dma_wait3A_229 = tpu.memref_slice %arg4[%mul3A_221, %mul3A_223, %dma_wait3A_228] : memref<200x512x128xf32, #tpu.memory_space<hbm>> -> memref<8x32x128xf32, #tpu.memory_space<hbm>>
          %dma_wait3A_230 = tpu.memref_slice %run_scoped3A_19[%rem3A_179] : memref<2x!tpu.dma_semaphore, #tpu.memory_space<semaphore_mem>> -> memref<1x!tpu.dma_semaphore, #tpu.memory_space<semaphore_mem>>
          %dma_wait3A_231 = tpu.memref_squeeze %dma_wait3A_230 : memref<1x!tpu.dma_semaphore, #tpu.memory_space<semaphore_mem>> -> memref<!tpu.dma_semaphore, #tpu.memory_space<semaphore_mem>>
          %dma_wait3A_232 = arith.constant 0 : i32
          %dma_wait3A_233 = tpu.memref_slice %arg4[%mul3A_221, %mul3A_223, %dma_wait3A_232] : memref<200x512x128xf32, #tpu.memory_space<hbm>> -> memref<8x32x128xf32, #tpu.memory_space<hbm>>
          %dma_wait3A_234 = arith.constant 0 : i32
          %dma_wait3A_235 = arith.constant 0 : i32
          %dma_wait3A_236 = arith.constant 0 : i32
          %dma_wait3A_237 = tpu.memref_slice %run_scoped3A_18[%rem3A_179, %dma_wait3A_234, %dma_wait3A_235, %dma_wait3A_236] : memref<2x8x32x128xf32, #tpu.memory_space<vmem>> -> memref<1x8x32x128xf32, #tpu.memory_space<vmem>>
          %dma_wait3A_238 = tpu.memref_squeeze %dma_wait3A_237 : memref<1x8x32x128xf32, #tpu.memory_space<vmem>> -> memref<8x32x128xf32, #tpu.memory_space<vmem>>
          tpu.wait_dma2 semaphore(%dma_wait3A_231 : memref<!tpu.dma_semaphore, #tpu.memory_space<semaphore_mem>>) src(%dma_wait3A_238 : memref<8x32x128xf32, #tpu.memory_space<vmem>>) dst(%dma_wait3A_233 : memref<8x32x128xf32, #tpu.memory_space<hbm>>)
        } else {
        }
      } else {
      }
      tpu.yield
    }) : () -> ()
    return
  }
}

</mosaic_0001>

<sc_bundles>
// kernel: kernel.3.cloned.1.call-start
scs
__scs_entry_jumppad:
0x0: {  	(pc) =	sbr.rel $0x88, $3  }
0x1: {  	(tag) =	ssettag $0x0;
	lr =	simm.s32 $0x1  }
0x2: {  	[smem:$0x3F9F] =	sst lr;
	_ =	strace $0xD0000000  }
0x3: {  	_ = 	snop  }
0x4: {  	_ = 	snop  }
0x5: {  	_ = 	snop  }
0x6: {  	_ = 	snop  }
0x7: {  	_ = 	snop  }
__scs_overlays_trampoline_lowered:
0x8: {  	[smem:$0x3FAE] =	sst s0  }
0x9: {  	[smem:$0x3FAF] =	sst s1  }
0xa: {  	[smem:$0x3FB0] =	sst s2  }
0xb: {  	[smem:$0x3FB1] =	sst s3  }
0xc: {  	[smem:$0x3FB2] =	sst s4  }
0xd: {  	[smem:$0x3FB3] =	sst s5  }
0xe: {  	[smem:$0x3FB4] =	sst s6  }
0xf: {  	[smem:$0x3FB5] =	sst s7  }
0x10: {  	[smem:$0x3FB6] =	sst s8  }
0x11: {  	[smem:$0x3FB7] =	sst s9;
	s0 =	simm.s32 @!p0 $0x0  }
0x12: {  	s1 =	sld [smem:$0x3F9D];
	s0 =	simm.s32 @p0 $0x1  }
0x13: {  	[smem:$0x3FB8] =	sst s0;
	s0 =	simm.s32 @!p1 $0x0  }
0x14: {  	s2 =	sld [smem:$0x3F9C];
	s0 =	simm.s32 @p1 $0x1  }
0x15: {  	[smem:$0x3FB9] =	sst s0;
	s0 =	simm.s32 @!p2 $0x0  }
0x16: {  	s3 =	sld [smem:$0x3FDB];
	s0 =	simm.s32 @p2 $0x1  }
0x17: {  	s4 =	simm.s32 $0x1BF5;
	[smem:$0x3FBB] =	sst s0  }
0x18: {  	s0 =	sld [smem:$0x3F9E];
	_ =	swait.ge [sflag:s4], $0x0  }
0x19: {  	s7 =	sld [smem:$0x3F9F]  }
0x1a: {  	s8 =	sadd.s32 $0xFFFFE003, lr  }
0x1b: {  	s9 =	sadd.s32 $0xFFFFFEF7, lr;
	s5 =	simm.s32 $0xFFFFFFFF;
	p2 =	slt.u32 s8, $0xFFFFF086  }
0x1c: {  	p1 =	slt.u32 s9, $0xF7A;
	s5 =	simm.s32 @!p2 $0x0  }
0x1d: {  	s5 =	simm.s32 @p1 $0x1;
	p0 =	seq.s32 s7, s2  }
0x1e: {  	s7 =	smul.u32 @!p0 $0xF7A, s2;
	p2 =	seq.s32 @!p0 s5, $0x0  }
0x1f: {  	s9 =	smul.u32 $0xF7A, s1;
	s8 =	simm.s32 @!p0 $0x1BF5;
	p2 =	por !p2, p0  }
0x20: {  	[sflag:s8] =	ssyncset.s32 @!p0 $0xFFFFF086;
	s6 =	sadd.s32 @!p0 s3, s7;
	s7 =	simm.s32 @!p0 $0x108  }
0x21: {  	s3 =	sadd.s32 s3, s9;
	s6 =	sadd.s32 @!p0 $0x88, s6;
	s7 =	simm.s32 @p2 $0x1082  }
0x22: {  	[simem:s7], [sflag:s8] =	dma.local @!p0 [hbm:s6], $0xF7A  }
0x23: {  	s9 =	sor.u32 $0xD0000000, s2;
	s6 =	simm.s32 $0x108;
	_ =	swait.ge @!p0 [sflag:s8], $0x0  }
0x24: {  	s3 =	sadd.s32 $0x88, s3;
	s6 =	simm.s32 @!p1 $0x1082;
	[sflag:s4] =	ssyncset.s32 $0xFFFFF086  }
0x25: {  	[simem:s6], [sflag:s4] =	dma.local [hbm:s3], $0xF7A  }
0x26: {  	[smem:$0x3F9F] =	sst s1;
	(tag) =	ssettag s2;
	_ =	strace s9  }
0x27: {  	s1 =	sld [smem:$0x3FAF]  }
0x28: {  	s2 =	sld [smem:$0x3FB0]  }
0x29: {  	s4 =	sld [smem:$0x3FB2]  }
0x2a: {  	p0 =	seq.s32 s5, $0x0;
	s5 =	sld [smem:$0x3FB3]  }
0x2b: {  	s6 =	sld [smem:$0x3FB4]  }
0x2c: {  	s7 =	sld [smem:$0x3FB5]  }
0x2d: {  	s3 =	simm.s32 $0x108;
	s8 =	sld [smem:$0x3FB6]  }
0x2e: {  	s3 =	simm.s32 @!p0 $0x1082;
	s9 =	sld [smem:$0x3FB7]  }
0x2f: {  	lr =	sadd.s32 s0, s3;
	s0 =	sld [smem:$0x3FAE]  }
0x30: {  	s3 =	sld [smem:$0x3FB1]  }
0x31: {  	[smem:$0x3FBA] =	sst s10  }
0x32: {  	s10 =	sld [smem:$0x3FB8];
	_ =	sdelay $0x3  }
0x33: {  	p0 =	seq.s32 s10, $0x1;
	s10 =	sld [smem:$0x3FBA];
	_ =	sdelay $0x3  }
0x34: {  	[smem:$0x3FBA] =	sst s10  }
0x35: {  	s10 =	sld [smem:$0x3FB9];
	_ =	sdelay $0x3  }
0x36: {  	p1 =	seq.s32 s10, $0x1;
	s10 =	sld [smem:$0x3FBA];
	_ =	sdelay $0x3  }
0x37: {  	[smem:$0x3FBA] =	sst s10  }
0x38: {  	s10 =	sld [smem:$0x3FBB]  }
0x39: {  	_ = 	snop;
	(pc) =	sbr.ind lr, $3  }
0x3a: {  	_ = 	snop  }
0x3b: {  	_ = 	snop  }
0x3c: {  	p2 =	seq.s32 s10, $0x1;
	s10 =	sld [smem:$0x3FBA]  }
0x3d: {  	_ =	shalt  }
0x3e: {  	_ =	shalt  }
0x3f: {  	_ =	shalt  }
0x40: {  	_ =	shalt  }
0x41: {  	_ =	shalt  }
0x42: {  	_ =	shalt  }
0x43: {  	_ =	shalt  }
0x44: {  	_ =	shalt  }
0x45: {  	_ =	shalt  }
0x46: {  	_ =	shalt  }
0x47: {  	_ =	shalt  }
0x48: {  	_ =	shalt  }
0x49: {  	_ =	shalt  }
0x4a: {  	_ =	shalt  }
0x4b: {  	_ =	shalt  }
0x4c: {  	_ =	shalt  }
0x4d: {  	_ =	shalt  }
0x4e: {  	_ =	shalt  }
0x4f: {  	_ =	shalt  }
0x50: {  	_ =	shalt  }
0x51: {  	_ =	shalt  }
0x52: {  	_ =	shalt  }
0x53: {  	_ =	shalt  }
0x54: {  	_ =	shalt  }
0x55: {  	_ =	shalt  }
0x56: {  	_ =	shalt  }
0x57: {  	_ =	shalt  }
0x58: {  	_ =	shalt  }
0x59: {  	_ =	shalt  }
0x5a: {  	_ =	shalt  }
0x5b: {  	_ =	shalt  }
0x5c: {  	_ =	shalt  }
0x5d: {  	_ =	shalt  }
0x5e: {  	_ =	shalt  }
0x5f: {  	_ =	shalt  }
0x60: {  	_ =	shalt  }
0x61: {  	_ =	shalt  }
0x62: {  	_ =	shalt  }
0x63: {  	_ =	shalt  }
0x64: {  	_ =	shalt  }
0x65: {  	_ =	shalt  }
0x66: {  	_ =	shalt  }
0x67: {  	_ =	shalt  }
0x68: {  	_ =	shalt  }
0x69: {  	_ =	shalt  }
0x6a: {  	_ =	shalt  }
0x6b: {  	_ =	shalt  }
0x6c: {  	_ =	shalt  }
0x6d: {  	_ =	shalt  }
0x6e: {  	_ =	shalt  }
0x6f: {  	_ =	shalt  }
0x70: {  	_ =	shalt  }
0x71: {  	_ =	shalt  }
0x72: {  	_ =	shalt  }
0x73: {  	_ =	shalt  }
0x74: {  	_ =	shalt  }
0x75: {  	_ =	shalt  }
0x76: {  	_ =	shalt  }
0x77: {  	_ =	shalt  }
0x78: {  	_ =	shalt  }
0x79: {  	_ =	shalt  }
0x7a: {  	_ =	shalt  }
0x7b: {  	_ =	shalt  }
0x7c: {  	_ =	shalt  }
0x7d: {  	_ =	shalt  }
0x7e: {  	_ =	shalt  }
0x7f: {  	_ =	shalt  }
0x80: {  	_ =	shalt  }
0x81: {  	_ =	shalt  }
0x82: {  	_ =	shalt  }
0x83: {  	_ =	shalt  }
0x84: {  	_ =	shalt  }
0x85: {  	_ =	shalt  }
0x86: {  	_ =	shalt  }
0x87: {  	_ =	shalt  }
.Lfunc_end0:
.L_simem_size_0:
called_computation_lowered:
.L_overlay_start_0:
0x88: {  	s2 =	sld [smem:$0x3FD9]  }
0x89: {  	s3 =	sld [smem:$0x3FFE];
	_ =	sdelay $0x1  }
0x8a: {  	s1 =	srdreg.scid  }
0x8b: {  	s0 =	sand.u32 $0x1, s1  }
0x8c: {  	s17 =	sshll.u32 s0, $0xA;
	s2 =	sadd.s32 s3, s2  }
0x8d: {  	s2 =	sadd.s32 s2, s17  }
0x8e: {  	[smem:$0x3FC6] =	sst s2  }
0x8f: {  	_ = 	snop  }
0x90: {  	s2 =	sld [smem:$0x3FC9]  }
0x91: {  	s18 =	sld [smem:$0x3FD0];
	(tm) =	ssettm $0x1  }
0x92: {  	s4 =	sld [smem:$0x3FFB];
	_ =	sdelay $0x3  }
0x93: {  	_ =	strace s4  }
0x94: {  	s4 =	sld [smem:$0x3FFC];
	_ =	sdelay $0x3  }
0x95: {  	_ =	strace s4  }
0x96: {  	s4 =	sld [smem:$0x3FFD];
	_ =	sdelay $0x3  }
0x97: {  	_ =	strace s4  }
0x98: {  	_ =	strace $0x8FFFFFFF  }
0x99: {  	s19 =	sld [smem:$0x3FDB];
	_ =	sdelay $0x1  }
0x9a: {  	s5 =	simm.s32 $_scs_section_size  }
0x9b: {  	s6 =	simm.s32 $_size__tile_overlayer_lowered;
	s7 =	simm.s32 $_tile_overlayer_lowered  }
0x9c: {  	s22 =	simm.s32 $0x1BFF;
	s21 =	sshll.u32 s7, $0x1;
	s4 =	sadd.s32 s5, s19  }
0x9d: {  	s8 =	simm.s32 $0x0;
	s20 =	sshll.u32 s6, $0x1;
	s6 =	sadd.s32 s21, s4  }
0x9e: {  	[timem:s8], [sflag:s22] =	dma.local [hbm:s6], s20  }
0x9f: {  	_ =	swait.ge [sflag:s22], s20  }
0xa0: {  	s5 =	ssub.s32 $0x0, s20;
	[sflag:s22] =	ssyncset.done $0x0  }
0xa1: {  	[sflag:s22] =	ssyncadd.s32 s5;
	_ =	sdelay $0x1  }
0xa2: {  	s23 =	simm.s32 $0x1B8B  }
0xa3: {  	_ =	swait.ge [sflag:s23], $0x1  }
0xa4: {  	[sflag:s23] =	ssyncset.done $0x0  }
0xa5: {  	s25 =	simm.s32 $0x1B8E;
	s24 =	sld [smem:$0x3FFE];
	[sflag:s23] =	ssyncadd.s32 $0xFFFFFFFF  }
0xa6: {  	s26 =	simm.s32 $execute0_lowered;
	[smem:$0x3FD2] =	sst s25  }
0xa7: {  	s6 =	sshll.u32 s26, $0x1;
	_ =	strace $0x80000046;
	[dreg:$0x1] =	wrdreg $0xFFFFFFFF  }
0xa8: {  	s28 =	simm.s32 $_size_execute0_lowered;
	s4 =	sadd.s32 s4, s6;
	[dreg:$0x0] =	wrdreg $0x0  }
0xa9: {  	s6 =	sshll.u32 s28, $0x1;
	[dreg:$0x2] =	wrdreg s4  }
0xaa: {  	[dreg:$0x3] =	wrdreg s6  }
0xab: {  	[dreg:$0x4] =	wrdreg $0xC0  }
0xac: {  	_ =	task [dreg:s8], $0x5FFFF  }
0xad: {  	[dreg:$0x1] =	wrdreg $0xFFFFFFFF  }
0xae: {  	[dreg:$0x0] =	wrdreg $0x60  }
0xaf: {  	[dreg:$0x2] =	wrdreg s2  }
0xb0: {  	[dreg:$0x3] =	wrdreg s24  }
0xb1: {  	[dreg:$0x4] =	wrdreg s18  }
0xb2: {  	[dreg:$0x5] =	wrdreg $0x9  }
0xb3: {  	_ =	task.clear_ibuf [dreg:s8], $0x6FFFF;
	_ =	strace $0x90000046  }
0xb4: {  	s29 =	simm.s32 $0x9;
	_ =	strace $0x80000048  }
0xb5: {  	_ =	swait.ge [sflag:s29], $0x1  }
0xb6: {  	[sflag:s29] =	ssyncadd.s32 $0xFFFFFFFF  }
0xb7: {  	_ =	strace $0x90000048  }
0xb8: {  	_ =	sfence  }
0xb9: {  	s30 =	sld [smem:$0x0];
	_ =	sdelay $0x2  }
0xba: {  	s31 =	sshll.u32 s1, $0xD;
	s1 =	sshrl.u32 s1, $0x2  }
0xbb: {  	s3 =	sand.u32 $0x4000, s31;
	s1 =	sadd.s32 s1, s30  }
0xbc: {  	s0 =	sor.u32 s3, s0;
	s1 =	sshll.u32 s1, $0x11  }
0xbd: {  	s0 =	sor.u32 s1, s0  }
0xbe: {  	s0 =	sadd.s32 $0x8F2B, s0  }
0xbf: {  	[sflag:s0] =	ssyncadd.remote.s32 $0x1  }
0xc0: {  	_ =	sfence.sel $0xFFFF  }
0xc1: {  	[dreg:$0x0] =	wrdreg $0xFFFFFFFF;
	(pc) =	sbr.abs _section_cstart, $3  }
0xc2: {  	[dreg:$0x1] =	wrdreg $0xFFFFFFFF  }
0xc3: {  	_ =	task.clear_ibuf [dreg:s8], $0x2FFFF;
	_ =	strace $0x9FFFFFFF  }
0xc4: {  	(tm) =	ssettm $0x7FFFFFFF  }
0xc5: {  	_ =	shalt  }
tec
execute0_lowered:
.L_overlay_start_1:
0x0: {  	(tag) =	ssettag $0x1  }
0x1: {  	s1 =	srdreg.scid  }
0x2: {  	s0 =	rddreg [dreg:$0x0];
	s1 =	sand.u32 $0x1, s1  }
0x3: {  	s2 =	rddreg [dreg:$0x1];
	s6 =	stileid.u32;
	s5 =	sshll.u32 s1, $0x4  }
0x4: {  	s3 =	rddreg [dreg:$0x2];
	s4 =	simm.s32 $0x0;
	s5 =	sor.u32 s6, s5  }
0x5: {  	s12 =	simm.s32 $0x1;
	[smem:$0x7FF] =	sst s4;
	s6 =	smul.u32 $0xC, s5  }
0x6: {  	s13 =	simm.s32 $0x0;
	_ =	strace $0x80000047;
	s7 =	smul.u32 $0xD, s5  }
0x7: {  	s8 =	ssub.s32 $0x2, s1;
	p0 =	seq.s32 s1, $0x0;
	s5 =	sadd.s32 $0x10, s6  }
0x8: {  	s9 =	ssub.s32 $0xC, s1;
	s30 =	sshrl.u32 s8, $0x1;
	s5 =	smov.u32 @p0 s7  }
0x9: {  	v0 =	vlaneseq.u32;
	s6 =	sadd.s32 $0x400, s2;
	s2 =	ssub.s32 s8, s30;
	s31 =	sshll.u32 s5, $0xA  }
0xa: {  	v1 =	vor.u32 $0x10, v0;
	v2 =	vor.u32 $0x20, v0;
	v3 =	vor.u32 $0x30, v0;
	s7 =	sxor.u32 $0xD, s1;
	s10 =	smax.u32 s2, $0x1;
	s8 =	sadd.s32 s0, s31  }
.LBB2_1:
0xb: {  	[tilespmem:s4], [sflag:$0x1] =	stream.linear.gather [hbm4b:s6+s4], $0x280, $0x38;
	[tilespmem:$0x14280] =	vst v63  }
0xc: {  	s1 =	simm.s32 $0x280  }
0xd: {  	s15 =	simm.s32 $0x0;
	s14 =	simm.s32 $0x0;
	_ =	swait.ge [sflag:s12], $0x280  }
0xe: {  	s16 =	simm.s32 $0x0;
	s17 =	simm.s32 $0x0;
	[sflag:s12] =	ssyncset.done $0x0  }
0xf: {  	s18 =	simm.s32 $0x1;
	s19 =	simm.s32 $0x0;
	[sflag:s12] =	ssyncadd.s32 $0xFFFFFD80  }
0x10: {  	[tilespmem:s1], [sflag:$0x1] =	stream.linear.gather [hbm4b:s8+s4], $0x2000, $0x38;
	[tilespmem:$0x14280] =	vst v63  }
.LBB2_2:
0x11: {  	s1 =	sadd.s32 s5, s15  }
0x12: {  	s2 =	sadd.s32 $0xFFFFFFFF, s15;
	p1 =	seq.s32 s15, $0x0;
	s15 =	sadd.s32 $0x1, s15  }
0x13: {  	p0 =	seq.s32 s15, s7  }
0x14: {  	s15 =	simm.s32 @p0 $0x0  }
0x15: {  	s20 =	sshra.s32 s1, $0x1F;
	s11 =	sadd.s32 s5, s15  }
0x16: {  	s20 =	sshrl.u32 s20, $0x1C;
	s21 =	sshra.s32 s11, $0x1F  }
0x17: {  	s20 =	sadd.s32 s20, s1;
	s21 =	sshrl.u32 s21, $0x1C  }
0x18: {  	s22 =	sshra.s32 s20, $0x4;
	s20 =	sand.u32 $0xFFFFFFF0, s20;
	s21 =	sadd.s32 s21, s11  }
0x19: {  	p5 =	slt.s32 s1, $0x1;
	p2 =	sne.s32 s1, s20;
	s26 =	sand.u32 $0xFFFFFFF0, s21  }
0x1a: {  	p6 =	slt.s32 s11, $0x1;
	p0 =	por !p5, !p2;
	p3 =	sne.s32 s11, s26  }
0x1b: {  	s20 =	simm.s32 $0x1;
	p0 =	por !p0, !p0;
	p2 =	por !p6, !p3  }
0x1c: {  	s23 =	simm.s32 $0x1;
	s20 =	simm.s32 @!p0 $0x0;
	p0 =	por !p2, !p2  }
0x1d: {  	s28 =	sshra.s32 s21, $0x4;
	s21 =	sand.u32 $0xF, s1;
	s23 =	simm.s32 @!p0 $0x0  }
0x1e: {  	s11 =	sand.u32 $0xF, s11;
	s20 =	ssub.s32 s22, s20;
	s1 =	ssub.s32 s28, s23  }
0x1f: {  	p5 =	sne.s32 s21, s11;
	p4 =	sne.s32 s20, s1  }
0x20: {  	p6 =	slt.u32 s19, s9;
	p0 =	por p5, p4  }
0x21: {  	p2 =	por !p6, !p0  }
0x22: {  	s2 =	smov.u32 @p1 s9;
	p2 =	por !p2, !p2  }
0x23: {  	s2 =	sadd.s32 s5, s2;
	s1 =	sshll.u32 @p2 s1, $0x11;
	s11 =	sshll.u32 @p2 s11, $0xD  }
0x24: {  	s29 =	sshra.s32 s2, $0x1F;
	s22 =	sand.u32 @p2 $0x1, s18;
	s1 =	sor.u32 @p2 s11, s1  }
0x25: {  	s23 =	simm.s32 @p2 $0x0;
	s11 =	sshll.u32 @p2 s22, $0xD;
	s1 =	sshrl.u32 @p2 s1, $0x3  }
0x26: {  	s22 =	sadd.s32 @p2 $0x1, s22;
	s11 =	sor.u32 @p2 $0x280, s11;
	s1 =	sadd.s32 @p2 s0, s1  }
0x27: {  	[tilespmem:s11], [sflag:s22] =	stream.linear.gather @p2 [hbm4b:s1+s23], $0x2000, $0x38;
	[tilespmem:$0x14280] =	vst v63  }
0x28: {  	s1 =	sshrl.u32 s29, $0x1C  }
0x29: {  	s1 =	sadd.s32 s1, s2  }
0x2a: {  	s30 =	sand.u32 $0xFFFFFFF0, s1  }
0x2b: {  	p3 =	slt.s32 s2, $0x1;
	p4 =	sne.s32 s2, s30  }
0x2c: {  	p1 =	por !p3, !p4  }
0x2d: {  	s11 =	simm.s32 $0x1;
	p1 =	por !p1, !p1  }
0x2e: {  	s1 =	sshra.s32 s1, $0x4;
	s11 =	simm.s32 @!p1 $0x0  }
0x2f: {  	s2 =	sand.u32 $0xF, s2;
	s1 =	ssub.s32 s1, s11  }
0x30: {  	p6 =	sne.s32 s21, s2;
	p5 =	sne.s32 s20, s1  }
0x31: {  	p4 =	seq.s32 s19, $0x0;
	p1 =	por p6, p5  }
0x32: {  	s1 =	sand.u32 $0x1, s17;
	p3 =	por p4, p1  }
0x33: {  	s2 =	sadd.s32 @p3 $0x1, s1  }
0x34: {  	_ =	swait.ge @p3 [sflag:s2], $0x2000  }
0x35: {  	s25 =	simm.s32 $0x0;
	[sflag:s2] =	ssyncset.done @p3 $0x0  }
0x36: {  	s22 =	sand.u32 $0x1, s16;
	[sflag:s2] =	ssyncadd.s32 @p3 $0xFFFFE000;
	s2 =	simm.s32 $0x1  }
0x37: {  	s31 =	sshll.u32 s22, $0xF;
	s1 =	sshll.u32 s1, $0xD;
	s2 =	simm.s32 @!p2 $0x0  }
0x38: {  	s23 =	sor.u32 $0x4280, s31;
	s24 =	sor.u32 $0x280, s1;
	s18 =	sadd.s32 s2, s18  }
.LBB2_3:
0x39: {  	s1 =	sshll.u32 s25, $0x7  }
0x3a: {  	s1 =	sand.u32 $0x3FFFFF80, s1  }
0x3b: {  	s2 =	sshll.u32 s25, $0xC;
	s1 =	sadd.s32 s1, s24  }
0x3c: {  	s2 =	sand.u32 $0x3FFFF000, s2;
	v4 =	vmov s1  }
0x3d: {  	s2 =	sadd.s32 s2, s23  }
0x3e: {  	p2 =	por $0x1, $0x1;
	s26 =	simm.s32 $0x0;
	v5 =	vmov s2  }
.LBB2_4:
0x3f: {  	s1 =	sshll.u32 s26, $0xA;
	s28 =	sor.u32 $0x1, s26  }
0x40: {  	s29 =	sor.u32 $0x2, s26;
	s31 =	sand.u32 $0x3FFFFC00, s1;
	s30 =	sshll.u32 s28, $0xA  }
0x41: {  	s2 =	sshll.u32 s29, $0xA;
	v6 =	vld.idx.msk [tilespmem:v4+s31+$0x0 ss:$0x1], $0xffff;
	s1 =	sand.u32 $0x3FFFFC00, s30;
	s30 =	sor.u32 $0x3, s26  }
0x42: {  	s2 =	sand.u32 $0x3FFFFC00, s2;
	v7 =	vld.idx.msk [tilespmem:v4+s1+$0x0 ss:$0x1], $0xffff;
	s11 =	sshll.u32 s30, $0xA  }
0x43: {  	v8 =	vld.idx.msk [tilespmem:v4+s2+$0x0 ss:$0x1], $0xffff;
	s11 =	sand.u32 $0x3FFFFC00, s11  }
0x44: {  	v9 =	vld.idx.msk [tilespmem:v4+s11+$0x0 ss:$0x1], $0xffff;
	_ =	sdelay $0x1  }
0x45: {  	v6 =	vshll.u32 v6, $0x6  }
0x46: {  	v10 =	vor.u32 v0, v6;
	v7 =	vshll.u32 v7, $0x6  }
0x47: {  	v8 =	vshll.u32 v8, $0x6;
	v11 =	vor.u32 v0, v7  }
0x48: {  	v12 =	vor.u32 v0, v8;
	v9 =	vshll.u32 v9, $0x6  }
0x49: {  	v13 =	vor.u32 v0, v9;
	_ =	sdelay $0x1  }
0x4a: {  	v10 =	vld.idx.msk [tilespmem:v10+s4+$0x0], $0xffff  }
0x4b: {  	v14 =	vor.u32 v1, v6;
	v11 =	vld.idx.msk [tilespmem:v11+s4+$0x0], $0xffff  }
0x4c: {  	v15 =	vor.u32 v1, v7;
	v12 =	vld.idx.msk [tilespmem:v12+s4+$0x0], $0xffff  }
0x4d: {  	s26 =	sshll.u32 s26, $0x9;
	v16 =	vor.u32 v1, v8;
	v13 =	vld.idx.msk [tilespmem:v13+s4+$0x0], $0xffff  }
0x4e: {  	s28 =	sshll.u32 s28, $0x9;
	s26 =	sand.u32 $0x3FFFFE00, s26;
	v17 =	vor.u32 v1, v9  }
0x4f: {  	s29 =	sshll.u32 s29, $0x9;
	s28 =	sand.u32 $0x3FFFFE00, s28;
	[tilespmem:v5+s26+$0x0 ss:$0x1] =	vst.idx.msk $0xffff, v10  }
0x50: {  	s29 =	sand.u32 $0x3FFFFE00, s29;
	s30 =	sshll.u32 s30, $0x9;
	v10 =	vld.idx.msk [tilespmem:v14+s4+$0x0], $0xffff;
	[tilespmem:v5+s28+$0x0 ss:$0x1] =	vst.idx.msk $0xffff, v11  }
0x51: {  	s30 =	sand.u32 $0x3FFFFE00, s30;
	v63 =	vor.u32 v2, v6;
	[tilespmem:v5+s29+$0x0 ss:$0x1] =	vst.idx.msk $0xffff, v12;
	v20 =	vld.idx.msk [tilespmem:v15+s4+$0x0], $0xffff  }
0x52: {  	v21 =	vor.u32 v2, v7;
	v22 =	vld.idx.msk [tilespmem:v16+s4+$0x0], $0xffff;
	[tilespmem:v5+s30+$0x0 ss:$0x1] =	vst.idx.msk $0xffff, v13  }
0x53: {  	v23 =	vor.u32 v2, v8;
	v24 =	vld.idx.msk [tilespmem:v17+s4+$0x0], $0xffff  }
0x54: {  	v25 =	vor.u32 v2, v9  }
0x55: {  	[tilespmem:v5+s26+$0x80 ss:$0x1] =	vst.idx.msk $0xffff, v10  }
0x56: {  	v10 =	vld.idx.msk [tilespmem:v63+s4+$0x0], $0xffff;
	[tilespmem:v5+s28+$0x80 ss:$0x1] =	vst.idx.msk $0xffff, v20  }
0x57: {  	v6 =	vor.u32 v3, v6;
	[tilespmem:v5+s29+$0x80 ss:$0x1] =	vst.idx.msk $0xffff, v22;
	v26 =	vld.idx.msk [tilespmem:v21+s4+$0x0], $0xffff  }
0x58: {  	v7 =	vor.u32 v3, v7;
	v27 =	vld.idx.msk [tilespmem:v23+s4+$0x0], $0xffff;
	[tilespmem:v5+s30+$0x80 ss:$0x1] =	vst.idx.msk $0xffff, v24  }
0x59: {  	v8 =	vor.u32 v3, v8;
	v28 =	vld.idx.msk [tilespmem:v25+s4+$0x0], $0xffff  }
0x5a: {  	v9 =	vor.u32 v3, v9  }
0x5b: {  	[tilespmem:v5+s26+$0x100 ss:$0x1] =	vst.idx.msk $0xffff, v10  }
0x5c: {  	v6 =	vld.idx.msk [tilespmem:v6+s4+$0x0], $0xffff;
	[tilespmem:v5+s28+$0x100 ss:$0x1] =	vst.idx.msk $0xffff, v26  }
0x5d: {  	[tilespmem:v5+s29+$0x100 ss:$0x1] =	vst.idx.msk $0xffff, v27;
	v7 =	vld.idx.msk [tilespmem:v7+s4+$0x0], $0xffff  }
0x5e: {  	v8 =	vld.idx.msk [tilespmem:v8+s4+$0x0], $0xffff;
	[tilespmem:v5+s30+$0x100 ss:$0x1] =	vst.idx.msk $0xffff, v28  }
0x5f: {  	v9 =	vld.idx.msk [tilespmem:v9+s4+$0x0], $0xffff;
	_ =	sdelay $0x1  }
0x60: {  	[tilespmem:v5+s26+$0x180 ss:$0x1] =	vst.idx.msk $0xffff, v6  }
0x61: {  	v6 =	vld.idx.msk [tilespmem:v4+s31+$0x10 ss:$0x1], $0xffff;
	[tilespmem:v5+s28+$0x180 ss:$0x1] =	vst.idx.msk $0xffff, v7  }
0x62: {  	[tilespmem:v5+s29+$0x180 ss:$0x1] =	vst.idx.msk $0xffff, v8;
	v7 =	vld.idx.msk [tilespmem:v4+s1+$0x10 ss:$0x1], $0xffff  }
0x63: {  	v8 =	vld.idx.msk [tilespmem:v4+s2+$0x10 ss:$0x1], $0xffff;
	[tilespmem:v5+s30+$0x180 ss:$0x1] =	vst.idx.msk $0xffff, v9  }
0x64: {  	v9 =	vld.idx.msk [tilespmem:v4+s11+$0x10 ss:$0x1], $0xffff;
	_ =	sdelay $0x1  }
0x65: {  	v6 =	vshll.u32 v6, $0x6  }
0x66: {  	v29 =	vor.u32 v0, v6;
	v7 =	vshll.u32 v7, $0x6  }
0x67: {  	v8 =	vshll.u32 v8, $0x6;
	v30 =	vor.u32 v0, v7  }
0x68: {  	v31 =	vor.u32 v0, v8;
	v9 =	vshll.u32 v9, $0x6  }
0x69: {  	v32 =	vor.u32 v0, v9;
	_ =	sdelay $0x1  }
0x6a: {  	v10 =	vld.idx.msk [tilespmem:v29+s4+$0x0], $0xffff  }
0x6b: {  	v33 =	vor.u32 v1, v6;
	v11 =	vld.idx.msk [tilespmem:v30+s4+$0x0], $0xffff  }
0x6c: {  	v34 =	vor.u32 v1, v7;
	v12 =	vld.idx.msk [tilespmem:v31+s4+$0x0], $0xffff  }
0x6d: {  	v35 =	vor.u32 v1, v8;
	v13 =	vld.idx.msk [tilespmem:v32+s4+$0x0], $0xffff  }
0x6e: {  	v36 =	vor.u32 v1, v9  }
0x6f: {  	[tilespmem:v5+s26+$0x10 ss:$0x1] =	vst.idx.msk $0xffff, v10  }
0x70: {  	v10 =	vld.idx.msk [tilespmem:v33+s4+$0x0], $0xffff;
	[tilespmem:v5+s28+$0x10 ss:$0x1] =	vst.idx.msk $0xffff, v11  }
0x71: {  	v37 =	vor.u32 v2, v6;
	[tilespmem:v5+s29+$0x10 ss:$0x1] =	vst.idx.msk $0xffff, v12;
	v38 =	vld.idx.msk [tilespmem:v34+s4+$0x0], $0xffff  }
0x72: {  	v39 =	vor.u32 v2, v7;
	v40 =	vld.idx.msk [tilespmem:v35+s4+$0x0], $0xffff;
	[tilespmem:v5+s30+$0x10 ss:$0x1] =	vst.idx.msk $0xffff, v13  }
0x73: {  	v41 =	vor.u32 v2, v8;
	v42 =	vld.idx.msk [tilespmem:v36+s4+$0x0], $0xffff  }
0x74: {  	v43 =	vor.u32 v2, v9  }
0x75: {  	[tilespmem:v5+s26+$0x90 ss:$0x1] =	vst.idx.msk $0xffff, v10  }
0x76: {  	v10 =	vld.idx.msk [tilespmem:v37+s4+$0x0], $0xffff;
	[tilespmem:v5+s28+$0x90 ss:$0x1] =	vst.idx.msk $0xffff, v38  }
0x77: {  	v6 =	vor.u32 v3, v6;
	[tilespmem:v5+s29+$0x90 ss:$0x1] =	vst.idx.msk $0xffff, v40;
	v44 =	vld.idx.msk [tilespmem:v39+s4+$0x0], $0xffff  }
0x78: {  	v7 =	vor.u32 v3, v7;
	v45 =	vld.idx.msk [tilespmem:v41+s4+$0x0], $0xffff;
	[tilespmem:v5+s30+$0x90 ss:$0x1] =	vst.idx.msk $0xffff, v42  }
0x79: {  	v8 =	vor.u32 v3, v8;
	v46 =	vld.idx.msk [tilespmem:v43+s4+$0x0], $0xffff  }
0x7a: {  	v9 =	vor.u32 v3, v9  }
0x7b: {  	[tilespmem:v5+s26+$0x110 ss:$0x1] =	vst.idx.msk $0xffff, v10  }
0x7c: {  	v6 =	vld.idx.msk [tilespmem:v6+s4+$0x0], $0xffff;
	[tilespmem:v5+s28+$0x110 ss:$0x1] =	vst.idx.msk $0xffff, v44  }
0x7d: {  	[tilespmem:v5+s29+$0x110 ss:$0x1] =	vst.idx.msk $0xffff, v45;
	v7 =	vld.idx.msk [tilespmem:v7+s4+$0x0], $0xffff  }
0x7e: {  	v8 =	vld.idx.msk [tilespmem:v8+s4+$0x0], $0xffff;
	[tilespmem:v5+s30+$0x110 ss:$0x1] =	vst.idx.msk $0xffff, v46  }
0x7f: {  	v9 =	vld.idx.msk [tilespmem:v9+s4+$0x0], $0xffff;
	_ =	sdelay $0x1  }
0x80: {  	[tilespmem:v5+s26+$0x190 ss:$0x1] =	vst.idx.msk $0xffff, v6  }
0x81: {  	v6 =	vld.idx.msk [tilespmem:v4+s31+$0x20 ss:$0x1], $0xffff;
	[tilespmem:v5+s28+$0x190 ss:$0x1] =	vst.idx.msk $0xffff, v7  }
0x82: {  	[tilespmem:v5+s29+$0x190 ss:$0x1] =	vst.idx.msk $0xffff, v8;
	v7 =	vld.idx.msk [tilespmem:v4+s1+$0x20 ss:$0x1], $0xffff  }
0x83: {  	v8 =	vld.idx.msk [tilespmem:v4+s2+$0x20 ss:$0x1], $0xffff;
	[tilespmem:v5+s30+$0x190 ss:$0x1] =	vst.idx.msk $0xffff, v9  }
0x84: {  	v9 =	vld.idx.msk [tilespmem:v4+s11+$0x20 ss:$0x1], $0xffff;
	_ =	sdelay $0x1  }
0x85: {  	v6 =	vshll.u32 v6, $0x6  }
0x86: {  	v47 =	vor.u32 v0, v6;
	v7 =	vshll.u32 v7, $0x6  }
0x87: {  	v8 =	vshll.u32 v8, $0x6;
	v48 =	vor.u32 v0, v7  }
0x88: {  	v49 =	vor.u32 v0, v8;
	v9 =	vshll.u32 v9, $0x6  }
0x89: {  	v50 =	vor.u32 v0, v9;
	_ =	sdelay $0x1  }
0x8a: {  	v10 =	vld.idx.msk [tilespmem:v47+s4+$0x0], $0xffff  }
0x8b: {  	v51 =	vor.u32 v1, v6;
	v11 =	vld.idx.msk [tilespmem:v48+s4+$0x0], $0xffff  }
0x8c: {  	v52 =	vor.u32 v1, v7;
	v12 =	vld.idx.msk [tilespmem:v49+s4+$0x0], $0xffff  }
0x8d: {  	v53 =	vor.u32 v1, v8;
	v13 =	vld.idx.msk [tilespmem:v50+s4+$0x0], $0xffff  }
0x8e: {  	v54 =	vor.u32 v1, v9  }
0x8f: {  	[tilespmem:v5+s26+$0x20 ss:$0x1] =	vst.idx.msk $0xffff, v10  }
0x90: {  	v10 =	vld.idx.msk [tilespmem:v51+s4+$0x0], $0xffff;
	[tilespmem:v5+s28+$0x20 ss:$0x1] =	vst.idx.msk $0xffff, v11  }
0x91: {  	v55 =	vor.u32 v2, v6;
	[tilespmem:v5+s29+$0x20 ss:$0x1] =	vst.idx.msk $0xffff, v12;
	v56 =	vld.idx.msk [tilespmem:v52+s4+$0x0], $0xffff  }
0x92: {  	v57 =	vor.u32 v2, v7;
	v58 =	vld.idx.msk [tilespmem:v53+s4+$0x0], $0xffff;
	[tilespmem:v5+s30+$0x20 ss:$0x1] =	vst.idx.msk $0xffff, v13  }
0x93: {  	v59 =	vor.u32 v2, v8;
	v60 =	vld.idx.msk [tilespmem:v54+s4+$0x0], $0xffff  }
0x94: {  	v61 =	vor.u32 v2, v9  }
0x95: {  	[tilespmem:v5+s26+$0xA0 ss:$0x1] =	vst.idx.msk $0xffff, v10  }
0x96: {  	v10 =	vld.idx.msk [tilespmem:v55+s4+$0x0], $0xffff;
	[tilespmem:v5+s28+$0xA0 ss:$0x1] =	vst.idx.msk $0xffff, v56  }
0x97: {  	v6 =	vor.u32 v3, v6;
	[tilespmem:v5+s29+$0xA0 ss:$0x1] =	vst.idx.msk $0xffff, v58;
	v62 =	vld.idx.msk [tilespmem:v57+s4+$0x0], $0xffff  }
0x98: {  	v7 =	vor.u32 v3, v7;
	v63 =	vld.idx.msk [tilespmem:v59+s4+$0x0], $0xffff;
	[tilespmem:v5+s30+$0xA0 ss:$0x1] =	vst.idx.msk $0xffff, v60  }
0x99: {  	v8 =	vor.u32 v3, v8;
	v17 =	vld.idx.msk [tilespmem:v61+s4+$0x0], $0xffff  }
0x9a: {  	v9 =	vor.u32 v3, v9  }
0x9b: {  	[tilespmem:v5+s26+$0x120 ss:$0x1] =	vst.idx.msk $0xffff, v10  }
0x9c: {  	v6 =	vld.idx.msk [tilespmem:v6+s4+$0x0], $0xffff;
	[tilespmem:v5+s28+$0x120 ss:$0x1] =	vst.idx.msk $0xffff, v62  }
0x9d: {  	[tilespmem:v5+s29+$0x120 ss:$0x1] =	vst.idx.msk $0xffff, v63;
	v7 =	vld.idx.msk [tilespmem:v7+s4+$0x0], $0xffff  }
0x9e: {  	v8 =	vld.idx.msk [tilespmem:v8+s4+$0x0], $0xffff;
	[tilespmem:v5+s30+$0x120 ss:$0x1] =	vst.idx.msk $0xffff, v17  }
0x9f: {  	v9 =	vld.idx.msk [tilespmem:v9+s4+$0x0], $0xffff;
	_ =	sdelay $0x1  }
0xa0: {  	[tilespmem:v5+s26+$0x1A0 ss:$0x1] =	vst.idx.msk $0xffff, v6  }
0xa1: {  	v6 =	vld.idx.msk [tilespmem:v4+s31+$0x30 ss:$0x1], $0xffff;
	[tilespmem:v5+s28+$0x1A0 ss:$0x1] =	vst.idx.msk $0xffff, v7  }
0xa2: {  	[tilespmem:v5+s29+$0x1A0 ss:$0x1] =	vst.idx.msk $0xffff, v8;
	v7 =	vld.idx.msk [tilespmem:v4+s1+$0x30 ss:$0x1], $0xffff  }
0xa3: {  	v8 =	vld.idx.msk [tilespmem:v4+s2+$0x30 ss:$0x1], $0xffff;
	[tilespmem:v5+s30+$0x1A0 ss:$0x1] =	vst.idx.msk $0xffff, v9  }
0xa4: {  	v9 =	vld.idx.msk [tilespmem:v4+s11+$0x30 ss:$0x1], $0xffff;
	_ =	sdelay $0x1  }
0xa5: {  	v6 =	vshll.u32 v6, $0x6  }
0xa6: {  	v18 =	vor.u32 v0, v6;
	v7 =	vshll.u32 v7, $0x6  }
0xa7: {  	v8 =	vshll.u32 v8, $0x6;
	v19 =	vor.u32 v0, v7  }
0xa8: {  	v20 =	vor.u32 v0, v8;
	v9 =	vshll.u32 v9, $0x6  }
0xa9: {  	v21 =	vor.u32 v0, v9;
	_ =	sdelay $0x1  }
0xaa: {  	v10 =	vld.idx.msk [tilespmem:v18+s4+$0x0], $0xffff  }
0xab: {  	v22 =	vor.u32 v1, v6;
	v11 =	vld.idx.msk [tilespmem:v19+s4+$0x0], $0xffff  }
0xac: {  	v23 =	vor.u32 v1, v7;
	v12 =	vld.idx.msk [tilespmem:v20+s4+$0x0], $0xffff  }
0xad: {  	v24 =	vor.u32 v1, v8;
	v13 =	vld.idx.msk [tilespmem:v21+s4+$0x0], $0xffff  }
0xae: {  	v25 =	vor.u32 v1, v9  }
0xaf: {  	[tilespmem:v5+s26+$0x30 ss:$0x1] =	vst.idx.msk $0xffff, v10  }
0xb0: {  	v10 =	vld.idx.msk [tilespmem:v22+s4+$0x0], $0xffff;
	[tilespmem:v5+s28+$0x30 ss:$0x1] =	vst.idx.msk $0xffff, v11  }
0xb1: {  	v26 =	vor.u32 v2, v6;
	[tilespmem:v5+s29+$0x30 ss:$0x1] =	vst.idx.msk $0xffff, v12;
	v27 =	vld.idx.msk [tilespmem:v23+s4+$0x0], $0xffff  }
0xb2: {  	v28 =	vor.u32 v2, v7;
	v29 =	vld.idx.msk [tilespmem:v24+s4+$0x0], $0xffff;
	[tilespmem:v5+s30+$0x30 ss:$0x1] =	vst.idx.msk $0xffff, v13  }
0xb3: {  	v30 =	vor.u32 v2, v8;
	v31 =	vld.idx.msk [tilespmem:v25+s4+$0x0], $0xffff  }
0xb4: {  	v32 =	vor.u32 v2, v9  }
0xb5: {  	[tilespmem:v5+s26+$0xB0 ss:$0x1] =	vst.idx.msk $0xffff, v10  }
0xb6: {  	v10 =	vld.idx.msk [tilespmem:v26+s4+$0x0], $0xffff;
	[tilespmem:v5+s28+$0xB0 ss:$0x1] =	vst.idx.msk $0xffff, v27  }
0xb7: {  	v6 =	vor.u32 v3, v6;
	[tilespmem:v5+s29+$0xB0 ss:$0x1] =	vst.idx.msk $0xffff, v29;
	v33 =	vld.idx.msk [tilespmem:v28+s4+$0x0], $0xffff  }
0xb8: {  	v7 =	vor.u32 v3, v7;
	v34 =	vld.idx.msk [tilespmem:v30+s4+$0x0], $0xffff;
	[tilespmem:v5+s30+$0xB0 ss:$0x1] =	vst.idx.msk $0xffff, v31  }
0xb9: {  	v8 =	vor.u32 v3, v8;
	v35 =	vld.idx.msk [tilespmem:v32+s4+$0x0], $0xffff  }
0xba: {  	v9 =	vor.u32 v3, v9  }
0xbb: {  	[tilespmem:v5+s26+$0x130 ss:$0x1] =	vst.idx.msk $0xffff, v10  }
0xbc: {  	v6 =	vld.idx.msk [tilespmem:v6+s4+$0x0], $0xffff;
	[tilespmem:v5+s28+$0x130 ss:$0x1] =	vst.idx.msk $0xffff, v33  }
0xbd: {  	[tilespmem:v5+s29+$0x130 ss:$0x1] =	vst.idx.msk $0xffff, v34;
	v7 =	vld.idx.msk [tilespmem:v7+s4+$0x0], $0xffff  }
0xbe: {  	v8 =	vld.idx.msk [tilespmem:v8+s4+$0x0], $0xffff;
	[tilespmem:v5+s30+$0x130 ss:$0x1] =	vst.idx.msk $0xffff, v35  }
0xbf: {  	v9 =	vld.idx.msk [tilespmem:v9+s4+$0x0], $0xffff;
	_ =	sdelay $0x1  }
0xc0: {  	[tilespmem:v5+s26+$0x1B0 ss:$0x1] =	vst.idx.msk $0xffff, v6  }
0xc1: {  	v6 =	vld.idx.msk [tilespmem:v4+s31+$0x40 ss:$0x1], $0xffff;
	[tilespmem:v5+s28+$0x1B0 ss:$0x1] =	vst.idx.msk $0xffff, v7  }
0xc2: {  	[tilespmem:v5+s29+$0x1B0 ss:$0x1] =	vst.idx.msk $0xffff, v8;
	v7 =	vld.idx.msk [tilespmem:v4+s1+$0x40 ss:$0x1], $0xffff  }
0xc3: {  	v8 =	vld.idx.msk [tilespmem:v4+s2+$0x40 ss:$0x1], $0xffff;
	[tilespmem:v5+s30+$0x1B0 ss:$0x1] =	vst.idx.msk $0xffff, v9  }
0xc4: {  	v9 =	vld.idx.msk [tilespmem:v4+s11+$0x40 ss:$0x1], $0xffff;
	_ =	sdelay $0x1  }
0xc5: {  	v6 =	vshll.u32 v6, $0x6  }
0xc6: {  	v36 =	vor.u32 v0, v6;
	v7 =	vshll.u32 v7, $0x6  }
0xc7: {  	v8 =	vshll.u32 v8, $0x6;
	v37 =	vor.u32 v0, v7  }
0xc8: {  	v38 =	vor.u32 v0, v8;
	v9 =	vshll.u32 v9, $0x6  }
0xc9: {  	v39 =	vor.u32 v0, v9;
	_ =	sdelay $0x1  }
0xca: {  	v10 =	vld.idx.msk [tilespmem:v36+s4+$0x0], $0xffff  }
0xcb: {  	v40 =	vor.u32 v1, v6;
	v11 =	vld.idx.msk [tilespmem:v37+s4+$0x0], $0xffff  }
0xcc: {  	v41 =	vor.u32 v1, v7;
	v12 =	vld.idx.msk [tilespmem:v38+s4+$0x0], $0xffff  }
0xcd: {  	v42 =	vor.u32 v1, v8;
	v13 =	vld.idx.msk [tilespmem:v39+s4+$0x0], $0xffff  }
0xce: {  	v43 =	vor.u32 v1, v9  }
0xcf: {  	[tilespmem:v5+s26+$0x40 ss:$0x1] =	vst.idx.msk $0xffff, v10  }
0xd0: {  	v10 =	vld.idx.msk [tilespmem:v40+s4+$0x0], $0xffff;
	[tilespmem:v5+s28+$0x40 ss:$0x1] =	vst.idx.msk $0xffff, v11  }
0xd1: {  	v44 =	vor.u32 v2, v6;
	[tilespmem:v5+s29+$0x40 ss:$0x1] =	vst.idx.msk $0xffff, v12;
	v45 =	vld.idx.msk [tilespmem:v41+s4+$0x0], $0xffff  }
0xd2: {  	v46 =	vor.u32 v2, v7;
	v47 =	vld.idx.msk [tilespmem:v42+s4+$0x0], $0xffff;
	[tilespmem:v5+s30+$0x40 ss:$0x1] =	vst.idx.msk $0xffff, v13  }
0xd3: {  	v48 =	vor.u32 v2, v8;
	v49 =	vld.idx.msk [tilespmem:v43+s4+$0x0], $0xffff  }
0xd4: {  	v50 =	vor.u32 v2, v9  }
0xd5: {  	[tilespmem:v5+s26+$0xC0 ss:$0x1] =	vst.idx.msk $0xffff, v10  }
0xd6: {  	v10 =	vld.idx.msk [tilespmem:v44+s4+$0x0], $0xffff;
	[tilespmem:v5+s28+$0xC0 ss:$0x1] =	vst.idx.msk $0xffff, v45  }
0xd7: {  	v6 =	vor.u32 v3, v6;
	[tilespmem:v5+s29+$0xC0 ss:$0x1] =	vst.idx.msk $0xffff, v47;
	v51 =	vld.idx.msk [tilespmem:v46+s4+$0x0], $0xffff  }
0xd8: {  	v7 =	vor.u32 v3, v7;
	v52 =	vld.idx.msk [tilespmem:v48+s4+$0x0], $0xffff;
	[tilespmem:v5+s30+$0xC0 ss:$0x1] =	vst.idx.msk $0xffff, v49  }
0xd9: {  	v8 =	vor.u32 v3, v8;
	v53 =	vld.idx.msk [tilespmem:v50+s4+$0x0], $0xffff  }
0xda: {  	v9 =	vor.u32 v3, v9  }
0xdb: {  	[tilespmem:v5+s26+$0x140 ss:$0x1] =	vst.idx.msk $0xffff, v10  }
0xdc: {  	v6 =	vld.idx.msk [tilespmem:v6+s4+$0x0], $0xffff;
	[tilespmem:v5+s28+$0x140 ss:$0x1] =	vst.idx.msk $0xffff, v51  }
0xdd: {  	[tilespmem:v5+s29+$0x140 ss:$0x1] =	vst.idx.msk $0xffff, v52;
	v7 =	vld.idx.msk [tilespmem:v7+s4+$0x0], $0xffff  }
0xde: {  	v8 =	vld.idx.msk [tilespmem:v8+s4+$0x0], $0xffff;
	[tilespmem:v5+s30+$0x140 ss:$0x1] =	vst.idx.msk $0xffff, v53  }
0xdf: {  	v9 =	vld.idx.msk [tilespmem:v9+s4+$0x0], $0xffff;
	_ =	sdelay $0x1  }
0xe0: {  	[tilespmem:v5+s26+$0x1C0 ss:$0x1] =	vst.idx.msk $0xffff, v6  }
0xe1: {  	v6 =	vld.idx.msk [tilespmem:v4+s31+$0x50 ss:$0x1], $0xffff;
	[tilespmem:v5+s28+$0x1C0 ss:$0x1] =	vst.idx.msk $0xffff, v7  }
0xe2: {  	[tilespmem:v5+s29+$0x1C0 ss:$0x1] =	vst.idx.msk $0xffff, v8;
	v7 =	vld.idx.msk [tilespmem:v4+s1+$0x50 ss:$0x1], $0xffff  }
0xe3: {  	v8 =	vld.idx.msk [tilespmem:v4+s2+$0x50 ss:$0x1], $0xffff;
	[tilespmem:v5+s30+$0x1C0 ss:$0x1] =	vst.idx.msk $0xffff, v9  }
0xe4: {  	v9 =	vld.idx.msk [tilespmem:v4+s11+$0x50 ss:$0x1], $0xffff;
	_ =	sdelay $0x1  }
0xe5: {  	v6 =	vshll.u32 v6, $0x6  }
0xe6: {  	v54 =	vor.u32 v0, v6;
	v7 =	vshll.u32 v7, $0x6  }
0xe7: {  	v8 =	vshll.u32 v8, $0x6;
	v55 =	vor.u32 v0, v7  }
0xe8: {  	v56 =	vor.u32 v0, v8;
	v9 =	vshll.u32 v9, $0x6  }
0xe9: {  	v57 =	vor.u32 v0, v9;
	_ =	sdelay $0x1  }
0xea: {  	v10 =	vld.idx.msk [tilespmem:v54+s4+$0x0], $0xffff  }
0xeb: {  	v58 =	vor.u32 v1, v6;
	v11 =	vld.idx.msk [tilespmem:v55+s4+$0x0], $0xffff  }
0xec: {  	v59 =	vor.u32 v1, v7;
	v12 =	vld.idx.msk [tilespmem:v56+s4+$0x0], $0xffff  }
0xed: {  	v60 =	vor.u32 v1, v8;
	v13 =	vld.idx.msk [tilespmem:v57+s4+$0x0], $0xffff  }
0xee: {  	v61 =	vor.u32 v1, v9  }
0xef: {  	[tilespmem:v5+s26+$0x50 ss:$0x1] =	vst.idx.msk $0xffff, v10  }
0xf0: {  	v10 =	vld.idx.msk [tilespmem:v58+s4+$0x0], $0xffff;
	[tilespmem:v5+s28+$0x50 ss:$0x1] =	vst.idx.msk $0xffff, v11  }
0xf1: {  	v62 =	vor.u32 v2, v6;
	[tilespmem:v5+s29+$0x50 ss:$0x1] =	vst.idx.msk $0xffff, v12;
	v63 =	vld.idx.msk [tilespmem:v59+s4+$0x0], $0xffff  }
0xf2: {  	v20 =	vor.u32 v2, v7;
	v21 =	vld.idx.msk [tilespmem:v60+s4+$0x0], $0xffff;
	[tilespmem:v5+s30+$0x50 ss:$0x1] =	vst.idx.msk $0xffff, v13  }
0xf3: {  	v22 =	vor.u32 v2, v8;
	v23 =	vld.idx.msk [tilespmem:v61+s4+$0x0], $0xffff  }
0xf4: {  	v24 =	vor.u32 v2, v9  }
0xf5: {  	[tilespmem:v5+s26+$0xD0 ss:$0x1] =	vst.idx.msk $0xffff, v10  }
0xf6: {  	v10 =	vld.idx.msk [tilespmem:v62+s4+$0x0], $0xffff;
	[tilespmem:v5+s28+$0xD0 ss:$0x1] =	vst.idx.msk $0xffff, v63  }
0xf7: {  	v6 =	vor.u32 v3, v6;
	[tilespmem:v5+s29+$0xD0 ss:$0x1] =	vst.idx.msk $0xffff, v21;
	v25 =	vld.idx.msk [tilespmem:v20+s4+$0x0], $0xffff  }
0xf8: {  	v7 =	vor.u32 v3, v7;
	v26 =	vld.idx.msk [tilespmem:v22+s4+$0x0], $0xffff;
	[tilespmem:v5+s30+$0xD0 ss:$0x1] =	vst.idx.msk $0xffff, v23  }
0xf9: {  	v8 =	vor.u32 v3, v8;
	v27 =	vld.idx.msk [tilespmem:v24+s4+$0x0], $0xffff  }
0xfa: {  	v9 =	vor.u32 v3, v9  }
0xfb: {  	[tilespmem:v5+s26+$0x150 ss:$0x1] =	vst.idx.msk $0xffff, v10  }
0xfc: {  	v6 =	vld.idx.msk [tilespmem:v6+s4+$0x0], $0xffff;
	[tilespmem:v5+s28+$0x150 ss:$0x1] =	vst.idx.msk $0xffff, v25  }
0xfd: {  	[tilespmem:v5+s29+$0x150 ss:$0x1] =	vst.idx.msk $0xffff, v26;
	v7 =	vld.idx.msk [tilespmem:v7+s4+$0x0], $0xffff  }
0xfe: {  	v8 =	vld.idx.msk [tilespmem:v8+s4+$0x0], $0xffff;
	[tilespmem:v5+s30+$0x150 ss:$0x1] =	vst.idx.msk $0xffff, v27  }
0xff: {  	v9 =	vld.idx.msk [tilespmem:v9+s4+$0x0], $0xffff;
	_ =	sdelay $0x1  }
0x100: {  	[tilespmem:v5+s26+$0x1D0 ss:$0x1] =	vst.idx.msk $0xffff, v6  }
0x101: {  	v6 =	vld.idx.msk [tilespmem:v4+s31+$0x60 ss:$0x1], $0xffff;
	[tilespmem:v5+s28+$0x1D0 ss:$0x1] =	vst.idx.msk $0xffff, v7  }
0x102: {  	[tilespmem:v5+s29+$0x1D0 ss:$0x1] =	vst.idx.msk $0xffff, v8;
	v7 =	vld.idx.msk [tilespmem:v4+s1+$0x60 ss:$0x1], $0xffff  }
0x103: {  	v8 =	vld.idx.msk [tilespmem:v4+s2+$0x60 ss:$0x1], $0xffff;
	[tilespmem:v5+s30+$0x1D0 ss:$0x1] =	vst.idx.msk $0xffff, v9  }
0x104: {  	v9 =	vld.idx.msk [tilespmem:v4+s11+$0x60 ss:$0x1], $0xffff;
	_ =	sdelay $0x1  }
0x105: {  	v6 =	vshll.u32 v6, $0x6  }
0x106: {  	v28 =	vor.u32 v0, v6;
	v7 =	vshll.u32 v7, $0x6  }
0x107: {  	v8 =	vshll.u32 v8, $0x6;
	v29 =	vor.u32 v0, v7  }
0x108: {  	v30 =	vor.u32 v0, v8;
	v9 =	vshll.u32 v9, $0x6  }
0x109: {  	v31 =	vor.u32 v0, v9;
	_ =	sdelay $0x1  }
0x10a: {  	v10 =	vld.idx.msk [tilespmem:v28+s4+$0x0], $0xffff  }
0x10b: {  	v32 =	vor.u32 v1, v6;
	v11 =	vld.idx.msk [tilespmem:v29+s4+$0x0], $0xffff  }
0x10c: {  	v33 =	vor.u32 v1, v7;
	v12 =	vld.idx.msk [tilespmem:v30+s4+$0x0], $0xffff  }
0x10d: {  	v34 =	vor.u32 v1, v8;
	v13 =	vld.idx.msk [tilespmem:v31+s4+$0x0], $0xffff  }
0x10e: {  	v35 =	vor.u32 v1, v9  }
0x10f: {  	[tilespmem:v5+s26+$0x60 ss:$0x1] =	vst.idx.msk $0xffff, v10  }
0x110: {  	v10 =	vld.idx.msk [tilespmem:v32+s4+$0x0], $0xffff;
	[tilespmem:v5+s28+$0x60 ss:$0x1] =	vst.idx.msk $0xffff, v11  }
0x111: {  	v36 =	vor.u32 v2, v6;
	[tilespmem:v5+s29+$0x60 ss:$0x1] =	vst.idx.msk $0xffff, v12;
	v37 =	vld.idx.msk [tilespmem:v33+s4+$0x0], $0xffff  }
0x112: {  	v38 =	vor.u32 v2, v7;
	v39 =	vld.idx.msk [tilespmem:v34+s4+$0x0], $0xffff;
	[tilespmem:v5+s30+$0x60 ss:$0x1] =	vst.idx.msk $0xffff, v13  }
0x113: {  	v40 =	vor.u32 v2, v8;
	v41 =	vld.idx.msk [tilespmem:v35+s4+$0x0], $0xffff  }
0x114: {  	v42 =	vor.u32 v2, v9  }
0x115: {  	[tilespmem:v5+s26+$0xE0 ss:$0x1] =	vst.idx.msk $0xffff, v10  }
0x116: {  	v10 =	vld.idx.msk [tilespmem:v36+s4+$0x0], $0xffff;
	[tilespmem:v5+s28+$0xE0 ss:$0x1] =	vst.idx.msk $0xffff, v37  }
0x117: {  	v6 =	vor.u32 v3, v6;
	[tilespmem:v5+s29+$0xE0 ss:$0x1] =	vst.idx.msk $0xffff, v39;
	v43 =	vld.idx.msk [tilespmem:v38+s4+$0x0], $0xffff  }
0x118: {  	v7 =	vor.u32 v3, v7;
	v44 =	vld.idx.msk [tilespmem:v40+s4+$0x0], $0xffff;
	[tilespmem:v5+s30+$0xE0 ss:$0x1] =	vst.idx.msk $0xffff, v41  }
0x119: {  	v8 =	vor.u32 v3, v8;
	v45 =	vld.idx.msk [tilespmem:v42+s4+$0x0], $0xffff  }
0x11a: {  	v9 =	vor.u32 v3, v9  }
0x11b: {  	[tilespmem:v5+s26+$0x160 ss:$0x1] =	vst.idx.msk $0xffff, v10  }
0x11c: {  	v6 =	vld.idx.msk [tilespmem:v6+s4+$0x0], $0xffff;
	[tilespmem:v5+s28+$0x160 ss:$0x1] =	vst.idx.msk $0xffff, v43  }
0x11d: {  	[tilespmem:v5+s29+$0x160 ss:$0x1] =	vst.idx.msk $0xffff, v44;
	v7 =	vld.idx.msk [tilespmem:v7+s4+$0x0], $0xffff  }
0x11e: {  	v8 =	vld.idx.msk [tilespmem:v8+s4+$0x0], $0xffff;
	[tilespmem:v5+s30+$0x160 ss:$0x1] =	vst.idx.msk $0xffff, v45  }
0x11f: {  	v9 =	vld.idx.msk [tilespmem:v9+s4+$0x0], $0xffff;
	_ =	sdelay $0x1  }
0x120: {  	[tilespmem:v5+s26+$0x1E0 ss:$0x1] =	vst.idx.msk $0xffff, v6  }
0x121: {  	v6 =	vld.idx.msk [tilespmem:v4+s31+$0x70 ss:$0x1], $0xffff;
	[tilespmem:v5+s28+$0x1E0 ss:$0x1] =	vst.idx.msk $0xffff, v7  }
0x122: {  	[tilespmem:v5+s29+$0x1E0 ss:$0x1] =	vst.idx.msk $0xffff, v8;
	v7 =	vld.idx.msk [tilespmem:v4+s1+$0x70 ss:$0x1], $0xffff  }
0x123: {  	v8 =	vld.idx.msk [tilespmem:v4+s2+$0x70 ss:$0x1], $0xffff;
	[tilespmem:v5+s30+$0x1E0 ss:$0x1] =	vst.idx.msk $0xffff, v9  }
0x124: {  	v9 =	vld.idx.msk [tilespmem:v4+s11+$0x70 ss:$0x1], $0xffff;
	_ =	sdelay $0x1  }
0x125: {  	v6 =	vshll.u32 v6, $0x6  }
0x126: {  	v46 =	vor.u32 v0, v6;
	v7 =	vshll.u32 v7, $0x6  }
0x127: {  	v8 =	vshll.u32 v8, $0x6;
	v47 =	vor.u32 v0, v7  }
0x128: {  	v48 =	vor.u32 v0, v8;
	v9 =	vshll.u32 v9, $0x6  }
0x129: {  	v49 =	vor.u32 v0, v9;
	_ =	sdelay $0x1  }
0x12a: {  	v10 =	vld.idx.msk [tilespmem:v46+s4+$0x0], $0xffff  }
0x12b: {  	v50 =	vor.u32 v1, v6;
	v11 =	vld.idx.msk [tilespmem:v47+s4+$0x0], $0xffff  }
0x12c: {  	v51 =	vor.u32 v1, v7;
	v12 =	vld.idx.msk [tilespmem:v48+s4+$0x0], $0xffff  }
0x12d: {  	v52 =	vor.u32 v1, v8;
	v13 =	vld.idx.msk [tilespmem:v49+s4+$0x0], $0xffff  }
0x12e: {  	v53 =	vor.u32 v1, v9  }
0x12f: {  	[tilespmem:v5+s26+$0x70 ss:$0x1] =	vst.idx.msk $0xffff, v10  }
0x130: {  	v10 =	vld.idx.msk [tilespmem:v50+s4+$0x0], $0xffff;
	[tilespmem:v5+s28+$0x70 ss:$0x1] =	vst.idx.msk $0xffff, v11  }
0x131: {  	v54 =	vor.u32 v2, v6;
	[tilespmem:v5+s29+$0x70 ss:$0x1] =	vst.idx.msk $0xffff, v12;
	v55 =	vld.idx.msk [tilespmem:v51+s4+$0x0], $0xffff  }
0x132: {  	v56 =	vor.u32 v2, v7;
	v57 =	vld.idx.msk [tilespmem:v52+s4+$0x0], $0xffff;
	[tilespmem:v5+s30+$0x70 ss:$0x1] =	vst.idx.msk $0xffff, v13  }
0x133: {  	v58 =	vor.u32 v2, v8;
	v59 =	vld.idx.msk [tilespmem:v53+s4+$0x0], $0xffff  }
0x134: {  	v60 =	vor.u32 v2, v9  }
0x135: {  	[tilespmem:v5+s26+$0xF0 ss:$0x1] =	vst.idx.msk $0xffff, v10  }
0x136: {  	[tilespmem:v5+s28+$0xF0 ss:$0x1] =	vst.idx.msk $0xffff, v55;
	v10 =	vld.idx.msk [tilespmem:v54+s4+$0x0], $0xffff  }
0x137: {  	v6 =	vor.u32 v3, v6;
	[tilespmem:v5+s29+$0xF0 ss:$0x1] =	vst.idx.msk $0xffff, v57;
	v61 =	vld.idx.msk [tilespmem:v56+s4+$0x0], $0xffff  }
0x138: {  	v7 =	vor.u32 v3, v7;
	v62 =	vld.idx.msk [tilespmem:v58+s4+$0x0], $0xffff;
	[tilespmem:v5+s30+$0xF0 ss:$0x1] =	vst.idx.msk $0xffff, v59  }
0x139: {  	v8 =	vor.u32 v3, v8;
	v63 =	vld.idx.msk [tilespmem:v60+s4+$0x0], $0xffff  }
0x13a: {  	v9 =	vor.u32 v3, v9  }
0x13b: {  	[tilespmem:v5+s26+$0x170 ss:$0x1] =	vst.idx.msk $0xffff, v10  }
0x13c: {  	[tilespmem:v5+s28+$0x170 ss:$0x1] =	vst.idx.msk $0xffff, v61;
	v6 =	vld.idx.msk [tilespmem:v6+s4+$0x0], $0xffff  }
0x13d: {  	[tilespmem:v5+s29+$0x170 ss:$0x1] =	vst.idx.msk $0xffff, v62;
	v7 =	vld.idx.msk [tilespmem:v7+s4+$0x0], $0xffff  }
0x13e: {  	v8 =	vld.idx.msk [tilespmem:v8+s4+$0x0], $0xffff;
	[tilespmem:v5+s30+$0x170 ss:$0x1] =	vst.idx.msk $0xffff, v63  }
0x13f: {  	p3 =	por p2, p2;
	v9 =	vld.idx.msk [tilespmem:v9+s4+$0x0], $0xffff  }
.Ltmp0:
0x140: {  	_ = 	snop;
	(pc) =	sbr.rel @p3 .LBB2_4-.Ltmp0, $4  }
0x141: {  	[tilespmem:v5+s26+$0x1F0 ss:$0x1] =	vst.idx.msk $0xffff, v6  }
0x142: {  	[tilespmem:v5+s28+$0x1F0 ss:$0x1] =	vst.idx.msk $0xffff, v7  }
0x143: {  	[tilespmem:v5+s29+$0x1F0 ss:$0x1] =	vst.idx.msk $0xffff, v8  }
0x144: {  	p2 =	por $0x0, $0x0;
	s26 =	simm.s32 $0x4;
	[tilespmem:v5+s30+$0x1F0 ss:$0x1] =	vst.idx.msk $0xffff, v9  }
0x145: {  	s1 =	sor.u32 $0x1, s25  }
0x146: {  	s2 =	sshll.u32 s1, $0x7  }
0x147: {  	s2 =	sand.u32 $0x3FFFFF80, s2  }
0x148: {  	s1 =	sshll.u32 s1, $0xC;
	s2 =	sadd.s32 s2, s24  }
0x149: {  	s1 =	sand.u32 $0x3FFFF000, s1;
	v4 =	vmov s2  }
0x14a: {  	s1 =	sadd.s32 s1, s23  }
0x14b: {  	s26 =	simm.s32 $0x0;
	p2 =	por $0x1, $0x1;
	v5 =	vmov s1  }
.LBB2_6:
0x14c: {  	s1 =	sshll.u32 s26, $0xA;
	s28 =	sor.u32 $0x1, s26  }
0x14d: {  	s29 =	sor.u32 $0x2, s26;
	s31 =	sand.u32 $0x3FFFFC00, s1;
	s30 =	sshll.u32 s28, $0xA  }
0x14e: {  	s2 =	sshll.u32 s29, $0xA;
	v6 =	vld.idx.msk [tilespmem:v4+s31+$0x0 ss:$0x1], $0xffff;
	s1 =	sand.u32 $0x3FFFFC00, s30;
	s30 =	sor.u32 $0x3, s26  }
0x14f: {  	s2 =	sand.u32 $0x3FFFFC00, s2;
	v7 =	vld.idx.msk [tilespmem:v4+s1+$0x0 ss:$0x1], $0xffff;
	s11 =	sshll.u32 s30, $0xA  }
0x150: {  	v8 =	vld.idx.msk [tilespmem:v4+s2+$0x0 ss:$0x1], $0xffff;
	s11 =	sand.u32 $0x3FFFFC00, s11  }
0x151: {  	v9 =	vld.idx.msk [tilespmem:v4+s11+$0x0 ss:$0x1], $0xffff;
	_ =	sdelay $0x1  }
0x152: {  	v6 =	vshll.u32 v6, $0x6  }
0x153: {  	v10 =	vor.u32 v0, v6;
	v7 =	vshll.u32 v7, $0x6  }
0x154: {  	v8 =	vshll.u32 v8, $0x6;
	v11 =	vor.u32 v0, v7  }
0x155: {  	v12 =	vor.u32 v0, v8;
	v9 =	vshll.u32 v9, $0x6  }
0x156: {  	v13 =	vor.u32 v0, v9;
	_ =	sdelay $0x1  }
0x157: {  	v10 =	vld.idx.msk [tilespmem:v10+s4+$0x0], $0xffff  }
0x158: {  	v14 =	vor.u32 v1, v6;
	v11 =	vld.idx.msk [tilespmem:v11+s4+$0x0], $0xffff  }
0x159: {  	v15 =	vor.u32 v1, v7;
	v12 =	vld.idx.msk [tilespmem:v12+s4+$0x0], $0xffff  }
0x15a: {  	s26 =	sshll.u32 s26, $0x9;
	v16 =	vor.u32 v1, v8;
	v13 =	vld.idx.msk [tilespmem:v13+s4+$0x0], $0xffff  }
0x15b: {  	s28 =	sshll.u32 s28, $0x9;
	s26 =	sand.u32 $0x3FFFFE00, s26;
	v17 =	vor.u32 v1, v9  }
0x15c: {  	s29 =	sshll.u32 s29, $0x9;
	s28 =	sand.u32 $0x3FFFFE00, s28;
	[tilespmem:v5+s26+$0x0 ss:$0x1] =	vst.idx.msk $0xffff, v10  }
0x15d: {  	s29 =	sand.u32 $0x3FFFFE00, s29;
	s30 =	sshll.u32 s30, $0x9;
	v10 =	vld.idx.msk [tilespmem:v14+s4+$0x0], $0xffff;
	[tilespmem:v5+s28+$0x0 ss:$0x1] =	vst.idx.msk $0xffff, v11  }
0x15e: {  	s30 =	sand.u32 $0x3FFFFE00, s30;
	v63 =	vor.u32 v2, v6;
	[tilespmem:v5+s29+$0x0 ss:$0x1] =	vst.idx.msk $0xffff, v12;
	v20 =	vld.idx.msk [tilespmem:v15+s4+$0x0], $0xffff  }
0x15f: {  	v21 =	vor.u32 v2, v7;
	v22 =	vld.idx.msk [tilespmem:v16+s4+$0x0], $0xffff;
	[tilespmem:v5+s30+$0x0 ss:$0x1] =	vst.idx.msk $0xffff, v13  }
0x160: {  	v23 =	vor.u32 v2, v8;
	v24 =	vld.idx.msk [tilespmem:v17+s4+$0x0], $0xffff  }
0x161: {  	v25 =	vor.u32 v2, v9  }
0x162: {  	[tilespmem:v5+s26+$0x80 ss:$0x1] =	vst.idx.msk $0xffff, v10  }
0x163: {  	v10 =	vld.idx.msk [tilespmem:v63+s4+$0x0], $0xffff;
	[tilespmem:v5+s28+$0x80 ss:$0x1] =	vst.idx.msk $0xffff, v20  }
0x164: {  	v6 =	vor.u32 v3, v6;
	[tilespmem:v5+s29+$0x80 ss:$0x1] =	vst.idx.msk $0xffff, v22;
	v26 =	vld.idx.msk [tilespmem:v21+s4+$0x0], $0xffff  }
0x165: {  	v7 =	vor.u32 v3, v7;
	v27 =	vld.idx.msk [tilespmem:v23+s4+$0x0], $0xffff;
	[tilespmem:v5+s30+$0x80 ss:$0x1] =	vst.idx.msk $0xffff, v24  }
0x166: {  	v8 =	vor.u32 v3, v8;
	v28 =	vld.idx.msk [tilespmem:v25+s4+$0x0], $0xffff  }
0x167: {  	v9 =	vor.u32 v3, v9  }
0x168: {  	[tilespmem:v5+s26+$0x100 ss:$0x1] =	vst.idx.msk $0xffff, v10  }
0x169: {  	v6 =	vld.idx.msk [tilespmem:v6+s4+$0x0], $0xffff;
	[tilespmem:v5+s28+$0x100 ss:$0x1] =	vst.idx.msk $0xffff, v26  }
0x16a: {  	[tilespmem:v5+s29+$0x100 ss:$0x1] =	vst.idx.msk $0xffff, v27;
	v7 =	vld.idx.msk [tilespmem:v7+s4+$0x0], $0xffff  }
0x16b: {  	v8 =	vld.idx.msk [tilespmem:v8+s4+$0x0], $0xffff;
	[tilespmem:v5+s30+$0x100 ss:$0x1] =	vst.idx.msk $0xffff, v28  }
0x16c: {  	v9 =	vld.idx.msk [tilespmem:v9+s4+$0x0], $0xffff;
	_ =	sdelay $0x1  }
0x16d: {  	[tilespmem:v5+s26+$0x180 ss:$0x1] =	vst.idx.msk $0xffff, v6  }
0x16e: {  	v6 =	vld.idx.msk [tilespmem:v4+s31+$0x10 ss:$0x1], $0xffff;
	[tilespmem:v5+s28+$0x180 ss:$0x1] =	vst.idx.msk $0xffff, v7  }
0x16f: {  	[tilespmem:v5+s29+$0x180 ss:$0x1] =	vst.idx.msk $0xffff, v8;
	v7 =	vld.idx.msk [tilespmem:v4+s1+$0x10 ss:$0x1], $0xffff  }
0x170: {  	v8 =	vld.idx.msk [tilespmem:v4+s2+$0x10 ss:$0x1], $0xffff;
	[tilespmem:v5+s30+$0x180 ss:$0x1] =	vst.idx.msk $0xffff, v9  }
0x171: {  	v9 =	vld.idx.msk [tilespmem:v4+s11+$0x10 ss:$0x1], $0xffff;
	_ =	sdelay $0x1  }
0x172: {  	v6 =	vshll.u32 v6, $0x6  }
0x173: {  	v29 =	vor.u32 v0, v6;
	v7 =	vshll.u32 v7, $0x6  }
0x174: {  	v8 =	vshll.u32 v8, $0x6;
	v30 =	vor.u32 v0, v7  }
0x175: {  	v31 =	vor.u32 v0, v8;
	v9 =	vshll.u32 v9, $0x6  }
0x176: {  	v32 =	vor.u32 v0, v9;
	_ =	sdelay $0x1  }
0x177: {  	v10 =	vld.idx.msk [tilespmem:v29+s4+$0x0], $0xffff  }
0x178: {  	v33 =	vor.u32 v1, v6;
	v11 =	vld.idx.msk [tilespmem:v30+s4+$0x0], $0xffff  }
0x179: {  	v34 =	vor.u32 v1, v7;
	v12 =	vld.idx.msk [tilespmem:v31+s4+$0x0], $0xffff  }
0x17a: {  	v35 =	vor.u32 v1, v8;
	v13 =	vld.idx.msk [tilespmem:v32+s4+$0x0], $0xffff  }
0x17b: {  	v36 =	vor.u32 v1, v9  }
0x17c: {  	[tilespmem:v5+s26+$0x10 ss:$0x1] =	vst.idx.msk $0xffff, v10  }
0x17d: {  	v10 =	vld.idx.msk [tilespmem:v33+s4+$0x0], $0xffff;
	[tilespmem:v5+s28+$0x10 ss:$0x1] =	vst.idx.msk $0xffff, v11  }
0x17e: {  	v37 =	vor.u32 v2, v6;
	[tilespmem:v5+s29+$0x10 ss:$0x1] =	vst.idx.msk $0xffff, v12;
	v38 =	vld.idx.msk [tilespmem:v34+s4+$0x0], $0xffff  }
0x17f: {  	v39 =	vor.u32 v2, v7;
	v40 =	vld.idx.msk [tilespmem:v35+s4+$0x0], $0xffff;
	[tilespmem:v5+s30+$0x10 ss:$0x1] =	vst.idx.msk $0xffff, v13  }
0x180: {  	v41 =	vor.u32 v2, v8;
	v42 =	vld.idx.msk [tilespmem:v36+s4+$0x0], $0xffff  }
0x181: {  	v43 =	vor.u32 v2, v9  }
0x182: {  	[tilespmem:v5+s26+$0x90 ss:$0x1] =	vst.idx.msk $0xffff, v10  }
0x183: {  	v10 =	vld.idx.msk [tilespmem:v37+s4+$0x0], $0xffff;
	[tilespmem:v5+s28+$0x90 ss:$0x1] =	vst.idx.msk $0xffff, v38  }
0x184: {  	v6 =	vor.u32 v3, v6;
	[tilespmem:v5+s29+$0x90 ss:$0x1] =	vst.idx.msk $0xffff, v40;
	v44 =	vld.idx.msk [tilespmem:v39+s4+$0x0], $0xffff  }
0x185: {  	v7 =	vor.u32 v3, v7;
	v45 =	vld.idx.msk [tilespmem:v41+s4+$0x0], $0xffff;
	[tilespmem:v5+s30+$0x90 ss:$0x1] =	vst.idx.msk $0xffff, v42  }
0x186: {  	v8 =	vor.u32 v3, v8;
	v46 =	vld.idx.msk [tilespmem:v43+s4+$0x0], $0xffff  }
0x187: {  	v9 =	vor.u32 v3, v9  }
0x188: {  	[tilespmem:v5+s26+$0x110 ss:$0x1] =	vst.idx.msk $0xffff, v10  }
0x189: {  	v6 =	vld.idx.msk [tilespmem:v6+s4+$0x0], $0xffff;
	[tilespmem:v5+s28+$0x110 ss:$0x1] =	vst.idx.msk $0xffff, v44  }
0x18a: {  	[tilespmem:v5+s29+$0x110 ss:$0x1] =	vst.idx.msk $0xffff, v45;
	v7 =	vld.idx.msk [tilespmem:v7+s4+$0x0], $0xffff  }
0x18b: {  	v8 =	vld.idx.msk [tilespmem:v8+s4+$0x0], $0xffff;
	[tilespmem:v5+s30+$0x110 ss:$0x1] =	vst.idx.msk $0xffff, v46  }
0x18c: {  	v9 =	vld.idx.msk [tilespmem:v9+s4+$0x0], $0xffff;
	_ =	sdelay $0x1  }
0x18d: {  	[tilespmem:v5+s26+$0x190 ss:$0x1] =	vst.idx.msk $0xffff, v6  }
0x18e: {  	v6 =	vld.idx.msk [tilespmem:v4+s31+$0x20 ss:$0x1], $0xffff;
	[tilespmem:v5+s28+$0x190 ss:$0x1] =	vst.idx.msk $0xffff, v7  }
0x18f: {  	[tilespmem:v5+s29+$0x190 ss:$0x1] =	vst.idx.msk $0xffff, v8;
	v7 =	vld.idx.msk [tilespmem:v4+s1+$0x20 ss:$0x1], $0xffff  }
0x190: {  	v8 =	vld.idx.msk [tilespmem:v4+s2+$0x20 ss:$0x1], $0xffff;
	[tilespmem:v5+s30+$0x190 ss:$0x1] =	vst.idx.msk $0xffff, v9  }
0x191: {  	v9 =	vld.idx.msk [tilespmem:v4+s11+$0x20 ss:$0x1], $0xffff;
	_ =	sdelay $0x1  }
0x192: {  	v6 =	vshll.u32 v6, $0x6  }
0x193: {  	v47 =	vor.u32 v0, v6;
	v7 =	vshll.u32 v7, $0x6  }
0x194: {  	v8 =	vshll.u32 v8, $0x6;
	v48 =	vor.u32 v0, v7  }
0x195: {  	v49 =	vor.u32 v0, v8;
	v9 =	vshll.u32 v9, $0x6  }
0x196: {  	v50 =	vor.u32 v0, v9;
	_ =	sdelay $0x1  }
0x197: {  	v10 =	vld.idx.msk [tilespmem:v47+s4+$0x0], $0xffff  }
0x198: {  	v51 =	vor.u32 v1, v6;
	v11 =	vld.idx.msk [tilespmem:v48+s4+$0x0], $0xffff  }
0x199: {  	v52 =	vor.u32 v1, v7;
	v12 =	vld.idx.msk [tilespmem:v49+s4+$0x0], $0xffff  }
0x19a: {  	v53 =	vor.u32 v1, v8;
	v13 =	vld.idx.msk [tilespmem:v50+s4+$0x0], $0xffff  }
0x19b: {  	v54 =	vor.u32 v1, v9  }
0x19c: {  	[tilespmem:v5+s26+$0x20 ss:$0x1] =	vst.idx.msk $0xffff, v10  }
0x19d: {  	v10 =	vld.idx.msk [tilespmem:v51+s4+$0x0], $0xffff;
	[tilespmem:v5+s28+$0x20 ss:$0x1] =	vst.idx.msk $0xffff, v11  }
0x19e: {  	v55 =	vor.u32 v2, v6;
	[tilespmem:v5+s29+$0x20 ss:$0x1] =	vst.idx.msk $0xffff, v12;
	v56 =	vld.idx.msk [tilespmem:v52+s4+$0x0], $0xffff  }
0x19f: {  	v57 =	vor.u32 v2, v7;
	v58 =	vld.idx.msk [tilespmem:v53+s4+$0x0], $0xffff;
	[tilespmem:v5+s30+$0x20 ss:$0x1] =	vst.idx.msk $0xffff, v13  }
0x1a0: {  	v59 =	vor.u32 v2, v8;
	v60 =	vld.idx.msk [tilespmem:v54+s4+$0x0], $0xffff  }
0x1a1: {  	v61 =	vor.u32 v2, v9  }
0x1a2: {  	[tilespmem:v5+s26+$0xA0 ss:$0x1] =	vst.idx.msk $0xffff, v10  }
0x1a3: {  	v10 =	vld.idx.msk [tilespmem:v55+s4+$0x0], $0xffff;
	[tilespmem:v5+s28+$0xA0 ss:$0x1] =	vst.idx.msk $0xffff, v56  }
0x1a4: {  	v6 =	vor.u32 v3, v6;
	[tilespmem:v5+s29+$0xA0 ss:$0x1] =	vst.idx.msk $0xffff, v58;
	v62 =	vld.idx.msk [tilespmem:v57+s4+$0x0], $0xffff  }
0x1a5: {  	v7 =	vor.u32 v3, v7;
	v63 =	vld.idx.msk [tilespmem:v59+s4+$0x0], $0xffff;
	[tilespmem:v5+s30+$0xA0 ss:$0x1] =	vst.idx.msk $0xffff, v60  }
0x1a6: {  	v8 =	vor.u32 v3, v8;
	v17 =	vld.idx.msk [tilespmem:v61+s4+$0x0], $0xffff  }
0x1a7: {  	v9 =	vor.u32 v3, v9  }
0x1a8: {  	[tilespmem:v5+s26+$0x120 ss:$0x1] =	vst.idx.msk $0xffff, v10  }
0x1a9: {  	v6 =	vld.idx.msk [tilespmem:v6+s4+$0x0], $0xffff;
	[tilespmem:v5+s28+$0x120 ss:$0x1] =	vst.idx.msk $0xffff, v62  }
0x1aa: {  	[tilespmem:v5+s29+$0x120 ss:$0x1] =	vst.idx.msk $0xffff, v63;
	v7 =	vld.idx.msk [tilespmem:v7+s4+$0x0], $0xffff  }
0x1ab: {  	v8 =	vld.idx.msk [tilespmem:v8+s4+$0x0], $0xffff;
	[tilespmem:v5+s30+$0x120 ss:$0x1] =	vst.idx.msk $0xffff, v17  }
0x1ac: {  	v9 =	vld.idx.msk [tilespmem:v9+s4+$0x0], $0xffff;
	_ =	sdelay $0x1  }
0x1ad: {  	[tilespmem:v5+s26+$0x1A0 ss:$0x1] =	vst.idx.msk $0xffff, v6  }
0x1ae: {  	v6 =	vld.idx.msk [tilespmem:v4+s31+$0x30 ss:$0x1], $0xffff;
	[tilespmem:v5+s28+$0x1A0 ss:$0x1] =	vst.idx.msk $0xffff, v7  }
0x1af: {  	[tilespmem:v5+s29+$0x1A0 ss:$0x1] =	vst.idx.msk $0xffff, v8;
	v7 =	vld.idx.msk [tilespmem:v4+s1+$0x30 ss:$0x1], $0xffff  }
0x1b0: {  	v8 =	vld.idx.msk [tilespmem:v4+s2+$0x30 ss:$0x1], $0xffff;
	[tilespmem:v5+s30+$0x1A0 ss:$0x1] =	vst.idx.msk $0xffff, v9  }
0x1b1: {  	v9 =	vld.idx.msk [tilespmem:v4+s11+$0x30 ss:$0x1], $0xffff;
	_ =	sdelay $0x1  }
0x1b2: {  	v6 =	vshll.u32 v6, $0x6  }
0x1b3: {  	v18 =	vor.u32 v0, v6;
	v7 =	vshll.u32 v7, $0x6  }
0x1b4: {  	v8 =	vshll.u32 v8, $0x6;
	v19 =	vor.u32 v0, v7  }
0x1b5: {  	v20 =	vor.u32 v0, v8;
	v9 =	vshll.u32 v9, $0x6  }
0x1b6: {  	v21 =	vor.u32 v0, v9;
	_ =	sdelay $0x1  }
0x1b7: {  	v10 =	vld.idx.msk [tilespmem:v18+s4+$0x0], $0xffff  }
0x1b8: {  	v22 =	vor.u32 v1, v6;
	v11 =	vld.idx.msk [tilespmem:v19+s4+$0x0], $0xffff  }
0x1b9: {  	v23 =	vor.u32 v1, v7;
	v12 =	vld.idx.msk [tilespmem:v20+s4+$0x0], $0xffff  }
0x1ba: {  	v24 =	vor.u32 v1, v8;
	v13 =	vld.idx.msk [tilespmem:v21+s4+$0x0], $0xffff  }
0x1bb: {  	v25 =	vor.u32 v1, v9  }
0x1bc: {  	[tilespmem:v5+s26+$0x30 ss:$0x1] =	vst.idx.msk $0xffff, v10  }
0x1bd: {  	v10 =	vld.idx.msk [tilespmem:v22+s4+$0x0], $0xffff;
	[tilespmem:v5+s28+$0x30 ss:$0x1] =	vst.idx.msk $0xffff, v11  }
0x1be: {  	v26 =	vor.u32 v2, v6;
	[tilespmem:v5+s29+$0x30 ss:$0x1] =	vst.idx.msk $0xffff, v12;
	v27 =	vld.idx.msk [tilespmem:v23+s4+$0x0], $0xffff  }
0x1bf: {  	v28 =	vor.u32 v2, v7;
	v29 =	vld.idx.msk [tilespmem:v24+s4+$0x0], $0xffff;
	[tilespmem:v5+s30+$0x30 ss:$0x1] =	vst.idx.msk $0xffff, v13  }
0x1c0: {  	v30 =	vor.u32 v2, v8;
	v31 =	vld.idx.msk [tilespmem:v25+s4+$0x0], $0xffff  }
0x1c1: {  	v32 =	vor.u32 v2, v9  }
0x1c2: {  	[tilespmem:v5+s26+$0xB0 ss:$0x1] =	vst.idx.msk $0xffff, v10  }
0x1c3: {  	v10 =	vld.idx.msk [tilespmem:v26+s4+$0x0], $0xffff;
	[tilespmem:v5+s28+$0xB0 ss:$0x1] =	vst.idx.msk $0xffff, v27  }
0x1c4: {  	v6 =	vor.u32 v3, v6;
	[tilespmem:v5+s29+$0xB0 ss:$0x1] =	vst.idx.msk $0xffff, v29;
	v33 =	vld.idx.msk [tilespmem:v28+s4+$0x0], $0xffff  }
0x1c5: {  	v7 =	vor.u32 v3, v7;
	v34 =	vld.idx.msk [tilespmem:v30+s4+$0x0], $0xffff;
	[tilespmem:v5+s30+$0xB0 ss:$0x1] =	vst.idx.msk $0xffff, v31  }
0x1c6: {  	v8 =	vor.u32 v3, v8;
	v35 =	vld.idx.msk [tilespmem:v32+s4+$0x0], $0xffff  }
0x1c7: {  	v9 =	vor.u32 v3, v9  }
0x1c8: {  	[tilespmem:v5+s26+$0x130 ss:$0x1] =	vst.idx.msk $0xffff, v10  }
0x1c9: {  	v6 =	vld.idx.msk [tilespmem:v6+s4+$0x0], $0xffff;
	[tilespmem:v5+s28+$0x130 ss:$0x1] =	vst.idx.msk $0xffff, v33  }
0x1ca: {  	[tilespmem:v5+s29+$0x130 ss:$0x1] =	vst.idx.msk $0xffff, v34;
	v7 =	vld.idx.msk [tilespmem:v7+s4+$0x0], $0xffff  }
0x1cb: {  	v8 =	vld.idx.msk [tilespmem:v8+s4+$0x0], $0xffff;
	[tilespmem:v5+s30+$0x130 ss:$0x1] =	vst.idx.msk $0xffff, v35  }
0x1cc: {  	v9 =	vld.idx.msk [tilespmem:v9+s4+$0x0], $0xffff;
	_ =	sdelay $0x1  }
0x1cd: {  	[tilespmem:v5+s26+$0x1B0 ss:$0x1] =	vst.idx.msk $0xffff, v6  }
0x1ce: {  	v6 =	vld.idx.msk [tilespmem:v4+s31+$0x40 ss:$0x1], $0xffff;
	[tilespmem:v5+s28+$0x1B0 ss:$0x1] =	vst.idx.msk $0xffff, v7  }
0x1cf: {  	[tilespmem:v5+s29+$0x1B0 ss:$0x1] =	vst.idx.msk $0xffff, v8;
	v7 =	vld.idx.msk [tilespmem:v4+s1+$0x40 ss:$0x1], $0xffff  }
0x1d0: {  	v8 =	vld.idx.msk [tilespmem:v4+s2+$0x40 ss:$0x1], $0xffff;
	[tilespmem:v5+s30+$0x1B0 ss:$0x1] =	vst.idx.msk $0xffff, v9  }
0x1d1: {  	v9 =	vld.idx.msk [tilespmem:v4+s11+$0x40 ss:$0x1], $0xffff;
	_ =	sdelay $0x1  }
0x1d2: {  	v6 =	vshll.u32 v6, $0x6  }
0x1d3: {  	v36 =	vor.u32 v0, v6;
	v7 =	vshll.u32 v7, $0x6  }
0x1d4: {  	v8 =	vshll.u32 v8, $0x6;
	v37 =	vor.u32 v0, v7  }
0x1d5: {  	v38 =	vor.u32 v0, v8;
	v9 =	vshll.u32 v9, $0x6  }
0x1d6: {  	v39 =	vor.u32 v0, v9;
	_ =	sdelay $0x1  }
0x1d7: {  	v10 =	vld.idx.msk [tilespmem:v36+s4+$0x0], $0xffff  }
0x1d8: {  	v40 =	vor.u32 v1, v6;
	v11 =	vld.idx.msk [tilespmem:v37+s4+$0x0], $0xffff  }
0x1d9: {  	v41 =	vor.u32 v1, v7;
	v12 =	vld.idx.msk [tilespmem:v38+s4+$0x0], $0xffff  }
0x1da: {  	v42 =	vor.u32 v1, v8;
	v13 =	vld.idx.msk [tilespmem:v39+s4+$0x0], $0xffff  }
0x1db: {  	v43 =	vor.u32 v1, v9  }
0x1dc: {  	[tilespmem:v5+s26+$0x40 ss:$0x1] =	vst.idx.msk $0xffff, v10  }
0x1dd: {  	v10 =	vld.idx.msk [tilespmem:v40+s4+$0x0], $0xffff;
	[tilespmem:v5+s28+$0x40 ss:$0x1] =	vst.idx.msk $0xffff, v11  }
0x1de: {  	v44 =	vor.u32 v2, v6;
	[tilespmem:v5+s29+$0x40 ss:$0x1] =	vst.idx.msk $0xffff, v12;
	v45 =	vld.idx.msk [tilespmem:v41+s4+$0x0], $0xffff  }
0x1df: {  	v46 =	vor.u32 v2, v7;
	v47 =	vld.idx.msk [tilespmem:v42+s4+$0x0], $0xffff;
	[tilespmem:v5+s30+$0x40 ss:$0x1] =	vst.idx.msk $0xffff, v13  }
0x1e0: {  	v48 =	vor.u32 v2, v8;
	v49 =	vld.idx.msk [tilespmem:v43+s4+$0x0], $0xffff  }
0x1e1: {  	v50 =	vor.u32 v2, v9  }
0x1e2: {  	[tilespmem:v5+s26+$0xC0 ss:$0x1] =	vst.idx.msk $0xffff, v10  }
0x1e3: {  	v10 =	vld.idx.msk [tilespmem:v44+s4+$0x0], $0xffff;
	[tilespmem:v5+s28+$0xC0 ss:$0x1] =	vst.idx.msk $0xffff, v45  }
0x1e4: {  	v6 =	vor.u32 v3, v6;
	[tilespmem:v5+s29+$0xC0 ss:$0x1] =	vst.idx.msk $0xffff, v47;
	v51 =	vld.idx.msk [tilespmem:v46+s4+$0x0], $0xffff  }
0x1e5: {  	v7 =	vor.u32 v3, v7;
	v52 =	vld.idx.msk [tilespmem:v48+s4+$0x0], $0xffff;
	[tilespmem:v5+s30+$0xC0 ss:$0x1] =	vst.idx.msk $0xffff, v49  }
0x1e6: {  	v8 =	vor.u32 v3, v8;
	v53 =	vld.idx.msk [tilespmem:v50+s4+$0x0], $0xffff  }
0x1e7: {  	v9 =	vor.u32 v3, v9  }
0x1e8: {  	[tilespmem:v5+s26+$0x140 ss:$0x1] =	vst.idx.msk $0xffff, v10  }
0x1e9: {  	v6 =	vld.idx.msk [tilespmem:v6+s4+$0x0], $0xffff;
	[tilespmem:v5+s28+$0x140 ss:$0x1] =	vst.idx.msk $0xffff, v51  }
0x1ea: {  	[tilespmem:v5+s29+$0x140 ss:$0x1] =	vst.idx.msk $0xffff, v52;
	v7 =	vld.idx.msk [tilespmem:v7+s4+$0x0], $0xffff  }
0x1eb: {  	v8 =	vld.idx.msk [tilespmem:v8+s4+$0x0], $0xffff;
	[tilespmem:v5+s30+$0x140 ss:$0x1] =	vst.idx.msk $0xffff, v53  }
0x1ec: {  	v9 =	vld.idx.msk [tilespmem:v9+s4+$0x0], $0xffff;
	_ =	sdelay $0x1  }
0x1ed: {  	[tilespmem:v5+s26+$0x1C0 ss:$0x1] =	vst.idx.msk $0xffff, v6  }
0x1ee: {  	v6 =	vld.idx.msk [tilespmem:v4+s31+$0x50 ss:$0x1], $0xffff;
	[tilespmem:v5+s28+$0x1C0 ss:$0x1] =	vst.idx.msk $0xffff, v7  }
0x1ef: {  	[tilespmem:v5+s29+$0x1C0 ss:$0x1] =	vst.idx.msk $0xffff, v8;
	v7 =	vld.idx.msk [tilespmem:v4+s1+$0x50 ss:$0x1], $0xffff  }
0x1f0: {  	v8 =	vld.idx.msk [tilespmem:v4+s2+$0x50 ss:$0x1], $0xffff;
	[tilespmem:v5+s30+$0x1C0 ss:$0x1] =	vst.idx.msk $0xffff, v9  }
0x1f1: {  	v9 =	vld.idx.msk [tilespmem:v4+s11+$0x50 ss:$0x1], $0xffff;
	_ =	sdelay $0x1  }
0x1f2: {  	v6 =	vshll.u32 v6, $0x6  }
0x1f3: {  	v54 =	vor.u32 v0, v6;
	v7 =	vshll.u32 v7, $0x6  }
0x1f4: {  	v8 =	vshll.u32 v8, $0x6;
	v55 =	vor.u32 v0, v7  }
0x1f5: {  	v56 =	vor.u32 v0, v8;
	v9 =	vshll.u32 v9, $0x6  }
0x1f6: {  	v57 =	vor.u32 v0, v9;
	_ =	sdelay $0x1  }
0x1f7: {  	v10 =	vld.idx.msk [tilespmem:v54+s4+$0x0], $0xffff  }
0x1f8: {  	v58 =	vor.u32 v1, v6;
	v11 =	vld.idx.msk [tilespmem:v55+s4+$0x0], $0xffff  }
0x1f9: {  	v59 =	vor.u32 v1, v7;
	v12 =	vld.idx.msk [tilespmem:v56+s4+$0x0], $0xffff  }
0x1fa: {  	v60 =	vor.u32 v1, v8;
	v13 =	vld.idx.msk [tilespmem:v57+s4+$0x0], $0xffff  }
0x1fb: {  	v61 =	vor.u32 v1, v9  }
0x1fc: {  	[tilespmem:v5+s26+$0x50 ss:$0x1] =	vst.idx.msk $0xffff, v10  }
0x1fd: {  	v10 =	vld.idx.msk [tilespmem:v58+s4+$0x0], $0xffff;
	[tilespmem:v5+s28+$0x50 ss:$0x1] =	vst.idx.msk $0xffff, v11  }
0x1fe: {  	v62 =	vor.u32 v2, v6;
	[tilespmem:v5+s29+$0x50 ss:$0x1] =	vst.idx.msk $0xffff, v12;
	v63 =	vld.idx.msk [tilespmem:v59+s4+$0x0], $0xffff  }
0x1ff: {  	v20 =	vor.u32 v2, v7;
	v21 =	vld.idx.msk [tilespmem:v60+s4+$0x0], $0xffff;
	[tilespmem:v5+s30+$0x50 ss:$0x1] =	vst.idx.msk $0xffff, v13  }
0x200: {  	v22 =	vor.u32 v2, v8;
	v23 =	vld.idx.msk [tilespmem:v61+s4+$0x0], $0xffff  }
0x201: {  	v24 =	vor.u32 v2, v9  }
0x202: {  	[tilespmem:v5+s26+$0xD0 ss:$0x1] =	vst.idx.msk $0xffff, v10  }
0x203: {  	v10 =	vld.idx.msk [tilespmem:v62+s4+$0x0], $0xffff;
	[tilespmem:v5+s28+$0xD0 ss:$0x1] =	vst.idx.msk $0xffff, v63  }
0x204: {  	v6 =	vor.u32 v3, v6;
	[tilespmem:v5+s29+$0xD0 ss:$0x1] =	vst.idx.msk $0xffff, v21;
	v25 =	vld.idx.msk [tilespmem:v20+s4+$0x0], $0xffff  }
0x205: {  	v7 =	vor.u32 v3, v7;
	v26 =	vld.idx.msk [tilespmem:v22+s4+$0x0], $0xffff;
	[tilespmem:v5+s30+$0xD0 ss:$0x1] =	vst.idx.msk $0xffff, v23  }
0x206: {  	v8 =	vor.u32 v3, v8;
	v27 =	vld.idx.msk [tilespmem:v24+s4+$0x0], $0xffff  }
0x207: {  	v9 =	vor.u32 v3, v9  }
0x208: {  	[tilespmem:v5+s26+$0x150 ss:$0x1] =	vst.idx.msk $0xffff, v10  }
0x209: {  	v6 =	vld.idx.msk [tilespmem:v6+s4+$0x0], $0xffff;
	[tilespmem:v5+s28+$0x150 ss:$0x1] =	vst.idx.msk $0xffff, v25  }
0x20a: {  	[tilespmem:v5+s29+$0x150 ss:$0x1] =	vst.idx.msk $0xffff, v26;
	v7 =	vld.idx.msk [tilespmem:v7+s4+$0x0], $0xffff  }
0x20b: {  	v8 =	vld.idx.msk [tilespmem:v8+s4+$0x0], $0xffff;
	[tilespmem:v5+s30+$0x150 ss:$0x1] =	vst.idx.msk $0xffff, v27  }
0x20c: {  	v9 =	vld.idx.msk [tilespmem:v9+s4+$0x0], $0xffff;
	_ =	sdelay $0x1  }
0x20d: {  	[tilespmem:v5+s26+$0x1D0 ss:$0x1] =	vst.idx.msk $0xffff, v6  }
0x20e: {  	v6 =	vld.idx.msk [tilespmem:v4+s31+$0x60 ss:$0x1], $0xffff;
	[tilespmem:v5+s28+$0x1D0 ss:$0x1] =	vst.idx.msk $0xffff, v7  }
0x20f: {  	[tilespmem:v5+s29+$0x1D0 ss:$0x1] =	vst.idx.msk $0xffff, v8;
	v7 =	vld.idx.msk [tilespmem:v4+s1+$0x60 ss:$0x1], $0xffff  }
0x210: {  	v8 =	vld.idx.msk [tilespmem:v4+s2+$0x60 ss:$0x1], $0xffff;
	[tilespmem:v5+s30+$0x1D0 ss:$0x1] =	vst.idx.msk $0xffff, v9  }
0x211: {  	v9 =	vld.idx.msk [tilespmem:v4+s11+$0x60 ss:$0x1], $0xffff;
	_ =	sdelay $0x1  }
0x212: {  	v6 =	vshll.u32 v6, $0x6  }
0x213: {  	v28 =	vor.u32 v0, v6;
	v7 =	vshll.u32 v7, $0x6  }
0x214: {  	v8 =	vshll.u32 v8, $0x6;
	v29 =	vor.u32 v0, v7  }
0x215: {  	v30 =	vor.u32 v0, v8;
	v9 =	vshll.u32 v9, $0x6  }
0x216: {  	v31 =	vor.u32 v0, v9;
	_ =	sdelay $0x1  }
0x217: {  	v10 =	vld.idx.msk [tilespmem:v28+s4+$0x0], $0xffff  }
0x218: {  	v32 =	vor.u32 v1, v6;
	v11 =	vld.idx.msk [tilespmem:v29+s4+$0x0], $0xffff  }
0x219: {  	v33 =	vor.u32 v1, v7;
	v12 =	vld.idx.msk [tilespmem:v30+s4+$0x0], $0xffff  }
0x21a: {  	v34 =	vor.u32 v1, v8;
	v13 =	vld.idx.msk [tilespmem:v31+s4+$0x0], $0xffff  }
0x21b: {  	v35 =	vor.u32 v1, v9  }
0x21c: {  	[tilespmem:v5+s26+$0x60 ss:$0x1] =	vst.idx.msk $0xffff, v10  }
0x21d: {  	v10 =	vld.idx.msk [tilespmem:v32+s4+$0x0], $0xffff;
	[tilespmem:v5+s28+$0x60 ss:$0x1] =	vst.idx.msk $0xffff, v11  }
0x21e: {  	v36 =	vor.u32 v2, v6;
	[tilespmem:v5+s29+$0x60 ss:$0x1] =	vst.idx.msk $0xffff, v12;
	v37 =	vld.idx.msk [tilespmem:v33+s4+$0x0], $0xffff  }
0x21f: {  	v38 =	vor.u32 v2, v7;
	v39 =	vld.idx.msk [tilespmem:v34+s4+$0x0], $0xffff;
	[tilespmem:v5+s30+$0x60 ss:$0x1] =	vst.idx.msk $0xffff, v13  }
0x220: {  	v40 =	vor.u32 v2, v8;
	v41 =	vld.idx.msk [tilespmem:v35+s4+$0x0], $0xffff  }
0x221: {  	v42 =	vor.u32 v2, v9  }
0x222: {  	[tilespmem:v5+s26+$0xE0 ss:$0x1] =	vst.idx.msk $0xffff, v10  }
0x223: {  	v10 =	vld.idx.msk [tilespmem:v36+s4+$0x0], $0xffff;
	[tilespmem:v5+s28+$0xE0 ss:$0x1] =	vst.idx.msk $0xffff, v37  }
0x224: {  	v6 =	vor.u32 v3, v6;
	[tilespmem:v5+s29+$0xE0 ss:$0x1] =	vst.idx.msk $0xffff, v39;
	v43 =	vld.idx.msk [tilespmem:v38+s4+$0x0], $0xffff  }
0x225: {  	v7 =	vor.u32 v3, v7;
	v44 =	vld.idx.msk [tilespmem:v40+s4+$0x0], $0xffff;
	[tilespmem:v5+s30+$0xE0 ss:$0x1] =	vst.idx.msk $0xffff, v41  }
0x226: {  	v8 =	vor.u32 v3, v8;
	v45 =	vld.idx.msk [tilespmem:v42+s4+$0x0], $0xffff  }
0x227: {  	v9 =	vor.u32 v3, v9  }
0x228: {  	[tilespmem:v5+s26+$0x160 ss:$0x1] =	vst.idx.msk $0xffff, v10  }
0x229: {  	v6 =	vld.idx.msk [tilespmem:v6+s4+$0x0], $0xffff;
	[tilespmem:v5+s28+$0x160 ss:$0x1] =	vst.idx.msk $0xffff, v43  }
0x22a: {  	[tilespmem:v5+s29+$0x160 ss:$0x1] =	vst.idx.msk $0xffff, v44;
	v7 =	vld.idx.msk [tilespmem:v7+s4+$0x0], $0xffff  }
0x22b: {  	v8 =	vld.idx.msk [tilespmem:v8+s4+$0x0], $0xffff;
	[tilespmem:v5+s30+$0x160 ss:$0x1] =	vst.idx.msk $0xffff, v45  }
0x22c: {  	v9 =	vld.idx.msk [tilespmem:v9+s4+$0x0], $0xffff;
	_ =	sdelay $0x1  }
0x22d: {  	[tilespmem:v5+s26+$0x1E0 ss:$0x1] =	vst.idx.msk $0xffff, v6  }
0x22e: {  	v6 =	vld.idx.msk [tilespmem:v4+s31+$0x70 ss:$0x1], $0xffff;
	[tilespmem:v5+s28+$0x1E0 ss:$0x1] =	vst.idx.msk $0xffff, v7  }
0x22f: {  	[tilespmem:v5+s29+$0x1E0 ss:$0x1] =	vst.idx.msk $0xffff, v8;
	v7 =	vld.idx.msk [tilespmem:v4+s1+$0x70 ss:$0x1], $0xffff  }
0x230: {  	v8 =	vld.idx.msk [tilespmem:v4+s2+$0x70 ss:$0x1], $0xffff;
	[tilespmem:v5+s30+$0x1E0 ss:$0x1] =	vst.idx.msk $0xffff, v9  }
0x231: {  	v9 =	vld.idx.msk [tilespmem:v4+s11+$0x70 ss:$0x1], $0xffff;
	_ =	sdelay $0x1  }
0x232: {  	v6 =	vshll.u32 v6, $0x6  }
0x233: {  	v46 =	vor.u32 v0, v6;
	v7 =	vshll.u32 v7, $0x6  }
0x234: {  	v8 =	vshll.u32 v8, $0x6;
	v47 =	vor.u32 v0, v7  }
0x235: {  	v48 =	vor.u32 v0, v8;
	v9 =	vshll.u32 v9, $0x6  }
0x236: {  	v49 =	vor.u32 v0, v9;
	_ =	sdelay $0x1  }
0x237: {  	v10 =	vld.idx.msk [tilespmem:v46+s4+$0x0], $0xffff  }
0x238: {  	v50 =	vor.u32 v1, v6;
	v11 =	vld.idx.msk [tilespmem:v47+s4+$0x0], $0xffff  }
0x239: {  	v51 =	vor.u32 v1, v7;
	v12 =	vld.idx.msk [tilespmem:v48+s4+$0x0], $0xffff  }
0x23a: {  	v52 =	vor.u32 v1, v8;
	v13 =	vld.idx.msk [tilespmem:v49+s4+$0x0], $0xffff  }
0x23b: {  	v53 =	vor.u32 v1, v9  }
0x23c: {  	[tilespmem:v5+s26+$0x70 ss:$0x1] =	vst.idx.msk $0xffff, v10  }
0x23d: {  	v10 =	vld.idx.msk [tilespmem:v50+s4+$0x0], $0xffff;
	[tilespmem:v5+s28+$0x70 ss:$0x1] =	vst.idx.msk $0xffff, v11  }
0x23e: {  	v54 =	vor.u32 v2, v6;
	[tilespmem:v5+s29+$0x70 ss:$0x1] =	vst.idx.msk $0xffff, v12;
	v55 =	vld.idx.msk [tilespmem:v51+s4+$0x0], $0xffff  }
0x23f: {  	v56 =	vor.u32 v2, v7;
	v57 =	vld.idx.msk [tilespmem:v52+s4+$0x0], $0xffff;
	[tilespmem:v5+s30+$0x70 ss:$0x1] =	vst.idx.msk $0xffff, v13  }
0x240: {  	v58 =	vor.u32 v2, v8;
	v59 =	vld.idx.msk [tilespmem:v53+s4+$0x0], $0xffff  }
0x241: {  	v60 =	vor.u32 v2, v9  }
0x242: {  	[tilespmem:v5+s26+$0xF0 ss:$0x1] =	vst.idx.msk $0xffff, v10  }
0x243: {  	[tilespmem:v5+s28+$0xF0 ss:$0x1] =	vst.idx.msk $0xffff, v55;
	v10 =	vld.idx.msk [tilespmem:v54+s4+$0x0], $0xffff  }
0x244: {  	v6 =	vor.u32 v3, v6;
	[tilespmem:v5+s29+$0xF0 ss:$0x1] =	vst.idx.msk $0xffff, v57;
	v61 =	vld.idx.msk [tilespmem:v56+s4+$0x0], $0xffff  }
0x245: {  	v7 =	vor.u32 v3, v7;
	v62 =	vld.idx.msk [tilespmem:v58+s4+$0x0], $0xffff;
	[tilespmem:v5+s30+$0xF0 ss:$0x1] =	vst.idx.msk $0xffff, v59  }
0x246: {  	v8 =	vor.u32 v3, v8;
	v63 =	vld.idx.msk [tilespmem:v60+s4+$0x0], $0xffff  }
0x247: {  	v9 =	vor.u32 v3, v9  }
0x248: {  	[tilespmem:v5+s26+$0x170 ss:$0x1] =	vst.idx.msk $0xffff, v10  }
0x249: {  	[tilespmem:v5+s28+$0x170 ss:$0x1] =	vst.idx.msk $0xffff, v61;
	v6 =	vld.idx.msk [tilespmem:v6+s4+$0x0], $0xffff  }
0x24a: {  	[tilespmem:v5+s29+$0x170 ss:$0x1] =	vst.idx.msk $0xffff, v62;
	v7 =	vld.idx.msk [tilespmem:v7+s4+$0x0], $0xffff  }
0x24b: {  	v8 =	vld.idx.msk [tilespmem:v8+s4+$0x0], $0xffff;
	[tilespmem:v5+s30+$0x170 ss:$0x1] =	vst.idx.msk $0xffff, v63  }
0x24c: {  	p3 =	por p2, p2;
	v9 =	vld.idx.msk [tilespmem:v9+s4+$0x0], $0xffff  }
.Ltmp1:
0x24d: {  	_ = 	snop;
	(pc) =	sbr.rel @p3 .LBB2_6-.Ltmp1, $4  }
0x24e: {  	[tilespmem:v5+s26+$0x1F0 ss:$0x1] =	vst.idx.msk $0xffff, v6  }
0x24f: {  	[tilespmem:v5+s28+$0x1F0 ss:$0x1] =	vst.idx.msk $0xffff, v7  }
0x250: {  	[tilespmem:v5+s29+$0x1F0 ss:$0x1] =	vst.idx.msk $0xffff, v8  }
0x251: {  	p2 =	por $0x0, $0x0;
	s26 =	simm.s32 $0x4;
	[tilespmem:v5+s30+$0x1F0 ss:$0x1] =	vst.idx.msk $0xffff, v9  }
0x252: {  	p2 =	slt.u32 s25, $0x6  }
.Ltmp2:
0x253: {  	_ = 	snop;
	(pc) =	sbr.rel @p2 .LBB2_3-.Ltmp2, $3  }
0x254: {  	_ =	sdelay $0x1  }
0x255: {  	s1 =	sadd.s32 $0x2, s25  }
0x256: {  	s25 =	smov.u32 s1  }
0x257: {  	p2 =	seq.s32 s19, s9  }
0x258: {  	p0 =	por p2, p0  }
0x259: {  	s1 =	sshll.u32 @p0 s20, $0x13;
	s2 =	sshll.u32 @p0 s21, $0xC  }
0x25a: {  	s1 =	sor.u32 @p0 s2, s1  }
0x25b: {  	p6 =	sne.s32 s19, $0x0;
	s11 =	simm.s32 @p0 $0x1000;
	s1 =	sshrl.u32 @p0 s1, $0x3  }
0x25c: {  	s20 =	simm.s32 @p0 $0x10000;
	s2 =	sadd.s32 @p0 $0x3, s22;
	s1 =	sadd.s32 @p0 s3, s1  }
0x25d: {  	[hbm4b:s1+s11] =	stream.strided.scatter @p0 [tilespmem:s23], [sflag:s2], $0x8000, s20, s11, $0x38;
	[tilespmem:$0x14280] =	vst v63  }
0x25e: {  	s19 =	sadd.s32 $0x1, s19;
	p1 =	por !p6, !p1;
	s1 =	simm.s32 $0x1  }
0x25f: {  	p1 =	por !p1, !p1;
	s1 =	simm.s32 @!p0 $0x0;
	p0 =	sne.s32 s19, s7  }
.Ltmp3:
0x260: {  	s2 =	sand.u32 @p1 $0x1, s14;
	(pc) =	sbr.rel @p0 .LBB2_2-.Ltmp3, $4  }
0x261: {  	s2 =	sadd.s32 @p1 $0x3, s2  }
0x262: {  	s11 =	simm.s32 $0x1;
	_ =	swait.ge @p1 [sflag:s2], $0x8000  }
0x263: {  	s11 =	simm.s32 @!p1 $0x0;
	s16 =	sadd.s32 s1, s16;
	[sflag:s2] =	ssyncset.done @p1 $0x0  }
0x264: {  	s14 =	sadd.s32 s11, s14;
	s17 =	sadd.s32 s1, s17;
	[sflag:s2] =	ssyncadd.s32 @p1 $0xFFFF8000  }
0x265: {  	s13 =	sadd.s32 $0x1, s13  }
0x266: {  	p0 =	sne.s32 s13, s10  }
.Ltmp4:
0x267: {  	s1 =	sand.u32 $0x1, s14;
	(pc) =	sbr.rel @p0 .LBB2_1-.Ltmp4, $4  }
0x268: {  	s1 =	sadd.s32 $0x3, s1  }
0x269: {  	_ =	swait.ge [sflag:s1], $0x8000  }
0x26a: {  	[sflag:s1] =	ssyncset.done $0x0  }
0x26b: {  	[sflag:s1] =	ssyncadd.s32 $0xFFFF8000  }
0x26c: {  	_ =	sfence.sel $0x180000  }
0x26d: {  	[bflag:$0x0] =	sbarrier.arrive $0xFFFF  }
0x26e: {  	_ =	strace $0x90000047  }
0x26f: {  	s0 =	stileid.u32;
	[bflag:$0x2] =	sbarrier.arrive $0xFFFF  }
0x270: {  	p0 =	sne.s32 s0, $0x0;
	s0 =	rddreg [dreg:$0x3]  }
0x271: {  	s0 =	sadd.s32 @!p0 $0x100000, s0  }
0x272: {  	[sflag:s0] =	ssyncadd.tile.s32 @!p0 $0x1;
	_ =	shalt  }
.Lfunc_end2:
_tile_overlayer_lowered:
.L_overlay_start_2:
0x273: {  	(tag) =	ssettag $0x2  }
0x274: {  	s0 =	rddreg [dreg:$0x0];
	s2 =	stileid.u32  }
0x275: {  	s1 =	rddreg [dreg:$0x1];
	p0 =	sne.s32 s2, $0x0  }
0x276: {  	s3 =	rddreg [dreg:$0x2];
	[bflag:$0x3] =	sbarrier.arrive $0xFFFF;
	s2 =	simm.s32 @!p0 $0x1C01  }
0x277: {  	[timem:s3], [sflag:s2] =	dma.local @!p0 [hbm:s0], s1  }
0x278: {  	s0 =	simm.s32 @!p0 $0x1  }
0x279: {  	_ =	swait.ge @!p0 [sflag:s0], s1  }
0x27a: {  	s1 =	ssub.s32 @!p0 $0x0, s1;
	[sflag:s0] =	ssyncset.done @!p0 $0x0  }
0x27b: {  	[sflag:s0] =	ssyncadd.s32 @!p0 s1  }
0x27c: {  	[bflag:$0x3] =	sbarrier.arrive $0xFFFF  }
0x27d: {  	_ =	shalt  }

</sc_bundles>
